<compile_context>
chip_gen: v7x
topology: tpu7x:2x2x1
jax: 0.10.2.dev20260603
libtpu: 0.0.44.dev20260713+nightly
codegen_flags: <defaults>
</compile_context>

<pallas_src>
import functools

import jax
import jax.numpy as jnp
from jax import lax
from jax.experimental import pallas as pl
from jax.experimental.pallas import tpu as pltpu
from jax.experimental.pallas import tpu_sc as plsc

N = 10000
NP = 10240
E = 320000
IN_D = 128
HID = 128
OUT_D = 64

C = 128
NCORES = 2
NSUB = 16
NW = NCORES * NSUB
CPT = 80
PADE = NW * CPT * C
NCHUNK = PADE // C
INIT_ROWS = N // NSUB
DREP = 16
EPS = 1e-5

RB = 2000
GRID = N // RB


def _sc_mesh():
    return plsc.VectorSubcoreMesh(core_axis_name="c", subcore_axis_name="s")


@functools.partial(
    pl.kernel,
    out_type=jax.ShapeDtypeStruct((NCORES, N, DREP), jnp.float32),
    mesh=_sc_mesh(),
    compiler_params=pltpu.CompilerParams(use_tc_tiling_on_sc=False),
    scratch_types=[
        pltpu.VMEM((CPT, C), jnp.int32),
        pltpu.VMEM((C, DREP), jnp.float32),
        pltpu.VMEM_SHARED((NP, DREP), jnp.float32),
        pltpu.SemaphoreType.DMA,
    ],
)
def _deg_kernel(edge_hbm, ones_hbm, zero_hbm, out_hbm, idx, ones_v, acc,
                dsem):
    c = lax.axis_index("c")
    s = lax.axis_index("s")
    w = c * NSUB + s
    r0 = s * INIT_ROWS
    pltpu.sync_copy(zero_hbm.at[pl.ds(r0, INIT_ROWS)],
                    acc.at[pl.ds(r0, INIT_ROWS)])
    tr = (NP - N) // NSUB

    @pl.when(s == 0)
    def _():
        pltpu.sync_copy(zero_hbm.at[pl.ds(0, NP - N)],
                        acc.at[pl.ds(N, NP - N)])

    del tr
    pltpu.sync_copy(ones_hbm, ones_v)
    pltpu.sync_copy(edge_hbm.at[1, pl.ds(w * CPT, CPT)], idx)
    plsc.subcore_barrier()

    DB = 16

    def batch(i, carry):
        for b in range(DB):
            pltpu.async_copy(ones_v, acc.at[idx.at[i * DB + b]], dsem,
                             add=True)
        for b in range(DB):
            pltpu.make_async_copy(ones_v, acc.at[idx.at[i * DB + b]],
                                  dsem).wait()
        return carry

    lax.fori_loop(0, CPT // DB, batch, 0)
    plsc.subcore_barrier()
    pltpu.sync_copy(acc.at[pl.ds(r0, INIT_ROWS)],
                    out_hbm.at[c, pl.ds(r0, INIT_ROWS)])


def _make_scatter(D, NB):
    NG = CPT // NB

    @functools.partial(
        pl.kernel,
        out_type=jax.ShapeDtypeStruct((NCORES, N, D), jnp.float32),
        mesh=_sc_mesh(),
        compiler_params=pltpu.CompilerParams(use_tc_tiling_on_sc=False),
        scratch_types=[
            pltpu.VMEM((2, NB, C), jnp.int32),
            pltpu.VMEM((NB, C), jnp.int32),
            pltpu.VMEM((NB, C, D), jnp.float32),
            pltpu.VMEM_SHARED((NP, D), jnp.float32),
        ] + [pltpu.SemaphoreType.DMA] * NB,
    )
    def _scatter(h_hbm, edge_hbm, out_hbm, sidx, didx, rows, acc, *gsem):
        c = lax.axis_index("c")
        s = lax.axis_index("s")
        w = c * NSUB + s
        r0 = s * INIT_ROWS
        row0 = w * CPT
        pltpu.sync_copy(h_hbm.at[pl.ds(r0, INIT_ROWS)],
                        acc.at[pl.ds(r0, INIT_ROWS)])
        pltpu.sync_copy(edge_hbm.at[0, pl.ds(row0, NB)], sidx.at[0])
        plsc.subcore_barrier()
        for b in range(NB):
            pltpu.async_copy(h_hbm.at[sidx.at[0, b]], rows.at[b], gsem[b])

        def group(g, carry):
            par = lax.rem(g, 2)
            nxt = 1 - par

            @pl.when(g < NG - 1)
            def _():
                pltpu.sync_copy(edge_hbm.at[0, pl.ds(row0 + (g + 1) * NB, NB)],
                                sidx.at[nxt])

            pltpu.sync_copy(edge_hbm.at[1, pl.ds(row0 + g * NB, NB)], didx)
            for b in range(NB):
                pltpu.make_async_copy(h_hbm.at[sidx.at[par, b]], rows.at[b],
                                      gsem[b]).wait()
                pltpu.sync_copy(rows.at[b], acc.at[didx.at[b]], add=True)

                @pl.when(g < NG - 1)
                def _():
                    pltpu.async_copy(h_hbm.at[sidx.at[nxt, b]], rows.at[b],
                                     gsem[b])
            return carry

        lax.fori_loop(0, NG, group, 0)
        plsc.subcore_barrier()
        pltpu.sync_copy(acc.at[pl.ds(r0, INIT_ROWS)],
                        out_hbm.at[c, pl.ds(r0, INIT_ROWS)])

    return _scatter


_scatter128 = _make_scatter(HID, 2)
_scatter64 = _make_scatter(OUT_D, 8)


def _t1_body(deg_ref, x_ref, w_ref, h_ref, dinv_ref):
    deg = deg_ref[0] + deg_ref[1] + 1.0
    dinv = lax.rsqrt(deg)
    dr = jnp.broadcast_to(dinv[:, 0:1], (RB, HID))
    h = jnp.dot(x_ref[...], w_ref[...], preferred_element_type=jnp.float32)
    h_ref[...] = h * dr
    dinv_ref[...] = dr


def _t_mid_body(p_ref, h_ref, dinv_ref, b_ref, g_ref, be_ref, w_ref, o_ref):
    s = p_ref[0] + p_ref[1] - h_ref[...]
    o = s * dinv_ref[...] + b_ref[...]
    mu = jnp.mean(o, axis=1, keepdims=True)
    d = o - mu
    var = jnp.mean(d * d, axis=1, keepdims=True)
    ln = d * lax.rsqrt(var + EPS) * g_ref[...] + be_ref[...]
    r = jnp.maximum(ln, 0.0)
    o_ref[...] = (jnp.dot(r, w_ref[...], preferred_element_type=jnp.float32)
                  * dinv_ref[:, 0:1])


def _t4_body(p_ref, h_ref, dinv_ref, b_ref, o_ref):
    s = p_ref[0] + p_ref[1] - h_ref[...]
    o_ref[...] = s * dinv_ref[:, 0:1] + b_ref[...]


def _row_spec(d):
    return pl.BlockSpec((RB, d), lambda i: (i, 0))


def _pair_spec(d):
    return pl.BlockSpec((NCORES, RB, d), lambda i: (0, i, 0))


def _const_spec(shape):
    nd = len(shape)
    return pl.BlockSpec(shape, lambda i: (0,) * nd)


def kernel(x, edge_index, W1, b1, W2, b2, W3, b3, gamma, beta):
    src = edge_index[0].astype(jnp.int32)
    dst = edge_index[1].astype(jnp.int32)
    pad = PADE - E
    pad_src = (jnp.arange(pad, dtype=jnp.int32) * 37) % N
    pad_dst = N + (jnp.arange(pad, dtype=jnp.int32) % (NP - N))
    edge_p = jnp.concatenate(
        [jnp.stack([src, dst]), jnp.stack([pad_src, pad_dst])],
        axis=1).reshape(2, NCHUNK, C)
    ones_c = jnp.ones((C, DREP), jnp.float32)
    zeros_n = jnp.zeros((N, DREP), jnp.float32)
    b1r = b1.reshape(1, HID)
    b2r = b2.reshape(1, HID)
    b3r = b3.reshape(1, OUT_D)
    gr = gamma.reshape(1, HID)
    ber = beta.reshape(1, HID)

    deg_p = _deg_kernel(edge_p, ones_c, zeros_n)

    h1, dinv = pl.pallas_call(
        _t1_body,
        grid=(GRID,),
        in_specs=[_pair_spec(DREP), _row_spec(IN_D), _const_spec((IN_D, HID))],
        out_specs=[_row_spec(HID), _row_spec(HID)],
        out_shape=[jax.ShapeDtypeStruct((N, HID), jnp.float32),
                   jax.ShapeDtypeStruct((N, HID), jnp.float32)],
    )(deg_p, x, W1)

    p1 = _scatter128(h1, edge_p)

    h2 = pl.pallas_call(
        _t_mid_body,
        grid=(GRID,),
        in_specs=[_pair_spec(HID), _row_spec(HID), _row_spec(HID),
                  _const_spec((1, HID)), _const_spec((1, HID)),
                  _const_spec((1, HID)), _const_spec((HID, HID))],
        out_specs=_row_spec(HID),
        out_shape=jax.ShapeDtypeStruct((N, HID), jnp.float32),
    )(p1, h1, dinv, b1r, gr, ber, W2)

    p2 = _scatter128(h2, edge_p)

    h3 = pl.pallas_call(
        _t_mid_body,
        grid=(GRID,),
        in_specs=[_pair_spec(HID), _row_spec(HID), _row_spec(HID),
                  _const_spec((1, HID)), _const_spec((1, HID)),
                  _const_spec((1, HID)), _const_spec((HID, OUT_D))],
        out_specs=_row_spec(OUT_D),
        out_shape=jax.ShapeDtypeStruct((N, OUT_D), jnp.float32),
    )(p2, h2, dinv, b2r, gr, ber, W3)

    p3 = _scatter64(h3, edge_p)

    out = pl.pallas_call(
        _t4_body,
        grid=(GRID,),
        in_specs=[_pair_spec(OUT_D), _row_spec(OUT_D), _row_spec(HID),
                  _const_spec((1, OUT_D))],
        out_specs=_row_spec(OUT_D),
        out_shape=jax.ShapeDtypeStruct((N, OUT_D), jnp.float32),
    )(p3, h3, dinv, b3r)

    return out

# --- scband reference (transcript-rebuilt; emitter-appended) ---
"""Pipeline reference for scband-gcnroute-predictor-74131135529943 (READ-ONLY COPY).

The authoritative reference and input builder live on the scoring server;
editing this copy changes nothing except your own understanding.
"""

import jax, jax.numpy as jnp
import numpy as np

N_NODES = 10000
N_EDGES = 320000
IN_DIM = 128
HID_DIM = 128
OUT_DIM = 64


def _glorot(key, shape):
    fan_in, fan_out = shape[0], shape[1]
    limit = jnp.sqrt(6.0 / (fan_in + fan_out))
    return jax.random.uniform(key, shape, minval=-limit, maxval=limit, dtype=jnp.float32)


def setup_inputs(seed: int = 0) -> dict:
    key = jax.random.key(seed)
    ks = jax.random.split(key, 8)
    x = jax.random.normal(ks[0], (N_NODES, IN_DIM), dtype=jnp.float32)
    edge_index = jax.random.randint(ks[1], (2, N_EDGES), 0, N_NODES, dtype=jnp.int64) if jax.config.jax_enable_x64 else jax.random.randint(ks[1], (2, N_EDGES), 0, N_NODES).astype(jnp.int32)
    W1 = _glorot(ks[2], (IN_DIM, HID_DIM))
    b1 = jnp.zeros((HID_DIM,), dtype=jnp.float32)
    W2 = _glorot(ks[3], (HID_DIM, HID_DIM))
    b2 = jnp.zeros((HID_DIM,), dtype=jnp.float32)
    W3 = _glorot(ks[4], (HID_DIM, OUT_DIM))
    b3 = jnp.zeros((OUT_DIM,), dtype=jnp.float32)
    gamma = jnp.ones((HID_DIM,), dtype=jnp.float32)
    beta = jnp.zeros((HID_DIM,), dtype=jnp.float32)
    return {"x": x, "edge_index": edge_index, "W1": W1, "b1": b1, "W2": W2, "b2": b2, "W3": W3, "b3": b3, "gamma": gamma, "beta": beta}


def _gcn_conv(x, W, b, src, dst, n):
    # linear transform
    h = x @ W
    # add self loops
    loop = jnp.arange(n, dtype=src.dtype)
    src2 = jnp.concatenate([src, loop])
    dst2 = jnp.concatenate([dst, loop])
    # symmetric normalization D^{-1/2} (A+I) D^{-1/2}
    deg = jnp.zeros((n,), dtype=h.dtype).at[dst2].add(1.0)
    dinv = jnp.where(deg > 0, jax.lax.rsqrt(deg), 0.0)
    norm = dinv[src2] * dinv[dst2]
    # gather messages from source nodes, scale, scatter-add to dst
    msg = h[src2] * norm[:, None]
    out = jnp.zeros((n, h.shape[1]), dtype=h.dtype).at[dst2].add(msg)
    return out + b


def _layernorm(x, gamma, beta, eps=1e-5):
    mu = jnp.mean(x, axis=-1, keepdims=True)
    var = jnp.mean((x - mu) ** 2, axis=-1, keepdims=True)
    return (x - mu) * jax.lax.rsqrt(var + eps) * gamma + beta


def reference(x, edge_index, W1, b1, W2, b2, W3, b3, gamma, beta):
    n = x.shape[0]
    src = edge_index[0]
    dst = edge_index[1]
    # layer 1
    h = _gcn_conv(x, W1, b1, src, dst, n)
    h = _layernorm(h, gamma, beta)
    h = jax.nn.relu(h)
    # dropout p=0.0 (eval) -> identity
    # layer 2
    h = _gcn_conv(h, W2, b2, src, dst, n)
    h = _layernorm(h, gamma, beta)
    h = jax.nn.relu(h)
    # layer 3 (no norm / relu)
    out = _gcn_conv(h, W3, b3, src, dst, n)
    return out

if __name__ == "__main__":
    import jax
    _d = setup_inputs()
    print(jax.jit(kernel)(*tuple(_d.values())))

</pallas_src>

<mosaic_0001>
#map = affine_map<(d0, d1) -> (0, 0)>
#map1 = affine_map<(d0, d1) -> (0, 0, 0)>
module attributes {stable_mosaic.version = 14 : i64} {
  func.func @_scatter(%arg0: i32, %arg1: i32, %arg2: memref<10000x128xf32, #tpu.memory_space<hbm>>, %arg3: memref<2x2560x128xi32, #tpu.memory_space<hbm>>, %arg4: memref<2x10000x128xf32, #tpu.memory_space<hbm>>, %arg5: memref<2x2x128xi32, #tpu.memory_space<vmem>>, %arg6: memref<2x128xi32, #tpu.memory_space<vmem>>, %arg7: memref<2x128x128xf32, #tpu.memory_space<vmem>>, %arg8: memref<10240x128xf32, #tpu.memory_space<vmem_shared>>, %arg9: memref<!tpu.dma_semaphore, #tpu.memory_space<semaphore_mem>>, %arg10: memref<!tpu.dma_semaphore, #tpu.memory_space<semaphore_mem>>) attributes {dimension_semantics = [#tpu.dimension_semantics<core_parallel>, #tpu.dimension_semantics<subcore_parallel>], iteration_bounds = array<i64: 2, 16>, scalar_prefetch = 0 : i64, scratch_operands = 6 : i64, tpu.core_type = #tpu.core_type<sc_vector_subcore>, window_params = [{transform_indices = #map}, {transform_indices = #map1}, {transform_indices = #map1}]} {
    %mul3A = arith.constant 16 : i32
    %mul3A_0 = arith.muli %arg0, %mul3A : i32
    %add3A = arith.addi %mul3A_0, %arg1 : i32
    %mul3A_1 = arith.constant 625 : i32
    %mul3A_2 = arith.muli %arg1, %mul3A_1 : i32
    %mul3A_3 = arith.constant 80 : i32
    %mul3A_4 = arith.muli %add3A, %mul3A_3 : i32
    "tpu.region"() ({
      %run_scoped3A_37 = tpu.sem_alloc : memref<!tpu.dma_semaphore, #tpu.memory_space<semaphore_mem>>
      %dma_start3A_38 = arith.constant 0 : i32
      %dma_start3A_39 = tpu.memref_slice %arg8[%mul3A_2, %dma_start3A_38] : memref<10240x128xf32, #tpu.memory_space<vmem_shared>> -> memref<625x128xf32, #tpu.memory_space<vmem_shared>>
      %dma_start3A_40 = arith.constant 0 : i32
      %dma_start3A_41 = tpu.memref_slice %arg2[%mul3A_2, %dma_start3A_40] : memref<10000x128xf32, #tpu.memory_space<hbm>> -> memref<625x128xf32, #tpu.memory_space<hbm>>
      tpu.enqueue_dma source(%dma_start3A_41 : memref<625x128xf32, #tpu.memory_space<hbm>>) target(%dma_start3A_39 : memref<625x128xf32, #tpu.memory_space<vmem_shared>>) target_semaphore(%run_scoped3A_37 : memref<!tpu.dma_semaphore, #tpu.memory_space<semaphore_mem>>)
      %dma_wait3A = arith.constant 0 : i32
      %dma_wait3A_42 = tpu.memref_slice %arg8[%mul3A_2, %dma_wait3A] : memref<10240x128xf32, #tpu.memory_space<vmem_shared>> -> memref<625x128xf32, #tpu.memory_space<vmem_shared>>
      %dma_wait3A_43 = arith.constant 0 : i32
      %dma_wait3A_44 = tpu.memref_slice %arg2[%mul3A_2, %dma_wait3A_43] : memref<10000x128xf32, #tpu.memory_space<hbm>> -> memref<625x128xf32, #tpu.memory_space<hbm>>
      tpu.wait_dma2 semaphore(%run_scoped3A_37 : memref<!tpu.dma_semaphore, #tpu.memory_space<semaphore_mem>>) src(%dma_wait3A_44 : memref<625x128xf32, #tpu.memory_space<hbm>>) dst(%dma_wait3A_42 : memref<625x128xf32, #tpu.memory_space<vmem_shared>>)
      tpu.yield
    }) : () -> ()
    %run_scoped3A = arith.constant 0 : i32
    %run_scoped3A_5 = arith.constant 0 : i32
    "tpu.region"() ({
      %run_scoped3A_37 = tpu.sem_alloc : memref<!tpu.dma_semaphore, #tpu.memory_space<semaphore_mem>>
      %dma_start3A_38 = arith.constant 0 : i32
      %dma_start3A_39 = arith.constant 0 : i32
      %dma_start3A_40 = tpu.memref_slice %arg5[%run_scoped3A_5, %dma_start3A_38, %dma_start3A_39] : memref<2x2x128xi32, #tpu.memory_space<vmem>> -> memref<1x2x128xi32, #tpu.memory_space<vmem>>
      %dma_start3A_41 = tpu.memref_squeeze %dma_start3A_40 : memref<1x2x128xi32, #tpu.memory_space<vmem>> -> memref<2x128xi32, #tpu.memory_space<vmem>>
      %dma_start3A_42 = arith.constant 0 : i32
      %dma_start3A_43 = tpu.memref_slice %arg3[%run_scoped3A, %mul3A_4, %dma_start3A_42] : memref<2x2560x128xi32, #tpu.memory_space<hbm>> -> memref<1x2x128xi32, #tpu.memory_space<hbm>>
      %dma_start3A_44 = tpu.memref_squeeze %dma_start3A_43 : memref<1x2x128xi32, #tpu.memory_space<hbm>> -> memref<2x128xi32, #tpu.memory_space<hbm>>
      %dma_start3A_45 = arith.constant 0 : i32
      %dma_start3A_46 = arith.constant 0 : i32
      %dma_start3A_47 = tpu.memref_slice %arg5[%run_scoped3A_5, %dma_start3A_45, %dma_start3A_46] : memref<2x2x128xi32, #tpu.memory_space<vmem>> -> memref<1x2x128xi32, #tpu.memory_space<vmem>>
      %dma_start3A_48 = tpu.memref_squeeze %dma_start3A_47 : memref<1x2x128xi32, #tpu.memory_space<vmem>> -> memref<2x128xi32, #tpu.memory_space<vmem>>
      %dma_start3A_49 = arith.constant 0 : i32
      %dma_start3A_50 = tpu.memref_slice %arg3[%run_scoped3A, %mul3A_4, %dma_start3A_49] : memref<2x2560x128xi32, #tpu.memory_space<hbm>> -> memref<1x2x128xi32, #tpu.memory_space<hbm>>
      %dma_start3A_51 = tpu.memref_squeeze %dma_start3A_50 : memref<1x2x128xi32, #tpu.memory_space<hbm>> -> memref<2x128xi32, #tpu.memory_space<hbm>>
      tpu.enqueue_dma source(%dma_start3A_51 : memref<2x128xi32, #tpu.memory_space<hbm>>) target(%dma_start3A_48 : memref<2x128xi32, #tpu.memory_space<vmem>>) target_semaphore(%run_scoped3A_37 : memref<!tpu.dma_semaphore, #tpu.memory_space<semaphore_mem>>)
      %dma_wait3A = arith.constant 0 : i32
      %dma_wait3A_52 = arith.constant 0 : i32
      %dma_wait3A_53 = tpu.memref_slice %arg5[%run_scoped3A_5, %dma_wait3A, %dma_wait3A_52] : memref<2x2x128xi32, #tpu.memory_space<vmem>> -> memref<1x2x128xi32, #tpu.memory_space<vmem>>
      %dma_wait3A_54 = tpu.memref_squeeze %dma_wait3A_53 : memref<1x2x128xi32, #tpu.memory_space<vmem>> -> memref<2x128xi32, #tpu.memory_space<vmem>>
      %dma_wait3A_55 = arith.constant 0 : i32
      %dma_wait3A_56 = tpu.memref_slice %arg3[%run_scoped3A, %mul3A_4, %dma_wait3A_55] : memref<2x2560x128xi32, #tpu.memory_space<hbm>> -> memref<1x2x128xi32, #tpu.memory_space<hbm>>
      %dma_wait3A_57 = tpu.memref_squeeze %dma_wait3A_56 : memref<1x2x128xi32, #tpu.memory_space<hbm>> -> memref<2x128xi32, #tpu.memory_space<hbm>>
      %dma_wait3A_58 = arith.constant 0 : i32
      %dma_wait3A_59 = arith.constant 0 : i32
      %dma_wait3A_60 = tpu.memref_slice %arg5[%run_scoped3A_5, %dma_wait3A_58, %dma_wait3A_59] : memref<2x2x128xi32, #tpu.memory_space<vmem>> -> memref<1x2x128xi32, #tpu.memory_space<vmem>>
      %dma_wait3A_61 = tpu.memref_squeeze %dma_wait3A_60 : memref<1x2x128xi32, #tpu.memory_space<vmem>> -> memref<2x128xi32, #tpu.memory_space<vmem>>
      %dma_wait3A_62 = arith.constant 0 : i32
      %dma_wait3A_63 = tpu.memref_slice %arg3[%run_scoped3A, %mul3A_4, %dma_wait3A_62] : memref<2x2560x128xi32, #tpu.memory_space<hbm>> -> memref<1x2x128xi32, #tpu.memory_space<hbm>>
      %dma_wait3A_64 = tpu.memref_squeeze %dma_wait3A_63 : memref<1x2x128xi32, #tpu.memory_space<hbm>> -> memref<2x128xi32, #tpu.memory_space<hbm>>
      tpu.wait_dma2 semaphore(%run_scoped3A_37 : memref<!tpu.dma_semaphore, #tpu.memory_space<semaphore_mem>>) src(%dma_wait3A_64 : memref<2x128xi32, #tpu.memory_space<hbm>>) dst(%dma_wait3A_61 : memref<2x128xi32, #tpu.memory_space<vmem>>)
      tpu.yield
    }) : () -> ()
    %barrier3A = arith.constant 0 : index
    tpu.barrier barrier_id(%barrier3A)
    %dma_start3A = arith.constant 0 : i32
    %dma_start3A_6 = arith.constant 0 : i32
    %dma_start3A_7 = arith.constant 0 : i32
    %dma_start3A_8 = arith.constant 0 : i32
    %dma_start3A_9 = arith.constant 0 : i32
    %dma_start3A_10 = tpu.memref_slice %arg7[%dma_start3A_7, %dma_start3A_8, %dma_start3A_9] : memref<2x128x128xf32, #tpu.memory_space<vmem>> -> memref<1x128x128xf32, #tpu.memory_space<vmem>>
    %dma_start3A_11 = tpu.memref_squeeze %dma_start3A_10 : memref<1x128x128xf32, #tpu.memory_space<vmem>> -> memref<128x128xf32, #tpu.memory_space<vmem>>
    %dma_start3A_12 = arith.constant 0 : i32
    %dma_start3A_13 = tpu.memref_slice %arg5[%dma_start3A, %dma_start3A_6, %dma_start3A_12] : memref<2x2x128xi32, #tpu.memory_space<vmem>> -> memref<1x1x128xi32, #tpu.memory_space<vmem>>
    %dma_start3A_14 = tpu.memref_squeeze %dma_start3A_13 : memref<1x1x128xi32, #tpu.memory_space<vmem>> -> memref<128xi32, #tpu.memory_space<vmem>>
    %dma_start3A_15 = arith.constant 0 : i32
    %dma_start3A_16 = arith.constant 0 : i32
    %dma_start3A_17 = tpu.memref_slice %arg2[%dma_start3A_15, %dma_start3A_16] : memref<10000x128xf32, #tpu.memory_space<hbm>> -> memref<10000x128xf32, #tpu.memory_space<hbm>>
    tpu.enqueue_indirect_dma source(%dma_start3A_17 : memref<10000x128xf32, #tpu.memory_space<hbm>>) target(%dma_start3A_11 : memref<128x128xf32, #tpu.memory_space<vmem>>) offsets(%dma_start3A_14 : memref<128xi32, #tpu.memory_space<vmem>>) semaphore(%arg9 : memref<!tpu.dma_semaphore, #tpu.memory_space<semaphore_mem>>)
    %dma_start3A_18 = arith.constant 0 : i32
    %dma_start3A_19 = arith.constant 1 : i32
    %dma_start3A_20 = arith.constant 1 : i32
    %dma_start3A_21 = arith.constant 0 : i32
    %dma_start3A_22 = arith.constant 0 : i32
    %dma_start3A_23 = tpu.memref_slice %arg7[%dma_start3A_20, %dma_start3A_21, %dma_start3A_22] : memref<2x128x128xf32, #tpu.memory_space<vmem>> -> memref<1x128x128xf32, #tpu.memory_space<vmem>>
    %dma_start3A_24 = tpu.memref_squeeze %dma_start3A_23 : memref<1x128x128xf32, #tpu.memory_space<vmem>> -> memref<128x128xf32, #tpu.memory_space<vmem>>
    %dma_start3A_25 = arith.constant 0 : i32
    %dma_start3A_26 = tpu.memref_slice %arg5[%dma_start3A_18, %dma_start3A_19, %dma_start3A_25] : memref<2x2x128xi32, #tpu.memory_space<vmem>> -> memref<1x1x128xi32, #tpu.memory_space<vmem>>
    %dma_start3A_27 = tpu.memref_squeeze %dma_start3A_26 : memref<1x1x128xi32, #tpu.memory_space<vmem>> -> memref<128xi32, #tpu.memory_space<vmem>>
    %dma_start3A_28 = arith.constant 0 : i32
    %dma_start3A_29 = arith.constant 0 : i32
    %dma_start3A_30 = tpu.memref_slice %arg2[%dma_start3A_28, %dma_start3A_29] : memref<10000x128xf32, #tpu.memory_space<hbm>> -> memref<10000x128xf32, #tpu.memory_space<hbm>>
    tpu.enqueue_indirect_dma source(%dma_start3A_30 : memref<10000x128xf32, #tpu.memory_space<hbm>>) target(%dma_start3A_24 : memref<128x128xf32, #tpu.memory_space<vmem>>) offsets(%dma_start3A_27 : memref<128xi32, #tpu.memory_space<vmem>>) semaphore(%arg10 : memref<!tpu.dma_semaphore, #tpu.memory_space<semaphore_mem>>)
    %scan3A = arith.constant 0 : i32
    %scan3A_31 = arith.constant 0 : i32
    %scan3A_32 = arith.constant 40 : i32
    %scan3A_33 = arith.addi %scan3A_31, %scan3A_32 : i32
    %scan3A_34 = arith.constant 1 : i32
    scf.for %scan3A_37 = %scan3A_31 to %scan3A_33 step %scan3A_34  : i32 {
      %rem3A = arith.constant 2 : i32
      %rem3A_38 = arith.remsi %scan3A_37, %rem3A : i32
      %sub3A = arith.constant 1 : i32
      %sub3A_39 = arith.subi %sub3A, %rem3A_38 : i32
      %lt3A = arith.constant 39 : i32
      %lt3A_40 = arith.cmpi slt, %scan3A_37, %lt3A : i32
      %convert_element_type3A = arith.extui %lt3A_40 : i1 to i32
      %cond3A = arith.constant 0 : i32
      %cond3A_41 = arith.cmpi ne, %convert_element_type3A, %cond3A : i32
      scf.if %cond3A_41 {
        %add3A_83 = arith.constant 1 : i32
        %add3A_84 = arith.addi %scan3A_37, %add3A_83 : i32
        %mul3A_85 = arith.constant 2 : i32
        %mul3A_86 = arith.muli %add3A_84, %mul3A_85 : i32
        %add3A_87 = arith.addi %mul3A_4, %mul3A_86 : i32
        %run_scoped3A_88 = arith.constant 0 : i32
        "tpu.region"() ({
          %run_scoped3A_89 = tpu.sem_alloc : memref<!tpu.dma_semaphore, #tpu.memory_space<semaphore_mem>>
          %dma_start3A_90 = arith.constant 0 : i32
          %dma_start3A_91 = arith.constant 0 : i32
          %dma_start3A_92 = tpu.memref_slice %arg5[%sub3A_39, %dma_start3A_90, %dma_start3A_91] : memref<2x2x128xi32, #tpu.memory_space<vmem>> -> memref<1x2x128xi32, #tpu.memory_space<vmem>>
          %dma_start3A_93 = tpu.memref_squeeze %dma_start3A_92 : memref<1x2x128xi32, #tpu.memory_space<vmem>> -> memref<2x128xi32, #tpu.memory_space<vmem>>
          %dma_start3A_94 = arith.constant 0 : i32
          %dma_start3A_95 = tpu.memref_slice %arg3[%run_scoped3A_88, %add3A_87, %dma_start3A_94] : memref<2x2560x128xi32, #tpu.memory_space<hbm>> -> memref<1x2x128xi32, #tpu.memory_space<hbm>>
          %dma_start3A_96 = tpu.memref_squeeze %dma_start3A_95 : memref<1x2x128xi32, #tpu.memory_space<hbm>> -> memref<2x128xi32, #tpu.memory_space<hbm>>
          %dma_start3A_97 = arith.constant 0 : i32
          %dma_start3A_98 = arith.constant 0 : i32
          %dma_start3A_99 = tpu.memref_slice %arg5[%sub3A_39, %dma_start3A_97, %dma_start3A_98] : memref<2x2x128xi32, #tpu.memory_space<vmem>> -> memref<1x2x128xi32, #tpu.memory_space<vmem>>
          %dma_start3A_100 = tpu.memref_squeeze %dma_start3A_99 : memref<1x2x128xi32, #tpu.memory_space<vmem>> -> memref<2x128xi32, #tpu.memory_space<vmem>>
          %dma_start3A_101 = arith.constant 0 : i32
          %dma_start3A_102 = tpu.memref_slice %arg3[%run_scoped3A_88, %add3A_87, %dma_start3A_101] : memref<2x2560x128xi32, #tpu.memory_space<hbm>> -> memref<1x2x128xi32, #tpu.memory_space<hbm>>
          %dma_start3A_103 = tpu.memref_squeeze %dma_start3A_102 : memref<1x2x128xi32, #tpu.memory_space<hbm>> -> memref<2x128xi32, #tpu.memory_space<hbm>>
          tpu.enqueue_dma source(%dma_start3A_103 : memref<2x128xi32, #tpu.memory_space<hbm>>) target(%dma_start3A_100 : memref<2x128xi32, #tpu.memory_space<vmem>>) target_semaphore(%run_scoped3A_89 : memref<!tpu.dma_semaphore, #tpu.memory_space<semaphore_mem>>)
          %dma_wait3A_104 = arith.constant 0 : i32
          %dma_wait3A_105 = arith.constant 0 : i32
          %dma_wait3A_106 = tpu.memref_slice %arg5[%sub3A_39, %dma_wait3A_104, %dma_wait3A_105] : memref<2x2x128xi32, #tpu.memory_space<vmem>> -> memref<1x2x128xi32, #tpu.memory_space<vmem>>
          %dma_wait3A_107 = tpu.memref_squeeze %dma_wait3A_106 : memref<1x2x128xi32, #tpu.memory_space<vmem>> -> memref<2x128xi32, #tpu.memory_space<vmem>>
          %dma_wait3A_108 = arith.constant 0 : i32
          %dma_wait3A_109 = tpu.memref_slice %arg3[%run_scoped3A_88, %add3A_87, %dma_wait3A_108] : memref<2x2560x128xi32, #tpu.memory_space<hbm>> -> memref<1x2x128xi32, #tpu.memory_space<hbm>>
          %dma_wait3A_110 = tpu.memref_squeeze %dma_wait3A_109 : memref<1x2x128xi32, #tpu.memory_space<hbm>> -> memref<2x128xi32, #tpu.memory_space<hbm>>
          %dma_wait3A_111 = arith.constant 0 : i32
          %dma_wait3A_112 = arith.constant 0 : i32
          %dma_wait3A_113 = tpu.memref_slice %arg5[%sub3A_39, %dma_wait3A_111, %dma_wait3A_112] : memref<2x2x128xi32, #tpu.memory_space<vmem>> -> memref<1x2x128xi32, #tpu.memory_space<vmem>>
          %dma_wait3A_114 = tpu.memref_squeeze %dma_wait3A_113 : memref<1x2x128xi32, #tpu.memory_space<vmem>> -> memref<2x128xi32, #tpu.memory_space<vmem>>
          %dma_wait3A_115 = arith.constant 0 : i32
          %dma_wait3A_116 = tpu.memref_slice %arg3[%run_scoped3A_88, %add3A_87, %dma_wait3A_115] : memref<2x2560x128xi32, #tpu.memory_space<hbm>> -> memref<1x2x128xi32, #tpu.memory_space<hbm>>
          %dma_wait3A_117 = tpu.memref_squeeze %dma_wait3A_116 : memref<1x2x128xi32, #tpu.memory_space<hbm>> -> memref<2x128xi32, #tpu.memory_space<hbm>>
          tpu.wait_dma2 semaphore(%run_scoped3A_89 : memref<!tpu.dma_semaphore, #tpu.memory_space<semaphore_mem>>) src(%dma_wait3A_117 : memref<2x128xi32, #tpu.memory_space<hbm>>) dst(%dma_wait3A_114 : memref<2x128xi32, #tpu.memory_space<vmem>>)
          tpu.yield
        }) : () -> ()
      } else {
      }
      %mul3A_42 = arith.constant 2 : i32
      %mul3A_43 = arith.muli %scan3A_37, %mul3A_42 : i32
      %add3A_44 = arith.addi %mul3A_4, %mul3A_43 : i32
      %run_scoped3A_45 = arith.constant 1 : i32
      "tpu.region"() ({
        %run_scoped3A_83 = tpu.sem_alloc : memref<!tpu.dma_semaphore, #tpu.memory_space<semaphore_mem>>
        %dma_start3A_84 = arith.constant 0 : i32
        %dma_start3A_85 = tpu.memref_slice %arg3[%run_scoped3A_45, %add3A_44, %dma_start3A_84] : memref<2x2560x128xi32, #tpu.memory_space<hbm>> -> memref<1x2x128xi32, #tpu.memory_space<hbm>>
        %dma_start3A_86 = tpu.memref_squeeze %dma_start3A_85 : memref<1x2x128xi32, #tpu.memory_space<hbm>> -> memref<2x128xi32, #tpu.memory_space<hbm>>
        %dma_start3A_87 = arith.constant 0 : i32
        %dma_start3A_88 = tpu.memref_slice %arg3[%run_scoped3A_45, %add3A_44, %dma_start3A_87] : memref<2x2560x128xi32, #tpu.memory_space<hbm>> -> memref<1x2x128xi32, #tpu.memory_space<hbm>>
        %dma_start3A_89 = tpu.memref_squeeze %dma_start3A_88 : memref<1x2x128xi32, #tpu.memory_space<hbm>> -> memref<2x128xi32, #tpu.memory_space<hbm>>
        tpu.enqueue_dma source(%dma_start3A_89 : memref<2x128xi32, #tpu.memory_space<hbm>>) target(%arg6 : memref<2x128xi32, #tpu.memory_space<vmem>>) target_semaphore(%run_scoped3A_83 : memref<!tpu.dma_semaphore, #tpu.memory_space<semaphore_mem>>)
        %dma_wait3A_90 = arith.constant 0 : i32
        %dma_wait3A_91 = tpu.memref_slice %arg3[%run_scoped3A_45, %add3A_44, %dma_wait3A_90] : memref<2x2560x128xi32, #tpu.memory_space<hbm>> -> memref<1x2x128xi32, #tpu.memory_space<hbm>>
        %dma_wait3A_92 = tpu.memref_squeeze %dma_wait3A_91 : memref<1x2x128xi32, #tpu.memory_space<hbm>> -> memref<2x128xi32, #tpu.memory_space<hbm>>
        %dma_wait3A_93 = arith.constant 0 : i32
        %dma_wait3A_94 = tpu.memref_slice %arg3[%run_scoped3A_45, %add3A_44, %dma_wait3A_93] : memref<2x2560x128xi32, #tpu.memory_space<hbm>> -> memref<1x2x128xi32, #tpu.memory_space<hbm>>
        %dma_wait3A_95 = tpu.memref_squeeze %dma_wait3A_94 : memref<1x2x128xi32, #tpu.memory_space<hbm>> -> memref<2x128xi32, #tpu.memory_space<hbm>>
        tpu.wait_dma2 semaphore(%run_scoped3A_83 : memref<!tpu.dma_semaphore, #tpu.memory_space<semaphore_mem>>) src(%dma_wait3A_95 : memref<2x128xi32, #tpu.memory_space<hbm>>) dst(%arg6 : memref<2x128xi32, #tpu.memory_space<vmem>>)
        tpu.yield
      }) : () -> ()
      %dma_wait3A = arith.constant 0 : i32
      %dma_wait3A_46 = arith.constant 0 : i32
      %dma_wait3A_47 = arith.constant 0 : i32
      %dma_wait3A_48 = arith.constant 0 : i32
      %dma_wait3A_49 = tpu.memref_slice %arg7[%dma_wait3A_46, %dma_wait3A_47, %dma_wait3A_48] : memref<2x128x128xf32, #tpu.memory_space<vmem>> -> memref<1x128x128xf32, #tpu.memory_space<vmem>>
      %dma_wait3A_50 = tpu.memref_squeeze %dma_wait3A_49 : memref<1x128x128xf32, #tpu.memory_space<vmem>> -> memref<128x128xf32, #tpu.memory_space<vmem>>
      %dma_wait3A_51 = arith.constant 0 : i32
      %dma_wait3A_52 = tpu.memref_slice %arg5[%rem3A_38, %dma_wait3A, %dma_wait3A_51] : memref<2x2x128xi32, #tpu.memory_space<vmem>> -> memref<1x1x128xi32, #tpu.memory_space<vmem>>
      %dma_wait3A_53 = tpu.memref_squeeze %dma_wait3A_52 : memref<1x1x128xi32, #tpu.memory_space<vmem>> -> memref<128xi32, #tpu.memory_space<vmem>>
      %dma_wait3A_54 = arith.constant 0 : i32
      %dma_wait3A_55 = arith.constant 0 : i32
      %dma_wait3A_56 = tpu.memref_slice %arg2[%dma_wait3A_54, %dma_wait3A_55] : memref<10000x128xf32, #tpu.memory_space<hbm>> -> memref<10000x128xf32, #tpu.memory_space<hbm>>
      tpu.wait_indirect_dma semaphore(%arg9 : memref<!tpu.dma_semaphore, #tpu.memory_space<semaphore_mem>>) src(%dma_wait3A_56 : memref<10000x128xf32, #tpu.memory_space<hbm>>) dst(%dma_wait3A_50 : memref<128x128xf32, #tpu.memory_space<vmem>>)
      %run_scoped3A_57 = arith.constant 0 : i32
      %run_scoped3A_58 = arith.constant 0 : i32
      "tpu.region"() ({
        %run_scoped3A_83 = tpu.sem_alloc : memref<!tpu.dma_semaphore, #tpu.memory_space<semaphore_mem>>
        %dma_start3A_84 = arith.constant 0 : i32
        %dma_start3A_85 = arith.constant 0 : i32
        %dma_start3A_86 = tpu.memref_slice %arg7[%run_scoped3A_57, %dma_start3A_84, %dma_start3A_85] : memref<2x128x128xf32, #tpu.memory_space<vmem>> -> memref<1x128x128xf32, #tpu.memory_space<vmem>>
        %dma_start3A_87 = tpu.memref_squeeze %dma_start3A_86 : memref<1x128x128xf32, #tpu.memory_space<vmem>> -> memref<128x128xf32, #tpu.memory_space<vmem>>
        %dma_start3A_88 = arith.constant 0 : i32
        %dma_start3A_89 = tpu.memref_slice %arg6[%run_scoped3A_58, %dma_start3A_88] : memref<2x128xi32, #tpu.memory_space<vmem>> -> memref<1x128xi32, #tpu.memory_space<vmem>>
        %dma_start3A_90 = tpu.memref_squeeze %dma_start3A_89 : memref<1x128xi32, #tpu.memory_space<vmem>> -> memref<128xi32, #tpu.memory_space<vmem>>
        %dma_start3A_91 = arith.constant 0 : i32
        %dma_start3A_92 = arith.constant 0 : i32
        %dma_start3A_93 = tpu.memref_slice %arg8[%dma_start3A_91, %dma_start3A_92] : memref<10240x128xf32, #tpu.memory_space<vmem_shared>> -> memref<10240x128xf32, #tpu.memory_space<vmem_shared>>
        tpu.enqueue_indirect_dma source(%dma_start3A_87 : memref<128x128xf32, #tpu.memory_space<vmem>>) target(%dma_start3A_93 : memref<10240x128xf32, #tpu.memory_space<vmem_shared>>) offsets(%dma_start3A_90 : memref<128xi32, #tpu.memory_space<vmem>>) semaphore(%run_scoped3A_83 : memref<!tpu.dma_semaphore, #tpu.memory_space<semaphore_mem>>) {add = true}
        %dma_wait3A_94 = arith.constant 0 : i32
        %dma_wait3A_95 = arith.constant 0 : i32
        %dma_wait3A_96 = tpu.memref_slice %arg7[%run_scoped3A_57, %dma_wait3A_94, %dma_wait3A_95] : memref<2x128x128xf32, #tpu.memory_space<vmem>> -> memref<1x128x128xf32, #tpu.memory_space<vmem>>
        %dma_wait3A_97 = tpu.memref_squeeze %dma_wait3A_96 : memref<1x128x128xf32, #tpu.memory_space<vmem>> -> memref<128x128xf32, #tpu.memory_space<vmem>>
        %dma_wait3A_98 = arith.constant 0 : i32
        %dma_wait3A_99 = tpu.memref_slice %arg6[%run_scoped3A_58, %dma_wait3A_98] : memref<2x128xi32, #tpu.memory_space<vmem>> -> memref<1x128xi32, #tpu.memory_space<vmem>>
        %dma_wait3A_100 = tpu.memref_squeeze %dma_wait3A_99 : memref<1x128xi32, #tpu.memory_space<vmem>> -> memref<128xi32, #tpu.memory_space<vmem>>
        %dma_wait3A_101 = arith.constant 0 : i32
        %dma_wait3A_102 = arith.constant 0 : i32
        %dma_wait3A_103 = tpu.memref_slice %arg8[%dma_wait3A_101, %dma_wait3A_102] : memref<10240x128xf32, #tpu.memory_space<vmem_shared>> -> memref<10240x128xf32, #tpu.memory_space<vmem_shared>>
        tpu.wait_indirect_dma semaphore(%run_scoped3A_83 : memref<!tpu.dma_semaphore, #tpu.memory_space<semaphore_mem>>) src(%dma_wait3A_97 : memref<128x128xf32, #tpu.memory_space<vmem>>) dst(%dma_wait3A_103 : memref<10240x128xf32, #tpu.memory_space<vmem_shared>>)
        tpu.yield
      }) : () -> ()
      %lt3A_59 = arith.constant 39 : i32
      %lt3A_60 = arith.cmpi slt, %scan3A_37, %lt3A_59 : i32
      %convert_element_type3A_61 = arith.extui %lt3A_60 : i1 to i32
      %cond3A_62 = arith.constant 0 : i32
      %cond3A_63 = arith.cmpi ne, %convert_element_type3A_61, %cond3A_62 : i32
      scf.if %cond3A_63 {
        %dma_start3A_83 = arith.constant 0 : i32
        %dma_start3A_84 = arith.constant 0 : i32
        %dma_start3A_85 = arith.constant 0 : i32
        %dma_start3A_86 = arith.constant 0 : i32
        %dma_start3A_87 = tpu.memref_slice %arg7[%dma_start3A_84, %dma_start3A_85, %dma_start3A_86] : memref<2x128x128xf32, #tpu.memory_space<vmem>> -> memref<1x128x128xf32, #tpu.memory_space<vmem>>
        %dma_start3A_88 = tpu.memref_squeeze %dma_start3A_87 : memref<1x128x128xf32, #tpu.memory_space<vmem>> -> memref<128x128xf32, #tpu.memory_space<vmem>>
        %dma_start3A_89 = arith.constant 0 : i32
        %dma_start3A_90 = tpu.memref_slice %arg5[%sub3A_39, %dma_start3A_83, %dma_start3A_89] : memref<2x2x128xi32, #tpu.memory_space<vmem>> -> memref<1x1x128xi32, #tpu.memory_space<vmem>>
        %dma_start3A_91 = tpu.memref_squeeze %dma_start3A_90 : memref<1x1x128xi32, #tpu.memory_space<vmem>> -> memref<128xi32, #tpu.memory_space<vmem>>
        %dma_start3A_92 = arith.constant 0 : i32
        %dma_start3A_93 = arith.constant 0 : i32
        %dma_start3A_94 = tpu.memref_slice %arg2[%dma_start3A_92, %dma_start3A_93] : memref<10000x128xf32, #tpu.memory_space<hbm>> -> memref<10000x128xf32, #tpu.memory_space<hbm>>
        tpu.enqueue_indirect_dma source(%dma_start3A_94 : memref<10000x128xf32, #tpu.memory_space<hbm>>) target(%dma_start3A_88 : memref<128x128xf32, #tpu.memory_space<vmem>>) offsets(%dma_start3A_91 : memref<128xi32, #tpu.memory_space<vmem>>) semaphore(%arg9 : memref<!tpu.dma_semaphore, #tpu.memory_space<semaphore_mem>>)
      } else {
      }
      %dma_wait3A_64 = arith.constant 1 : i32
      %dma_wait3A_65 = arith.constant 1 : i32
      %dma_wait3A_66 = arith.constant 0 : i32
      %dma_wait3A_67 = arith.constant 0 : i32
      %dma_wait3A_68 = tpu.memref_slice %arg7[%dma_wait3A_65, %dma_wait3A_66, %dma_wait3A_67] : memref<2x128x128xf32, #tpu.memory_space<vmem>> -> memref<1x128x128xf32, #tpu.memory_space<vmem>>
      %dma_wait3A_69 = tpu.memref_squeeze %dma_wait3A_68 : memref<1x128x128xf32, #tpu.memory_space<vmem>> -> memref<128x128xf32, #tpu.memory_space<vmem>>
      %dma_wait3A_70 = arith.constant 0 : i32
      %dma_wait3A_71 = tpu.memref_slice %arg5[%rem3A_38, %dma_wait3A_64, %dma_wait3A_70] : memref<2x2x128xi32, #tpu.memory_space<vmem>> -> memref<1x1x128xi32, #tpu.memory_space<vmem>>
      %dma_wait3A_72 = tpu.memref_squeeze %dma_wait3A_71 : memref<1x1x128xi32, #tpu.memory_space<vmem>> -> memref<128xi32, #tpu.memory_space<vmem>>
      %dma_wait3A_73 = arith.constant 0 : i32
      %dma_wait3A_74 = arith.constant 0 : i32
      %dma_wait3A_75 = tpu.memref_slice %arg2[%dma_wait3A_73, %dma_wait3A_74] : memref<10000x128xf32, #tpu.memory_space<hbm>> -> memref<10000x128xf32, #tpu.memory_space<hbm>>
      tpu.wait_indirect_dma semaphore(%arg10 : memref<!tpu.dma_semaphore, #tpu.memory_space<semaphore_mem>>) src(%dma_wait3A_75 : memref<10000x128xf32, #tpu.memory_space<hbm>>) dst(%dma_wait3A_69 : memref<128x128xf32, #tpu.memory_space<vmem>>)
      %run_scoped3A_76 = arith.constant 1 : i32
      %run_scoped3A_77 = arith.constant 1 : i32
      "tpu.region"() ({
        %run_scoped3A_83 = tpu.sem_alloc : memref<!tpu.dma_semaphore, #tpu.memory_space<semaphore_mem>>
        %dma_start3A_84 = arith.constant 0 : i32
        %dma_start3A_85 = arith.constant 0 : i32
        %dma_start3A_86 = tpu.memref_slice %arg7[%run_scoped3A_76, %dma_start3A_84, %dma_start3A_85] : memref<2x128x128xf32, #tpu.memory_space<vmem>> -> memref<1x128x128xf32, #tpu.memory_space<vmem>>
        %dma_start3A_87 = tpu.memref_squeeze %dma_start3A_86 : memref<1x128x128xf32, #tpu.memory_space<vmem>> -> memref<128x128xf32, #tpu.memory_space<vmem>>
        %dma_start3A_88 = arith.constant 0 : i32
        %dma_start3A_89 = tpu.memref_slice %arg6[%run_scoped3A_77, %dma_start3A_88] : memref<2x128xi32, #tpu.memory_space<vmem>> -> memref<1x128xi32, #tpu.memory_space<vmem>>
        %dma_start3A_90 = tpu.memref_squeeze %dma_start3A_89 : memref<1x128xi32, #tpu.memory_space<vmem>> -> memref<128xi32, #tpu.memory_space<vmem>>
        %dma_start3A_91 = arith.constant 0 : i32
        %dma_start3A_92 = arith.constant 0 : i32
        %dma_start3A_93 = tpu.memref_slice %arg8[%dma_start3A_91, %dma_start3A_92] : memref<10240x128xf32, #tpu.memory_space<vmem_shared>> -> memref<10240x128xf32, #tpu.memory_space<vmem_shared>>
        tpu.enqueue_indirect_dma source(%dma_start3A_87 : memref<128x128xf32, #tpu.memory_space<vmem>>) target(%dma_start3A_93 : memref<10240x128xf32, #tpu.memory_space<vmem_shared>>) offsets(%dma_start3A_90 : memref<128xi32, #tpu.memory_space<vmem>>) semaphore(%run_scoped3A_83 : memref<!tpu.dma_semaphore, #tpu.memory_space<semaphore_mem>>) {add = true}
        %dma_wait3A_94 = arith.constant 0 : i32
        %dma_wait3A_95 = arith.constant 0 : i32
        %dma_wait3A_96 = tpu.memref_slice %arg7[%run_scoped3A_76, %dma_wait3A_94, %dma_wait3A_95] : memref<2x128x128xf32, #tpu.memory_space<vmem>> -> memref<1x128x128xf32, #tpu.memory_space<vmem>>
        %dma_wait3A_97 = tpu.memref_squeeze %dma_wait3A_96 : memref<1x128x128xf32, #tpu.memory_space<vmem>> -> memref<128x128xf32, #tpu.memory_space<vmem>>
        %dma_wait3A_98 = arith.constant 0 : i32
        %dma_wait3A_99 = tpu.memref_slice %arg6[%run_scoped3A_77, %dma_wait3A_98] : memref<2x128xi32, #tpu.memory_space<vmem>> -> memref<1x128xi32, #tpu.memory_space<vmem>>
        %dma_wait3A_100 = tpu.memref_squeeze %dma_wait3A_99 : memref<1x128xi32, #tpu.memory_space<vmem>> -> memref<128xi32, #tpu.memory_space<vmem>>
        %dma_wait3A_101 = arith.constant 0 : i32
        %dma_wait3A_102 = arith.constant 0 : i32
        %dma_wait3A_103 = tpu.memref_slice %arg8[%dma_wait3A_101, %dma_wait3A_102] : memref<10240x128xf32, #tpu.memory_space<vmem_shared>> -> memref<10240x128xf32, #tpu.memory_space<vmem_shared>>
        tpu.wait_indirect_dma semaphore(%run_scoped3A_83 : memref<!tpu.dma_semaphore, #tpu.memory_space<semaphore_mem>>) src(%dma_wait3A_97 : memref<128x128xf32, #tpu.memory_space<vmem>>) dst(%dma_wait3A_103 : memref<10240x128xf32, #tpu.memory_space<vmem_shared>>)
        tpu.yield
      }) : () -> ()
      %lt3A_78 = arith.constant 39 : i32
      %lt3A_79 = arith.cmpi slt, %scan3A_37, %lt3A_78 : i32
      %convert_element_type3A_80 = arith.extui %lt3A_79 : i1 to i32
      %cond3A_81 = arith.constant 0 : i32
      %cond3A_82 = arith.cmpi ne, %convert_element_type3A_80, %cond3A_81 : i32
      scf.if %cond3A_82 {
        %dma_start3A_83 = arith.constant 1 : i32
        %dma_start3A_84 = arith.constant 1 : i32
        %dma_start3A_85 = arith.constant 0 : i32
        %dma_start3A_86 = arith.constant 0 : i32
        %dma_start3A_87 = tpu.memref_slice %arg7[%dma_start3A_84, %dma_start3A_85, %dma_start3A_86] : memref<2x128x128xf32, #tpu.memory_space<vmem>> -> memref<1x128x128xf32, #tpu.memory_space<vmem>>
        %dma_start3A_88 = tpu.memref_squeeze %dma_start3A_87 : memref<1x128x128xf32, #tpu.memory_space<vmem>> -> memref<128x128xf32, #tpu.memory_space<vmem>>
        %dma_start3A_89 = arith.constant 0 : i32
        %dma_start3A_90 = tpu.memref_slice %arg5[%sub3A_39, %dma_start3A_83, %dma_start3A_89] : memref<2x2x128xi32, #tpu.memory_space<vmem>> -> memref<1x1x128xi32, #tpu.memory_space<vmem>>
        %dma_start3A_91 = tpu.memref_squeeze %dma_start3A_90 : memref<1x1x128xi32, #tpu.memory_space<vmem>> -> memref<128xi32, #tpu.memory_space<vmem>>
        %dma_start3A_92 = arith.constant 0 : i32
        %dma_start3A_93 = arith.constant 0 : i32
        %dma_start3A_94 = tpu.memref_slice %arg2[%dma_start3A_92, %dma_start3A_93] : memref<10000x128xf32, #tpu.memory_space<hbm>> -> memref<10000x128xf32, #tpu.memory_space<hbm>>
        tpu.enqueue_indirect_dma source(%dma_start3A_94 : memref<10000x128xf32, #tpu.memory_space<hbm>>) target(%dma_start3A_88 : memref<128x128xf32, #tpu.memory_space<vmem>>) offsets(%dma_start3A_91 : memref<128xi32, #tpu.memory_space<vmem>>) semaphore(%arg10 : memref<!tpu.dma_semaphore, #tpu.memory_space<semaphore_mem>>)
      } else {
      }
    }
    %scan3A_35 = arith.constant 40 : i32
    %barrier3A_36 = arith.constant 0 : index
    tpu.barrier barrier_id(%barrier3A_36)
    "tpu.region"() ({
      %run_scoped3A_37 = tpu.sem_alloc : memref<!tpu.dma_semaphore, #tpu.memory_space<semaphore_mem>>
      %dma_start3A_38 = arith.constant 0 : i32
      %dma_start3A_39 = tpu.memref_slice %arg4[%arg0, %mul3A_2, %dma_start3A_38] : memref<2x10000x128xf32, #tpu.memory_space<hbm>> -> memref<1x625x128xf32, #tpu.memory_space<hbm>>
      %dma_start3A_40 = tpu.memref_squeeze %dma_start3A_39 : memref<1x625x128xf32, #tpu.memory_space<hbm>> -> memref<625x128xf32, #tpu.memory_space<hbm>>
      %dma_start3A_41 = arith.constant 0 : i32
      %dma_start3A_42 = tpu.memref_slice %arg8[%mul3A_2, %dma_start3A_41] : memref<10240x128xf32, #tpu.memory_space<vmem_shared>> -> memref<625x128xf32, #tpu.memory_space<vmem_shared>>
      tpu.enqueue_dma source(%dma_start3A_42 : memref<625x128xf32, #tpu.memory_space<vmem_shared>>) target(%dma_start3A_40 : memref<625x128xf32, #tpu.memory_space<hbm>>) target_semaphore(%run_scoped3A_37 : memref<!tpu.dma_semaphore, #tpu.memory_space<semaphore_mem>>)
      %dma_wait3A = arith.constant 0 : i32
      %dma_wait3A_43 = tpu.memref_slice %arg4[%arg0, %mul3A_2, %dma_wait3A] : memref<2x10000x128xf32, #tpu.memory_space<hbm>> -> memref<1x625x128xf32, #tpu.memory_space<hbm>>
      %dma_wait3A_44 = tpu.memref_squeeze %dma_wait3A_43 : memref<1x625x128xf32, #tpu.memory_space<hbm>> -> memref<625x128xf32, #tpu.memory_space<hbm>>
      %dma_wait3A_45 = arith.constant 0 : i32
      %dma_wait3A_46 = tpu.memref_slice %arg8[%mul3A_2, %dma_wait3A_45] : memref<10240x128xf32, #tpu.memory_space<vmem_shared>> -> memref<625x128xf32, #tpu.memory_space<vmem_shared>>
      tpu.wait_dma2 semaphore(%run_scoped3A_37 : memref<!tpu.dma_semaphore, #tpu.memory_space<semaphore_mem>>) src(%dma_wait3A_46 : memref<625x128xf32, #tpu.memory_space<vmem_shared>>) dst(%dma_wait3A_44 : memref<625x128xf32, #tpu.memory_space<hbm>>)
      tpu.yield
    }) : () -> ()
    return
  }
}

#map = affine_map<(d0, d1) -> (0, 0, 0)>
#map1 = affine_map<(d0, d1) -> (0, 0)>
module attributes {stable_mosaic.version = 14 : i64} {
  func.func @_deg_kernel(%arg0: i32, %arg1: i32, %arg2: memref<2x2560x128xi32, #tpu.memory_space<hbm>>, %arg3: memref<128x16xf32, #tpu.memory_space<hbm>>, %arg4: memref<10000x16xf32, #tpu.memory_space<hbm>>, %arg5: memref<2x10000x16xf32, #tpu.memory_space<hbm>>, %arg6: memref<80x128xi32, #tpu.memory_space<vmem>>, %arg7: memref<128x16xf32, #tpu.memory_space<vmem>>, %arg8: memref<10240x16xf32, #tpu.memory_space<vmem_shared>>, %arg9: memref<!tpu.dma_semaphore, #tpu.memory_space<semaphore_mem>>) attributes {dimension_semantics = [#tpu.dimension_semantics<core_parallel>, #tpu.dimension_semantics<subcore_parallel>], iteration_bounds = array<i64: 2, 16>, scalar_prefetch = 0 : i64, scratch_operands = 4 : i64, tpu.core_type = #tpu.core_type<sc_vector_subcore>, window_params = [{transform_indices = #map}, {transform_indices = #map1}, {transform_indices = #map1}, {transform_indices = #map}]} {
    %mul3A = arith.constant 16 : i32
    %mul3A_0 = arith.muli %arg0, %mul3A : i32
    %add3A = arith.addi %mul3A_0, %arg1 : i32
    %mul3A_1 = arith.constant 625 : i32
    %mul3A_2 = arith.muli %arg1, %mul3A_1 : i32
    "tpu.region"() ({
      %run_scoped3A_13 = tpu.sem_alloc : memref<!tpu.dma_semaphore, #tpu.memory_space<semaphore_mem>>
      %dma_start3A = arith.constant 0 : i32
      %dma_start3A_14 = tpu.memref_slice %arg8[%mul3A_2, %dma_start3A] : memref<10240x16xf32, #tpu.memory_space<vmem_shared>> -> memref<625x16xf32, #tpu.memory_space<vmem_shared>>
      %dma_start3A_15 = arith.constant 0 : i32
      %dma_start3A_16 = tpu.memref_slice %arg4[%mul3A_2, %dma_start3A_15] : memref<10000x16xf32, #tpu.memory_space<hbm>> -> memref<625x16xf32, #tpu.memory_space<hbm>>
      tpu.enqueue_dma source(%dma_start3A_16 : memref<625x16xf32, #tpu.memory_space<hbm>>) target(%dma_start3A_14 : memref<625x16xf32, #tpu.memory_space<vmem_shared>>) target_semaphore(%run_scoped3A_13 : memref<!tpu.dma_semaphore, #tpu.memory_space<semaphore_mem>>)
      %dma_wait3A = arith.constant 0 : i32
      %dma_wait3A_17 = tpu.memref_slice %arg8[%mul3A_2, %dma_wait3A] : memref<10240x16xf32, #tpu.memory_space<vmem_shared>> -> memref<625x16xf32, #tpu.memory_space<vmem_shared>>
      %dma_wait3A_18 = arith.constant 0 : i32
      %dma_wait3A_19 = tpu.memref_slice %arg4[%mul3A_2, %dma_wait3A_18] : memref<10000x16xf32, #tpu.memory_space<hbm>> -> memref<625x16xf32, #tpu.memory_space<hbm>>
      tpu.wait_dma2 semaphore(%run_scoped3A_13 : memref<!tpu.dma_semaphore, #tpu.memory_space<semaphore_mem>>) src(%dma_wait3A_19 : memref<625x16xf32, #tpu.memory_space<hbm>>) dst(%dma_wait3A_17 : memref<625x16xf32, #tpu.memory_space<vmem_shared>>)
      tpu.yield
    }) : () -> ()
    %eq3A = arith.constant 0 : i32
    %eq3A_3 = arith.cmpi eq, %arg1, %eq3A : i32
    %convert_element_type3A = arith.extui %eq3A_3 : i1 to i32
    %cond3A = arith.constant 0 : i32
    %cond3A_4 = arith.cmpi ne, %convert_element_type3A, %cond3A : i32
    scf.if %cond3A_4 {
      "tpu.region"() ({
        %run_scoped3A_13 = tpu.sem_alloc : memref<!tpu.dma_semaphore, #tpu.memory_space<semaphore_mem>>
        %dma_start3A = arith.constant 10000 : i32
        %dma_start3A_14 = arith.constant 0 : i32
        %dma_start3A_15 = tpu.memref_slice %arg8[%dma_start3A, %dma_start3A_14] : memref<10240x16xf32, #tpu.memory_space<vmem_shared>> -> memref<240x16xf32, #tpu.memory_space<vmem_shared>>
        %dma_start3A_16 = arith.constant 0 : i32
        %dma_start3A_17 = arith.constant 0 : i32
        %dma_start3A_18 = tpu.memref_slice %arg4[%dma_start3A_16, %dma_start3A_17] : memref<10000x16xf32, #tpu.memory_space<hbm>> -> memref<240x16xf32, #tpu.memory_space<hbm>>
        tpu.enqueue_dma source(%dma_start3A_18 : memref<240x16xf32, #tpu.memory_space<hbm>>) target(%dma_start3A_15 : memref<240x16xf32, #tpu.memory_space<vmem_shared>>) target_semaphore(%run_scoped3A_13 : memref<!tpu.dma_semaphore, #tpu.memory_space<semaphore_mem>>)
        %dma_wait3A = arith.constant 10000 : i32
        %dma_wait3A_19 = arith.constant 0 : i32
        %dma_wait3A_20 = tpu.memref_slice %arg8[%dma_wait3A, %dma_wait3A_19] : memref<10240x16xf32, #tpu.memory_space<vmem_shared>> -> memref<240x16xf32, #tpu.memory_space<vmem_shared>>
        %dma_wait3A_21 = arith.constant 0 : i32
        %dma_wait3A_22 = arith.constant 0 : i32
        %dma_wait3A_23 = tpu.memref_slice %arg4[%dma_wait3A_21, %dma_wait3A_22] : memref<10000x16xf32, #tpu.memory_space<hbm>> -> memref<240x16xf32, #tpu.memory_space<hbm>>
        tpu.wait_dma2 semaphore(%run_scoped3A_13 : memref<!tpu.dma_semaphore, #tpu.memory_space<semaphore_mem>>) src(%dma_wait3A_23 : memref<240x16xf32, #tpu.memory_space<hbm>>) dst(%dma_wait3A_20 : memref<240x16xf32, #tpu.memory_space<vmem_shared>>)
        tpu.yield
      }) : () -> ()
    } else {
    }
    "tpu.region"() ({
      %run_scoped3A_13 = tpu.sem_alloc : memref<!tpu.dma_semaphore, #tpu.memory_space<semaphore_mem>>
      tpu.enqueue_dma source(%arg3 : memref<128x16xf32, #tpu.memory_space<hbm>>) target(%arg7 : memref<128x16xf32, #tpu.memory_space<vmem>>) target_semaphore(%run_scoped3A_13 : memref<!tpu.dma_semaphore, #tpu.memory_space<semaphore_mem>>)
      tpu.wait_dma2 semaphore(%run_scoped3A_13 : memref<!tpu.dma_semaphore, #tpu.memory_space<semaphore_mem>>) src(%arg3 : memref<128x16xf32, #tpu.memory_space<hbm>>) dst(%arg7 : memref<128x16xf32, #tpu.memory_space<vmem>>)
      tpu.yield
    }) : () -> ()
    %mul3A_5 = arith.constant 80 : i32
    %mul3A_6 = arith.muli %add3A, %mul3A_5 : i32
    %run_scoped3A = arith.constant 1 : i32
    "tpu.region"() ({
      %run_scoped3A_13 = tpu.sem_alloc : memref<!tpu.dma_semaphore, #tpu.memory_space<semaphore_mem>>
      %dma_start3A = arith.constant 0 : i32
      %dma_start3A_14 = tpu.memref_slice %arg2[%run_scoped3A, %mul3A_6, %dma_start3A] : memref<2x2560x128xi32, #tpu.memory_space<hbm>> -> memref<1x80x128xi32, #tpu.memory_space<hbm>>
      %dma_start3A_15 = tpu.memref_squeeze %dma_start3A_14 : memref<1x80x128xi32, #tpu.memory_space<hbm>> -> memref<80x128xi32, #tpu.memory_space<hbm>>
      %dma_start3A_16 = arith.constant 0 : i32
      %dma_start3A_17 = tpu.memref_slice %arg2[%run_scoped3A, %mul3A_6, %dma_start3A_16] : memref<2x2560x128xi32, #tpu.memory_space<hbm>> -> memref<1x80x128xi32, #tpu.memory_space<hbm>>
      %dma_start3A_18 = tpu.memref_squeeze %dma_start3A_17 : memref<1x80x128xi32, #tpu.memory_space<hbm>> -> memref<80x128xi32, #tpu.memory_space<hbm>>
      tpu.enqueue_dma source(%dma_start3A_18 : memref<80x128xi32, #tpu.memory_space<hbm>>) target(%arg6 : memref<80x128xi32, #tpu.memory_space<vmem>>) target_semaphore(%run_scoped3A_13 : memref<!tpu.dma_semaphore, #tpu.memory_space<semaphore_mem>>)
      %dma_wait3A = arith.constant 0 : i32
      %dma_wait3A_19 = tpu.memref_slice %arg2[%run_scoped3A, %mul3A_6, %dma_wait3A] : memref<2x2560x128xi32, #tpu.memory_space<hbm>> -> memref<1x80x128xi32, #tpu.memory_space<hbm>>
      %dma_wait3A_20 = tpu.memref_squeeze %dma_wait3A_19 : memref<1x80x128xi32, #tpu.memory_space<hbm>> -> memref<80x128xi32, #tpu.memory_space<hbm>>
      %dma_wait3A_21 = arith.constant 0 : i32
      %dma_wait3A_22 = tpu.memref_slice %arg2[%run_scoped3A, %mul3A_6, %dma_wait3A_21] : memref<2x2560x128xi32, #tpu.memory_space<hbm>> -> memref<1x80x128xi32, #tpu.memory_space<hbm>>
      %dma_wait3A_23 = tpu.memref_squeeze %dma_wait3A_22 : memref<1x80x128xi32, #tpu.memory_space<hbm>> -> memref<80x128xi32, #tpu.memory_space<hbm>>
      tpu.wait_dma2 semaphore(%run_scoped3A_13 : memref<!tpu.dma_semaphore, #tpu.memory_space<semaphore_mem>>) src(%dma_wait3A_23 : memref<80x128xi32, #tpu.memory_space<hbm>>) dst(%arg6 : memref<80x128xi32, #tpu.memory_space<vmem>>)
      tpu.yield
    }) : () -> ()
    %barrier3A = arith.constant 0 : index
    tpu.barrier barrier_id(%barrier3A)
    %scan3A = arith.constant 0 : i32
    %scan3A_7 = arith.constant 0 : i32
    %scan3A_8 = arith.constant 5 : i32
    %scan3A_9 = arith.addi %scan3A_7, %scan3A_8 : i32
    %scan3A_10 = arith.constant 1 : i32
    scf.for %scan3A_13 = %scan3A_7 to %scan3A_9 step %scan3A_10  : i32 {
      %mul3A_14 = arith.constant 16 : i32
      %mul3A_15 = arith.muli %scan3A_13, %mul3A_14 : i32
      %add3A_16 = arith.constant 0 : i32
      %add3A_17 = arith.addi %mul3A_15, %add3A_16 : i32
      %dma_start3A = arith.constant 0 : i32
      %dma_start3A_18 = tpu.memref_slice %arg6[%add3A_17, %dma_start3A] : memref<80x128xi32, #tpu.memory_space<vmem>> -> memref<1x128xi32, #tpu.memory_space<vmem>>
      %dma_start3A_19 = tpu.memref_squeeze %dma_start3A_18 : memref<1x128xi32, #tpu.memory_space<vmem>> -> memref<128xi32, #tpu.memory_space<vmem>>
      %dma_start3A_20 = arith.constant 0 : i32
      %dma_start3A_21 = arith.constant 0 : i32
      %dma_start3A_22 = tpu.memref_slice %arg8[%dma_start3A_20, %dma_start3A_21] : memref<10240x16xf32, #tpu.memory_space<vmem_shared>> -> memref<10240x16xf32, #tpu.memory_space<vmem_shared>>
      tpu.enqueue_indirect_dma source(%arg7 : memref<128x16xf32, #tpu.memory_space<vmem>>) target(%dma_start3A_22 : memref<10240x16xf32, #tpu.memory_space<vmem_shared>>) offsets(%dma_start3A_19 : memref<128xi32, #tpu.memory_space<vmem>>) semaphore(%arg9 : memref<!tpu.dma_semaphore, #tpu.memory_space<semaphore_mem>>) {add = true}
      %mul3A_23 = arith.constant 16 : i32
      %mul3A_24 = arith.muli %scan3A_13, %mul3A_23 : i32
      %add3A_25 = arith.constant 1 : i32
      %add3A_26 = arith.addi %mul3A_24, %add3A_25 : i32
      %dma_start3A_27 = arith.constant 0 : i32
      %dma_start3A_28 = tpu.memref_slice %arg6[%add3A_26, %dma_start3A_27] : memref<80x128xi32, #tpu.memory_space<vmem>> -> memref<1x128xi32, #tpu.memory_space<vmem>>
      %dma_start3A_29 = tpu.memref_squeeze %dma_start3A_28 : memref<1x128xi32, #tpu.memory_space<vmem>> -> memref<128xi32, #tpu.memory_space<vmem>>
      %dma_start3A_30 = arith.constant 0 : i32
      %dma_start3A_31 = arith.constant 0 : i32
      %dma_start3A_32 = tpu.memref_slice %arg8[%dma_start3A_30, %dma_start3A_31] : memref<10240x16xf32, #tpu.memory_space<vmem_shared>> -> memref<10240x16xf32, #tpu.memory_space<vmem_shared>>
      tpu.enqueue_indirect_dma source(%arg7 : memref<128x16xf32, #tpu.memory_space<vmem>>) target(%dma_start3A_32 : memref<10240x16xf32, #tpu.memory_space<vmem_shared>>) offsets(%dma_start3A_29 : memref<128xi32, #tpu.memory_space<vmem>>) semaphore(%arg9 : memref<!tpu.dma_semaphore, #tpu.memory_space<semaphore_mem>>) {add = true}
      %mul3A_33 = arith.constant 16 : i32
      %mul3A_34 = arith.muli %scan3A_13, %mul3A_33 : i32
      %add3A_35 = arith.constant 2 : i32
      %add3A_36 = arith.addi %mul3A_34, %add3A_35 : i32
      %dma_start3A_37 = arith.constant 0 : i32
      %dma_start3A_38 = tpu.memref_slice %arg6[%add3A_36, %dma_start3A_37] : memref<80x128xi32, #tpu.memory_space<vmem>> -> memref<1x128xi32, #tpu.memory_space<vmem>>
      %dma_start3A_39 = tpu.memref_squeeze %dma_start3A_38 : memref<1x128xi32, #tpu.memory_space<vmem>> -> memref<128xi32, #tpu.memory_space<vmem>>
      %dma_start3A_40 = arith.constant 0 : i32
      %dma_start3A_41 = arith.constant 0 : i32
      %dma_start3A_42 = tpu.memref_slice %arg8[%dma_start3A_40, %dma_start3A_41] : memref<10240x16xf32, #tpu.memory_space<vmem_shared>> -> memref<10240x16xf32, #tpu.memory_space<vmem_shared>>
      tpu.enqueue_indirect_dma source(%arg7 : memref<128x16xf32, #tpu.memory_space<vmem>>) target(%dma_start3A_42 : memref<10240x16xf32, #tpu.memory_space<vmem_shared>>) offsets(%dma_start3A_39 : memref<128xi32, #tpu.memory_space<vmem>>) semaphore(%arg9 : memref<!tpu.dma_semaphore, #tpu.memory_space<semaphore_mem>>) {add = true}
      %mul3A_43 = arith.constant 16 : i32
      %mul3A_44 = arith.muli %scan3A_13, %mul3A_43 : i32
      %add3A_45 = arith.constant 3 : i32
      %add3A_46 = arith.addi %mul3A_44, %add3A_45 : i32
      %dma_start3A_47 = arith.constant 0 : i32
      %dma_start3A_48 = tpu.memref_slice %arg6[%add3A_46, %dma_start3A_47] : memref<80x128xi32, #tpu.memory_space<vmem>> -> memref<1x128xi32, #tpu.memory_space<vmem>>
      %dma_start3A_49 = tpu.memref_squeeze %dma_start3A_48 : memref<1x128xi32, #tpu.memory_space<vmem>> -> memref<128xi32, #tpu.memory_space<vmem>>
      %dma_start3A_50 = arith.constant 0 : i32
      %dma_start3A_51 = arith.constant 0 : i32
      %dma_start3A_52 = tpu.memref_slice %arg8[%dma_start3A_50, %dma_start3A_51] : memref<10240x16xf32, #tpu.memory_space<vmem_shared>> -> memref<10240x16xf32, #tpu.memory_space<vmem_shared>>
      tpu.enqueue_indirect_dma source(%arg7 : memref<128x16xf32, #tpu.memory_space<vmem>>) target(%dma_start3A_52 : memref<10240x16xf32, #tpu.memory_space<vmem_shared>>) offsets(%dma_start3A_49 : memref<128xi32, #tpu.memory_space<vmem>>) semaphore(%arg9 : memref<!tpu.dma_semaphore, #tpu.memory_space<semaphore_mem>>) {add = true}
      %mul3A_53 = arith.constant 16 : i32
      %mul3A_54 = arith.muli %scan3A_13, %mul3A_53 : i32
      %add3A_55 = arith.constant 4 : i32
      %add3A_56 = arith.addi %mul3A_54, %add3A_55 : i32
      %dma_start3A_57 = arith.constant 0 : i32
      %dma_start3A_58 = tpu.memref_slice %arg6[%add3A_56, %dma_start3A_57] : memref<80x128xi32, #tpu.memory_space<vmem>> -> memref<1x128xi32, #tpu.memory_space<vmem>>
      %dma_start3A_59 = tpu.memref_squeeze %dma_start3A_58 : memref<1x128xi32, #tpu.memory_space<vmem>> -> memref<128xi32, #tpu.memory_space<vmem>>
      %dma_start3A_60 = arith.constant 0 : i32
      %dma_start3A_61 = arith.constant 0 : i32
      %dma_start3A_62 = tpu.memref_slice %arg8[%dma_start3A_60, %dma_start3A_61] : memref<10240x16xf32, #tpu.memory_space<vmem_shared>> -> memref<10240x16xf32, #tpu.memory_space<vmem_shared>>
      tpu.enqueue_indirect_dma source(%arg7 : memref<128x16xf32, #tpu.memory_space<vmem>>) target(%dma_start3A_62 : memref<10240x16xf32, #tpu.memory_space<vmem_shared>>) offsets(%dma_start3A_59 : memref<128xi32, #tpu.memory_space<vmem>>) semaphore(%arg9 : memref<!tpu.dma_semaphore, #tpu.memory_space<semaphore_mem>>) {add = true}
      %mul3A_63 = arith.constant 16 : i32
      %mul3A_64 = arith.muli %scan3A_13, %mul3A_63 : i32
      %add3A_65 = arith.constant 5 : i32
      %add3A_66 = arith.addi %mul3A_64, %add3A_65 : i32
      %dma_start3A_67 = arith.constant 0 : i32
      %dma_start3A_68 = tpu.memref_slice %arg6[%add3A_66, %dma_start3A_67] : memref<80x128xi32, #tpu.memory_space<vmem>> -> memref<1x128xi32, #tpu.memory_space<vmem>>
      %dma_start3A_69 = tpu.memref_squeeze %dma_start3A_68 : memref<1x128xi32, #tpu.memory_space<vmem>> -> memref<128xi32, #tpu.memory_space<vmem>>
      %dma_start3A_70 = arith.constant 0 : i32
      %dma_start3A_71 = arith.constant 0 : i32
      %dma_start3A_72 = tpu.memref_slice %arg8[%dma_start3A_70, %dma_start3A_71] : memref<10240x16xf32, #tpu.memory_space<vmem_shared>> -> memref<10240x16xf32, #tpu.memory_space<vmem_shared>>
      tpu.enqueue_indirect_dma source(%arg7 : memref<128x16xf32, #tpu.memory_space<vmem>>) target(%dma_start3A_72 : memref<10240x16xf32, #tpu.memory_space<vmem_shared>>) offsets(%dma_start3A_69 : memref<128xi32, #tpu.memory_space<vmem>>) semaphore(%arg9 : memref<!tpu.dma_semaphore, #tpu.memory_space<semaphore_mem>>) {add = true}
      %mul3A_73 = arith.constant 16 : i32
      %mul3A_74 = arith.muli %scan3A_13, %mul3A_73 : i32
      %add3A_75 = arith.constant 6 : i32
      %add3A_76 = arith.addi %mul3A_74, %add3A_75 : i32
      %dma_start3A_77 = arith.constant 0 : i32
      %dma_start3A_78 = tpu.memref_slice %arg6[%add3A_76, %dma_start3A_77] : memref<80x128xi32, #tpu.memory_space<vmem>> -> memref<1x128xi32, #tpu.memory_space<vmem>>
      %dma_start3A_79 = tpu.memref_squeeze %dma_start3A_78 : memref<1x128xi32, #tpu.memory_space<vmem>> -> memref<128xi32, #tpu.memory_space<vmem>>
      %dma_start3A_80 = arith.constant 0 : i32
      %dma_start3A_81 = arith.constant 0 : i32
      %dma_start3A_82 = tpu.memref_slice %arg8[%dma_start3A_80, %dma_start3A_81] : memref<10240x16xf32, #tpu.memory_space<vmem_shared>> -> memref<10240x16xf32, #tpu.memory_space<vmem_shared>>
      tpu.enqueue_indirect_dma source(%arg7 : memref<128x16xf32, #tpu.memory_space<vmem>>) target(%dma_start3A_82 : memref<10240x16xf32, #tpu.memory_space<vmem_shared>>) offsets(%dma_start3A_79 : memref<128xi32, #tpu.memory_space<vmem>>) semaphore(%arg9 : memref<!tpu.dma_semaphore, #tpu.memory_space<semaphore_mem>>) {add = true}
      %mul3A_83 = arith.constant 16 : i32
      %mul3A_84 = arith.muli %scan3A_13, %mul3A_83 : i32
      %add3A_85 = arith.constant 7 : i32
      %add3A_86 = arith.addi %mul3A_84, %add3A_85 : i32
      %dma_start3A_87 = arith.constant 0 : i32
      %dma_start3A_88 = tpu.memref_slice %arg6[%add3A_86, %dma_start3A_87] : memref<80x128xi32, #tpu.memory_space<vmem>> -> memref<1x128xi32, #tpu.memory_space<vmem>>
      %dma_start3A_89 = tpu.memref_squeeze %dma_start3A_88 : memref<1x128xi32, #tpu.memory_space<vmem>> -> memref<128xi32, #tpu.memory_space<vmem>>
      %dma_start3A_90 = arith.constant 0 : i32
      %dma_start3A_91 = arith.constant 0 : i32
      %dma_start3A_92 = tpu.memref_slice %arg8[%dma_start3A_90, %dma_start3A_91] : memref<10240x16xf32, #tpu.memory_space<vmem_shared>> -> memref<10240x16xf32, #tpu.memory_space<vmem_shared>>
      tpu.enqueue_indirect_dma source(%arg7 : memref<128x16xf32, #tpu.memory_space<vmem>>) target(%dma_start3A_92 : memref<10240x16xf32, #tpu.memory_space<vmem_shared>>) offsets(%dma_start3A_89 : memref<128xi32, #tpu.memory_space<vmem>>) semaphore(%arg9 : memref<!tpu.dma_semaphore, #tpu.memory_space<semaphore_mem>>) {add = true}
      %mul3A_93 = arith.constant 16 : i32
      %mul3A_94 = arith.muli %scan3A_13, %mul3A_93 : i32
      %add3A_95 = arith.constant 8 : i32
      %add3A_96 = arith.addi %mul3A_94, %add3A_95 : i32
      %dma_start3A_97 = arith.constant 0 : i32
      %dma_start3A_98 = tpu.memref_slice %arg6[%add3A_96, %dma_start3A_97] : memref<80x128xi32, #tpu.memory_space<vmem>> -> memref<1x128xi32, #tpu.memory_space<vmem>>
      %dma_start3A_99 = tpu.memref_squeeze %dma_start3A_98 : memref<1x128xi32, #tpu.memory_space<vmem>> -> memref<128xi32, #tpu.memory_space<vmem>>
      %dma_start3A_100 = arith.constant 0 : i32
      %dma_start3A_101 = arith.constant 0 : i32
      %dma_start3A_102 = tpu.memref_slice %arg8[%dma_start3A_100, %dma_start3A_101] : memref<10240x16xf32, #tpu.memory_space<vmem_shared>> -> memref<10240x16xf32, #tpu.memory_space<vmem_shared>>
      tpu.enqueue_indirect_dma source(%arg7 : memref<128x16xf32, #tpu.memory_space<vmem>>) target(%dma_start3A_102 : memref<10240x16xf32, #tpu.memory_space<vmem_shared>>) offsets(%dma_start3A_99 : memref<128xi32, #tpu.memory_space<vmem>>) semaphore(%arg9 : memref<!tpu.dma_semaphore, #tpu.memory_space<semaphore_mem>>) {add = true}
      %mul3A_103 = arith.constant 16 : i32
      %mul3A_104 = arith.muli %scan3A_13, %mul3A_103 : i32
      %add3A_105 = arith.constant 9 : i32
      %add3A_106 = arith.addi %mul3A_104, %add3A_105 : i32
      %dma_start3A_107 = arith.constant 0 : i32
      %dma_start3A_108 = tpu.memref_slice %arg6[%add3A_106, %dma_start3A_107] : memref<80x128xi32, #tpu.memory_space<vmem>> -> memref<1x128xi32, #tpu.memory_space<vmem>>
      %dma_start3A_109 = tpu.memref_squeeze %dma_start3A_108 : memref<1x128xi32, #tpu.memory_space<vmem>> -> memref<128xi32, #tpu.memory_space<vmem>>
      %dma_start3A_110 = arith.constant 0 : i32
      %dma_start3A_111 = arith.constant 0 : i32
      %dma_start3A_112 = tpu.memref_slice %arg8[%dma_start3A_110, %dma_start3A_111] : memref<10240x16xf32, #tpu.memory_space<vmem_shared>> -> memref<10240x16xf32, #tpu.memory_space<vmem_shared>>
      tpu.enqueue_indirect_dma source(%arg7 : memref<128x16xf32, #tpu.memory_space<vmem>>) target(%dma_start3A_112 : memref<10240x16xf32, #tpu.memory_space<vmem_shared>>) offsets(%dma_start3A_109 : memref<128xi32, #tpu.memory_space<vmem>>) semaphore(%arg9 : memref<!tpu.dma_semaphore, #tpu.memory_space<semaphore_mem>>) {add = true}
      %mul3A_113 = arith.constant 16 : i32
      %mul3A_114 = arith.muli %scan3A_13, %mul3A_113 : i32
      %add3A_115 = arith.constant 10 : i32
      %add3A_116 = arith.addi %mul3A_114, %add3A_115 : i32
      %dma_start3A_117 = arith.constant 0 : i32
      %dma_start3A_118 = tpu.memref_slice %arg6[%add3A_116, %dma_start3A_117] : memref<80x128xi32, #tpu.memory_space<vmem>> -> memref<1x128xi32, #tpu.memory_space<vmem>>
      %dma_start3A_119 = tpu.memref_squeeze %dma_start3A_118 : memref<1x128xi32, #tpu.memory_space<vmem>> -> memref<128xi32, #tpu.memory_space<vmem>>
      %dma_start3A_120 = arith.constant 0 : i32
      %dma_start3A_121 = arith.constant 0 : i32
      %dma_start3A_122 = tpu.memref_slice %arg8[%dma_start3A_120, %dma_start3A_121] : memref<10240x16xf32, #tpu.memory_space<vmem_shared>> -> memref<10240x16xf32, #tpu.memory_space<vmem_shared>>
      tpu.enqueue_indirect_dma source(%arg7 : memref<128x16xf32, #tpu.memory_space<vmem>>) target(%dma_start3A_122 : memref<10240x16xf32, #tpu.memory_space<vmem_shared>>) offsets(%dma_start3A_119 : memref<128xi32, #tpu.memory_space<vmem>>) semaphore(%arg9 : memref<!tpu.dma_semaphore, #tpu.memory_space<semaphore_mem>>) {add = true}
      %mul3A_123 = arith.constant 16 : i32
      %mul3A_124 = arith.muli %scan3A_13, %mul3A_123 : i32
      %add3A_125 = arith.constant 11 : i32
      %add3A_126 = arith.addi %mul3A_124, %add3A_125 : i32
      %dma_start3A_127 = arith.constant 0 : i32
      %dma_start3A_128 = tpu.memref_slice %arg6[%add3A_126, %dma_start3A_127] : memref<80x128xi32, #tpu.memory_space<vmem>> -> memref<1x128xi32, #tpu.memory_space<vmem>>
      %dma_start3A_129 = tpu.memref_squeeze %dma_start3A_128 : memref<1x128xi32, #tpu.memory_space<vmem>> -> memref<128xi32, #tpu.memory_space<vmem>>
      %dma_start3A_130 = arith.constant 0 : i32
      %dma_start3A_131 = arith.constant 0 : i32
      %dma_start3A_132 = tpu.memref_slice %arg8[%dma_start3A_130, %dma_start3A_131] : memref<10240x16xf32, #tpu.memory_space<vmem_shared>> -> memref<10240x16xf32, #tpu.memory_space<vmem_shared>>
      tpu.enqueue_indirect_dma source(%arg7 : memref<128x16xf32, #tpu.memory_space<vmem>>) target(%dma_start3A_132 : memref<10240x16xf32, #tpu.memory_space<vmem_shared>>) offsets(%dma_start3A_129 : memref<128xi32, #tpu.memory_space<vmem>>) semaphore(%arg9 : memref<!tpu.dma_semaphore, #tpu.memory_space<semaphore_mem>>) {add = true}
      %mul3A_133 = arith.constant 16 : i32
      %mul3A_134 = arith.muli %scan3A_13, %mul3A_133 : i32
      %add3A_135 = arith.constant 12 : i32
      %add3A_136 = arith.addi %mul3A_134, %add3A_135 : i32
      %dma_start3A_137 = arith.constant 0 : i32
      %dma_start3A_138 = tpu.memref_slice %arg6[%add3A_136, %dma_start3A_137] : memref<80x128xi32, #tpu.memory_space<vmem>> -> memref<1x128xi32, #tpu.memory_space<vmem>>
      %dma_start3A_139 = tpu.memref_squeeze %dma_start3A_138 : memref<1x128xi32, #tpu.memory_space<vmem>> -> memref<128xi32, #tpu.memory_space<vmem>>
      %dma_start3A_140 = arith.constant 0 : i32
      %dma_start3A_141 = arith.constant 0 : i32
      %dma_start3A_142 = tpu.memref_slice %arg8[%dma_start3A_140, %dma_start3A_141] : memref<10240x16xf32, #tpu.memory_space<vmem_shared>> -> memref<10240x16xf32, #tpu.memory_space<vmem_shared>>
      tpu.enqueue_indirect_dma source(%arg7 : memref<128x16xf32, #tpu.memory_space<vmem>>) target(%dma_start3A_142 : memref<10240x16xf32, #tpu.memory_space<vmem_shared>>) offsets(%dma_start3A_139 : memref<128xi32, #tpu.memory_space<vmem>>) semaphore(%arg9 : memref<!tpu.dma_semaphore, #tpu.memory_space<semaphore_mem>>) {add = true}
      %mul3A_143 = arith.constant 16 : i32
      %mul3A_144 = arith.muli %scan3A_13, %mul3A_143 : i32
      %add3A_145 = arith.constant 13 : i32
      %add3A_146 = arith.addi %mul3A_144, %add3A_145 : i32
      %dma_start3A_147 = arith.constant 0 : i32
      %dma_start3A_148 = tpu.memref_slice %arg6[%add3A_146, %dma_start3A_147] : memref<80x128xi32, #tpu.memory_space<vmem>> -> memref<1x128xi32, #tpu.memory_space<vmem>>
      %dma_start3A_149 = tpu.memref_squeeze %dma_start3A_148 : memref<1x128xi32, #tpu.memory_space<vmem>> -> memref<128xi32, #tpu.memory_space<vmem>>
      %dma_start3A_150 = arith.constant 0 : i32
      %dma_start3A_151 = arith.constant 0 : i32
      %dma_start3A_152 = tpu.memref_slice %arg8[%dma_start3A_150, %dma_start3A_151] : memref<10240x16xf32, #tpu.memory_space<vmem_shared>> -> memref<10240x16xf32, #tpu.memory_space<vmem_shared>>
      tpu.enqueue_indirect_dma source(%arg7 : memref<128x16xf32, #tpu.memory_space<vmem>>) target(%dma_start3A_152 : memref<10240x16xf32, #tpu.memory_space<vmem_shared>>) offsets(%dma_start3A_149 : memref<128xi32, #tpu.memory_space<vmem>>) semaphore(%arg9 : memref<!tpu.dma_semaphore, #tpu.memory_space<semaphore_mem>>) {add = true}
      %mul3A_153 = arith.constant 16 : i32
      %mul3A_154 = arith.muli %scan3A_13, %mul3A_153 : i32
      %add3A_155 = arith.constant 14 : i32
      %add3A_156 = arith.addi %mul3A_154, %add3A_155 : i32
      %dma_start3A_157 = arith.constant 0 : i32
      %dma_start3A_158 = tpu.memref_slice %arg6[%add3A_156, %dma_start3A_157] : memref<80x128xi32, #tpu.memory_space<vmem>> -> memref<1x128xi32, #tpu.memory_space<vmem>>
      %dma_start3A_159 = tpu.memref_squeeze %dma_start3A_158 : memref<1x128xi32, #tpu.memory_space<vmem>> -> memref<128xi32, #tpu.memory_space<vmem>>
      %dma_start3A_160 = arith.constant 0 : i32
      %dma_start3A_161 = arith.constant 0 : i32
      %dma_start3A_162 = tpu.memref_slice %arg8[%dma_start3A_160, %dma_start3A_161] : memref<10240x16xf32, #tpu.memory_space<vmem_shared>> -> memref<10240x16xf32, #tpu.memory_space<vmem_shared>>
      tpu.enqueue_indirect_dma source(%arg7 : memref<128x16xf32, #tpu.memory_space<vmem>>) target(%dma_start3A_162 : memref<10240x16xf32, #tpu.memory_space<vmem_shared>>) offsets(%dma_start3A_159 : memref<128xi32, #tpu.memory_space<vmem>>) semaphore(%arg9 : memref<!tpu.dma_semaphore, #tpu.memory_space<semaphore_mem>>) {add = true}
      %mul3A_163 = arith.constant 16 : i32
      %mul3A_164 = arith.muli %scan3A_13, %mul3A_163 : i32
      %add3A_165 = arith.constant 15 : i32
      %add3A_166 = arith.addi %mul3A_164, %add3A_165 : i32
      %dma_start3A_167 = arith.constant 0 : i32
      %dma_start3A_168 = tpu.memref_slice %arg6[%add3A_166, %dma_start3A_167] : memref<80x128xi32, #tpu.memory_space<vmem>> -> memref<1x128xi32, #tpu.memory_space<vmem>>
      %dma_start3A_169 = tpu.memref_squeeze %dma_start3A_168 : memref<1x128xi32, #tpu.memory_space<vmem>> -> memref<128xi32, #tpu.memory_space<vmem>>
      %dma_start3A_170 = arith.constant 0 : i32
      %dma_start3A_171 = arith.constant 0 : i32
      %dma_start3A_172 = tpu.memref_slice %arg8[%dma_start3A_170, %dma_start3A_171] : memref<10240x16xf32, #tpu.memory_space<vmem_shared>> -> memref<10240x16xf32, #tpu.memory_space<vmem_shared>>
      tpu.enqueue_indirect_dma source(%arg7 : memref<128x16xf32, #tpu.memory_space<vmem>>) target(%dma_start3A_172 : memref<10240x16xf32, #tpu.memory_space<vmem_shared>>) offsets(%dma_start3A_169 : memref<128xi32, #tpu.memory_space<vmem>>) semaphore(%arg9 : memref<!tpu.dma_semaphore, #tpu.memory_space<semaphore_mem>>) {add = true}
      %mul3A_173 = arith.constant 16 : i32
      %mul3A_174 = arith.muli %scan3A_13, %mul3A_173 : i32
      %add3A_175 = arith.constant 0 : i32
      %add3A_176 = arith.addi %mul3A_174, %add3A_175 : i32
      %dma_wait3A = arith.constant 0 : i32
      %dma_wait3A_177 = tpu.memref_slice %arg6[%add3A_176, %dma_wait3A] : memref<80x128xi32, #tpu.memory_space<vmem>> -> memref<1x128xi32, #tpu.memory_space<vmem>>
      %dma_wait3A_178 = tpu.memref_squeeze %dma_wait3A_177 : memref<1x128xi32, #tpu.memory_space<vmem>> -> memref<128xi32, #tpu.memory_space<vmem>>
      %dma_wait3A_179 = arith.constant 0 : i32
      %dma_wait3A_180 = arith.constant 0 : i32
      %dma_wait3A_181 = tpu.memref_slice %arg8[%dma_wait3A_179, %dma_wait3A_180] : memref<10240x16xf32, #tpu.memory_space<vmem_shared>> -> memref<10240x16xf32, #tpu.memory_space<vmem_shared>>
      tpu.wait_indirect_dma semaphore(%arg9 : memref<!tpu.dma_semaphore, #tpu.memory_space<semaphore_mem>>) src(%arg7 : memref<128x16xf32, #tpu.memory_space<vmem>>) dst(%dma_wait3A_181 : memref<10240x16xf32, #tpu.memory_space<vmem_shared>>)
      %mul3A_182 = arith.constant 16 : i32
      %mul3A_183 = arith.muli %scan3A_13, %mul3A_182 : i32
      %add3A_184 = arith.constant 1 : i32
      %add3A_185 = arith.addi %mul3A_183, %add3A_184 : i32
      %dma_wait3A_186 = arith.constant 0 : i32
      %dma_wait3A_187 = tpu.memref_slice %arg6[%add3A_185, %dma_wait3A_186] : memref<80x128xi32, #tpu.memory_space<vmem>> -> memref<1x128xi32, #tpu.memory_space<vmem>>
      %dma_wait3A_188 = tpu.memref_squeeze %dma_wait3A_187 : memref<1x128xi32, #tpu.memory_space<vmem>> -> memref<128xi32, #tpu.memory_space<vmem>>
      %dma_wait3A_189 = arith.constant 0 : i32
      %dma_wait3A_190 = arith.constant 0 : i32
      %dma_wait3A_191 = tpu.memref_slice %arg8[%dma_wait3A_189, %dma_wait3A_190] : memref<10240x16xf32, #tpu.memory_space<vmem_shared>> -> memref<10240x16xf32, #tpu.memory_space<vmem_shared>>
      tpu.wait_indirect_dma semaphore(%arg9 : memref<!tpu.dma_semaphore, #tpu.memory_space<semaphore_mem>>) src(%arg7 : memref<128x16xf32, #tpu.memory_space<vmem>>) dst(%dma_wait3A_191 : memref<10240x16xf32, #tpu.memory_space<vmem_shared>>)
      %mul3A_192 = arith.constant 16 : i32
      %mul3A_193 = arith.muli %scan3A_13, %mul3A_192 : i32
      %add3A_194 = arith.constant 2 : i32
      %add3A_195 = arith.addi %mul3A_193, %add3A_194 : i32
      %dma_wait3A_196 = arith.constant 0 : i32
      %dma_wait3A_197 = tpu.memref_slice %arg6[%add3A_195, %dma_wait3A_196] : memref<80x128xi32, #tpu.memory_space<vmem>> -> memref<1x128xi32, #tpu.memory_space<vmem>>
      %dma_wait3A_198 = tpu.memref_squeeze %dma_wait3A_197 : memref<1x128xi32, #tpu.memory_space<vmem>> -> memref<128xi32, #tpu.memory_space<vmem>>
      %dma_wait3A_199 = arith.constant 0 : i32
      %dma_wait3A_200 = arith.constant 0 : i32
      %dma_wait3A_201 = tpu.memref_slice %arg8[%dma_wait3A_199, %dma_wait3A_200] : memref<10240x16xf32, #tpu.memory_space<vmem_shared>> -> memref<10240x16xf32, #tpu.memory_space<vmem_shared>>
      tpu.wait_indirect_dma semaphore(%arg9 : memref<!tpu.dma_semaphore, #tpu.memory_space<semaphore_mem>>) src(%arg7 : memref<128x16xf32, #tpu.memory_space<vmem>>) dst(%dma_wait3A_201 : memref<10240x16xf32, #tpu.memory_space<vmem_shared>>)
      %mul3A_202 = arith.constant 16 : i32
      %mul3A_203 = arith.muli %scan3A_13, %mul3A_202 : i32
      %add3A_204 = arith.constant 3 : i32
      %add3A_205 = arith.addi %mul3A_203, %add3A_204 : i32
      %dma_wait3A_206 = arith.constant 0 : i32
      %dma_wait3A_207 = tpu.memref_slice %arg6[%add3A_205, %dma_wait3A_206] : memref<80x128xi32, #tpu.memory_space<vmem>> -> memref<1x128xi32, #tpu.memory_space<vmem>>
      %dma_wait3A_208 = tpu.memref_squeeze %dma_wait3A_207 : memref<1x128xi32, #tpu.memory_space<vmem>> -> memref<128xi32, #tpu.memory_space<vmem>>
      %dma_wait3A_209 = arith.constant 0 : i32
      %dma_wait3A_210 = arith.constant 0 : i32
      %dma_wait3A_211 = tpu.memref_slice %arg8[%dma_wait3A_209, %dma_wait3A_210] : memref<10240x16xf32, #tpu.memory_space<vmem_shared>> -> memref<10240x16xf32, #tpu.memory_space<vmem_shared>>
      tpu.wait_indirect_dma semaphore(%arg9 : memref<!tpu.dma_semaphore, #tpu.memory_space<semaphore_mem>>) src(%arg7 : memref<128x16xf32, #tpu.memory_space<vmem>>) dst(%dma_wait3A_211 : memref<10240x16xf32, #tpu.memory_space<vmem_shared>>)
      %mul3A_212 = arith.constant 16 : i32
      %mul3A_213 = arith.muli %scan3A_13, %mul3A_212 : i32
      %add3A_214 = arith.constant 4 : i32
      %add3A_215 = arith.addi %mul3A_213, %add3A_214 : i32
      %dma_wait3A_216 = arith.constant 0 : i32
      %dma_wait3A_217 = tpu.memref_slice %arg6[%add3A_215, %dma_wait3A_216] : memref<80x128xi32, #tpu.memory_space<vmem>> -> memref<1x128xi32, #tpu.memory_space<vmem>>
      %dma_wait3A_218 = tpu.memref_squeeze %dma_wait3A_217 : memref<1x128xi32, #tpu.memory_space<vmem>> -> memref<128xi32, #tpu.memory_space<vmem>>
      %dma_wait3A_219 = arith.constant 0 : i32
      %dma_wait3A_220 = arith.constant 0 : i32
      %dma_wait3A_221 = tpu.memref_slice %arg8[%dma_wait3A_219, %dma_wait3A_220] : memref<10240x16xf32, #tpu.memory_space<vmem_shared>> -> memref<10240x16xf32, #tpu.memory_space<vmem_shared>>
      tpu.wait_indirect_dma semaphore(%arg9 : memref<!tpu.dma_semaphore, #tpu.memory_space<semaphore_mem>>) src(%arg7 : memref<128x16xf32, #tpu.memory_space<vmem>>) dst(%dma_wait3A_221 : memref<10240x16xf32, #tpu.memory_space<vmem_shared>>)
      %mul3A_222 = arith.constant 16 : i32
      %mul3A_223 = arith.muli %scan3A_13, %mul3A_222 : i32
      %add3A_224 = arith.constant 5 : i32
      %add3A_225 = arith.addi %mul3A_223, %add3A_224 : i32
      %dma_wait3A_226 = arith.constant 0 : i32
      %dma_wait3A_227 = tpu.memref_slice %arg6[%add3A_225, %dma_wait3A_226] : memref<80x128xi32, #tpu.memory_space<vmem>> -> memref<1x128xi32, #tpu.memory_space<vmem>>
      %dma_wait3A_228 = tpu.memref_squeeze %dma_wait3A_227 : memref<1x128xi32, #tpu.memory_space<vmem>> -> memref<128xi32, #tpu.memory_space<vmem>>
      %dma_wait3A_229 = arith.constant 0 : i32
      %dma_wait3A_230 = arith.constant 0 : i32
      %dma_wait3A_231 = tpu.memref_slice %arg8[%dma_wait3A_229, %dma_wait3A_230] : memref<10240x16xf32, #tpu.memory_space<vmem_shared>> -> memref<10240x16xf32, #tpu.memory_space<vmem_shared>>
      tpu.wait_indirect_dma semaphore(%arg9 : memref<!tpu.dma_semaphore, #tpu.memory_space<semaphore_mem>>) src(%arg7 : memref<128x16xf32, #tpu.memory_space<vmem>>) dst(%dma_wait3A_231 : memref<10240x16xf32, #tpu.memory_space<vmem_shared>>)
      %mul3A_232 = arith.constant 16 : i32
      %mul3A_233 = arith.muli %scan3A_13, %mul3A_232 : i32
      %add3A_234 = arith.constant 6 : i32
      %add3A_235 = arith.addi %mul3A_233, %add3A_234 : i32
      %dma_wait3A_236 = arith.constant 0 : i32
      %dma_wait3A_237 = tpu.memref_slice %arg6[%add3A_235, %dma_wait3A_236] : memref<80x128xi32, #tpu.memory_space<vmem>> -> memref<1x128xi32, #tpu.memory_space<vmem>>
      %dma_wait3A_238 = tpu.memref_squeeze %dma_wait3A_237 : memref<1x128xi32, #tpu.memory_space<vmem>> -> memref<128xi32, #tpu.memory_space<vmem>>
      %dma_wait3A_239 = arith.constant 0 : i32
      %dma_wait3A_240 = arith.constant 0 : i32
      %dma_wait3A_241 = tpu.memref_slice %arg8[%dma_wait3A_239, %dma_wait3A_240] : memref<10240x16xf32, #tpu.memory_space<vmem_shared>> -> memref<10240x16xf32, #tpu.memory_space<vmem_shared>>
      tpu.wait_indirect_dma semaphore(%arg9 : memref<!tpu.dma_semaphore, #tpu.memory_space<semaphore_mem>>) src(%arg7 : memref<128x16xf32, #tpu.memory_space<vmem>>) dst(%dma_wait3A_241 : memref<10240x16xf32, #tpu.memory_space<vmem_shared>>)
      %mul3A_242 = arith.constant 16 : i32
      %mul3A_243 = arith.muli %scan3A_13, %mul3A_242 : i32
      %add3A_244 = arith.constant 7 : i32
      %add3A_245 = arith.addi %mul3A_243, %add3A_244 : i32
      %dma_wait3A_246 = arith.constant 0 : i32
      %dma_wait3A_247 = tpu.memref_slice %arg6[%add3A_245, %dma_wait3A_246] : memref<80x128xi32, #tpu.memory_space<vmem>> -> memref<1x128xi32, #tpu.memory_space<vmem>>
      %dma_wait3A_248 = tpu.memref_squeeze %dma_wait3A_247 : memref<1x128xi32, #tpu.memory_space<vmem>> -> memref<128xi32, #tpu.memory_space<vmem>>
      %dma_wait3A_249 = arith.constant 0 : i32
      %dma_wait3A_250 = arith.constant 0 : i32
      %dma_wait3A_251 = tpu.memref_slice %arg8[%dma_wait3A_249, %dma_wait3A_250] : memref<10240x16xf32, #tpu.memory_space<vmem_shared>> -> memref<10240x16xf32, #tpu.memory_space<vmem_shared>>
      tpu.wait_indirect_dma semaphore(%arg9 : memref<!tpu.dma_semaphore, #tpu.memory_space<semaphore_mem>>) src(%arg7 : memref<128x16xf32, #tpu.memory_space<vmem>>) dst(%dma_wait3A_251 : memref<10240x16xf32, #tpu.memory_space<vmem_shared>>)
      %mul3A_252 = arith.constant 16 : i32
      %mul3A_253 = arith.muli %scan3A_13, %mul3A_252 : i32
      %add3A_254 = arith.constant 8 : i32
      %add3A_255 = arith.addi %mul3A_253, %add3A_254 : i32
      %dma_wait3A_256 = arith.constant 0 : i32
      %dma_wait3A_257 = tpu.memref_slice %arg6[%add3A_255, %dma_wait3A_256] : memref<80x128xi32, #tpu.memory_space<vmem>> -> memref<1x128xi32, #tpu.memory_space<vmem>>
      %dma_wait3A_258 = tpu.memref_squeeze %dma_wait3A_257 : memref<1x128xi32, #tpu.memory_space<vmem>> -> memref<128xi32, #tpu.memory_space<vmem>>
      %dma_wait3A_259 = arith.constant 0 : i32
      %dma_wait3A_260 = arith.constant 0 : i32
      %dma_wait3A_261 = tpu.memref_slice %arg8[%dma_wait3A_259, %dma_wait3A_260] : memref<10240x16xf32, #tpu.memory_space<vmem_shared>> -> memref<10240x16xf32, #tpu.memory_space<vmem_shared>>
      tpu.wait_indirect_dma semaphore(%arg9 : memref<!tpu.dma_semaphore, #tpu.memory_space<semaphore_mem>>) src(%arg7 : memref<128x16xf32, #tpu.memory_space<vmem>>) dst(%dma_wait3A_261 : memref<10240x16xf32, #tpu.memory_space<vmem_shared>>)
      %mul3A_262 = arith.constant 16 : i32
      %mul3A_263 = arith.muli %scan3A_13, %mul3A_262 : i32
      %add3A_264 = arith.constant 9 : i32
      %add3A_265 = arith.addi %mul3A_263, %add3A_264 : i32
      %dma_wait3A_266 = arith.constant 0 : i32
      %dma_wait3A_267 = tpu.memref_slice %arg6[%add3A_265, %dma_wait3A_266] : memref<80x128xi32, #tpu.memory_space<vmem>> -> memref<1x128xi32, #tpu.memory_space<vmem>>
      %dma_wait3A_268 = tpu.memref_squeeze %dma_wait3A_267 : memref<1x128xi32, #tpu.memory_space<vmem>> -> memref<128xi32, #tpu.memory_space<vmem>>
      %dma_wait3A_269 = arith.constant 0 : i32
      %dma_wait3A_270 = arith.constant 0 : i32
      %dma_wait3A_271 = tpu.memref_slice %arg8[%dma_wait3A_269, %dma_wait3A_270] : memref<10240x16xf32, #tpu.memory_space<vmem_shared>> -> memref<10240x16xf32, #tpu.memory_space<vmem_shared>>
      tpu.wait_indirect_dma semaphore(%arg9 : memref<!tpu.dma_semaphore, #tpu.memory_space<semaphore_mem>>) src(%arg7 : memref<128x16xf32, #tpu.memory_space<vmem>>) dst(%dma_wait3A_271 : memref<10240x16xf32, #tpu.memory_space<vmem_shared>>)
      %mul3A_272 = arith.constant 16 : i32
      %mul3A_273 = arith.muli %scan3A_13, %mul3A_272 : i32
      %add3A_274 = arith.constant 10 : i32
      %add3A_275 = arith.addi %mul3A_273, %add3A_274 : i32
      %dma_wait3A_276 = arith.constant 0 : i32
      %dma_wait3A_277 = tpu.memref_slice %arg6[%add3A_275, %dma_wait3A_276] : memref<80x128xi32, #tpu.memory_space<vmem>> -> memref<1x128xi32, #tpu.memory_space<vmem>>
      %dma_wait3A_278 = tpu.memref_squeeze %dma_wait3A_277 : memref<1x128xi32, #tpu.memory_space<vmem>> -> memref<128xi32, #tpu.memory_space<vmem>>
      %dma_wait3A_279 = arith.constant 0 : i32
      %dma_wait3A_280 = arith.constant 0 : i32
      %dma_wait3A_281 = tpu.memref_slice %arg8[%dma_wait3A_279, %dma_wait3A_280] : memref<10240x16xf32, #tpu.memory_space<vmem_shared>> -> memref<10240x16xf32, #tpu.memory_space<vmem_shared>>
      tpu.wait_indirect_dma semaphore(%arg9 : memref<!tpu.dma_semaphore, #tpu.memory_space<semaphore_mem>>) src(%arg7 : memref<128x16xf32, #tpu.memory_space<vmem>>) dst(%dma_wait3A_281 : memref<10240x16xf32, #tpu.memory_space<vmem_shared>>)
      %mul3A_282 = arith.constant 16 : i32
      %mul3A_283 = arith.muli %scan3A_13, %mul3A_282 : i32
      %add3A_284 = arith.constant 11 : i32
      %add3A_285 = arith.addi %mul3A_283, %add3A_284 : i32
      %dma_wait3A_286 = arith.constant 0 : i32
      %dma_wait3A_287 = tpu.memref_slice %arg6[%add3A_285, %dma_wait3A_286] : memref<80x128xi32, #tpu.memory_space<vmem>> -> memref<1x128xi32, #tpu.memory_space<vmem>>
      %dma_wait3A_288 = tpu.memref_squeeze %dma_wait3A_287 : memref<1x128xi32, #tpu.memory_space<vmem>> -> memref<128xi32, #tpu.memory_space<vmem>>
      %dma_wait3A_289 = arith.constant 0 : i32
      %dma_wait3A_290 = arith.constant 0 : i32
      %dma_wait3A_291 = tpu.memref_slice %arg8[%dma_wait3A_289, %dma_wait3A_290] : memref<10240x16xf32, #tpu.memory_space<vmem_shared>> -> memref<10240x16xf32, #tpu.memory_space<vmem_shared>>
      tpu.wait_indirect_dma semaphore(%arg9 : memref<!tpu.dma_semaphore, #tpu.memory_space<semaphore_mem>>) src(%arg7 : memref<128x16xf32, #tpu.memory_space<vmem>>) dst(%dma_wait3A_291 : memref<10240x16xf32, #tpu.memory_space<vmem_shared>>)
      %mul3A_292 = arith.constant 16 : i32
      %mul3A_293 = arith.muli %scan3A_13, %mul3A_292 : i32
      %add3A_294 = arith.constant 12 : i32
      %add3A_295 = arith.addi %mul3A_293, %add3A_294 : i32
      %dma_wait3A_296 = arith.constant 0 : i32
      %dma_wait3A_297 = tpu.memref_slice %arg6[%add3A_295, %dma_wait3A_296] : memref<80x128xi32, #tpu.memory_space<vmem>> -> memref<1x128xi32, #tpu.memory_space<vmem>>
      %dma_wait3A_298 = tpu.memref_squeeze %dma_wait3A_297 : memref<1x128xi32, #tpu.memory_space<vmem>> -> memref<128xi32, #tpu.memory_space<vmem>>
      %dma_wait3A_299 = arith.constant 0 : i32
      %dma_wait3A_300 = arith.constant 0 : i32
      %dma_wait3A_301 = tpu.memref_slice %arg8[%dma_wait3A_299, %dma_wait3A_300] : memref<10240x16xf32, #tpu.memory_space<vmem_shared>> -> memref<10240x16xf32, #tpu.memory_space<vmem_shared>>
      tpu.wait_indirect_dma semaphore(%arg9 : memref<!tpu.dma_semaphore, #tpu.memory_space<semaphore_mem>>) src(%arg7 : memref<128x16xf32, #tpu.memory_space<vmem>>) dst(%dma_wait3A_301 : memref<10240x16xf32, #tpu.memory_space<vmem_shared>>)
      %mul3A_302 = arith.constant 16 : i32
      %mul3A_303 = arith.muli %scan3A_13, %mul3A_302 : i32
      %add3A_304 = arith.constant 13 : i32
      %add3A_305 = arith.addi %mul3A_303, %add3A_304 : i32
      %dma_wait3A_306 = arith.constant 0 : i32
      %dma_wait3A_307 = tpu.memref_slice %arg6[%add3A_305, %dma_wait3A_306] : memref<80x128xi32, #tpu.memory_space<vmem>> -> memref<1x128xi32, #tpu.memory_space<vmem>>
      %dma_wait3A_308 = tpu.memref_squeeze %dma_wait3A_307 : memref<1x128xi32, #tpu.memory_space<vmem>> -> memref<128xi32, #tpu.memory_space<vmem>>
      %dma_wait3A_309 = arith.constant 0 : i32
      %dma_wait3A_310 = arith.constant 0 : i32
      %dma_wait3A_311 = tpu.memref_slice %arg8[%dma_wait3A_309, %dma_wait3A_310] : memref<10240x16xf32, #tpu.memory_space<vmem_shared>> -> memref<10240x16xf32, #tpu.memory_space<vmem_shared>>
      tpu.wait_indirect_dma semaphore(%arg9 : memref<!tpu.dma_semaphore, #tpu.memory_space<semaphore_mem>>) src(%arg7 : memref<128x16xf32, #tpu.memory_space<vmem>>) dst(%dma_wait3A_311 : memref<10240x16xf32, #tpu.memory_space<vmem_shared>>)
      %mul3A_312 = arith.constant 16 : i32
      %mul3A_313 = arith.muli %scan3A_13, %mul3A_312 : i32
      %add3A_314 = arith.constant 14 : i32
      %add3A_315 = arith.addi %mul3A_313, %add3A_314 : i32
      %dma_wait3A_316 = arith.constant 0 : i32
      %dma_wait3A_317 = tpu.memref_slice %arg6[%add3A_315, %dma_wait3A_316] : memref<80x128xi32, #tpu.memory_space<vmem>> -> memref<1x128xi32, #tpu.memory_space<vmem>>
      %dma_wait3A_318 = tpu.memref_squeeze %dma_wait3A_317 : memref<1x128xi32, #tpu.memory_space<vmem>> -> memref<128xi32, #tpu.memory_space<vmem>>
      %dma_wait3A_319 = arith.constant 0 : i32
      %dma_wait3A_320 = arith.constant 0 : i32
      %dma_wait3A_321 = tpu.memref_slice %arg8[%dma_wait3A_319, %dma_wait3A_320] : memref<10240x16xf32, #tpu.memory_space<vmem_shared>> -> memref<10240x16xf32, #tpu.memory_space<vmem_shared>>
      tpu.wait_indirect_dma semaphore(%arg9 : memref<!tpu.dma_semaphore, #tpu.memory_space<semaphore_mem>>) src(%arg7 : memref<128x16xf32, #tpu.memory_space<vmem>>) dst(%dma_wait3A_321 : memref<10240x16xf32, #tpu.memory_space<vmem_shared>>)
      %mul3A_322 = arith.constant 16 : i32
      %mul3A_323 = arith.muli %scan3A_13, %mul3A_322 : i32
      %add3A_324 = arith.constant 15 : i32
      %add3A_325 = arith.addi %mul3A_323, %add3A_324 : i32
      %dma_wait3A_326 = arith.constant 0 : i32
      %dma_wait3A_327 = tpu.memref_slice %arg6[%add3A_325, %dma_wait3A_326] : memref<80x128xi32, #tpu.memory_space<vmem>> -> memref<1x128xi32, #tpu.memory_space<vmem>>
      %dma_wait3A_328 = tpu.memref_squeeze %dma_wait3A_327 : memref<1x128xi32, #tpu.memory_space<vmem>> -> memref<128xi32, #tpu.memory_space<vmem>>
      %dma_wait3A_329 = arith.constant 0 : i32
      %dma_wait3A_330 = arith.constant 0 : i32
      %dma_wait3A_331 = tpu.memref_slice %arg8[%dma_wait3A_329, %dma_wait3A_330] : memref<10240x16xf32, #tpu.memory_space<vmem_shared>> -> memref<10240x16xf32, #tpu.memory_space<vmem_shared>>
      tpu.wait_indirect_dma semaphore(%arg9 : memref<!tpu.dma_semaphore, #tpu.memory_space<semaphore_mem>>) src(%arg7 : memref<128x16xf32, #tpu.memory_space<vmem>>) dst(%dma_wait3A_331 : memref<10240x16xf32, #tpu.memory_space<vmem_shared>>)
    }
    %scan3A_11 = arith.constant 5 : i32
    %barrier3A_12 = arith.constant 0 : index
    tpu.barrier barrier_id(%barrier3A_12)
    "tpu.region"() ({
      %run_scoped3A_13 = tpu.sem_alloc : memref<!tpu.dma_semaphore, #tpu.memory_space<semaphore_mem>>
      %dma_start3A = arith.constant 0 : i32
      %dma_start3A_14 = tpu.memref_slice %arg5[%arg0, %mul3A_2, %dma_start3A] : memref<2x10000x16xf32, #tpu.memory_space<hbm>> -> memref<1x625x16xf32, #tpu.memory_space<hbm>>
      %dma_start3A_15 = tpu.memref_squeeze %dma_start3A_14 : memref<1x625x16xf32, #tpu.memory_space<hbm>> -> memref<625x16xf32, #tpu.memory_space<hbm>>
      %dma_start3A_16 = arith.constant 0 : i32
      %dma_start3A_17 = tpu.memref_slice %arg8[%mul3A_2, %dma_start3A_16] : memref<10240x16xf32, #tpu.memory_space<vmem_shared>> -> memref<625x16xf32, #tpu.memory_space<vmem_shared>>
      tpu.enqueue_dma source(%dma_start3A_17 : memref<625x16xf32, #tpu.memory_space<vmem_shared>>) target(%dma_start3A_15 : memref<625x16xf32, #tpu.memory_space<hbm>>) target_semaphore(%run_scoped3A_13 : memref<!tpu.dma_semaphore, #tpu.memory_space<semaphore_mem>>)
      %dma_wait3A = arith.constant 0 : i32
      %dma_wait3A_18 = tpu.memref_slice %arg5[%arg0, %mul3A_2, %dma_wait3A] : memref<2x10000x16xf32, #tpu.memory_space<hbm>> -> memref<1x625x16xf32, #tpu.memory_space<hbm>>
      %dma_wait3A_19 = tpu.memref_squeeze %dma_wait3A_18 : memref<1x625x16xf32, #tpu.memory_space<hbm>> -> memref<625x16xf32, #tpu.memory_space<hbm>>
      %dma_wait3A_20 = arith.constant 0 : i32
      %dma_wait3A_21 = tpu.memref_slice %arg8[%mul3A_2, %dma_wait3A_20] : memref<10240x16xf32, #tpu.memory_space<vmem_shared>> -> memref<625x16xf32, #tpu.memory_space<vmem_shared>>
      tpu.wait_dma2 semaphore(%run_scoped3A_13 : memref<!tpu.dma_semaphore, #tpu.memory_space<semaphore_mem>>) src(%dma_wait3A_21 : memref<625x16xf32, #tpu.memory_space<vmem_shared>>) dst(%dma_wait3A_19 : memref<625x16xf32, #tpu.memory_space<hbm>>)
      tpu.yield
    }) : () -> ()
    return
  }
}

#map = affine_map<(d0, d1) -> (0, 0)>
#map1 = affine_map<(d0, d1) -> (0, 0, 0)>
module attributes {stable_mosaic.version = 14 : i64} {
  func.func @_scatter(%arg0: i32, %arg1: i32, %arg2: memref<10000x128xf32, #tpu.memory_space<hbm>>, %arg3: memref<2x2560x128xi32, #tpu.memory_space<hbm>>, %arg4: memref<2x10000x128xf32, #tpu.memory_space<hbm>>, %arg5: memref<2x2x128xi32, #tpu.memory_space<vmem>>, %arg6: memref<2x128xi32, #tpu.memory_space<vmem>>, %arg7: memref<2x128x128xf32, #tpu.memory_space<vmem>>, %arg8: memref<10240x128xf32, #tpu.memory_space<vmem_shared>>, %arg9: memref<!tpu.dma_semaphore, #tpu.memory_space<semaphore_mem>>, %arg10: memref<!tpu.dma_semaphore, #tpu.memory_space<semaphore_mem>>) attributes {dimension_semantics = [#tpu.dimension_semantics<core_parallel>, #tpu.dimension_semantics<subcore_parallel>], iteration_bounds = array<i64: 2, 16>, scalar_prefetch = 0 : i64, scratch_operands = 6 : i64, tpu.core_type = #tpu.core_type<sc_vector_subcore>, window_params = [{transform_indices = #map}, {transform_indices = #map1}, {transform_indices = #map1}]} {
    %mul3A = arith.constant 16 : i32
    %mul3A_0 = arith.muli %arg0, %mul3A : i32
    %add3A = arith.addi %mul3A_0, %arg1 : i32
    %mul3A_1 = arith.constant 625 : i32
    %mul3A_2 = arith.muli %arg1, %mul3A_1 : i32
    %mul3A_3 = arith.constant 80 : i32
    %mul3A_4 = arith.muli %add3A, %mul3A_3 : i32
    "tpu.region"() ({
      %run_scoped3A_37 = tpu.sem_alloc : memref<!tpu.dma_semaphore, #tpu.memory_space<semaphore_mem>>
      %dma_start3A_38 = arith.constant 0 : i32
      %dma_start3A_39 = tpu.memref_slice %arg8[%mul3A_2, %dma_start3A_38] : memref<10240x128xf32, #tpu.memory_space<vmem_shared>> -> memref<625x128xf32, #tpu.memory_space<vmem_shared>>
      %dma_start3A_40 = arith.constant 0 : i32
      %dma_start3A_41 = tpu.memref_slice %arg2[%mul3A_2, %dma_start3A_40] : memref<10000x128xf32, #tpu.memory_space<hbm>> -> memref<625x128xf32, #tpu.memory_space<hbm>>
      tpu.enqueue_dma source(%dma_start3A_41 : memref<625x128xf32, #tpu.memory_space<hbm>>) target(%dma_start3A_39 : memref<625x128xf32, #tpu.memory_space<vmem_shared>>) target_semaphore(%run_scoped3A_37 : memref<!tpu.dma_semaphore, #tpu.memory_space<semaphore_mem>>)
      %dma_wait3A = arith.constant 0 : i32
      %dma_wait3A_42 = tpu.memref_slice %arg8[%mul3A_2, %dma_wait3A] : memref<10240x128xf32, #tpu.memory_space<vmem_shared>> -> memref<625x128xf32, #tpu.memory_space<vmem_shared>>
      %dma_wait3A_43 = arith.constant 0 : i32
      %dma_wait3A_44 = tpu.memref_slice %arg2[%mul3A_2, %dma_wait3A_43] : memref<10000x128xf32, #tpu.memory_space<hbm>> -> memref<625x128xf32, #tpu.memory_space<hbm>>
      tpu.wait_dma2 semaphore(%run_scoped3A_37 : memref<!tpu.dma_semaphore, #tpu.memory_space<semaphore_mem>>) src(%dma_wait3A_44 : memref<625x128xf32, #tpu.memory_space<hbm>>) dst(%dma_wait3A_42 : memref<625x128xf32, #tpu.memory_space<vmem_shared>>)
      tpu.yield
    }) : () -> ()
    %run_scoped3A = arith.constant 0 : i32
    %run_scoped3A_5 = arith.constant 0 : i32
    "tpu.region"() ({
      %run_scoped3A_37 = tpu.sem_alloc : memref<!tpu.dma_semaphore, #tpu.memory_space<semaphore_mem>>
      %dma_start3A_38 = arith.constant 0 : i32
      %dma_start3A_39 = arith.constant 0 : i32
      %dma_start3A_40 = tpu.memref_slice %arg5[%run_scoped3A_5, %dma_start3A_38, %dma_start3A_39] : memref<2x2x128xi32, #tpu.memory_space<vmem>> -> memref<1x2x128xi32, #tpu.memory_space<vmem>>
      %dma_start3A_41 = tpu.memref_squeeze %dma_start3A_40 : memref<1x2x128xi32, #tpu.memory_space<vmem>> -> memref<2x128xi32, #tpu.memory_space<vmem>>
      %dma_start3A_42 = arith.constant 0 : i32
      %dma_start3A_43 = tpu.memref_slice %arg3[%run_scoped3A, %mul3A_4, %dma_start3A_42] : memref<2x2560x128xi32, #tpu.memory_space<hbm>> -> memref<1x2x128xi32, #tpu.memory_space<hbm>>
      %dma_start3A_44 = tpu.memref_squeeze %dma_start3A_43 : memref<1x2x128xi32, #tpu.memory_space<hbm>> -> memref<2x128xi32, #tpu.memory_space<hbm>>
      %dma_start3A_45 = arith.constant 0 : i32
      %dma_start3A_46 = arith.constant 0 : i32
      %dma_start3A_47 = tpu.memref_slice %arg5[%run_scoped3A_5, %dma_start3A_45, %dma_start3A_46] : memref<2x2x128xi32, #tpu.memory_space<vmem>> -> memref<1x2x128xi32, #tpu.memory_space<vmem>>
      %dma_start3A_48 = tpu.memref_squeeze %dma_start3A_47 : memref<1x2x128xi32, #tpu.memory_space<vmem>> -> memref<2x128xi32, #tpu.memory_space<vmem>>
      %dma_start3A_49 = arith.constant 0 : i32
      %dma_start3A_50 = tpu.memref_slice %arg3[%run_scoped3A, %mul3A_4, %dma_start3A_49] : memref<2x2560x128xi32, #tpu.memory_space<hbm>> -> memref<1x2x128xi32, #tpu.memory_space<hbm>>
      %dma_start3A_51 = tpu.memref_squeeze %dma_start3A_50 : memref<1x2x128xi32, #tpu.memory_space<hbm>> -> memref<2x128xi32, #tpu.memory_space<hbm>>
      tpu.enqueue_dma source(%dma_start3A_51 : memref<2x128xi32, #tpu.memory_space<hbm>>) target(%dma_start3A_48 : memref<2x128xi32, #tpu.memory_space<vmem>>) target_semaphore(%run_scoped3A_37 : memref<!tpu.dma_semaphore, #tpu.memory_space<semaphore_mem>>)
      %dma_wait3A = arith.constant 0 : i32
      %dma_wait3A_52 = arith.constant 0 : i32
      %dma_wait3A_53 = tpu.memref_slice %arg5[%run_scoped3A_5, %dma_wait3A, %dma_wait3A_52] : memref<2x2x128xi32, #tpu.memory_space<vmem>> -> memref<1x2x128xi32, #tpu.memory_space<vmem>>
      %dma_wait3A_54 = tpu.memref_squeeze %dma_wait3A_53 : memref<1x2x128xi32, #tpu.memory_space<vmem>> -> memref<2x128xi32, #tpu.memory_space<vmem>>
      %dma_wait3A_55 = arith.constant 0 : i32
      %dma_wait3A_56 = tpu.memref_slice %arg3[%run_scoped3A, %mul3A_4, %dma_wait3A_55] : memref<2x2560x128xi32, #tpu.memory_space<hbm>> -> memref<1x2x128xi32, #tpu.memory_space<hbm>>
      %dma_wait3A_57 = tpu.memref_squeeze %dma_wait3A_56 : memref<1x2x128xi32, #tpu.memory_space<hbm>> -> memref<2x128xi32, #tpu.memory_space<hbm>>
      %dma_wait3A_58 = arith.constant 0 : i32
      %dma_wait3A_59 = arith.constant 0 : i32
      %dma_wait3A_60 = tpu.memref_slice %arg5[%run_scoped3A_5, %dma_wait3A_58, %dma_wait3A_59] : memref<2x2x128xi32, #tpu.memory_space<vmem>> -> memref<1x2x128xi32, #tpu.memory_space<vmem>>
      %dma_wait3A_61 = tpu.memref_squeeze %dma_wait3A_60 : memref<1x2x128xi32, #tpu.memory_space<vmem>> -> memref<2x128xi32, #tpu.memory_space<vmem>>
      %dma_wait3A_62 = arith.constant 0 : i32
      %dma_wait3A_63 = tpu.memref_slice %arg3[%run_scoped3A, %mul3A_4, %dma_wait3A_62] : memref<2x2560x128xi32, #tpu.memory_space<hbm>> -> memref<1x2x128xi32, #tpu.memory_space<hbm>>
      %dma_wait3A_64 = tpu.memref_squeeze %dma_wait3A_63 : memref<1x2x128xi32, #tpu.memory_space<hbm>> -> memref<2x128xi32, #tpu.memory_space<hbm>>
      tpu.wait_dma2 semaphore(%run_scoped3A_37 : memref<!tpu.dma_semaphore, #tpu.memory_space<semaphore_mem>>) src(%dma_wait3A_64 : memref<2x128xi32, #tpu.memory_space<hbm>>) dst(%dma_wait3A_61 : memref<2x128xi32, #tpu.memory_space<vmem>>)
      tpu.yield
    }) : () -> ()
    %barrier3A = arith.constant 0 : index
    tpu.barrier barrier_id(%barrier3A)
    %dma_start3A = arith.constant 0 : i32
    %dma_start3A_6 = arith.constant 0 : i32
    %dma_start3A_7 = arith.constant 0 : i32
    %dma_start3A_8 = arith.constant 0 : i32
    %dma_start3A_9 = arith.constant 0 : i32
    %dma_start3A_10 = tpu.memref_slice %arg7[%dma_start3A_7, %dma_start3A_8, %dma_start3A_9] : memref<2x128x128xf32, #tpu.memory_space<vmem>> -> memref<1x128x128xf32, #tpu.memory_space<vmem>>
    %dma_start3A_11 = tpu.memref_squeeze %dma_start3A_10 : memref<1x128x128xf32, #tpu.memory_space<vmem>> -> memref<128x128xf32, #tpu.memory_space<vmem>>
    %dma_start3A_12 = arith.constant 0 : i32
    %dma_start3A_13 = tpu.memref_slice %arg5[%dma_start3A, %dma_start3A_6, %dma_start3A_12] : memref<2x2x128xi32, #tpu.memory_space<vmem>> -> memref<1x1x128xi32, #tpu.memory_space<vmem>>
    %dma_start3A_14 = tpu.memref_squeeze %dma_start3A_13 : memref<1x1x128xi32, #tpu.memory_space<vmem>> -> memref<128xi32, #tpu.memory_space<vmem>>
    %dma_start3A_15 = arith.constant 0 : i32
    %dma_start3A_16 = arith.constant 0 : i32
    %dma_start3A_17 = tpu.memref_slice %arg2[%dma_start3A_15, %dma_start3A_16] : memref<10000x128xf32, #tpu.memory_space<hbm>> -> memref<10000x128xf32, #tpu.memory_space<hbm>>
    tpu.enqueue_indirect_dma source(%dma_start3A_17 : memref<10000x128xf32, #tpu.memory_space<hbm>>) target(%dma_start3A_11 : memref<128x128xf32, #tpu.memory_space<vmem>>) offsets(%dma_start3A_14 : memref<128xi32, #tpu.memory_space<vmem>>) semaphore(%arg9 : memref<!tpu.dma_semaphore, #tpu.memory_space<semaphore_mem>>)
    %dma_start3A_18 = arith.constant 0 : i32
    %dma_start3A_19 = arith.constant 1 : i32
    %dma_start3A_20 = arith.constant 1 : i32
    %dma_start3A_21 = arith.constant 0 : i32
    %dma_start3A_22 = arith.constant 0 : i32
    %dma_start3A_23 = tpu.memref_slice %arg7[%dma_start3A_20, %dma_start3A_21, %dma_start3A_22] : memref<2x128x128xf32, #tpu.memory_space<vmem>> -> memref<1x128x128xf32, #tpu.memory_space<vmem>>
    %dma_start3A_24 = tpu.memref_squeeze %dma_start3A_23 : memref<1x128x128xf32, #tpu.memory_space<vmem>> -> memref<128x128xf32, #tpu.memory_space<vmem>>
    %dma_start3A_25 = arith.constant 0 : i32
    %dma_start3A_26 = tpu.memref_slice %arg5[%dma_start3A_18, %dma_start3A_19, %dma_start3A_25] : memref<2x2x128xi32, #tpu.memory_space<vmem>> -> memref<1x1x128xi32, #tpu.memory_space<vmem>>
    %dma_start3A_27 = tpu.memref_squeeze %dma_start3A_26 : memref<1x1x128xi32, #tpu.memory_space<vmem>> -> memref<128xi32, #tpu.memory_space<vmem>>
    %dma_start3A_28 = arith.constant 0 : i32
    %dma_start3A_29 = arith.constant 0 : i32
    %dma_start3A_30 = tpu.memref_slice %arg2[%dma_start3A_28, %dma_start3A_29] : memref<10000x128xf32, #tpu.memory_space<hbm>> -> memref<10000x128xf32, #tpu.memory_space<hbm>>
    tpu.enqueue_indirect_dma source(%dma_start3A_30 : memref<10000x128xf32, #tpu.memory_space<hbm>>) target(%dma_start3A_24 : memref<128x128xf32, #tpu.memory_space<vmem>>) offsets(%dma_start3A_27 : memref<128xi32, #tpu.memory_space<vmem>>) semaphore(%arg10 : memref<!tpu.dma_semaphore, #tpu.memory_space<semaphore_mem>>)
    %scan3A = arith.constant 0 : i32
    %scan3A_31 = arith.constant 0 : i32
    %scan3A_32 = arith.constant 40 : i32
    %scan3A_33 = arith.addi %scan3A_31, %scan3A_32 : i32
    %scan3A_34 = arith.constant 1 : i32
    scf.for %scan3A_37 = %scan3A_31 to %scan3A_33 step %scan3A_34  : i32 {
      %rem3A = arith.constant 2 : i32
      %rem3A_38 = arith.remsi %scan3A_37, %rem3A : i32
      %sub3A = arith.constant 1 : i32
      %sub3A_39 = arith.subi %sub3A, %rem3A_38 : i32
      %lt3A = arith.constant 39 : i32
      %lt3A_40 = arith.cmpi slt, %scan3A_37, %lt3A : i32
      %convert_element_type3A = arith.extui %lt3A_40 : i1 to i32
      %cond3A = arith.constant 0 : i32
      %cond3A_41 = arith.cmpi ne, %convert_element_type3A, %cond3A : i32
      scf.if %cond3A_41 {
        %add3A_83 = arith.constant 1 : i32
        %add3A_84 = arith.addi %scan3A_37, %add3A_83 : i32
        %mul3A_85 = arith.constant 2 : i32
        %mul3A_86 = arith.muli %add3A_84, %mul3A_85 : i32
        %add3A_87 = arith.addi %mul3A_4, %mul3A_86 : i32
        %run_scoped3A_88 = arith.constant 0 : i32
        "tpu.region"() ({
          %run_scoped3A_89 = tpu.sem_alloc : memref<!tpu.dma_semaphore, #tpu.memory_space<semaphore_mem>>
          %dma_start3A_90 = arith.constant 0 : i32
          %dma_start3A_91 = arith.constant 0 : i32
          %dma_start3A_92 = tpu.memref_slice %arg5[%sub3A_39, %dma_start3A_90, %dma_start3A_91] : memref<2x2x128xi32, #tpu.memory_space<vmem>> -> memref<1x2x128xi32, #tpu.memory_space<vmem>>
          %dma_start3A_93 = tpu.memref_squeeze %dma_start3A_92 : memref<1x2x128xi32, #tpu.memory_space<vmem>> -> memref<2x128xi32, #tpu.memory_space<vmem>>
          %dma_start3A_94 = arith.constant 0 : i32
          %dma_start3A_95 = tpu.memref_slice %arg3[%run_scoped3A_88, %add3A_87, %dma_start3A_94] : memref<2x2560x128xi32, #tpu.memory_space<hbm>> -> memref<1x2x128xi32, #tpu.memory_space<hbm>>
          %dma_start3A_96 = tpu.memref_squeeze %dma_start3A_95 : memref<1x2x128xi32, #tpu.memory_space<hbm>> -> memref<2x128xi32, #tpu.memory_space<hbm>>
          %dma_start3A_97 = arith.constant 0 : i32
          %dma_start3A_98 = arith.constant 0 : i32
          %dma_start3A_99 = tpu.memref_slice %arg5[%sub3A_39, %dma_start3A_97, %dma_start3A_98] : memref<2x2x128xi32, #tpu.memory_space<vmem>> -> memref<1x2x128xi32, #tpu.memory_space<vmem>>
          %dma_start3A_100 = tpu.memref_squeeze %dma_start3A_99 : memref<1x2x128xi32, #tpu.memory_space<vmem>> -> memref<2x128xi32, #tpu.memory_space<vmem>>
          %dma_start3A_101 = arith.constant 0 : i32
          %dma_start3A_102 = tpu.memref_slice %arg3[%run_scoped3A_88, %add3A_87, %dma_start3A_101] : memref<2x2560x128xi32, #tpu.memory_space<hbm>> -> memref<1x2x128xi32, #tpu.memory_space<hbm>>
          %dma_start3A_103 = tpu.memref_squeeze %dma_start3A_102 : memref<1x2x128xi32, #tpu.memory_space<hbm>> -> memref<2x128xi32, #tpu.memory_space<hbm>>
          tpu.enqueue_dma source(%dma_start3A_103 : memref<2x128xi32, #tpu.memory_space<hbm>>) target(%dma_start3A_100 : memref<2x128xi32, #tpu.memory_space<vmem>>) target_semaphore(%run_scoped3A_89 : memref<!tpu.dma_semaphore, #tpu.memory_space<semaphore_mem>>)
          %dma_wait3A_104 = arith.constant 0 : i32
          %dma_wait3A_105 = arith.constant 0 : i32
          %dma_wait3A_106 = tpu.memref_slice %arg5[%sub3A_39, %dma_wait3A_104, %dma_wait3A_105] : memref<2x2x128xi32, #tpu.memory_space<vmem>> -> memref<1x2x128xi32, #tpu.memory_space<vmem>>
          %dma_wait3A_107 = tpu.memref_squeeze %dma_wait3A_106 : memref<1x2x128xi32, #tpu.memory_space<vmem>> -> memref<2x128xi32, #tpu.memory_space<vmem>>
          %dma_wait3A_108 = arith.constant 0 : i32
          %dma_wait3A_109 = tpu.memref_slice %arg3[%run_scoped3A_88, %add3A_87, %dma_wait3A_108] : memref<2x2560x128xi32, #tpu.memory_space<hbm>> -> memref<1x2x128xi32, #tpu.memory_space<hbm>>
          %dma_wait3A_110 = tpu.memref_squeeze %dma_wait3A_109 : memref<1x2x128xi32, #tpu.memory_space<hbm>> -> memref<2x128xi32, #tpu.memory_space<hbm>>
          %dma_wait3A_111 = arith.constant 0 : i32
          %dma_wait3A_112 = arith.constant 0 : i32
          %dma_wait3A_113 = tpu.memref_slice %arg5[%sub3A_39, %dma_wait3A_111, %dma_wait3A_112] : memref<2x2x128xi32, #tpu.memory_space<vmem>> -> memref<1x2x128xi32, #tpu.memory_space<vmem>>
          %dma_wait3A_114 = tpu.memref_squeeze %dma_wait3A_113 : memref<1x2x128xi32, #tpu.memory_space<vmem>> -> memref<2x128xi32, #tpu.memory_space<vmem>>
          %dma_wait3A_115 = arith.constant 0 : i32
          %dma_wait3A_116 = tpu.memref_slice %arg3[%run_scoped3A_88, %add3A_87, %dma_wait3A_115] : memref<2x2560x128xi32, #tpu.memory_space<hbm>> -> memref<1x2x128xi32, #tpu.memory_space<hbm>>
          %dma_wait3A_117 = tpu.memref_squeeze %dma_wait3A_116 : memref<1x2x128xi32, #tpu.memory_space<hbm>> -> memref<2x128xi32, #tpu.memory_space<hbm>>
          tpu.wait_dma2 semaphore(%run_scoped3A_89 : memref<!tpu.dma_semaphore, #tpu.memory_space<semaphore_mem>>) src(%dma_wait3A_117 : memref<2x128xi32, #tpu.memory_space<hbm>>) dst(%dma_wait3A_114 : memref<2x128xi32, #tpu.memory_space<vmem>>)
          tpu.yield
        }) : () -> ()
      } else {
      }
      %mul3A_42 = arith.constant 2 : i32
      %mul3A_43 = arith.muli %scan3A_37, %mul3A_42 : i32
      %add3A_44 = arith.addi %mul3A_4, %mul3A_43 : i32
      %run_scoped3A_45 = arith.constant 1 : i32
      "tpu.region"() ({
        %run_scoped3A_83 = tpu.sem_alloc : memref<!tpu.dma_semaphore, #tpu.memory_space<semaphore_mem>>
        %dma_start3A_84 = arith.constant 0 : i32
        %dma_start3A_85 = tpu.memref_slice %arg3[%run_scoped3A_45, %add3A_44, %dma_start3A_84] : memref<2x2560x128xi32, #tpu.memory_space<hbm>> -> memref<1x2x128xi32, #tpu.memory_space<hbm>>
        %dma_start3A_86 = tpu.memref_squeeze %dma_start3A_85 : memref<1x2x128xi32, #tpu.memory_space<hbm>> -> memref<2x128xi32, #tpu.memory_space<hbm>>
        %dma_start3A_87 = arith.constant 0 : i32
        %dma_start3A_88 = tpu.memref_slice %arg3[%run_scoped3A_45, %add3A_44, %dma_start3A_87] : memref<2x2560x128xi32, #tpu.memory_space<hbm>> -> memref<1x2x128xi32, #tpu.memory_space<hbm>>
        %dma_start3A_89 = tpu.memref_squeeze %dma_start3A_88 : memref<1x2x128xi32, #tpu.memory_space<hbm>> -> memref<2x128xi32, #tpu.memory_space<hbm>>
        tpu.enqueue_dma source(%dma_start3A_89 : memref<2x128xi32, #tpu.memory_space<hbm>>) target(%arg6 : memref<2x128xi32, #tpu.memory_space<vmem>>) target_semaphore(%run_scoped3A_83 : memref<!tpu.dma_semaphore, #tpu.memory_space<semaphore_mem>>)
        %dma_wait3A_90 = arith.constant 0 : i32
        %dma_wait3A_91 = tpu.memref_slice %arg3[%run_scoped3A_45, %add3A_44, %dma_wait3A_90] : memref<2x2560x128xi32, #tpu.memory_space<hbm>> -> memref<1x2x128xi32, #tpu.memory_space<hbm>>
        %dma_wait3A_92 = tpu.memref_squeeze %dma_wait3A_91 : memref<1x2x128xi32, #tpu.memory_space<hbm>> -> memref<2x128xi32, #tpu.memory_space<hbm>>
        %dma_wait3A_93 = arith.constant 0 : i32
        %dma_wait3A_94 = tpu.memref_slice %arg3[%run_scoped3A_45, %add3A_44, %dma_wait3A_93] : memref<2x2560x128xi32, #tpu.memory_space<hbm>> -> memref<1x2x128xi32, #tpu.memory_space<hbm>>
        %dma_wait3A_95 = tpu.memref_squeeze %dma_wait3A_94 : memref<1x2x128xi32, #tpu.memory_space<hbm>> -> memref<2x128xi32, #tpu.memory_space<hbm>>
        tpu.wait_dma2 semaphore(%run_scoped3A_83 : memref<!tpu.dma_semaphore, #tpu.memory_space<semaphore_mem>>) src(%dma_wait3A_95 : memref<2x128xi32, #tpu.memory_space<hbm>>) dst(%arg6 : memref<2x128xi32, #tpu.memory_space<vmem>>)
        tpu.yield
      }) : () -> ()
      %dma_wait3A = arith.constant 0 : i32
      %dma_wait3A_46 = arith.constant 0 : i32
      %dma_wait3A_47 = arith.constant 0 : i32
      %dma_wait3A_48 = arith.constant 0 : i32
      %dma_wait3A_49 = tpu.memref_slice %arg7[%dma_wait3A_46, %dma_wait3A_47, %dma_wait3A_48] : memref<2x128x128xf32, #tpu.memory_space<vmem>> -> memref<1x128x128xf32, #tpu.memory_space<vmem>>
      %dma_wait3A_50 = tpu.memref_squeeze %dma_wait3A_49 : memref<1x128x128xf32, #tpu.memory_space<vmem>> -> memref<128x128xf32, #tpu.memory_space<vmem>>
      %dma_wait3A_51 = arith.constant 0 : i32
      %dma_wait3A_52 = tpu.memref_slice %arg5[%rem3A_38, %dma_wait3A, %dma_wait3A_51] : memref<2x2x128xi32, #tpu.memory_space<vmem>> -> memref<1x1x128xi32, #tpu.memory_space<vmem>>
      %dma_wait3A_53 = tpu.memref_squeeze %dma_wait3A_52 : memref<1x1x128xi32, #tpu.memory_space<vmem>> -> memref<128xi32, #tpu.memory_space<vmem>>
      %dma_wait3A_54 = arith.constant 0 : i32
      %dma_wait3A_55 = arith.constant 0 : i32
      %dma_wait3A_56 = tpu.memref_slice %arg2[%dma_wait3A_54, %dma_wait3A_55] : memref<10000x128xf32, #tpu.memory_space<hbm>> -> memref<10000x128xf32, #tpu.memory_space<hbm>>
      tpu.wait_indirect_dma semaphore(%arg9 : memref<!tpu.dma_semaphore, #tpu.memory_space<semaphore_mem>>) src(%dma_wait3A_56 : memref<10000x128xf32, #tpu.memory_space<hbm>>) dst(%dma_wait3A_50 : memref<128x128xf32, #tpu.memory_space<vmem>>)
      %run_scoped3A_57 = arith.constant 0 : i32
      %run_scoped3A_58 = arith.constant 0 : i32
      "tpu.region"() ({
        %run_scoped3A_83 = tpu.sem_alloc : memref<!tpu.dma_semaphore, #tpu.memory_space<semaphore_mem>>
        %dma_start3A_84 = arith.constant 0 : i32
        %dma_start3A_85 = arith.constant 0 : i32
        %dma_start3A_86 = tpu.memref_slice %arg7[%run_scoped3A_57, %dma_start3A_84, %dma_start3A_85] : memref<2x128x128xf32, #tpu.memory_space<vmem>> -> memref<1x128x128xf32, #tpu.memory_space<vmem>>
        %dma_start3A_87 = tpu.memref_squeeze %dma_start3A_86 : memref<1x128x128xf32, #tpu.memory_space<vmem>> -> memref<128x128xf32, #tpu.memory_space<vmem>>
        %dma_start3A_88 = arith.constant 0 : i32
        %dma_start3A_89 = tpu.memref_slice %arg6[%run_scoped3A_58, %dma_start3A_88] : memref<2x128xi32, #tpu.memory_space<vmem>> -> memref<1x128xi32, #tpu.memory_space<vmem>>
        %dma_start3A_90 = tpu.memref_squeeze %dma_start3A_89 : memref<1x128xi32, #tpu.memory_space<vmem>> -> memref<128xi32, #tpu.memory_space<vmem>>
        %dma_start3A_91 = arith.constant 0 : i32
        %dma_start3A_92 = arith.constant 0 : i32
        %dma_start3A_93 = tpu.memref_slice %arg8[%dma_start3A_91, %dma_start3A_92] : memref<10240x128xf32, #tpu.memory_space<vmem_shared>> -> memref<10240x128xf32, #tpu.memory_space<vmem_shared>>
        tpu.enqueue_indirect_dma source(%dma_start3A_87 : memref<128x128xf32, #tpu.memory_space<vmem>>) target(%dma_start3A_93 : memref<10240x128xf32, #tpu.memory_space<vmem_shared>>) offsets(%dma_start3A_90 : memref<128xi32, #tpu.memory_space<vmem>>) semaphore(%run_scoped3A_83 : memref<!tpu.dma_semaphore, #tpu.memory_space<semaphore_mem>>) {add = true}
        %dma_wait3A_94 = arith.constant 0 : i32
        %dma_wait3A_95 = arith.constant 0 : i32
        %dma_wait3A_96 = tpu.memref_slice %arg7[%run_scoped3A_57, %dma_wait3A_94, %dma_wait3A_95] : memref<2x128x128xf32, #tpu.memory_space<vmem>> -> memref<1x128x128xf32, #tpu.memory_space<vmem>>
        %dma_wait3A_97 = tpu.memref_squeeze %dma_wait3A_96 : memref<1x128x128xf32, #tpu.memory_space<vmem>> -> memref<128x128xf32, #tpu.memory_space<vmem>>
        %dma_wait3A_98 = arith.constant 0 : i32
        %dma_wait3A_99 = tpu.memref_slice %arg6[%run_scoped3A_58, %dma_wait3A_98] : memref<2x128xi32, #tpu.memory_space<vmem>> -> memref<1x128xi32, #tpu.memory_space<vmem>>
        %dma_wait3A_100 = tpu.memref_squeeze %dma_wait3A_99 : memref<1x128xi32, #tpu.memory_space<vmem>> -> memref<128xi32, #tpu.memory_space<vmem>>
        %dma_wait3A_101 = arith.constant 0 : i32
        %dma_wait3A_102 = arith.constant 0 : i32
        %dma_wait3A_103 = tpu.memref_slice %arg8[%dma_wait3A_101, %dma_wait3A_102] : memref<10240x128xf32, #tpu.memory_space<vmem_shared>> -> memref<10240x128xf32, #tpu.memory_space<vmem_shared>>
        tpu.wait_indirect_dma semaphore(%run_scoped3A_83 : memref<!tpu.dma_semaphore, #tpu.memory_space<semaphore_mem>>) src(%dma_wait3A_97 : memref<128x128xf32, #tpu.memory_space<vmem>>) dst(%dma_wait3A_103 : memref<10240x128xf32, #tpu.memory_space<vmem_shared>>)
        tpu.yield
      }) : () -> ()
      %lt3A_59 = arith.constant 39 : i32
      %lt3A_60 = arith.cmpi slt, %scan3A_37, %lt3A_59 : i32
      %convert_element_type3A_61 = arith.extui %lt3A_60 : i1 to i32
      %cond3A_62 = arith.constant 0 : i32
      %cond3A_63 = arith.cmpi ne, %convert_element_type3A_61, %cond3A_62 : i32
      scf.if %cond3A_63 {
        %dma_start3A_83 = arith.constant 0 : i32
        %dma_start3A_84 = arith.constant 0 : i32
        %dma_start3A_85 = arith.constant 0 : i32
        %dma_start3A_86 = arith.constant 0 : i32
        %dma_start3A_87 = tpu.memref_slice %arg7[%dma_start3A_84, %dma_start3A_85, %dma_start3A_86] : memref<2x128x128xf32, #tpu.memory_space<vmem>> -> memref<1x128x128xf32, #tpu.memory_space<vmem>>
        %dma_start3A_88 = tpu.memref_squeeze %dma_start3A_87 : memref<1x128x128xf32, #tpu.memory_space<vmem>> -> memref<128x128xf32, #tpu.memory_space<vmem>>
        %dma_start3A_89 = arith.constant 0 : i32
        %dma_start3A_90 = tpu.memref_slice %arg5[%sub3A_39, %dma_start3A_83, %dma_start3A_89] : memref<2x2x128xi32, #tpu.memory_space<vmem>> -> memref<1x1x128xi32, #tpu.memory_space<vmem>>
        %dma_start3A_91 = tpu.memref_squeeze %dma_start3A_90 : memref<1x1x128xi32, #tpu.memory_space<vmem>> -> memref<128xi32, #tpu.memory_space<vmem>>
        %dma_start3A_92 = arith.constant 0 : i32
        %dma_start3A_93 = arith.constant 0 : i32
        %dma_start3A_94 = tpu.memref_slice %arg2[%dma_start3A_92, %dma_start3A_93] : memref<10000x128xf32, #tpu.memory_space<hbm>> -> memref<10000x128xf32, #tpu.memory_space<hbm>>
        tpu.enqueue_indirect_dma source(%dma_start3A_94 : memref<10000x128xf32, #tpu.memory_space<hbm>>) target(%dma_start3A_88 : memref<128x128xf32, #tpu.memory_space<vmem>>) offsets(%dma_start3A_91 : memref<128xi32, #tpu.memory_space<vmem>>) semaphore(%arg9 : memref<!tpu.dma_semaphore, #tpu.memory_space<semaphore_mem>>)
      } else {
      }
      %dma_wait3A_64 = arith.constant 1 : i32
      %dma_wait3A_65 = arith.constant 1 : i32
      %dma_wait3A_66 = arith.constant 0 : i32
      %dma_wait3A_67 = arith.constant 0 : i32
      %dma_wait3A_68 = tpu.memref_slice %arg7[%dma_wait3A_65, %dma_wait3A_66, %dma_wait3A_67] : memref<2x128x128xf32, #tpu.memory_space<vmem>> -> memref<1x128x128xf32, #tpu.memory_space<vmem>>
      %dma_wait3A_69 = tpu.memref_squeeze %dma_wait3A_68 : memref<1x128x128xf32, #tpu.memory_space<vmem>> -> memref<128x128xf32, #tpu.memory_space<vmem>>
      %dma_wait3A_70 = arith.constant 0 : i32
      %dma_wait3A_71 = tpu.memref_slice %arg5[%rem3A_38, %dma_wait3A_64, %dma_wait3A_70] : memref<2x2x128xi32, #tpu.memory_space<vmem>> -> memref<1x1x128xi32, #tpu.memory_space<vmem>>
      %dma_wait3A_72 = tpu.memref_squeeze %dma_wait3A_71 : memref<1x1x128xi32, #tpu.memory_space<vmem>> -> memref<128xi32, #tpu.memory_space<vmem>>
      %dma_wait3A_73 = arith.constant 0 : i32
      %dma_wait3A_74 = arith.constant 0 : i32
      %dma_wait3A_75 = tpu.memref_slice %arg2[%dma_wait3A_73, %dma_wait3A_74] : memref<10000x128xf32, #tpu.memory_space<hbm>> -> memref<10000x128xf32, #tpu.memory_space<hbm>>
      tpu.wait_indirect_dma semaphore(%arg10 : memref<!tpu.dma_semaphore, #tpu.memory_space<semaphore_mem>>) src(%dma_wait3A_75 : memref<10000x128xf32, #tpu.memory_space<hbm>>) dst(%dma_wait3A_69 : memref<128x128xf32, #tpu.memory_space<vmem>>)
      %run_scoped3A_76 = arith.constant 1 : i32
      %run_scoped3A_77 = arith.constant 1 : i32
      "tpu.region"() ({
        %run_scoped3A_83 = tpu.sem_alloc : memref<!tpu.dma_semaphore, #tpu.memory_space<semaphore_mem>>
        %dma_start3A_84 = arith.constant 0 : i32
        %dma_start3A_85 = arith.constant 0 : i32
        %dma_start3A_86 = tpu.memref_slice %arg7[%run_scoped3A_76, %dma_start3A_84, %dma_start3A_85] : memref<2x128x128xf32, #tpu.memory_space<vmem>> -> memref<1x128x128xf32, #tpu.memory_space<vmem>>
        %dma_start3A_87 = tpu.memref_squeeze %dma_start3A_86 : memref<1x128x128xf32, #tpu.memory_space<vmem>> -> memref<128x128xf32, #tpu.memory_space<vmem>>
        %dma_start3A_88 = arith.constant 0 : i32
        %dma_start3A_89 = tpu.memref_slice %arg6[%run_scoped3A_77, %dma_start3A_88] : memref<2x128xi32, #tpu.memory_space<vmem>> -> memref<1x128xi32, #tpu.memory_space<vmem>>
        %dma_start3A_90 = tpu.memref_squeeze %dma_start3A_89 : memref<1x128xi32, #tpu.memory_space<vmem>> -> memref<128xi32, #tpu.memory_space<vmem>>
        %dma_start3A_91 = arith.constant 0 : i32
        %dma_start3A_92 = arith.constant 0 : i32
        %dma_start3A_93 = tpu.memref_slice %arg8[%dma_start3A_91, %dma_start3A_92] : memref<10240x128xf32, #tpu.memory_space<vmem_shared>> -> memref<10240x128xf32, #tpu.memory_space<vmem_shared>>
        tpu.enqueue_indirect_dma source(%dma_start3A_87 : memref<128x128xf32, #tpu.memory_space<vmem>>) target(%dma_start3A_93 : memref<10240x128xf32, #tpu.memory_space<vmem_shared>>) offsets(%dma_start3A_90 : memref<128xi32, #tpu.memory_space<vmem>>) semaphore(%run_scoped3A_83 : memref<!tpu.dma_semaphore, #tpu.memory_space<semaphore_mem>>) {add = true}
        %dma_wait3A_94 = arith.constant 0 : i32
        %dma_wait3A_95 = arith.constant 0 : i32
        %dma_wait3A_96 = tpu.memref_slice %arg7[%run_scoped3A_76, %dma_wait3A_94, %dma_wait3A_95] : memref<2x128x128xf32, #tpu.memory_space<vmem>> -> memref<1x128x128xf32, #tpu.memory_space<vmem>>
        %dma_wait3A_97 = tpu.memref_squeeze %dma_wait3A_96 : memref<1x128x128xf32, #tpu.memory_space<vmem>> -> memref<128x128xf32, #tpu.memory_space<vmem>>
        %dma_wait3A_98 = arith.constant 0 : i32
        %dma_wait3A_99 = tpu.memref_slice %arg6[%run_scoped3A_77, %dma_wait3A_98] : memref<2x128xi32, #tpu.memory_space<vmem>> -> memref<1x128xi32, #tpu.memory_space<vmem>>
        %dma_wait3A_100 = tpu.memref_squeeze %dma_wait3A_99 : memref<1x128xi32, #tpu.memory_space<vmem>> -> memref<128xi32, #tpu.memory_space<vmem>>
        %dma_wait3A_101 = arith.constant 0 : i32
        %dma_wait3A_102 = arith.constant 0 : i32
        %dma_wait3A_103 = tpu.memref_slice %arg8[%dma_wait3A_101, %dma_wait3A_102] : memref<10240x128xf32, #tpu.memory_space<vmem_shared>> -> memref<10240x128xf32, #tpu.memory_space<vmem_shared>>
        tpu.wait_indirect_dma semaphore(%run_scoped3A_83 : memref<!tpu.dma_semaphore, #tpu.memory_space<semaphore_mem>>) src(%dma_wait3A_97 : memref<128x128xf32, #tpu.memory_space<vmem>>) dst(%dma_wait3A_103 : memref<10240x128xf32, #tpu.memory_space<vmem_shared>>)
        tpu.yield
      }) : () -> ()
      %lt3A_78 = arith.constant 39 : i32
      %lt3A_79 = arith.cmpi slt, %scan3A_37, %lt3A_78 : i32
      %convert_element_type3A_80 = arith.extui %lt3A_79 : i1 to i32
      %cond3A_81 = arith.constant 0 : i32
      %cond3A_82 = arith.cmpi ne, %convert_element_type3A_80, %cond3A_81 : i32
      scf.if %cond3A_82 {
        %dma_start3A_83 = arith.constant 1 : i32
        %dma_start3A_84 = arith.constant 1 : i32
        %dma_start3A_85 = arith.constant 0 : i32
        %dma_start3A_86 = arith.constant 0 : i32
        %dma_start3A_87 = tpu.memref_slice %arg7[%dma_start3A_84, %dma_start3A_85, %dma_start3A_86] : memref<2x128x128xf32, #tpu.memory_space<vmem>> -> memref<1x128x128xf32, #tpu.memory_space<vmem>>
        %dma_start3A_88 = tpu.memref_squeeze %dma_start3A_87 : memref<1x128x128xf32, #tpu.memory_space<vmem>> -> memref<128x128xf32, #tpu.memory_space<vmem>>
        %dma_start3A_89 = arith.constant 0 : i32
        %dma_start3A_90 = tpu.memref_slice %arg5[%sub3A_39, %dma_start3A_83, %dma_start3A_89] : memref<2x2x128xi32, #tpu.memory_space<vmem>> -> memref<1x1x128xi32, #tpu.memory_space<vmem>>
        %dma_start3A_91 = tpu.memref_squeeze %dma_start3A_90 : memref<1x1x128xi32, #tpu.memory_space<vmem>> -> memref<128xi32, #tpu.memory_space<vmem>>
        %dma_start3A_92 = arith.constant 0 : i32
        %dma_start3A_93 = arith.constant 0 : i32
        %dma_start3A_94 = tpu.memref_slice %arg2[%dma_start3A_92, %dma_start3A_93] : memref<10000x128xf32, #tpu.memory_space<hbm>> -> memref<10000x128xf32, #tpu.memory_space<hbm>>
        tpu.enqueue_indirect_dma source(%dma_start3A_94 : memref<10000x128xf32, #tpu.memory_space<hbm>>) target(%dma_start3A_88 : memref<128x128xf32, #tpu.memory_space<vmem>>) offsets(%dma_start3A_91 : memref<128xi32, #tpu.memory_space<vmem>>) semaphore(%arg10 : memref<!tpu.dma_semaphore, #tpu.memory_space<semaphore_mem>>)
      } else {
      }
    }
    %scan3A_35 = arith.constant 40 : i32
    %barrier3A_36 = arith.constant 0 : index
    tpu.barrier barrier_id(%barrier3A_36)
    "tpu.region"() ({
      %run_scoped3A_37 = tpu.sem_alloc : memref<!tpu.dma_semaphore, #tpu.memory_space<semaphore_mem>>
      %dma_start3A_38 = arith.constant 0 : i32
      %dma_start3A_39 = tpu.memref_slice %arg4[%arg0, %mul3A_2, %dma_start3A_38] : memref<2x10000x128xf32, #tpu.memory_space<hbm>> -> memref<1x625x128xf32, #tpu.memory_space<hbm>>
      %dma_start3A_40 = tpu.memref_squeeze %dma_start3A_39 : memref<1x625x128xf32, #tpu.memory_space<hbm>> -> memref<625x128xf32, #tpu.memory_space<hbm>>
      %dma_start3A_41 = arith.constant 0 : i32
      %dma_start3A_42 = tpu.memref_slice %arg8[%mul3A_2, %dma_start3A_41] : memref<10240x128xf32, #tpu.memory_space<vmem_shared>> -> memref<625x128xf32, #tpu.memory_space<vmem_shared>>
      tpu.enqueue_dma source(%dma_start3A_42 : memref<625x128xf32, #tpu.memory_space<vmem_shared>>) target(%dma_start3A_40 : memref<625x128xf32, #tpu.memory_space<hbm>>) target_semaphore(%run_scoped3A_37 : memref<!tpu.dma_semaphore, #tpu.memory_space<semaphore_mem>>)
      %dma_wait3A = arith.constant 0 : i32
      %dma_wait3A_43 = tpu.memref_slice %arg4[%arg0, %mul3A_2, %dma_wait3A] : memref<2x10000x128xf32, #tpu.memory_space<hbm>> -> memref<1x625x128xf32, #tpu.memory_space<hbm>>
      %dma_wait3A_44 = tpu.memref_squeeze %dma_wait3A_43 : memref<1x625x128xf32, #tpu.memory_space<hbm>> -> memref<625x128xf32, #tpu.memory_space<hbm>>
      %dma_wait3A_45 = arith.constant 0 : i32
      %dma_wait3A_46 = tpu.memref_slice %arg8[%mul3A_2, %dma_wait3A_45] : memref<10240x128xf32, #tpu.memory_space<vmem_shared>> -> memref<625x128xf32, #tpu.memory_space<vmem_shared>>
      tpu.wait_dma2 semaphore(%run_scoped3A_37 : memref<!tpu.dma_semaphore, #tpu.memory_space<semaphore_mem>>) src(%dma_wait3A_46 : memref<625x128xf32, #tpu.memory_space<vmem_shared>>) dst(%dma_wait3A_44 : memref<625x128xf32, #tpu.memory_space<hbm>>)
      tpu.yield
    }) : () -> ()
    return
  }
}

#map = affine_map<(d0, d1) -> (0, 0)>
#map1 = affine_map<(d0, d1) -> (0, 0, 0)>
module attributes {stable_mosaic.version = 14 : i64} {
  func.func @_scatter(%arg0: i32, %arg1: i32, %arg2: memref<10000x64xf32, #tpu.memory_space<hbm>>, %arg3: memref<2x2560x128xi32, #tpu.memory_space<hbm>>, %arg4: memref<2x10000x64xf32, #tpu.memory_space<hbm>>, %arg5: memref<2x8x128xi32, #tpu.memory_space<vmem>>, %arg6: memref<8x128xi32, #tpu.memory_space<vmem>>, %arg7: memref<8x128x64xf32, #tpu.memory_space<vmem>>, %arg8: memref<10240x64xf32, #tpu.memory_space<vmem_shared>>, %arg9: memref<!tpu.dma_semaphore, #tpu.memory_space<semaphore_mem>>, %arg10: memref<!tpu.dma_semaphore, #tpu.memory_space<semaphore_mem>>, %arg11: memref<!tpu.dma_semaphore, #tpu.memory_space<semaphore_mem>>, %arg12: memref<!tpu.dma_semaphore, #tpu.memory_space<semaphore_mem>>, %arg13: memref<!tpu.dma_semaphore, #tpu.memory_space<semaphore_mem>>, %arg14: memref<!tpu.dma_semaphore, #tpu.memory_space<semaphore_mem>>, %arg15: memref<!tpu.dma_semaphore, #tpu.memory_space<semaphore_mem>>, %arg16: memref<!tpu.dma_semaphore, #tpu.memory_space<semaphore_mem>>) attributes {dimension_semantics = [#tpu.dimension_semantics<core_parallel>, #tpu.dimension_semantics<subcore_parallel>], iteration_bounds = array<i64: 2, 16>, scalar_prefetch = 0 : i64, scratch_operands = 12 : i64, tpu.core_type = #tpu.core_type<sc_vector_subcore>, window_params = [{transform_indices = #map}, {transform_indices = #map1}, {transform_indices = #map1}]} {
    %mul3A = arith.constant 16 : i32
    %mul3A_0 = arith.muli %arg0, %mul3A : i32
    %add3A = arith.addi %mul3A_0, %arg1 : i32
    %mul3A_1 = arith.constant 625 : i32
    %mul3A_2 = arith.muli %arg1, %mul3A_1 : i32
    %mul3A_3 = arith.constant 80 : i32
    %mul3A_4 = arith.muli %add3A, %mul3A_3 : i32
    "tpu.region"() ({
      %run_scoped3A_115 = tpu.sem_alloc : memref<!tpu.dma_semaphore, #tpu.memory_space<semaphore_mem>>
      %dma_start3A_116 = arith.constant 0 : i32
      %dma_start3A_117 = tpu.memref_slice %arg8[%mul3A_2, %dma_start3A_116] : memref<10240x64xf32, #tpu.memory_space<vmem_shared>> -> memref<625x64xf32, #tpu.memory_space<vmem_shared>>
      %dma_start3A_118 = arith.constant 0 : i32
      %dma_start3A_119 = tpu.memref_slice %arg2[%mul3A_2, %dma_start3A_118] : memref<10000x64xf32, #tpu.memory_space<hbm>> -> memref<625x64xf32, #tpu.memory_space<hbm>>
      tpu.enqueue_dma source(%dma_start3A_119 : memref<625x64xf32, #tpu.memory_space<hbm>>) target(%dma_start3A_117 : memref<625x64xf32, #tpu.memory_space<vmem_shared>>) target_semaphore(%run_scoped3A_115 : memref<!tpu.dma_semaphore, #tpu.memory_space<semaphore_mem>>)
      %dma_wait3A = arith.constant 0 : i32
      %dma_wait3A_120 = tpu.memref_slice %arg8[%mul3A_2, %dma_wait3A] : memref<10240x64xf32, #tpu.memory_space<vmem_shared>> -> memref<625x64xf32, #tpu.memory_space<vmem_shared>>
      %dma_wait3A_121 = arith.constant 0 : i32
      %dma_wait3A_122 = tpu.memref_slice %arg2[%mul3A_2, %dma_wait3A_121] : memref<10000x64xf32, #tpu.memory_space<hbm>> -> memref<625x64xf32, #tpu.memory_space<hbm>>
      tpu.wait_dma2 semaphore(%run_scoped3A_115 : memref<!tpu.dma_semaphore, #tpu.memory_space<semaphore_mem>>) src(%dma_wait3A_122 : memref<625x64xf32, #tpu.memory_space<hbm>>) dst(%dma_wait3A_120 : memref<625x64xf32, #tpu.memory_space<vmem_shared>>)
      tpu.yield
    }) : () -> ()
    %run_scoped3A = arith.constant 0 : i32
    %run_scoped3A_5 = arith.constant 0 : i32
    "tpu.region"() ({
      %run_scoped3A_115 = tpu.sem_alloc : memref<!tpu.dma_semaphore, #tpu.memory_space<semaphore_mem>>
      %dma_start3A_116 = arith.constant 0 : i32
      %dma_start3A_117 = arith.constant 0 : i32
      %dma_start3A_118 = tpu.memref_slice %arg5[%run_scoped3A_5, %dma_start3A_116, %dma_start3A_117] : memref<2x8x128xi32, #tpu.memory_space<vmem>> -> memref<1x8x128xi32, #tpu.memory_space<vmem>>
      %dma_start3A_119 = tpu.memref_squeeze %dma_start3A_118 : memref<1x8x128xi32, #tpu.memory_space<vmem>> -> memref<8x128xi32, #tpu.memory_space<vmem>>
      %dma_start3A_120 = arith.constant 0 : i32
      %dma_start3A_121 = tpu.memref_slice %arg3[%run_scoped3A, %mul3A_4, %dma_start3A_120] : memref<2x2560x128xi32, #tpu.memory_space<hbm>> -> memref<1x8x128xi32, #tpu.memory_space<hbm>>
      %dma_start3A_122 = tpu.memref_squeeze %dma_start3A_121 : memref<1x8x128xi32, #tpu.memory_space<hbm>> -> memref<8x128xi32, #tpu.memory_space<hbm>>
      %dma_start3A_123 = arith.constant 0 : i32
      %dma_start3A_124 = arith.constant 0 : i32
      %dma_start3A_125 = tpu.memref_slice %arg5[%run_scoped3A_5, %dma_start3A_123, %dma_start3A_124] : memref<2x8x128xi32, #tpu.memory_space<vmem>> -> memref<1x8x128xi32, #tpu.memory_space<vmem>>
      %dma_start3A_126 = tpu.memref_squeeze %dma_start3A_125 : memref<1x8x128xi32, #tpu.memory_space<vmem>> -> memref<8x128xi32, #tpu.memory_space<vmem>>
      %dma_start3A_127 = arith.constant 0 : i32
      %dma_start3A_128 = tpu.memref_slice %arg3[%run_scoped3A, %mul3A_4, %dma_start3A_127] : memref<2x2560x128xi32, #tpu.memory_space<hbm>> -> memref<1x8x128xi32, #tpu.memory_space<hbm>>
      %dma_start3A_129 = tpu.memref_squeeze %dma_start3A_128 : memref<1x8x128xi32, #tpu.memory_space<hbm>> -> memref<8x128xi32, #tpu.memory_space<hbm>>
      tpu.enqueue_dma source(%dma_start3A_129 : memref<8x128xi32, #tpu.memory_space<hbm>>) target(%dma_start3A_126 : memref<8x128xi32, #tpu.memory_space<vmem>>) target_semaphore(%run_scoped3A_115 : memref<!tpu.dma_semaphore, #tpu.memory_space<semaphore_mem>>)
      %dma_wait3A = arith.constant 0 : i32
      %dma_wait3A_130 = arith.constant 0 : i32
      %dma_wait3A_131 = tpu.memref_slice %arg5[%run_scoped3A_5, %dma_wait3A, %dma_wait3A_130] : memref<2x8x128xi32, #tpu.memory_space<vmem>> -> memref<1x8x128xi32, #tpu.memory_space<vmem>>
      %dma_wait3A_132 = tpu.memref_squeeze %dma_wait3A_131 : memref<1x8x128xi32, #tpu.memory_space<vmem>> -> memref<8x128xi32, #tpu.memory_space<vmem>>
      %dma_wait3A_133 = arith.constant 0 : i32
      %dma_wait3A_134 = tpu.memref_slice %arg3[%run_scoped3A, %mul3A_4, %dma_wait3A_133] : memref<2x2560x128xi32, #tpu.memory_space<hbm>> -> memref<1x8x128xi32, #tpu.memory_space<hbm>>
      %dma_wait3A_135 = tpu.memref_squeeze %dma_wait3A_134 : memref<1x8x128xi32, #tpu.memory_space<hbm>> -> memref<8x128xi32, #tpu.memory_space<hbm>>
      %dma_wait3A_136 = arith.constant 0 : i32
      %dma_wait3A_137 = arith.constant 0 : i32
      %dma_wait3A_138 = tpu.memref_slice %arg5[%run_scoped3A_5, %dma_wait3A_136, %dma_wait3A_137] : memref<2x8x128xi32, #tpu.memory_space<vmem>> -> memref<1x8x128xi32, #tpu.memory_space<vmem>>
      %dma_wait3A_139 = tpu.memref_squeeze %dma_wait3A_138 : memref<1x8x128xi32, #tpu.memory_space<vmem>> -> memref<8x128xi32, #tpu.memory_space<vmem>>
      %dma_wait3A_140 = arith.constant 0 : i32
      %dma_wait3A_141 = tpu.memref_slice %arg3[%run_scoped3A, %mul3A_4, %dma_wait3A_140] : memref<2x2560x128xi32, #tpu.memory_space<hbm>> -> memref<1x8x128xi32, #tpu.memory_space<hbm>>
      %dma_wait3A_142 = tpu.memref_squeeze %dma_wait3A_141 : memref<1x8x128xi32, #tpu.memory_space<hbm>> -> memref<8x128xi32, #tpu.memory_space<hbm>>
      tpu.wait_dma2 semaphore(%run_scoped3A_115 : memref<!tpu.dma_semaphore, #tpu.memory_space<semaphore_mem>>) src(%dma_wait3A_142 : memref<8x128xi32, #tpu.memory_space<hbm>>) dst(%dma_wait3A_139 : memref<8x128xi32, #tpu.memory_space<vmem>>)
      tpu.yield
    }) : () -> ()
    %barrier3A = arith.constant 0 : index
    tpu.barrier barrier_id(%barrier3A)
    %dma_start3A = arith.constant 0 : i32
    %dma_start3A_6 = arith.constant 0 : i32
    %dma_start3A_7 = arith.constant 0 : i32
    %dma_start3A_8 = arith.constant 0 : i32
    %dma_start3A_9 = arith.constant 0 : i32
    %dma_start3A_10 = tpu.memref_slice %arg7[%dma_start3A_7, %dma_start3A_8, %dma_start3A_9] : memref<8x128x64xf32, #tpu.memory_space<vmem>> -> memref<1x128x64xf32, #tpu.memory_space<vmem>>
    %dma_start3A_11 = tpu.memref_squeeze %dma_start3A_10 : memref<1x128x64xf32, #tpu.memory_space<vmem>> -> memref<128x64xf32, #tpu.memory_space<vmem>>
    %dma_start3A_12 = arith.constant 0 : i32
    %dma_start3A_13 = tpu.memref_slice %arg5[%dma_start3A, %dma_start3A_6, %dma_start3A_12] : memref<2x8x128xi32, #tpu.memory_space<vmem>> -> memref<1x1x128xi32, #tpu.memory_space<vmem>>
    %dma_start3A_14 = tpu.memref_squeeze %dma_start3A_13 : memref<1x1x128xi32, #tpu.memory_space<vmem>> -> memref<128xi32, #tpu.memory_space<vmem>>
    %dma_start3A_15 = arith.constant 0 : i32
    %dma_start3A_16 = arith.constant 0 : i32
    %dma_start3A_17 = tpu.memref_slice %arg2[%dma_start3A_15, %dma_start3A_16] : memref<10000x64xf32, #tpu.memory_space<hbm>> -> memref<10000x64xf32, #tpu.memory_space<hbm>>
    tpu.enqueue_indirect_dma source(%dma_start3A_17 : memref<10000x64xf32, #tpu.memory_space<hbm>>) target(%dma_start3A_11 : memref<128x64xf32, #tpu.memory_space<vmem>>) offsets(%dma_start3A_14 : memref<128xi32, #tpu.memory_space<vmem>>) semaphore(%arg9 : memref<!tpu.dma_semaphore, #tpu.memory_space<semaphore_mem>>)
    %dma_start3A_18 = arith.constant 0 : i32
    %dma_start3A_19 = arith.constant 1 : i32
    %dma_start3A_20 = arith.constant 1 : i32
    %dma_start3A_21 = arith.constant 0 : i32
    %dma_start3A_22 = arith.constant 0 : i32
    %dma_start3A_23 = tpu.memref_slice %arg7[%dma_start3A_20, %dma_start3A_21, %dma_start3A_22] : memref<8x128x64xf32, #tpu.memory_space<vmem>> -> memref<1x128x64xf32, #tpu.memory_space<vmem>>
    %dma_start3A_24 = tpu.memref_squeeze %dma_start3A_23 : memref<1x128x64xf32, #tpu.memory_space<vmem>> -> memref<128x64xf32, #tpu.memory_space<vmem>>
    %dma_start3A_25 = arith.constant 0 : i32
    %dma_start3A_26 = tpu.memref_slice %arg5[%dma_start3A_18, %dma_start3A_19, %dma_start3A_25] : memref<2x8x128xi32, #tpu.memory_space<vmem>> -> memref<1x1x128xi32, #tpu.memory_space<vmem>>
    %dma_start3A_27 = tpu.memref_squeeze %dma_start3A_26 : memref<1x1x128xi32, #tpu.memory_space<vmem>> -> memref<128xi32, #tpu.memory_space<vmem>>
    %dma_start3A_28 = arith.constant 0 : i32
    %dma_start3A_29 = arith.constant 0 : i32
    %dma_start3A_30 = tpu.memref_slice %arg2[%dma_start3A_28, %dma_start3A_29] : memref<10000x64xf32, #tpu.memory_space<hbm>> -> memref<10000x64xf32, #tpu.memory_space<hbm>>
    tpu.enqueue_indirect_dma source(%dma_start3A_30 : memref<10000x64xf32, #tpu.memory_space<hbm>>) target(%dma_start3A_24 : memref<128x64xf32, #tpu.memory_space<vmem>>) offsets(%dma_start3A_27 : memref<128xi32, #tpu.memory_space<vmem>>) semaphore(%arg10 : memref<!tpu.dma_semaphore, #tpu.memory_space<semaphore_mem>>)
    %dma_start3A_31 = arith.constant 0 : i32
    %dma_start3A_32 = arith.constant 2 : i32
    %dma_start3A_33 = arith.constant 2 : i32
    %dma_start3A_34 = arith.constant 0 : i32
    %dma_start3A_35 = arith.constant 0 : i32
    %dma_start3A_36 = tpu.memref_slice %arg7[%dma_start3A_33, %dma_start3A_34, %dma_start3A_35] : memref<8x128x64xf32, #tpu.memory_space<vmem>> -> memref<1x128x64xf32, #tpu.memory_space<vmem>>
    %dma_start3A_37 = tpu.memref_squeeze %dma_start3A_36 : memref<1x128x64xf32, #tpu.memory_space<vmem>> -> memref<128x64xf32, #tpu.memory_space<vmem>>
    %dma_start3A_38 = arith.constant 0 : i32
    %dma_start3A_39 = tpu.memref_slice %arg5[%dma_start3A_31, %dma_start3A_32, %dma_start3A_38] : memref<2x8x128xi32, #tpu.memory_space<vmem>> -> memref<1x1x128xi32, #tpu.memory_space<vmem>>
    %dma_start3A_40 = tpu.memref_squeeze %dma_start3A_39 : memref<1x1x128xi32, #tpu.memory_space<vmem>> -> memref<128xi32, #tpu.memory_space<vmem>>
    %dma_start3A_41 = arith.constant 0 : i32
    %dma_start3A_42 = arith.constant 0 : i32
    %dma_start3A_43 = tpu.memref_slice %arg2[%dma_start3A_41, %dma_start3A_42] : memref<10000x64xf32, #tpu.memory_space<hbm>> -> memref<10000x64xf32, #tpu.memory_space<hbm>>
    tpu.enqueue_indirect_dma source(%dma_start3A_43 : memref<10000x64xf32, #tpu.memory_space<hbm>>) target(%dma_start3A_37 : memref<128x64xf32, #tpu.memory_space<vmem>>) offsets(%dma_start3A_40 : memref<128xi32, #tpu.memory_space<vmem>>) semaphore(%arg11 : memref<!tpu.dma_semaphore, #tpu.memory_space<semaphore_mem>>)
    %dma_start3A_44 = arith.constant 0 : i32
    %dma_start3A_45 = arith.constant 3 : i32
    %dma_start3A_46 = arith.constant 3 : i32
    %dma_start3A_47 = arith.constant 0 : i32
    %dma_start3A_48 = arith.constant 0 : i32
    %dma_start3A_49 = tpu.memref_slice %arg7[%dma_start3A_46, %dma_start3A_47, %dma_start3A_48] : memref<8x128x64xf32, #tpu.memory_space<vmem>> -> memref<1x128x64xf32, #tpu.memory_space<vmem>>
    %dma_start3A_50 = tpu.memref_squeeze %dma_start3A_49 : memref<1x128x64xf32, #tpu.memory_space<vmem>> -> memref<128x64xf32, #tpu.memory_space<vmem>>
    %dma_start3A_51 = arith.constant 0 : i32
    %dma_start3A_52 = tpu.memref_slice %arg5[%dma_start3A_44, %dma_start3A_45, %dma_start3A_51] : memref<2x8x128xi32, #tpu.memory_space<vmem>> -> memref<1x1x128xi32, #tpu.memory_space<vmem>>
    %dma_start3A_53 = tpu.memref_squeeze %dma_start3A_52 : memref<1x1x128xi32, #tpu.memory_space<vmem>> -> memref<128xi32, #tpu.memory_space<vmem>>
    %dma_start3A_54 = arith.constant 0 : i32
    %dma_start3A_55 = arith.constant 0 : i32
    %dma_start3A_56 = tpu.memref_slice %arg2[%dma_start3A_54, %dma_start3A_55] : memref<10000x64xf32, #tpu.memory_space<hbm>> -> memref<10000x64xf32, #tpu.memory_space<hbm>>
    tpu.enqueue_indirect_dma source(%dma_start3A_56 : memref<10000x64xf32, #tpu.memory_space<hbm>>) target(%dma_start3A_50 : memref<128x64xf32, #tpu.memory_space<vmem>>) offsets(%dma_start3A_53 : memref<128xi32, #tpu.memory_space<vmem>>) semaphore(%arg12 : memref<!tpu.dma_semaphore, #tpu.memory_space<semaphore_mem>>)
    %dma_start3A_57 = arith.constant 0 : i32
    %dma_start3A_58 = arith.constant 4 : i32
    %dma_start3A_59 = arith.constant 4 : i32
    %dma_start3A_60 = arith.constant 0 : i32
    %dma_start3A_61 = arith.constant 0 : i32
    %dma_start3A_62 = tpu.memref_slice %arg7[%dma_start3A_59, %dma_start3A_60, %dma_start3A_61] : memref<8x128x64xf32, #tpu.memory_space<vmem>> -> memref<1x128x64xf32, #tpu.memory_space<vmem>>
    %dma_start3A_63 = tpu.memref_squeeze %dma_start3A_62 : memref<1x128x64xf32, #tpu.memory_space<vmem>> -> memref<128x64xf32, #tpu.memory_space<vmem>>
    %dma_start3A_64 = arith.constant 0 : i32
    %dma_start3A_65 = tpu.memref_slice %arg5[%dma_start3A_57, %dma_start3A_58, %dma_start3A_64] : memref<2x8x128xi32, #tpu.memory_space<vmem>> -> memref<1x1x128xi32, #tpu.memory_space<vmem>>
    %dma_start3A_66 = tpu.memref_squeeze %dma_start3A_65 : memref<1x1x128xi32, #tpu.memory_space<vmem>> -> memref<128xi32, #tpu.memory_space<vmem>>
    %dma_start3A_67 = arith.constant 0 : i32
    %dma_start3A_68 = arith.constant 0 : i32
    %dma_start3A_69 = tpu.memref_slice %arg2[%dma_start3A_67, %dma_start3A_68] : memref<10000x64xf32, #tpu.memory_space<hbm>> -> memref<10000x64xf32, #tpu.memory_space<hbm>>
    tpu.enqueue_indirect_dma source(%dma_start3A_69 : memref<10000x64xf32, #tpu.memory_space<hbm>>) target(%dma_start3A_63 : memref<128x64xf32, #tpu.memory_space<vmem>>) offsets(%dma_start3A_66 : memref<128xi32, #tpu.memory_space<vmem>>) semaphore(%arg13 : memref<!tpu.dma_semaphore, #tpu.memory_space<semaphore_mem>>)
    %dma_start3A_70 = arith.constant 0 : i32
    %dma_start3A_71 = arith.constant 5 : i32
    %dma_start3A_72 = arith.constant 5 : i32
    %dma_start3A_73 = arith.constant 0 : i32
    %dma_start3A_74 = arith.constant 0 : i32
    %dma_start3A_75 = tpu.memref_slice %arg7[%dma_start3A_72, %dma_start3A_73, %dma_start3A_74] : memref<8x128x64xf32, #tpu.memory_space<vmem>> -> memref<1x128x64xf32, #tpu.memory_space<vmem>>
    %dma_start3A_76 = tpu.memref_squeeze %dma_start3A_75 : memref<1x128x64xf32, #tpu.memory_space<vmem>> -> memref<128x64xf32, #tpu.memory_space<vmem>>
    %dma_start3A_77 = arith.constant 0 : i32
    %dma_start3A_78 = tpu.memref_slice %arg5[%dma_start3A_70, %dma_start3A_71, %dma_start3A_77] : memref<2x8x128xi32, #tpu.memory_space<vmem>> -> memref<1x1x128xi32, #tpu.memory_space<vmem>>
    %dma_start3A_79 = tpu.memref_squeeze %dma_start3A_78 : memref<1x1x128xi32, #tpu.memory_space<vmem>> -> memref<128xi32, #tpu.memory_space<vmem>>
    %dma_start3A_80 = arith.constant 0 : i32
    %dma_start3A_81 = arith.constant 0 : i32
    %dma_start3A_82 = tpu.memref_slice %arg2[%dma_start3A_80, %dma_start3A_81] : memref<10000x64xf32, #tpu.memory_space<hbm>> -> memref<10000x64xf32, #tpu.memory_space<hbm>>
    tpu.enqueue_indirect_dma source(%dma_start3A_82 : memref<10000x64xf32, #tpu.memory_space<hbm>>) target(%dma_start3A_76 : memref<128x64xf32, #tpu.memory_space<vmem>>) offsets(%dma_start3A_79 : memref<128xi32, #tpu.memory_space<vmem>>) semaphore(%arg14 : memref<!tpu.dma_semaphore, #tpu.memory_space<semaphore_mem>>)
    %dma_start3A_83 = arith.constant 0 : i32
    %dma_start3A_84 = arith.constant 6 : i32
    %dma_start3A_85 = arith.constant 6 : i32
    %dma_start3A_86 = arith.constant 0 : i32
    %dma_start3A_87 = arith.constant 0 : i32
    %dma_start3A_88 = tpu.memref_slice %arg7[%dma_start3A_85, %dma_start3A_86, %dma_start3A_87] : memref<8x128x64xf32, #tpu.memory_space<vmem>> -> memref<1x128x64xf32, #tpu.memory_space<vmem>>
    %dma_start3A_89 = tpu.memref_squeeze %dma_start3A_88 : memref<1x128x64xf32, #tpu.memory_space<vmem>> -> memref<128x64xf32, #tpu.memory_space<vmem>>
    %dma_start3A_90 = arith.constant 0 : i32
    %dma_start3A_91 = tpu.memref_slice %arg5[%dma_start3A_83, %dma_start3A_84, %dma_start3A_90] : memref<2x8x128xi32, #tpu.memory_space<vmem>> -> memref<1x1x128xi32, #tpu.memory_space<vmem>>
    %dma_start3A_92 = tpu.memref_squeeze %dma_start3A_91 : memref<1x1x128xi32, #tpu.memory_space<vmem>> -> memref<128xi32, #tpu.memory_space<vmem>>
    %dma_start3A_93 = arith.constant 0 : i32
    %dma_start3A_94 = arith.constant 0 : i32
    %dma_start3A_95 = tpu.memref_slice %arg2[%dma_start3A_93, %dma_start3A_94] : memref<10000x64xf32, #tpu.memory_space<hbm>> -> memref<10000x64xf32, #tpu.memory_space<hbm>>
    tpu.enqueue_indirect_dma source(%dma_start3A_95 : memref<10000x64xf32, #tpu.memory_space<hbm>>) target(%dma_start3A_89 : memref<128x64xf32, #tpu.memory_space<vmem>>) offsets(%dma_start3A_92 : memref<128xi32, #tpu.memory_space<vmem>>) semaphore(%arg15 : memref<!tpu.dma_semaphore, #tpu.memory_space<semaphore_mem>>)
    %dma_start3A_96 = arith.constant 0 : i32
    %dma_start3A_97 = arith.constant 7 : i32
    %dma_start3A_98 = arith.constant 7 : i32
    %dma_start3A_99 = arith.constant 0 : i32
    %dma_start3A_100 = arith.constant 0 : i32
    %dma_start3A_101 = tpu.memref_slice %arg7[%dma_start3A_98, %dma_start3A_99, %dma_start3A_100] : memref<8x128x64xf32, #tpu.memory_space<vmem>> -> memref<1x128x64xf32, #tpu.memory_space<vmem>>
    %dma_start3A_102 = tpu.memref_squeeze %dma_start3A_101 : memref<1x128x64xf32, #tpu.memory_space<vmem>> -> memref<128x64xf32, #tpu.memory_space<vmem>>
    %dma_start3A_103 = arith.constant 0 : i32
    %dma_start3A_104 = tpu.memref_slice %arg5[%dma_start3A_96, %dma_start3A_97, %dma_start3A_103] : memref<2x8x128xi32, #tpu.memory_space<vmem>> -> memref<1x1x128xi32, #tpu.memory_space<vmem>>
    %dma_start3A_105 = tpu.memref_squeeze %dma_start3A_104 : memref<1x1x128xi32, #tpu.memory_space<vmem>> -> memref<128xi32, #tpu.memory_space<vmem>>
    %dma_start3A_106 = arith.constant 0 : i32
    %dma_start3A_107 = arith.constant 0 : i32
    %dma_start3A_108 = tpu.memref_slice %arg2[%dma_start3A_106, %dma_start3A_107] : memref<10000x64xf32, #tpu.memory_space<hbm>> -> memref<10000x64xf32, #tpu.memory_space<hbm>>
    tpu.enqueue_indirect_dma source(%dma_start3A_108 : memref<10000x64xf32, #tpu.memory_space<hbm>>) target(%dma_start3A_102 : memref<128x64xf32, #tpu.memory_space<vmem>>) offsets(%dma_start3A_105 : memref<128xi32, #tpu.memory_space<vmem>>) semaphore(%arg16 : memref<!tpu.dma_semaphore, #tpu.memory_space<semaphore_mem>>)
    %scan3A = arith.constant 0 : i32
    %scan3A_109 = arith.constant 0 : i32
    %scan3A_110 = arith.constant 10 : i32
    %scan3A_111 = arith.addi %scan3A_109, %scan3A_110 : i32
    %scan3A_112 = arith.constant 1 : i32
    scf.for %scan3A_115 = %scan3A_109 to %scan3A_111 step %scan3A_112  : i32 {
      %rem3A = arith.constant 2 : i32
      %rem3A_116 = arith.remsi %scan3A_115, %rem3A : i32
      %sub3A = arith.constant 1 : i32
      %sub3A_117 = arith.subi %sub3A, %rem3A_116 : i32
      %lt3A = arith.constant 9 : i32
      %lt3A_118 = arith.cmpi slt, %scan3A_115, %lt3A : i32
      %convert_element_type3A = arith.extui %lt3A_118 : i1 to i32
      %cond3A = arith.constant 0 : i32
      %cond3A_119 = arith.cmpi ne, %convert_element_type3A, %cond3A : i32
      scf.if %cond3A_119 {
        %add3A_275 = arith.constant 1 : i32
        %add3A_276 = arith.addi %scan3A_115, %add3A_275 : i32
        %mul3A_277 = arith.constant 8 : i32
        %mul3A_278 = arith.muli %add3A_276, %mul3A_277 : i32
        %add3A_279 = arith.addi %mul3A_4, %mul3A_278 : i32
        %run_scoped3A_280 = arith.constant 0 : i32
        "tpu.region"() ({
          %run_scoped3A_281 = tpu.sem_alloc : memref<!tpu.dma_semaphore, #tpu.memory_space<semaphore_mem>>
          %dma_start3A_282 = arith.constant 0 : i32
          %dma_start3A_283 = arith.constant 0 : i32
          %dma_start3A_284 = tpu.memref_slice %arg5[%sub3A_117, %dma_start3A_282, %dma_start3A_283] : memref<2x8x128xi32, #tpu.memory_space<vmem>> -> memref<1x8x128xi32, #tpu.memory_space<vmem>>
          %dma_start3A_285 = tpu.memref_squeeze %dma_start3A_284 : memref<1x8x128xi32, #tpu.memory_space<vmem>> -> memref<8x128xi32, #tpu.memory_space<vmem>>
          %dma_start3A_286 = arith.constant 0 : i32
          %dma_start3A_287 = tpu.memref_slice %arg3[%run_scoped3A_280, %add3A_279, %dma_start3A_286] : memref<2x2560x128xi32, #tpu.memory_space<hbm>> -> memref<1x8x128xi32, #tpu.memory_space<hbm>>
          %dma_start3A_288 = tpu.memref_squeeze %dma_start3A_287 : memref<1x8x128xi32, #tpu.memory_space<hbm>> -> memref<8x128xi32, #tpu.memory_space<hbm>>
          %dma_start3A_289 = arith.constant 0 : i32
          %dma_start3A_290 = arith.constant 0 : i32
          %dma_start3A_291 = tpu.memref_slice %arg5[%sub3A_117, %dma_start3A_289, %dma_start3A_290] : memref<2x8x128xi32, #tpu.memory_space<vmem>> -> memref<1x8x128xi32, #tpu.memory_space<vmem>>
          %dma_start3A_292 = tpu.memref_squeeze %dma_start3A_291 : memref<1x8x128xi32, #tpu.memory_space<vmem>> -> memref<8x128xi32, #tpu.memory_space<vmem>>
          %dma_start3A_293 = arith.constant 0 : i32
          %dma_start3A_294 = tpu.memref_slice %arg3[%run_scoped3A_280, %add3A_279, %dma_start3A_293] : memref<2x2560x128xi32, #tpu.memory_space<hbm>> -> memref<1x8x128xi32, #tpu.memory_space<hbm>>
          %dma_start3A_295 = tpu.memref_squeeze %dma_start3A_294 : memref<1x8x128xi32, #tpu.memory_space<hbm>> -> memref<8x128xi32, #tpu.memory_space<hbm>>
          tpu.enqueue_dma source(%dma_start3A_295 : memref<8x128xi32, #tpu.memory_space<hbm>>) target(%dma_start3A_292 : memref<8x128xi32, #tpu.memory_space<vmem>>) target_semaphore(%run_scoped3A_281 : memref<!tpu.dma_semaphore, #tpu.memory_space<semaphore_mem>>)
          %dma_wait3A_296 = arith.constant 0 : i32
          %dma_wait3A_297 = arith.constant 0 : i32
          %dma_wait3A_298 = tpu.memref_slice %arg5[%sub3A_117, %dma_wait3A_296, %dma_wait3A_297] : memref<2x8x128xi32, #tpu.memory_space<vmem>> -> memref<1x8x128xi32, #tpu.memory_space<vmem>>
          %dma_wait3A_299 = tpu.memref_squeeze %dma_wait3A_298 : memref<1x8x128xi32, #tpu.memory_space<vmem>> -> memref<8x128xi32, #tpu.memory_space<vmem>>
          %dma_wait3A_300 = arith.constant 0 : i32
          %dma_wait3A_301 = tpu.memref_slice %arg3[%run_scoped3A_280, %add3A_279, %dma_wait3A_300] : memref<2x2560x128xi32, #tpu.memory_space<hbm>> -> memref<1x8x128xi32, #tpu.memory_space<hbm>>
          %dma_wait3A_302 = tpu.memref_squeeze %dma_wait3A_301 : memref<1x8x128xi32, #tpu.memory_space<hbm>> -> memref<8x128xi32, #tpu.memory_space<hbm>>
          %dma_wait3A_303 = arith.constant 0 : i32
          %dma_wait3A_304 = arith.constant 0 : i32
          %dma_wait3A_305 = tpu.memref_slice %arg5[%sub3A_117, %dma_wait3A_303, %dma_wait3A_304] : memref<2x8x128xi32, #tpu.memory_space<vmem>> -> memref<1x8x128xi32, #tpu.memory_space<vmem>>
          %dma_wait3A_306 = tpu.memref_squeeze %dma_wait3A_305 : memref<1x8x128xi32, #tpu.memory_space<vmem>> -> memref<8x128xi32, #tpu.memory_space<vmem>>
          %dma_wait3A_307 = arith.constant 0 : i32
          %dma_wait3A_308 = tpu.memref_slice %arg3[%run_scoped3A_280, %add3A_279, %dma_wait3A_307] : memref<2x2560x128xi32, #tpu.memory_space<hbm>> -> memref<1x8x128xi32, #tpu.memory_space<hbm>>
          %dma_wait3A_309 = tpu.memref_squeeze %dma_wait3A_308 : memref<1x8x128xi32, #tpu.memory_space<hbm>> -> memref<8x128xi32, #tpu.memory_space<hbm>>
          tpu.wait_dma2 semaphore(%run_scoped3A_281 : memref<!tpu.dma_semaphore, #tpu.memory_space<semaphore_mem>>) src(%dma_wait3A_309 : memref<8x128xi32, #tpu.memory_space<hbm>>) dst(%dma_wait3A_306 : memref<8x128xi32, #tpu.memory_space<vmem>>)
          tpu.yield
        }) : () -> ()
      } else {
      }
      %mul3A_120 = arith.constant 8 : i32
      %mul3A_121 = arith.muli %scan3A_115, %mul3A_120 : i32
      %add3A_122 = arith.addi %mul3A_4, %mul3A_121 : i32
      %run_scoped3A_123 = arith.constant 1 : i32
      "tpu.region"() ({
        %run_scoped3A_275 = tpu.sem_alloc : memref<!tpu.dma_semaphore, #tpu.memory_space<semaphore_mem>>
        %dma_start3A_276 = arith.constant 0 : i32
        %dma_start3A_277 = tpu.memref_slice %arg3[%run_scoped3A_123, %add3A_122, %dma_start3A_276] : memref<2x2560x128xi32, #tpu.memory_space<hbm>> -> memref<1x8x128xi32, #tpu.memory_space<hbm>>
        %dma_start3A_278 = tpu.memref_squeeze %dma_start3A_277 : memref<1x8x128xi32, #tpu.memory_space<hbm>> -> memref<8x128xi32, #tpu.memory_space<hbm>>
        %dma_start3A_279 = arith.constant 0 : i32
        %dma_start3A_280 = tpu.memref_slice %arg3[%run_scoped3A_123, %add3A_122, %dma_start3A_279] : memref<2x2560x128xi32, #tpu.memory_space<hbm>> -> memref<1x8x128xi32, #tpu.memory_space<hbm>>
        %dma_start3A_281 = tpu.memref_squeeze %dma_start3A_280 : memref<1x8x128xi32, #tpu.memory_space<hbm>> -> memref<8x128xi32, #tpu.memory_space<hbm>>
        tpu.enqueue_dma source(%dma_start3A_281 : memref<8x128xi32, #tpu.memory_space<hbm>>) target(%arg6 : memref<8x128xi32, #tpu.memory_space<vmem>>) target_semaphore(%run_scoped3A_275 : memref<!tpu.dma_semaphore, #tpu.memory_space<semaphore_mem>>)
        %dma_wait3A_282 = arith.constant 0 : i32
        %dma_wait3A_283 = tpu.memref_slice %arg3[%run_scoped3A_123, %add3A_122, %dma_wait3A_282] : memref<2x2560x128xi32, #tpu.memory_space<hbm>> -> memref<1x8x128xi32, #tpu.memory_space<hbm>>
        %dma_wait3A_284 = tpu.memref_squeeze %dma_wait3A_283 : memref<1x8x128xi32, #tpu.memory_space<hbm>> -> memref<8x128xi32, #tpu.memory_space<hbm>>
        %dma_wait3A_285 = arith.constant 0 : i32
        %dma_wait3A_286 = tpu.memref_slice %arg3[%run_scoped3A_123, %add3A_122, %dma_wait3A_285] : memref<2x2560x128xi32, #tpu.memory_space<hbm>> -> memref<1x8x128xi32, #tpu.memory_space<hbm>>
        %dma_wait3A_287 = tpu.memref_squeeze %dma_wait3A_286 : memref<1x8x128xi32, #tpu.memory_space<hbm>> -> memref<8x128xi32, #tpu.memory_space<hbm>>
        tpu.wait_dma2 semaphore(%run_scoped3A_275 : memref<!tpu.dma_semaphore, #tpu.memory_space<semaphore_mem>>) src(%dma_wait3A_287 : memref<8x128xi32, #tpu.memory_space<hbm>>) dst(%arg6 : memref<8x128xi32, #tpu.memory_space<vmem>>)
        tpu.yield
      }) : () -> ()
      %dma_wait3A = arith.constant 0 : i32
      %dma_wait3A_124 = arith.constant 0 : i32
      %dma_wait3A_125 = arith.constant 0 : i32
      %dma_wait3A_126 = arith.constant 0 : i32
      %dma_wait3A_127 = tpu.memref_slice %arg7[%dma_wait3A_124, %dma_wait3A_125, %dma_wait3A_126] : memref<8x128x64xf32, #tpu.memory_space<vmem>> -> memref<1x128x64xf32, #tpu.memory_space<vmem>>
      %dma_wait3A_128 = tpu.memref_squeeze %dma_wait3A_127 : memref<1x128x64xf32, #tpu.memory_space<vmem>> -> memref<128x64xf32, #tpu.memory_space<vmem>>
      %dma_wait3A_129 = arith.constant 0 : i32
      %dma_wait3A_130 = tpu.memref_slice %arg5[%rem3A_116, %dma_wait3A, %dma_wait3A_129] : memref<2x8x128xi32, #tpu.memory_space<vmem>> -> memref<1x1x128xi32, #tpu.memory_space<vmem>>
      %dma_wait3A_131 = tpu.memref_squeeze %dma_wait3A_130 : memref<1x1x128xi32, #tpu.memory_space<vmem>> -> memref<128xi32, #tpu.memory_space<vmem>>
      %dma_wait3A_132 = arith.constant 0 : i32
      %dma_wait3A_133 = arith.constant 0 : i32
      %dma_wait3A_134 = tpu.memref_slice %arg2[%dma_wait3A_132, %dma_wait3A_133] : memref<10000x64xf32, #tpu.memory_space<hbm>> -> memref<10000x64xf32, #tpu.memory_space<hbm>>
      tpu.wait_indirect_dma semaphore(%arg9 : memref<!tpu.dma_semaphore, #tpu.memory_space<semaphore_mem>>) src(%dma_wait3A_134 : memref<10000x64xf32, #tpu.memory_space<hbm>>) dst(%dma_wait3A_128 : memref<128x64xf32, #tpu.memory_space<vmem>>)
      %run_scoped3A_135 = arith.constant 0 : i32
      %run_scoped3A_136 = arith.constant 0 : i32
      "tpu.region"() ({
        %run_scoped3A_275 = tpu.sem_alloc : memref<!tpu.dma_semaphore, #tpu.memory_space<semaphore_mem>>
        %dma_start3A_276 = arith.constant 0 : i32
        %dma_start3A_277 = arith.constant 0 : i32
        %dma_start3A_278 = tpu.memref_slice %arg7[%run_scoped3A_135, %dma_start3A_276, %dma_start3A_277] : memref<8x128x64xf32, #tpu.memory_space<vmem>> -> memref<1x128x64xf32, #tpu.memory_space<vmem>>
        %dma_start3A_279 = tpu.memref_squeeze %dma_start3A_278 : memref<1x128x64xf32, #tpu.memory_space<vmem>> -> memref<128x64xf32, #tpu.memory_space<vmem>>
        %dma_start3A_280 = arith.constant 0 : i32
        %dma_start3A_281 = tpu.memref_slice %arg6[%run_scoped3A_136, %dma_start3A_280] : memref<8x128xi32, #tpu.memory_space<vmem>> -> memref<1x128xi32, #tpu.memory_space<vmem>>
        %dma_start3A_282 = tpu.memref_squeeze %dma_start3A_281 : memref<1x128xi32, #tpu.memory_space<vmem>> -> memref<128xi32, #tpu.memory_space<vmem>>
        %dma_start3A_283 = arith.constant 0 : i32
        %dma_start3A_284 = arith.constant 0 : i32
        %dma_start3A_285 = tpu.memref_slice %arg8[%dma_start3A_283, %dma_start3A_284] : memref<10240x64xf32, #tpu.memory_space<vmem_shared>> -> memref<10240x64xf32, #tpu.memory_space<vmem_shared>>
        tpu.enqueue_indirect_dma source(%dma_start3A_279 : memref<128x64xf32, #tpu.memory_space<vmem>>) target(%dma_start3A_285 : memref<10240x64xf32, #tpu.memory_space<vmem_shared>>) offsets(%dma_start3A_282 : memref<128xi32, #tpu.memory_space<vmem>>) semaphore(%run_scoped3A_275 : memref<!tpu.dma_semaphore, #tpu.memory_space<semaphore_mem>>) {add = true}
        %dma_wait3A_286 = arith.constant 0 : i32
        %dma_wait3A_287 = arith.constant 0 : i32
        %dma_wait3A_288 = tpu.memref_slice %arg7[%run_scoped3A_135, %dma_wait3A_286, %dma_wait3A_287] : memref<8x128x64xf32, #tpu.memory_space<vmem>> -> memref<1x128x64xf32, #tpu.memory_space<vmem>>
        %dma_wait3A_289 = tpu.memref_squeeze %dma_wait3A_288 : memref<1x128x64xf32, #tpu.memory_space<vmem>> -> memref<128x64xf32, #tpu.memory_space<vmem>>
        %dma_wait3A_290 = arith.constant 0 : i32
        %dma_wait3A_291 = tpu.memref_slice %arg6[%run_scoped3A_136, %dma_wait3A_290] : memref<8x128xi32, #tpu.memory_space<vmem>> -> memref<1x128xi32, #tpu.memory_space<vmem>>
        %dma_wait3A_292 = tpu.memref_squeeze %dma_wait3A_291 : memref<1x128xi32, #tpu.memory_space<vmem>> -> memref<128xi32, #tpu.memory_space<vmem>>
        %dma_wait3A_293 = arith.constant 0 : i32
        %dma_wait3A_294 = arith.constant 0 : i32
        %dma_wait3A_295 = tpu.memref_slice %arg8[%dma_wait3A_293, %dma_wait3A_294] : memref<10240x64xf32, #tpu.memory_space<vmem_shared>> -> memref<10240x64xf32, #tpu.memory_space<vmem_shared>>
        tpu.wait_indirect_dma semaphore(%run_scoped3A_275 : memref<!tpu.dma_semaphore, #tpu.memory_space<semaphore_mem>>) src(%dma_wait3A_289 : memref<128x64xf32, #tpu.memory_space<vmem>>) dst(%dma_wait3A_295 : memref<10240x64xf32, #tpu.memory_space<vmem_shared>>)
        tpu.yield
      }) : () -> ()
      %lt3A_137 = arith.constant 9 : i32
      %lt3A_138 = arith.cmpi slt, %scan3A_115, %lt3A_137 : i32
      %convert_element_type3A_139 = arith.extui %lt3A_138 : i1 to i32
      %cond3A_140 = arith.constant 0 : i32
      %cond3A_141 = arith.cmpi ne, %convert_element_type3A_139, %cond3A_140 : i32
      scf.if %cond3A_141 {
        %dma_start3A_275 = arith.constant 0 : i32
        %dma_start3A_276 = arith.constant 0 : i32
        %dma_start3A_277 = arith.constant 0 : i32
        %dma_start3A_278 = arith.constant 0 : i32
        %dma_start3A_279 = tpu.memref_slice %arg7[%dma_start3A_276, %dma_start3A_277, %dma_start3A_278] : memref<8x128x64xf32, #tpu.memory_space<vmem>> -> memref<1x128x64xf32, #tpu.memory_space<vmem>>
        %dma_start3A_280 = tpu.memref_squeeze %dma_start3A_279 : memref<1x128x64xf32, #tpu.memory_space<vmem>> -> memref<128x64xf32, #tpu.memory_space<vmem>>
        %dma_start3A_281 = arith.constant 0 : i32
        %dma_start3A_282 = tpu.memref_slice %arg5[%sub3A_117, %dma_start3A_275, %dma_start3A_281] : memref<2x8x128xi32, #tpu.memory_space<vmem>> -> memref<1x1x128xi32, #tpu.memory_space<vmem>>
        %dma_start3A_283 = tpu.memref_squeeze %dma_start3A_282 : memref<1x1x128xi32, #tpu.memory_space<vmem>> -> memref<128xi32, #tpu.memory_space<vmem>>
        %dma_start3A_284 = arith.constant 0 : i32
        %dma_start3A_285 = arith.constant 0 : i32
        %dma_start3A_286 = tpu.memref_slice %arg2[%dma_start3A_284, %dma_start3A_285] : memref<10000x64xf32, #tpu.memory_space<hbm>> -> memref<10000x64xf32, #tpu.memory_space<hbm>>
        tpu.enqueue_indirect_dma source(%dma_start3A_286 : memref<10000x64xf32, #tpu.memory_space<hbm>>) target(%dma_start3A_280 : memref<128x64xf32, #tpu.memory_space<vmem>>) offsets(%dma_start3A_283 : memref<128xi32, #tpu.memory_space<vmem>>) semaphore(%arg9 : memref<!tpu.dma_semaphore, #tpu.memory_space<semaphore_mem>>)
      } else {
      }
      %dma_wait3A_142 = arith.constant 1 : i32
      %dma_wait3A_143 = arith.constant 1 : i32
      %dma_wait3A_144 = arith.constant 0 : i32
      %dma_wait3A_145 = arith.constant 0 : i32
      %dma_wait3A_146 = tpu.memref_slice %arg7[%dma_wait3A_143, %dma_wait3A_144, %dma_wait3A_145] : memref<8x128x64xf32, #tpu.memory_space<vmem>> -> memref<1x128x64xf32, #tpu.memory_space<vmem>>
      %dma_wait3A_147 = tpu.memref_squeeze %dma_wait3A_146 : memref<1x128x64xf32, #tpu.memory_space<vmem>> -> memref<128x64xf32, #tpu.memory_space<vmem>>
      %dma_wait3A_148 = arith.constant 0 : i32
      %dma_wait3A_149 = tpu.memref_slice %arg5[%rem3A_116, %dma_wait3A_142, %dma_wait3A_148] : memref<2x8x128xi32, #tpu.memory_space<vmem>> -> memref<1x1x128xi32, #tpu.memory_space<vmem>>
      %dma_wait3A_150 = tpu.memref_squeeze %dma_wait3A_149 : memref<1x1x128xi32, #tpu.memory_space<vmem>> -> memref<128xi32, #tpu.memory_space<vmem>>
      %dma_wait3A_151 = arith.constant 0 : i32
      %dma_wait3A_152 = arith.constant 0 : i32
      %dma_wait3A_153 = tpu.memref_slice %arg2[%dma_wait3A_151, %dma_wait3A_152] : memref<10000x64xf32, #tpu.memory_space<hbm>> -> memref<10000x64xf32, #tpu.memory_space<hbm>>
      tpu.wait_indirect_dma semaphore(%arg10 : memref<!tpu.dma_semaphore, #tpu.memory_space<semaphore_mem>>) src(%dma_wait3A_153 : memref<10000x64xf32, #tpu.memory_space<hbm>>) dst(%dma_wait3A_147 : memref<128x64xf32, #tpu.memory_space<vmem>>)
      %run_scoped3A_154 = arith.constant 1 : i32
      %run_scoped3A_155 = arith.constant 1 : i32
      "tpu.region"() ({
        %run_scoped3A_275 = tpu.sem_alloc : memref<!tpu.dma_semaphore, #tpu.memory_space<semaphore_mem>>
        %dma_start3A_276 = arith.constant 0 : i32
        %dma_start3A_277 = arith.constant 0 : i32
        %dma_start3A_278 = tpu.memref_slice %arg7[%run_scoped3A_154, %dma_start3A_276, %dma_start3A_277] : memref<8x128x64xf32, #tpu.memory_space<vmem>> -> memref<1x128x64xf32, #tpu.memory_space<vmem>>
        %dma_start3A_279 = tpu.memref_squeeze %dma_start3A_278 : memref<1x128x64xf32, #tpu.memory_space<vmem>> -> memref<128x64xf32, #tpu.memory_space<vmem>>
        %dma_start3A_280 = arith.constant 0 : i32
        %dma_start3A_281 = tpu.memref_slice %arg6[%run_scoped3A_155, %dma_start3A_280] : memref<8x128xi32, #tpu.memory_space<vmem>> -> memref<1x128xi32, #tpu.memory_space<vmem>>
        %dma_start3A_282 = tpu.memref_squeeze %dma_start3A_281 : memref<1x128xi32, #tpu.memory_space<vmem>> -> memref<128xi32, #tpu.memory_space<vmem>>
        %dma_start3A_283 = arith.constant 0 : i32
        %dma_start3A_284 = arith.constant 0 : i32
        %dma_start3A_285 = tpu.memref_slice %arg8[%dma_start3A_283, %dma_start3A_284] : memref<10240x64xf32, #tpu.memory_space<vmem_shared>> -> memref<10240x64xf32, #tpu.memory_space<vmem_shared>>
        tpu.enqueue_indirect_dma source(%dma_start3A_279 : memref<128x64xf32, #tpu.memory_space<vmem>>) target(%dma_start3A_285 : memref<10240x64xf32, #tpu.memory_space<vmem_shared>>) offsets(%dma_start3A_282 : memref<128xi32, #tpu.memory_space<vmem>>) semaphore(%run_scoped3A_275 : memref<!tpu.dma_semaphore, #tpu.memory_space<semaphore_mem>>) {add = true}
        %dma_wait3A_286 = arith.constant 0 : i32
        %dma_wait3A_287 = arith.constant 0 : i32
        %dma_wait3A_288 = tpu.memref_slice %arg7[%run_scoped3A_154, %dma_wait3A_286, %dma_wait3A_287] : memref<8x128x64xf32, #tpu.memory_space<vmem>> -> memref<1x128x64xf32, #tpu.memory_space<vmem>>
        %dma_wait3A_289 = tpu.memref_squeeze %dma_wait3A_288 : memref<1x128x64xf32, #tpu.memory_space<vmem>> -> memref<128x64xf32, #tpu.memory_space<vmem>>
        %dma_wait3A_290 = arith.constant 0 : i32
        %dma_wait3A_291 = tpu.memref_slice %arg6[%run_scoped3A_155, %dma_wait3A_290] : memref<8x128xi32, #tpu.memory_space<vmem>> -> memref<1x128xi32, #tpu.memory_space<vmem>>
        %dma_wait3A_292 = tpu.memref_squeeze %dma_wait3A_291 : memref<1x128xi32, #tpu.memory_space<vmem>> -> memref<128xi32, #tpu.memory_space<vmem>>
        %dma_wait3A_293 = arith.constant 0 : i32
        %dma_wait3A_294 = arith.constant 0 : i32
        %dma_wait3A_295 = tpu.memref_slice %arg8[%dma_wait3A_293, %dma_wait3A_294] : memref<10240x64xf32, #tpu.memory_space<vmem_shared>> -> memref<10240x64xf32, #tpu.memory_space<vmem_shared>>
        tpu.wait_indirect_dma semaphore(%run_scoped3A_275 : memref<!tpu.dma_semaphore, #tpu.memory_space<semaphore_mem>>) src(%dma_wait3A_289 : memref<128x64xf32, #tpu.memory_space<vmem>>) dst(%dma_wait3A_295 : memref<10240x64xf32, #tpu.memory_space<vmem_shared>>)
        tpu.yield
      }) : () -> ()
      %lt3A_156 = arith.constant 9 : i32
      %lt3A_157 = arith.cmpi slt, %scan3A_115, %lt3A_156 : i32
      %convert_element_type3A_158 = arith.extui %lt3A_157 : i1 to i32
      %cond3A_159 = arith.constant 0 : i32
      %cond3A_160 = arith.cmpi ne, %convert_element_type3A_158, %cond3A_159 : i32
      scf.if %cond3A_160 {
        %dma_start3A_275 = arith.constant 1 : i32
        %dma_start3A_276 = arith.constant 1 : i32
        %dma_start3A_277 = arith.constant 0 : i32
        %dma_start3A_278 = arith.constant 0 : i32
        %dma_start3A_279 = tpu.memref_slice %arg7[%dma_start3A_276, %dma_start3A_277, %dma_start3A_278] : memref<8x128x64xf32, #tpu.memory_space<vmem>> -> memref<1x128x64xf32, #tpu.memory_space<vmem>>
        %dma_start3A_280 = tpu.memref_squeeze %dma_start3A_279 : memref<1x128x64xf32, #tpu.memory_space<vmem>> -> memref<128x64xf32, #tpu.memory_space<vmem>>
        %dma_start3A_281 = arith.constant 0 : i32
        %dma_start3A_282 = tpu.memref_slice %arg5[%sub3A_117, %dma_start3A_275, %dma_start3A_281] : memref<2x8x128xi32, #tpu.memory_space<vmem>> -> memref<1x1x128xi32, #tpu.memory_space<vmem>>
        %dma_start3A_283 = tpu.memref_squeeze %dma_start3A_282 : memref<1x1x128xi32, #tpu.memory_space<vmem>> -> memref<128xi32, #tpu.memory_space<vmem>>
        %dma_start3A_284 = arith.constant 0 : i32
        %dma_start3A_285 = arith.constant 0 : i32
        %dma_start3A_286 = tpu.memref_slice %arg2[%dma_start3A_284, %dma_start3A_285] : memref<10000x64xf32, #tpu.memory_space<hbm>> -> memref<10000x64xf32, #tpu.memory_space<hbm>>
        tpu.enqueue_indirect_dma source(%dma_start3A_286 : memref<10000x64xf32, #tpu.memory_space<hbm>>) target(%dma_start3A_280 : memref<128x64xf32, #tpu.memory_space<vmem>>) offsets(%dma_start3A_283 : memref<128xi32, #tpu.memory_space<vmem>>) semaphore(%arg10 : memref<!tpu.dma_semaphore, #tpu.memory_space<semaphore_mem>>)
      } else {
      }
      %dma_wait3A_161 = arith.constant 2 : i32
      %dma_wait3A_162 = arith.constant 2 : i32
      %dma_wait3A_163 = arith.constant 0 : i32
      %dma_wait3A_164 = arith.constant 0 : i32
      %dma_wait3A_165 = tpu.memref_slice %arg7[%dma_wait3A_162, %dma_wait3A_163, %dma_wait3A_164] : memref<8x128x64xf32, #tpu.memory_space<vmem>> -> memref<1x128x64xf32, #tpu.memory_space<vmem>>
      %dma_wait3A_166 = tpu.memref_squeeze %dma_wait3A_165 : memref<1x128x64xf32, #tpu.memory_space<vmem>> -> memref<128x64xf32, #tpu.memory_space<vmem>>
      %dma_wait3A_167 = arith.constant 0 : i32
      %dma_wait3A_168 = tpu.memref_slice %arg5[%rem3A_116, %dma_wait3A_161, %dma_wait3A_167] : memref<2x8x128xi32, #tpu.memory_space<vmem>> -> memref<1x1x128xi32, #tpu.memory_space<vmem>>
      %dma_wait3A_169 = tpu.memref_squeeze %dma_wait3A_168 : memref<1x1x128xi32, #tpu.memory_space<vmem>> -> memref<128xi32, #tpu.memory_space<vmem>>
      %dma_wait3A_170 = arith.constant 0 : i32
      %dma_wait3A_171 = arith.constant 0 : i32
      %dma_wait3A_172 = tpu.memref_slice %arg2[%dma_wait3A_170, %dma_wait3A_171] : memref<10000x64xf32, #tpu.memory_space<hbm>> -> memref<10000x64xf32, #tpu.memory_space<hbm>>
      tpu.wait_indirect_dma semaphore(%arg11 : memref<!tpu.dma_semaphore, #tpu.memory_space<semaphore_mem>>) src(%dma_wait3A_172 : memref<10000x64xf32, #tpu.memory_space<hbm>>) dst(%dma_wait3A_166 : memref<128x64xf32, #tpu.memory_space<vmem>>)
      %run_scoped3A_173 = arith.constant 2 : i32
      %run_scoped3A_174 = arith.constant 2 : i32
      "tpu.region"() ({
        %run_scoped3A_275 = tpu.sem_alloc : memref<!tpu.dma_semaphore, #tpu.memory_space<semaphore_mem>>
        %dma_start3A_276 = arith.constant 0 : i32
        %dma_start3A_277 = arith.constant 0 : i32
        %dma_start3A_278 = tpu.memref_slice %arg7[%run_scoped3A_173, %dma_start3A_276, %dma_start3A_277] : memref<8x128x64xf32, #tpu.memory_space<vmem>> -> memref<1x128x64xf32, #tpu.memory_space<vmem>>
        %dma_start3A_279 = tpu.memref_squeeze %dma_start3A_278 : memref<1x128x64xf32, #tpu.memory_space<vmem>> -> memref<128x64xf32, #tpu.memory_space<vmem>>
        %dma_start3A_280 = arith.constant 0 : i32
        %dma_start3A_281 = tpu.memref_slice %arg6[%run_scoped3A_174, %dma_start3A_280] : memref<8x128xi32, #tpu.memory_space<vmem>> -> memref<1x128xi32, #tpu.memory_space<vmem>>
        %dma_start3A_282 = tpu.memref_squeeze %dma_start3A_281 : memref<1x128xi32, #tpu.memory_space<vmem>> -> memref<128xi32, #tpu.memory_space<vmem>>
        %dma_start3A_283 = arith.constant 0 : i32
        %dma_start3A_284 = arith.constant 0 : i32
        %dma_start3A_285 = tpu.memref_slice %arg8[%dma_start3A_283, %dma_start3A_284] : memref<10240x64xf32, #tpu.memory_space<vmem_shared>> -> memref<10240x64xf32, #tpu.memory_space<vmem_shared>>
        tpu.enqueue_indirect_dma source(%dma_start3A_279 : memref<128x64xf32, #tpu.memory_space<vmem>>) target(%dma_start3A_285 : memref<10240x64xf32, #tpu.memory_space<vmem_shared>>) offsets(%dma_start3A_282 : memref<128xi32, #tpu.memory_space<vmem>>) semaphore(%run_scoped3A_275 : memref<!tpu.dma_semaphore, #tpu.memory_space<semaphore_mem>>) {add = true}
        %dma_wait3A_286 = arith.constant 0 : i32
        %dma_wait3A_287 = arith.constant 0 : i32
        %dma_wait3A_288 = tpu.memref_slice %arg7[%run_scoped3A_173, %dma_wait3A_286, %dma_wait3A_287] : memref<8x128x64xf32, #tpu.memory_space<vmem>> -> memref<1x128x64xf32, #tpu.memory_space<vmem>>
        %dma_wait3A_289 = tpu.memref_squeeze %dma_wait3A_288 : memref<1x128x64xf32, #tpu.memory_space<vmem>> -> memref<128x64xf32, #tpu.memory_space<vmem>>
        %dma_wait3A_290 = arith.constant 0 : i32
        %dma_wait3A_291 = tpu.memref_slice %arg6[%run_scoped3A_174, %dma_wait3A_290] : memref<8x128xi32, #tpu.memory_space<vmem>> -> memref<1x128xi32, #tpu.memory_space<vmem>>
        %dma_wait3A_292 = tpu.memref_squeeze %dma_wait3A_291 : memref<1x128xi32, #tpu.memory_space<vmem>> -> memref<128xi32, #tpu.memory_space<vmem>>
        %dma_wait3A_293 = arith.constant 0 : i32
        %dma_wait3A_294 = arith.constant 0 : i32
        %dma_wait3A_295 = tpu.memref_slice %arg8[%dma_wait3A_293, %dma_wait3A_294] : memref<10240x64xf32, #tpu.memory_space<vmem_shared>> -> memref<10240x64xf32, #tpu.memory_space<vmem_shared>>
        tpu.wait_indirect_dma semaphore(%run_scoped3A_275 : memref<!tpu.dma_semaphore, #tpu.memory_space<semaphore_mem>>) src(%dma_wait3A_289 : memref<128x64xf32, #tpu.memory_space<vmem>>) dst(%dma_wait3A_295 : memref<10240x64xf32, #tpu.memory_space<vmem_shared>>)
        tpu.yield
      }) : () -> ()
      %lt3A_175 = arith.constant 9 : i32
      %lt3A_176 = arith.cmpi slt, %scan3A_115, %lt3A_175 : i32
      %convert_element_type3A_177 = arith.extui %lt3A_176 : i1 to i32
      %cond3A_178 = arith.constant 0 : i32
      %cond3A_179 = arith.cmpi ne, %convert_element_type3A_177, %cond3A_178 : i32
      scf.if %cond3A_179 {
        %dma_start3A_275 = arith.constant 2 : i32
        %dma_start3A_276 = arith.constant 2 : i32
        %dma_start3A_277 = arith.constant 0 : i32
        %dma_start3A_278 = arith.constant 0 : i32
        %dma_start3A_279 = tpu.memref_slice %arg7[%dma_start3A_276, %dma_start3A_277, %dma_start3A_278] : memref<8x128x64xf32, #tpu.memory_space<vmem>> -> memref<1x128x64xf32, #tpu.memory_space<vmem>>
        %dma_start3A_280 = tpu.memref_squeeze %dma_start3A_279 : memref<1x128x64xf32, #tpu.memory_space<vmem>> -> memref<128x64xf32, #tpu.memory_space<vmem>>
        %dma_start3A_281 = arith.constant 0 : i32
        %dma_start3A_282 = tpu.memref_slice %arg5[%sub3A_117, %dma_start3A_275, %dma_start3A_281] : memref<2x8x128xi32, #tpu.memory_space<vmem>> -> memref<1x1x128xi32, #tpu.memory_space<vmem>>
        %dma_start3A_283 = tpu.memref_squeeze %dma_start3A_282 : memref<1x1x128xi32, #tpu.memory_space<vmem>> -> memref<128xi32, #tpu.memory_space<vmem>>
        %dma_start3A_284 = arith.constant 0 : i32
        %dma_start3A_285 = arith.constant 0 : i32
        %dma_start3A_286 = tpu.memref_slice %arg2[%dma_start3A_284, %dma_start3A_285] : memref<10000x64xf32, #tpu.memory_space<hbm>> -> memref<10000x64xf32, #tpu.memory_space<hbm>>
        tpu.enqueue_indirect_dma source(%dma_start3A_286 : memref<10000x64xf32, #tpu.memory_space<hbm>>) target(%dma_start3A_280 : memref<128x64xf32, #tpu.memory_space<vmem>>) offsets(%dma_start3A_283 : memref<128xi32, #tpu.memory_space<vmem>>) semaphore(%arg11 : memref<!tpu.dma_semaphore, #tpu.memory_space<semaphore_mem>>)
      } else {
      }
      %dma_wait3A_180 = arith.constant 3 : i32
      %dma_wait3A_181 = arith.constant 3 : i32
      %dma_wait3A_182 = arith.constant 0 : i32
      %dma_wait3A_183 = arith.constant 0 : i32
      %dma_wait3A_184 = tpu.memref_slice %arg7[%dma_wait3A_181, %dma_wait3A_182, %dma_wait3A_183] : memref<8x128x64xf32, #tpu.memory_space<vmem>> -> memref<1x128x64xf32, #tpu.memory_space<vmem>>
      %dma_wait3A_185 = tpu.memref_squeeze %dma_wait3A_184 : memref<1x128x64xf32, #tpu.memory_space<vmem>> -> memref<128x64xf32, #tpu.memory_space<vmem>>
      %dma_wait3A_186 = arith.constant 0 : i32
      %dma_wait3A_187 = tpu.memref_slice %arg5[%rem3A_116, %dma_wait3A_180, %dma_wait3A_186] : memref<2x8x128xi32, #tpu.memory_space<vmem>> -> memref<1x1x128xi32, #tpu.memory_space<vmem>>
      %dma_wait3A_188 = tpu.memref_squeeze %dma_wait3A_187 : memref<1x1x128xi32, #tpu.memory_space<vmem>> -> memref<128xi32, #tpu.memory_space<vmem>>
      %dma_wait3A_189 = arith.constant 0 : i32
      %dma_wait3A_190 = arith.constant 0 : i32
      %dma_wait3A_191 = tpu.memref_slice %arg2[%dma_wait3A_189, %dma_wait3A_190] : memref<10000x64xf32, #tpu.memory_space<hbm>> -> memref<10000x64xf32, #tpu.memory_space<hbm>>
      tpu.wait_indirect_dma semaphore(%arg12 : memref<!tpu.dma_semaphore, #tpu.memory_space<semaphore_mem>>) src(%dma_wait3A_191 : memref<10000x64xf32, #tpu.memory_space<hbm>>) dst(%dma_wait3A_185 : memref<128x64xf32, #tpu.memory_space<vmem>>)
      %run_scoped3A_192 = arith.constant 3 : i32
      %run_scoped3A_193 = arith.constant 3 : i32
      "tpu.region"() ({
        %run_scoped3A_275 = tpu.sem_alloc : memref<!tpu.dma_semaphore, #tpu.memory_space<semaphore_mem>>
        %dma_start3A_276 = arith.constant 0 : i32
        %dma_start3A_277 = arith.constant 0 : i32
        %dma_start3A_278 = tpu.memref_slice %arg7[%run_scoped3A_192, %dma_start3A_276, %dma_start3A_277] : memref<8x128x64xf32, #tpu.memory_space<vmem>> -> memref<1x128x64xf32, #tpu.memory_space<vmem>>
        %dma_start3A_279 = tpu.memref_squeeze %dma_start3A_278 : memref<1x128x64xf32, #tpu.memory_space<vmem>> -> memref<128x64xf32, #tpu.memory_space<vmem>>
        %dma_start3A_280 = arith.constant 0 : i32
        %dma_start3A_281 = tpu.memref_slice %arg6[%run_scoped3A_193, %dma_start3A_280] : memref<8x128xi32, #tpu.memory_space<vmem>> -> memref<1x128xi32, #tpu.memory_space<vmem>>
        %dma_start3A_282 = tpu.memref_squeeze %dma_start3A_281 : memref<1x128xi32, #tpu.memory_space<vmem>> -> memref<128xi32, #tpu.memory_space<vmem>>
        %dma_start3A_283 = arith.constant 0 : i32
        %dma_start3A_284 = arith.constant 0 : i32
        %dma_start3A_285 = tpu.memref_slice %arg8[%dma_start3A_283, %dma_start3A_284] : memref<10240x64xf32, #tpu.memory_space<vmem_shared>> -> memref<10240x64xf32, #tpu.memory_space<vmem_shared>>
        tpu.enqueue_indirect_dma source(%dma_start3A_279 : memref<128x64xf32, #tpu.memory_space<vmem>>) target(%dma_start3A_285 : memref<10240x64xf32, #tpu.memory_space<vmem_shared>>) offsets(%dma_start3A_282 : memref<128xi32, #tpu.memory_space<vmem>>) semaphore(%run_scoped3A_275 : memref<!tpu.dma_semaphore, #tpu.memory_space<semaphore_mem>>) {add = true}
        %dma_wait3A_286 = arith.constant 0 : i32
        %dma_wait3A_287 = arith.constant 0 : i32
        %dma_wait3A_288 = tpu.memref_slice %arg7[%run_scoped3A_192, %dma_wait3A_286, %dma_wait3A_287] : memref<8x128x64xf32, #tpu.memory_space<vmem>> -> memref<1x128x64xf32, #tpu.memory_space<vmem>>
        %dma_wait3A_289 = tpu.memref_squeeze %dma_wait3A_288 : memref<1x128x64xf32, #tpu.memory_space<vmem>> -> memref<128x64xf32, #tpu.memory_space<vmem>>
        %dma_wait3A_290 = arith.constant 0 : i32
        %dma_wait3A_291 = tpu.memref_slice %arg6[%run_scoped3A_193, %dma_wait3A_290] : memref<8x128xi32, #tpu.memory_space<vmem>> -> memref<1x128xi32, #tpu.memory_space<vmem>>
        %dma_wait3A_292 = tpu.memref_squeeze %dma_wait3A_291 : memref<1x128xi32, #tpu.memory_space<vmem>> -> memref<128xi32, #tpu.memory_space<vmem>>
        %dma_wait3A_293 = arith.constant 0 : i32
        %dma_wait3A_294 = arith.constant 0 : i32
        %dma_wait3A_295 = tpu.memref_slice %arg8[%dma_wait3A_293, %dma_wait3A_294] : memref<10240x64xf32, #tpu.memory_space<vmem_shared>> -> memref<10240x64xf32, #tpu.memory_space<vmem_shared>>
        tpu.wait_indirect_dma semaphore(%run_scoped3A_275 : memref<!tpu.dma_semaphore, #tpu.memory_space<semaphore_mem>>) src(%dma_wait3A_289 : memref<128x64xf32, #tpu.memory_space<vmem>>) dst(%dma_wait3A_295 : memref<10240x64xf32, #tpu.memory_space<vmem_shared>>)
        tpu.yield
      }) : () -> ()
      %lt3A_194 = arith.constant 9 : i32
      %lt3A_195 = arith.cmpi slt, %scan3A_115, %lt3A_194 : i32
      %convert_element_type3A_196 = arith.extui %lt3A_195 : i1 to i32
      %cond3A_197 = arith.constant 0 : i32
      %cond3A_198 = arith.cmpi ne, %convert_element_type3A_196, %cond3A_197 : i32
      scf.if %cond3A_198 {
        %dma_start3A_275 = arith.constant 3 : i32
        %dma_start3A_276 = arith.constant 3 : i32
        %dma_start3A_277 = arith.constant 0 : i32
        %dma_start3A_278 = arith.constant 0 : i32
        %dma_start3A_279 = tpu.memref_slice %arg7[%dma_start3A_276, %dma_start3A_277, %dma_start3A_278] : memref<8x128x64xf32, #tpu.memory_space<vmem>> -> memref<1x128x64xf32, #tpu.memory_space<vmem>>
        %dma_start3A_280 = tpu.memref_squeeze %dma_start3A_279 : memref<1x128x64xf32, #tpu.memory_space<vmem>> -> memref<128x64xf32, #tpu.memory_space<vmem>>
        %dma_start3A_281 = arith.constant 0 : i32
        %dma_start3A_282 = tpu.memref_slice %arg5[%sub3A_117, %dma_start3A_275, %dma_start3A_281] : memref<2x8x128xi32, #tpu.memory_space<vmem>> -> memref<1x1x128xi32, #tpu.memory_space<vmem>>
        %dma_start3A_283 = tpu.memref_squeeze %dma_start3A_282 : memref<1x1x128xi32, #tpu.memory_space<vmem>> -> memref<128xi32, #tpu.memory_space<vmem>>
        %dma_start3A_284 = arith.constant 0 : i32
        %dma_start3A_285 = arith.constant 0 : i32
        %dma_start3A_286 = tpu.memref_slice %arg2[%dma_start3A_284, %dma_start3A_285] : memref<10000x64xf32, #tpu.memory_space<hbm>> -> memref<10000x64xf32, #tpu.memory_space<hbm>>
        tpu.enqueue_indirect_dma source(%dma_start3A_286 : memref<10000x64xf32, #tpu.memory_space<hbm>>) target(%dma_start3A_280 : memref<128x64xf32, #tpu.memory_space<vmem>>) offsets(%dma_start3A_283 : memref<128xi32, #tpu.memory_space<vmem>>) semaphore(%arg12 : memref<!tpu.dma_semaphore, #tpu.memory_space<semaphore_mem>>)
      } else {
      }
      %dma_wait3A_199 = arith.constant 4 : i32
      %dma_wait3A_200 = arith.constant 4 : i32
      %dma_wait3A_201 = arith.constant 0 : i32
      %dma_wait3A_202 = arith.constant 0 : i32
      %dma_wait3A_203 = tpu.memref_slice %arg7[%dma_wait3A_200, %dma_wait3A_201, %dma_wait3A_202] : memref<8x128x64xf32, #tpu.memory_space<vmem>> -> memref<1x128x64xf32, #tpu.memory_space<vmem>>
      %dma_wait3A_204 = tpu.memref_squeeze %dma_wait3A_203 : memref<1x128x64xf32, #tpu.memory_space<vmem>> -> memref<128x64xf32, #tpu.memory_space<vmem>>
      %dma_wait3A_205 = arith.constant 0 : i32
      %dma_wait3A_206 = tpu.memref_slice %arg5[%rem3A_116, %dma_wait3A_199, %dma_wait3A_205] : memref<2x8x128xi32, #tpu.memory_space<vmem>> -> memref<1x1x128xi32, #tpu.memory_space<vmem>>
      %dma_wait3A_207 = tpu.memref_squeeze %dma_wait3A_206 : memref<1x1x128xi32, #tpu.memory_space<vmem>> -> memref<128xi32, #tpu.memory_space<vmem>>
      %dma_wait3A_208 = arith.constant 0 : i32
      %dma_wait3A_209 = arith.constant 0 : i32
      %dma_wait3A_210 = tpu.memref_slice %arg2[%dma_wait3A_208, %dma_wait3A_209] : memref<10000x64xf32, #tpu.memory_space<hbm>> -> memref<10000x64xf32, #tpu.memory_space<hbm>>
      tpu.wait_indirect_dma semaphore(%arg13 : memref<!tpu.dma_semaphore, #tpu.memory_space<semaphore_mem>>) src(%dma_wait3A_210 : memref<10000x64xf32, #tpu.memory_space<hbm>>) dst(%dma_wait3A_204 : memref<128x64xf32, #tpu.memory_space<vmem>>)
      %run_scoped3A_211 = arith.constant 4 : i32
      %run_scoped3A_212 = arith.constant 4 : i32
      "tpu.region"() ({
        %run_scoped3A_275 = tpu.sem_alloc : memref<!tpu.dma_semaphore, #tpu.memory_space<semaphore_mem>>
        %dma_start3A_276 = arith.constant 0 : i32
        %dma_start3A_277 = arith.constant 0 : i32
        %dma_start3A_278 = tpu.memref_slice %arg7[%run_scoped3A_211, %dma_start3A_276, %dma_start3A_277] : memref<8x128x64xf32, #tpu.memory_space<vmem>> -> memref<1x128x64xf32, #tpu.memory_space<vmem>>
        %dma_start3A_279 = tpu.memref_squeeze %dma_start3A_278 : memref<1x128x64xf32, #tpu.memory_space<vmem>> -> memref<128x64xf32, #tpu.memory_space<vmem>>
        %dma_start3A_280 = arith.constant 0 : i32
        %dma_start3A_281 = tpu.memref_slice %arg6[%run_scoped3A_212, %dma_start3A_280] : memref<8x128xi32, #tpu.memory_space<vmem>> -> memref<1x128xi32, #tpu.memory_space<vmem>>
        %dma_start3A_282 = tpu.memref_squeeze %dma_start3A_281 : memref<1x128xi32, #tpu.memory_space<vmem>> -> memref<128xi32, #tpu.memory_space<vmem>>
        %dma_start3A_283 = arith.constant 0 : i32
        %dma_start3A_284 = arith.constant 0 : i32
        %dma_start3A_285 = tpu.memref_slice %arg8[%dma_start3A_283, %dma_start3A_284] : memref<10240x64xf32, #tpu.memory_space<vmem_shared>> -> memref<10240x64xf32, #tpu.memory_space<vmem_shared>>
        tpu.enqueue_indirect_dma source(%dma_start3A_279 : memref<128x64xf32, #tpu.memory_space<vmem>>) target(%dma_start3A_285 : memref<10240x64xf32, #tpu.memory_space<vmem_shared>>) offsets(%dma_start3A_282 : memref<128xi32, #tpu.memory_space<vmem>>) semaphore(%run_scoped3A_275 : memref<!tpu.dma_semaphore, #tpu.memory_space<semaphore_mem>>) {add = true}
        %dma_wait3A_286 = arith.constant 0 : i32
        %dma_wait3A_287 = arith.constant 0 : i32
        %dma_wait3A_288 = tpu.memref_slice %arg7[%run_scoped3A_211, %dma_wait3A_286, %dma_wait3A_287] : memref<8x128x64xf32, #tpu.memory_space<vmem>> -> memref<1x128x64xf32, #tpu.memory_space<vmem>>
        %dma_wait3A_289 = tpu.memref_squeeze %dma_wait3A_288 : memref<1x128x64xf32, #tpu.memory_space<vmem>> -> memref<128x64xf32, #tpu.memory_space<vmem>>
        %dma_wait3A_290 = arith.constant 0 : i32
        %dma_wait3A_291 = tpu.memref_slice %arg6[%run_scoped3A_212, %dma_wait3A_290] : memref<8x128xi32, #tpu.memory_space<vmem>> -> memref<1x128xi32, #tpu.memory_space<vmem>>
        %dma_wait3A_292 = tpu.memref_squeeze %dma_wait3A_291 : memref<1x128xi32, #tpu.memory_space<vmem>> -> memref<128xi32, #tpu.memory_space<vmem>>
        %dma_wait3A_293 = arith.constant 0 : i32
        %dma_wait3A_294 = arith.constant 0 : i32
        %dma_wait3A_295 = tpu.memref_slice %arg8[%dma_wait3A_293, %dma_wait3A_294] : memref<10240x64xf32, #tpu.memory_space<vmem_shared>> -> memref<10240x64xf32, #tpu.memory_space<vmem_shared>>
        tpu.wait_indirect_dma semaphore(%run_scoped3A_275 : memref<!tpu.dma_semaphore, #tpu.memory_space<semaphore_mem>>) src(%dma_wait3A_289 : memref<128x64xf32, #tpu.memory_space<vmem>>) dst(%dma_wait3A_295 : memref<10240x64xf32, #tpu.memory_space<vmem_shared>>)
        tpu.yield
      }) : () -> ()
      %lt3A_213 = arith.constant 9 : i32
      %lt3A_214 = arith.cmpi slt, %scan3A_115, %lt3A_213 : i32
      %convert_element_type3A_215 = arith.extui %lt3A_214 : i1 to i32
      %cond3A_216 = arith.constant 0 : i32
      %cond3A_217 = arith.cmpi ne, %convert_element_type3A_215, %cond3A_216 : i32
      scf.if %cond3A_217 {
        %dma_start3A_275 = arith.constant 4 : i32
        %dma_start3A_276 = arith.constant 4 : i32
        %dma_start3A_277 = arith.constant 0 : i32
        %dma_start3A_278 = arith.constant 0 : i32
        %dma_start3A_279 = tpu.memref_slice %arg7[%dma_start3A_276, %dma_start3A_277, %dma_start3A_278] : memref<8x128x64xf32, #tpu.memory_space<vmem>> -> memref<1x128x64xf32, #tpu.memory_space<vmem>>
        %dma_start3A_280 = tpu.memref_squeeze %dma_start3A_279 : memref<1x128x64xf32, #tpu.memory_space<vmem>> -> memref<128x64xf32, #tpu.memory_space<vmem>>
        %dma_start3A_281 = arith.constant 0 : i32
        %dma_start3A_282 = tpu.memref_slice %arg5[%sub3A_117, %dma_start3A_275, %dma_start3A_281] : memref<2x8x128xi32, #tpu.memory_space<vmem>> -> memref<1x1x128xi32, #tpu.memory_space<vmem>>
        %dma_start3A_283 = tpu.memref_squeeze %dma_start3A_282 : memref<1x1x128xi32, #tpu.memory_space<vmem>> -> memref<128xi32, #tpu.memory_space<vmem>>
        %dma_start3A_284 = arith.constant 0 : i32
        %dma_start3A_285 = arith.constant 0 : i32
        %dma_start3A_286 = tpu.memref_slice %arg2[%dma_start3A_284, %dma_start3A_285] : memref<10000x64xf32, #tpu.memory_space<hbm>> -> memref<10000x64xf32, #tpu.memory_space<hbm>>
        tpu.enqueue_indirect_dma source(%dma_start3A_286 : memref<10000x64xf32, #tpu.memory_space<hbm>>) target(%dma_start3A_280 : memref<128x64xf32, #tpu.memory_space<vmem>>) offsets(%dma_start3A_283 : memref<128xi32, #tpu.memory_space<vmem>>) semaphore(%arg13 : memref<!tpu.dma_semaphore, #tpu.memory_space<semaphore_mem>>)
      } else {
      }
      %dma_wait3A_218 = arith.constant 5 : i32
      %dma_wait3A_219 = arith.constant 5 : i32
      %dma_wait3A_220 = arith.constant 0 : i32
      %dma_wait3A_221 = arith.constant 0 : i32
      %dma_wait3A_222 = tpu.memref_slice %arg7[%dma_wait3A_219, %dma_wait3A_220, %dma_wait3A_221] : memref<8x128x64xf32, #tpu.memory_space<vmem>> -> memref<1x128x64xf32, #tpu.memory_space<vmem>>
      %dma_wait3A_223 = tpu.memref_squeeze %dma_wait3A_222 : memref<1x128x64xf32, #tpu.memory_space<vmem>> -> memref<128x64xf32, #tpu.memory_space<vmem>>
      %dma_wait3A_224 = arith.constant 0 : i32
      %dma_wait3A_225 = tpu.memref_slice %arg5[%rem3A_116, %dma_wait3A_218, %dma_wait3A_224] : memref<2x8x128xi32, #tpu.memory_space<vmem>> -> memref<1x1x128xi32, #tpu.memory_space<vmem>>
      %dma_wait3A_226 = tpu.memref_squeeze %dma_wait3A_225 : memref<1x1x128xi32, #tpu.memory_space<vmem>> -> memref<128xi32, #tpu.memory_space<vmem>>
      %dma_wait3A_227 = arith.constant 0 : i32
      %dma_wait3A_228 = arith.constant 0 : i32
      %dma_wait3A_229 = tpu.memref_slice %arg2[%dma_wait3A_227, %dma_wait3A_228] : memref<10000x64xf32, #tpu.memory_space<hbm>> -> memref<10000x64xf32, #tpu.memory_space<hbm>>
      tpu.wait_indirect_dma semaphore(%arg14 : memref<!tpu.dma_semaphore, #tpu.memory_space<semaphore_mem>>) src(%dma_wait3A_229 : memref<10000x64xf32, #tpu.memory_space<hbm>>) dst(%dma_wait3A_223 : memref<128x64xf32, #tpu.memory_space<vmem>>)
      %run_scoped3A_230 = arith.constant 5 : i32
      %run_scoped3A_231 = arith.constant 5 : i32
      "tpu.region"() ({
        %run_scoped3A_275 = tpu.sem_alloc : memref<!tpu.dma_semaphore, #tpu.memory_space<semaphore_mem>>
        %dma_start3A_276 = arith.constant 0 : i32
        %dma_start3A_277 = arith.constant 0 : i32
        %dma_start3A_278 = tpu.memref_slice %arg7[%run_scoped3A_230, %dma_start3A_276, %dma_start3A_277] : memref<8x128x64xf32, #tpu.memory_space<vmem>> -> memref<1x128x64xf32, #tpu.memory_space<vmem>>
        %dma_start3A_279 = tpu.memref_squeeze %dma_start3A_278 : memref<1x128x64xf32, #tpu.memory_space<vmem>> -> memref<128x64xf32, #tpu.memory_space<vmem>>
        %dma_start3A_280 = arith.constant 0 : i32
        %dma_start3A_281 = tpu.memref_slice %arg6[%run_scoped3A_231, %dma_start3A_280] : memref<8x128xi32, #tpu.memory_space<vmem>> -> memref<1x128xi32, #tpu.memory_space<vmem>>
        %dma_start3A_282 = tpu.memref_squeeze %dma_start3A_281 : memref<1x128xi32, #tpu.memory_space<vmem>> -> memref<128xi32, #tpu.memory_space<vmem>>
        %dma_start3A_283 = arith.constant 0 : i32
        %dma_start3A_284 = arith.constant 0 : i32
        %dma_start3A_285 = tpu.memref_slice %arg8[%dma_start3A_283, %dma_start3A_284] : memref<10240x64xf32, #tpu.memory_space<vmem_shared>> -> memref<10240x64xf32, #tpu.memory_space<vmem_shared>>
        tpu.enqueue_indirect_dma source(%dma_start3A_279 : memref<128x64xf32, #tpu.memory_space<vmem>>) target(%dma_start3A_285 : memref<10240x64xf32, #tpu.memory_space<vmem_shared>>) offsets(%dma_start3A_282 : memref<128xi32, #tpu.memory_space<vmem>>) semaphore(%run_scoped3A_275 : memref<!tpu.dma_semaphore, #tpu.memory_space<semaphore_mem>>) {add = true}
        %dma_wait3A_286 = arith.constant 0 : i32
        %dma_wait3A_287 = arith.constant 0 : i32
        %dma_wait3A_288 = tpu.memref_slice %arg7[%run_scoped3A_230, %dma_wait3A_286, %dma_wait3A_287] : memref<8x128x64xf32, #tpu.memory_space<vmem>> -> memref<1x128x64xf32, #tpu.memory_space<vmem>>
        %dma_wait3A_289 = tpu.memref_squeeze %dma_wait3A_288 : memref<1x128x64xf32, #tpu.memory_space<vmem>> -> memref<128x64xf32, #tpu.memory_space<vmem>>
        %dma_wait3A_290 = arith.constant 0 : i32
        %dma_wait3A_291 = tpu.memref_slice %arg6[%run_scoped3A_231, %dma_wait3A_290] : memref<8x128xi32, #tpu.memory_space<vmem>> -> memref<1x128xi32, #tpu.memory_space<vmem>>
        %dma_wait3A_292 = tpu.memref_squeeze %dma_wait3A_291 : memref<1x128xi32, #tpu.memory_space<vmem>> -> memref<128xi32, #tpu.memory_space<vmem>>
        %dma_wait3A_293 = arith.constant 0 : i32
        %dma_wait3A_294 = arith.constant 0 : i32
        %dma_wait3A_295 = tpu.memref_slice %arg8[%dma_wait3A_293, %dma_wait3A_294] : memref<10240x64xf32, #tpu.memory_space<vmem_shared>> -> memref<10240x64xf32, #tpu.memory_space<vmem_shared>>
        tpu.wait_indirect_dma semaphore(%run_scoped3A_275 : memref<!tpu.dma_semaphore, #tpu.memory_space<semaphore_mem>>) src(%dma_wait3A_289 : memref<128x64xf32, #tpu.memory_space<vmem>>) dst(%dma_wait3A_295 : memref<10240x64xf32, #tpu.memory_space<vmem_shared>>)
        tpu.yield
      }) : () -> ()
      %lt3A_232 = arith.constant 9 : i32
      %lt3A_233 = arith.cmpi slt, %scan3A_115, %lt3A_232 : i32
      %convert_element_type3A_234 = arith.extui %lt3A_233 : i1 to i32
      %cond3A_235 = arith.constant 0 : i32
      %cond3A_236 = arith.cmpi ne, %convert_element_type3A_234, %cond3A_235 : i32
      scf.if %cond3A_236 {
        %dma_start3A_275 = arith.constant 5 : i32
        %dma_start3A_276 = arith.constant 5 : i32
        %dma_start3A_277 = arith.constant 0 : i32
        %dma_start3A_278 = arith.constant 0 : i32
        %dma_start3A_279 = tpu.memref_slice %arg7[%dma_start3A_276, %dma_start3A_277, %dma_start3A_278] : memref<8x128x64xf32, #tpu.memory_space<vmem>> -> memref<1x128x64xf32, #tpu.memory_space<vmem>>
        %dma_start3A_280 = tpu.memref_squeeze %dma_start3A_279 : memref<1x128x64xf32, #tpu.memory_space<vmem>> -> memref<128x64xf32, #tpu.memory_space<vmem>>
        %dma_start3A_281 = arith.constant 0 : i32
        %dma_start3A_282 = tpu.memref_slice %arg5[%sub3A_117, %dma_start3A_275, %dma_start3A_281] : memref<2x8x128xi32, #tpu.memory_space<vmem>> -> memref<1x1x128xi32, #tpu.memory_space<vmem>>
        %dma_start3A_283 = tpu.memref_squeeze %dma_start3A_282 : memref<1x1x128xi32, #tpu.memory_space<vmem>> -> memref<128xi32, #tpu.memory_space<vmem>>
        %dma_start3A_284 = arith.constant 0 : i32
        %dma_start3A_285 = arith.constant 0 : i32
        %dma_start3A_286 = tpu.memref_slice %arg2[%dma_start3A_284, %dma_start3A_285] : memref<10000x64xf32, #tpu.memory_space<hbm>> -> memref<10000x64xf32, #tpu.memory_space<hbm>>
        tpu.enqueue_indirect_dma source(%dma_start3A_286 : memref<10000x64xf32, #tpu.memory_space<hbm>>) target(%dma_start3A_280 : memref<128x64xf32, #tpu.memory_space<vmem>>) offsets(%dma_start3A_283 : memref<128xi32, #tpu.memory_space<vmem>>) semaphore(%arg14 : memref<!tpu.dma_semaphore, #tpu.memory_space<semaphore_mem>>)
      } else {
      }
      %dma_wait3A_237 = arith.constant 6 : i32
      %dma_wait3A_238 = arith.constant 6 : i32
      %dma_wait3A_239 = arith.constant 0 : i32
      %dma_wait3A_240 = arith.constant 0 : i32
      %dma_wait3A_241 = tpu.memref_slice %arg7[%dma_wait3A_238, %dma_wait3A_239, %dma_wait3A_240] : memref<8x128x64xf32, #tpu.memory_space<vmem>> -> memref<1x128x64xf32, #tpu.memory_space<vmem>>
      %dma_wait3A_242 = tpu.memref_squeeze %dma_wait3A_241 : memref<1x128x64xf32, #tpu.memory_space<vmem>> -> memref<128x64xf32, #tpu.memory_space<vmem>>
      %dma_wait3A_243 = arith.constant 0 : i32
      %dma_wait3A_244 = tpu.memref_slice %arg5[%rem3A_116, %dma_wait3A_237, %dma_wait3A_243] : memref<2x8x128xi32, #tpu.memory_space<vmem>> -> memref<1x1x128xi32, #tpu.memory_space<vmem>>
      %dma_wait3A_245 = tpu.memref_squeeze %dma_wait3A_244 : memref<1x1x128xi32, #tpu.memory_space<vmem>> -> memref<128xi32, #tpu.memory_space<vmem>>
      %dma_wait3A_246 = arith.constant 0 : i32
      %dma_wait3A_247 = arith.constant 0 : i32
      %dma_wait3A_248 = tpu.memref_slice %arg2[%dma_wait3A_246, %dma_wait3A_247] : memref<10000x64xf32, #tpu.memory_space<hbm>> -> memref<10000x64xf32, #tpu.memory_space<hbm>>
      tpu.wait_indirect_dma semaphore(%arg15 : memref<!tpu.dma_semaphore, #tpu.memory_space<semaphore_mem>>) src(%dma_wait3A_248 : memref<10000x64xf32, #tpu.memory_space<hbm>>) dst(%dma_wait3A_242 : memref<128x64xf32, #tpu.memory_space<vmem>>)
      %run_scoped3A_249 = arith.constant 6 : i32
      %run_scoped3A_250 = arith.constant 6 : i32
      "tpu.region"() ({
        %run_scoped3A_275 = tpu.sem_alloc : memref<!tpu.dma_semaphore, #tpu.memory_space<semaphore_mem>>
        %dma_start3A_276 = arith.constant 0 : i32
        %dma_start3A_277 = arith.constant 0 : i32
        %dma_start3A_278 = tpu.memref_slice %arg7[%run_scoped3A_249, %dma_start3A_276, %dma_start3A_277] : memref<8x128x64xf32, #tpu.memory_space<vmem>> -> memref<1x128x64xf32, #tpu.memory_space<vmem>>
        %dma_start3A_279 = tpu.memref_squeeze %dma_start3A_278 : memref<1x128x64xf32, #tpu.memory_space<vmem>> -> memref<128x64xf32, #tpu.memory_space<vmem>>
        %dma_start3A_280 = arith.constant 0 : i32
        %dma_start3A_281 = tpu.memref_slice %arg6[%run_scoped3A_250, %dma_start3A_280] : memref<8x128xi32, #tpu.memory_space<vmem>> -> memref<1x128xi32, #tpu.memory_space<vmem>>
        %dma_start3A_282 = tpu.memref_squeeze %dma_start3A_281 : memref<1x128xi32, #tpu.memory_space<vmem>> -> memref<128xi32, #tpu.memory_space<vmem>>
        %dma_start3A_283 = arith.constant 0 : i32
        %dma_start3A_284 = arith.constant 0 : i32
        %dma_start3A_285 = tpu.memref_slice %arg8[%dma_start3A_283, %dma_start3A_284] : memref<10240x64xf32, #tpu.memory_space<vmem_shared>> -> memref<10240x64xf32, #tpu.memory_space<vmem_shared>>
        tpu.enqueue_indirect_dma source(%dma_start3A_279 : memref<128x64xf32, #tpu.memory_space<vmem>>) target(%dma_start3A_285 : memref<10240x64xf32, #tpu.memory_space<vmem_shared>>) offsets(%dma_start3A_282 : memref<128xi32, #tpu.memory_space<vmem>>) semaphore(%run_scoped3A_275 : memref<!tpu.dma_semaphore, #tpu.memory_space<semaphore_mem>>) {add = true}
        %dma_wait3A_286 = arith.constant 0 : i32
        %dma_wait3A_287 = arith.constant 0 : i32
        %dma_wait3A_288 = tpu.memref_slice %arg7[%run_scoped3A_249, %dma_wait3A_286, %dma_wait3A_287] : memref<8x128x64xf32, #tpu.memory_space<vmem>> -> memref<1x128x64xf32, #tpu.memory_space<vmem>>
        %dma_wait3A_289 = tpu.memref_squeeze %dma_wait3A_288 : memref<1x128x64xf32, #tpu.memory_space<vmem>> -> memref<128x64xf32, #tpu.memory_space<vmem>>
        %dma_wait3A_290 = arith.constant 0 : i32
        %dma_wait3A_291 = tpu.memref_slice %arg6[%run_scoped3A_250, %dma_wait3A_290] : memref<8x128xi32, #tpu.memory_space<vmem>> -> memref<1x128xi32, #tpu.memory_space<vmem>>
        %dma_wait3A_292 = tpu.memref_squeeze %dma_wait3A_291 : memref<1x128xi32, #tpu.memory_space<vmem>> -> memref<128xi32, #tpu.memory_space<vmem>>
        %dma_wait3A_293 = arith.constant 0 : i32
        %dma_wait3A_294 = arith.constant 0 : i32
        %dma_wait3A_295 = tpu.memref_slice %arg8[%dma_wait3A_293, %dma_wait3A_294] : memref<10240x64xf32, #tpu.memory_space<vmem_shared>> -> memref<10240x64xf32, #tpu.memory_space<vmem_shared>>
        tpu.wait_indirect_dma semaphore(%run_scoped3A_275 : memref<!tpu.dma_semaphore, #tpu.memory_space<semaphore_mem>>) src(%dma_wait3A_289 : memref<128x64xf32, #tpu.memory_space<vmem>>) dst(%dma_wait3A_295 : memref<10240x64xf32, #tpu.memory_space<vmem_shared>>)
        tpu.yield
      }) : () -> ()
      %lt3A_251 = arith.constant 9 : i32
      %lt3A_252 = arith.cmpi slt, %scan3A_115, %lt3A_251 : i32
      %convert_element_type3A_253 = arith.extui %lt3A_252 : i1 to i32
      %cond3A_254 = arith.constant 0 : i32
      %cond3A_255 = arith.cmpi ne, %convert_element_type3A_253, %cond3A_254 : i32
      scf.if %cond3A_255 {
        %dma_start3A_275 = arith.constant 6 : i32
        %dma_start3A_276 = arith.constant 6 : i32
        %dma_start3A_277 = arith.constant 0 : i32
        %dma_start3A_278 = arith.constant 0 : i32
        %dma_start3A_279 = tpu.memref_slice %arg7[%dma_start3A_276, %dma_start3A_277, %dma_start3A_278] : memref<8x128x64xf32, #tpu.memory_space<vmem>> -> memref<1x128x64xf32, #tpu.memory_space<vmem>>
        %dma_start3A_280 = tpu.memref_squeeze %dma_start3A_279 : memref<1x128x64xf32, #tpu.memory_space<vmem>> -> memref<128x64xf32, #tpu.memory_space<vmem>>
        %dma_start3A_281 = arith.constant 0 : i32
        %dma_start3A_282 = tpu.memref_slice %arg5[%sub3A_117, %dma_start3A_275, %dma_start3A_281] : memref<2x8x128xi32, #tpu.memory_space<vmem>> -> memref<1x1x128xi32, #tpu.memory_space<vmem>>
        %dma_start3A_283 = tpu.memref_squeeze %dma_start3A_282 : memref<1x1x128xi32, #tpu.memory_space<vmem>> -> memref<128xi32, #tpu.memory_space<vmem>>
        %dma_start3A_284 = arith.constant 0 : i32
        %dma_start3A_285 = arith.constant 0 : i32
        %dma_start3A_286 = tpu.memref_slice %arg2[%dma_start3A_284, %dma_start3A_285] : memref<10000x64xf32, #tpu.memory_space<hbm>> -> memref<10000x64xf32, #tpu.memory_space<hbm>>
        tpu.enqueue_indirect_dma source(%dma_start3A_286 : memref<10000x64xf32, #tpu.memory_space<hbm>>) target(%dma_start3A_280 : memref<128x64xf32, #tpu.memory_space<vmem>>) offsets(%dma_start3A_283 : memref<128xi32, #tpu.memory_space<vmem>>) semaphore(%arg15 : memref<!tpu.dma_semaphore, #tpu.memory_space<semaphore_mem>>)
      } else {
      }
      %dma_wait3A_256 = arith.constant 7 : i32
      %dma_wait3A_257 = arith.constant 7 : i32
      %dma_wait3A_258 = arith.constant 0 : i32
      %dma_wait3A_259 = arith.constant 0 : i32
      %dma_wait3A_260 = tpu.memref_slice %arg7[%dma_wait3A_257, %dma_wait3A_258, %dma_wait3A_259] : memref<8x128x64xf32, #tpu.memory_space<vmem>> -> memref<1x128x64xf32, #tpu.memory_space<vmem>>
      %dma_wait3A_261 = tpu.memref_squeeze %dma_wait3A_260 : memref<1x128x64xf32, #tpu.memory_space<vmem>> -> memref<128x64xf32, #tpu.memory_space<vmem>>
      %dma_wait3A_262 = arith.constant 0 : i32
      %dma_wait3A_263 = tpu.memref_slice %arg5[%rem3A_116, %dma_wait3A_256, %dma_wait3A_262] : memref<2x8x128xi32, #tpu.memory_space<vmem>> -> memref<1x1x128xi32, #tpu.memory_space<vmem>>
      %dma_wait3A_264 = tpu.memref_squeeze %dma_wait3A_263 : memref<1x1x128xi32, #tpu.memory_space<vmem>> -> memref<128xi32, #tpu.memory_space<vmem>>
      %dma_wait3A_265 = arith.constant 0 : i32
      %dma_wait3A_266 = arith.constant 0 : i32
      %dma_wait3A_267 = tpu.memref_slice %arg2[%dma_wait3A_265, %dma_wait3A_266] : memref<10000x64xf32, #tpu.memory_space<hbm>> -> memref<10000x64xf32, #tpu.memory_space<hbm>>
      tpu.wait_indirect_dma semaphore(%arg16 : memref<!tpu.dma_semaphore, #tpu.memory_space<semaphore_mem>>) src(%dma_wait3A_267 : memref<10000x64xf32, #tpu.memory_space<hbm>>) dst(%dma_wait3A_261 : memref<128x64xf32, #tpu.memory_space<vmem>>)
      %run_scoped3A_268 = arith.constant 7 : i32
      %run_scoped3A_269 = arith.constant 7 : i32
      "tpu.region"() ({
        %run_scoped3A_275 = tpu.sem_alloc : memref<!tpu.dma_semaphore, #tpu.memory_space<semaphore_mem>>
        %dma_start3A_276 = arith.constant 0 : i32
        %dma_start3A_277 = arith.constant 0 : i32
        %dma_start3A_278 = tpu.memref_slice %arg7[%run_scoped3A_268, %dma_start3A_276, %dma_start3A_277] : memref<8x128x64xf32, #tpu.memory_space<vmem>> -> memref<1x128x64xf32, #tpu.memory_space<vmem>>
        %dma_start3A_279 = tpu.memref_squeeze %dma_start3A_278 : memref<1x128x64xf32, #tpu.memory_space<vmem>> -> memref<128x64xf32, #tpu.memory_space<vmem>>
        %dma_start3A_280 = arith.constant 0 : i32
        %dma_start3A_281 = tpu.memref_slice %arg6[%run_scoped3A_269, %dma_start3A_280] : memref<8x128xi32, #tpu.memory_space<vmem>> -> memref<1x128xi32, #tpu.memory_space<vmem>>
        %dma_start3A_282 = tpu.memref_squeeze %dma_start3A_281 : memref<1x128xi32, #tpu.memory_space<vmem>> -> memref<128xi32, #tpu.memory_space<vmem>>
        %dma_start3A_283 = arith.constant 0 : i32
        %dma_start3A_284 = arith.constant 0 : i32
        %dma_start3A_285 = tpu.memref_slice %arg8[%dma_start3A_283, %dma_start3A_284] : memref<10240x64xf32, #tpu.memory_space<vmem_shared>> -> memref<10240x64xf32, #tpu.memory_space<vmem_shared>>
        tpu.enqueue_indirect_dma source(%dma_start3A_279 : memref<128x64xf32, #tpu.memory_space<vmem>>) target(%dma_start3A_285 : memref<10240x64xf32, #tpu.memory_space<vmem_shared>>) offsets(%dma_start3A_282 : memref<128xi32, #tpu.memory_space<vmem>>) semaphore(%run_scoped3A_275 : memref<!tpu.dma_semaphore, #tpu.memory_space<semaphore_mem>>) {add = true}
        %dma_wait3A_286 = arith.constant 0 : i32
        %dma_wait3A_287 = arith.constant 0 : i32
        %dma_wait3A_288 = tpu.memref_slice %arg7[%run_scoped3A_268, %dma_wait3A_286, %dma_wait3A_287] : memref<8x128x64xf32, #tpu.memory_space<vmem>> -> memref<1x128x64xf32, #tpu.memory_space<vmem>>
        %dma_wait3A_289 = tpu.memref_squeeze %dma_wait3A_288 : memref<1x128x64xf32, #tpu.memory_space<vmem>> -> memref<128x64xf32, #tpu.memory_space<vmem>>
        %dma_wait3A_290 = arith.constant 0 : i32
        %dma_wait3A_291 = tpu.memref_slice %arg6[%run_scoped3A_269, %dma_wait3A_290] : memref<8x128xi32, #tpu.memory_space<vmem>> -> memref<1x128xi32, #tpu.memory_space<vmem>>
        %dma_wait3A_292 = tpu.memref_squeeze %dma_wait3A_291 : memref<1x128xi32, #tpu.memory_space<vmem>> -> memref<128xi32, #tpu.memory_space<vmem>>
        %dma_wait3A_293 = arith.constant 0 : i32
        %dma_wait3A_294 = arith.constant 0 : i32
        %dma_wait3A_295 = tpu.memref_slice %arg8[%dma_wait3A_293, %dma_wait3A_294] : memref<10240x64xf32, #tpu.memory_space<vmem_shared>> -> memref<10240x64xf32, #tpu.memory_space<vmem_shared>>
        tpu.wait_indirect_dma semaphore(%run_scoped3A_275 : memref<!tpu.dma_semaphore, #tpu.memory_space<semaphore_mem>>) src(%dma_wait3A_289 : memref<128x64xf32, #tpu.memory_space<vmem>>) dst(%dma_wait3A_295 : memref<10240x64xf32, #tpu.memory_space<vmem_shared>>)
        tpu.yield
      }) : () -> ()
      %lt3A_270 = arith.constant 9 : i32
      %lt3A_271 = arith.cmpi slt, %scan3A_115, %lt3A_270 : i32
      %convert_element_type3A_272 = arith.extui %lt3A_271 : i1 to i32
      %cond3A_273 = arith.constant 0 : i32
      %cond3A_274 = arith.cmpi ne, %convert_element_type3A_272, %cond3A_273 : i32
      scf.if %cond3A_274 {
        %dma_start3A_275 = arith.constant 7 : i32
        %dma_start3A_276 = arith.constant 7 : i32
        %dma_start3A_277 = arith.constant 0 : i32
        %dma_start3A_278 = arith.constant 0 : i32
        %dma_start3A_279 = tpu.memref_slice %arg7[%dma_start3A_276, %dma_start3A_277, %dma_start3A_278] : memref<8x128x64xf32, #tpu.memory_space<vmem>> -> memref<1x128x64xf32, #tpu.memory_space<vmem>>
        %dma_start3A_280 = tpu.memref_squeeze %dma_start3A_279 : memref<1x128x64xf32, #tpu.memory_space<vmem>> -> memref<128x64xf32, #tpu.memory_space<vmem>>
        %dma_start3A_281 = arith.constant 0 : i32
        %dma_start3A_282 = tpu.memref_slice %arg5[%sub3A_117, %dma_start3A_275, %dma_start3A_281] : memref<2x8x128xi32, #tpu.memory_space<vmem>> -> memref<1x1x128xi32, #tpu.memory_space<vmem>>
        %dma_start3A_283 = tpu.memref_squeeze %dma_start3A_282 : memref<1x1x128xi32, #tpu.memory_space<vmem>> -> memref<128xi32, #tpu.memory_space<vmem>>
        %dma_start3A_284 = arith.constant 0 : i32
        %dma_start3A_285 = arith.constant 0 : i32
        %dma_start3A_286 = tpu.memref_slice %arg2[%dma_start3A_284, %dma_start3A_285] : memref<10000x64xf32, #tpu.memory_space<hbm>> -> memref<10000x64xf32, #tpu.memory_space<hbm>>
        tpu.enqueue_indirect_dma source(%dma_start3A_286 : memref<10000x64xf32, #tpu.memory_space<hbm>>) target(%dma_start3A_280 : memref<128x64xf32, #tpu.memory_space<vmem>>) offsets(%dma_start3A_283 : memref<128xi32, #tpu.memory_space<vmem>>) semaphore(%arg16 : memref<!tpu.dma_semaphore, #tpu.memory_space<semaphore_mem>>)
      } else {
      }
    }
    %scan3A_113 = arith.constant 10 : i32
    %barrier3A_114 = arith.constant 0 : index
    tpu.barrier barrier_id(%barrier3A_114)
    "tpu.region"() ({
      %run_scoped3A_115 = tpu.sem_alloc : memref<!tpu.dma_semaphore, #tpu.memory_space<semaphore_mem>>
      %dma_start3A_116 = arith.constant 0 : i32
      %dma_start3A_117 = tpu.memref_slice %arg4[%arg0, %mul3A_2, %dma_start3A_116] : memref<2x10000x64xf32, #tpu.memory_space<hbm>> -> memref<1x625x64xf32, #tpu.memory_space<hbm>>
      %dma_start3A_118 = tpu.memref_squeeze %dma_start3A_117 : memref<1x625x64xf32, #tpu.memory_space<hbm>> -> memref<625x64xf32, #tpu.memory_space<hbm>>
      %dma_start3A_119 = arith.constant 0 : i32
      %dma_start3A_120 = tpu.memref_slice %arg8[%mul3A_2, %dma_start3A_119] : memref<10240x64xf32, #tpu.memory_space<vmem_shared>> -> memref<625x64xf32, #tpu.memory_space<vmem_shared>>
      tpu.enqueue_dma source(%dma_start3A_120 : memref<625x64xf32, #tpu.memory_space<vmem_shared>>) target(%dma_start3A_118 : memref<625x64xf32, #tpu.memory_space<hbm>>) target_semaphore(%run_scoped3A_115 : memref<!tpu.dma_semaphore, #tpu.memory_space<semaphore_mem>>)
      %dma_wait3A = arith.constant 0 : i32
      %dma_wait3A_121 = tpu.memref_slice %arg4[%arg0, %mul3A_2, %dma_wait3A] : memref<2x10000x64xf32, #tpu.memory_space<hbm>> -> memref<1x625x64xf32, #tpu.memory_space<hbm>>
      %dma_wait3A_122 = tpu.memref_squeeze %dma_wait3A_121 : memref<1x625x64xf32, #tpu.memory_space<hbm>> -> memref<625x64xf32, #tpu.memory_space<hbm>>
      %dma_wait3A_123 = arith.constant 0 : i32
      %dma_wait3A_124 = tpu.memref_slice %arg8[%mul3A_2, %dma_wait3A_123] : memref<10240x64xf32, #tpu.memory_space<vmem_shared>> -> memref<625x64xf32, #tpu.memory_space<vmem_shared>>
      tpu.wait_dma2 semaphore(%run_scoped3A_115 : memref<!tpu.dma_semaphore, #tpu.memory_space<semaphore_mem>>) src(%dma_wait3A_124 : memref<625x64xf32, #tpu.memory_space<vmem_shared>>) dst(%dma_wait3A_122 : memref<625x64xf32, #tpu.memory_space<hbm>>)
      tpu.yield
    }) : () -> ()
    return
  }
}

module attributes {stable_mosaic.version = 14 : i64} {
  func.func @_t1_body(%arg0: i32, %arg1: memref<2x2000x16xf32, #tpu.memory_space<vmem>>, %arg2: memref<2000x128xf32, #tpu.memory_space<vmem>>, %arg3: memref<128x128xf32, #tpu.memory_space<vmem>>, %arg4: memref<2000x128xf32, #tpu.memory_space<vmem>>, %arg5: memref<2000x128xf32, #tpu.memory_space<vmem>>) attributes {dimension_semantics = [#tpu.dimension_semantics<arbitrary>], iteration_bounds = array<i64: 5>, scalar_prefetch = 0 : i64, scratch_operands = 0 : i64, tpu.core_type = #tpu.core_type<tc>, window_params = [{transform_indices = @transform_0, window_bounds = array<i64: 2, 2000, 16>}, {transform_indices = @transform_1, window_bounds = array<i64: 2000, 128>}, {pipeline_mode = #tpu.pipeline_mode<synchronous>, transform_indices = @transform_2, window_bounds = array<i64: 128, 128>}, {transform_indices = @transform_3, window_bounds = array<i64: 2000, 128>}, {transform_indices = @transform_4, window_bounds = array<i64: 2000, 128>}]} {
    %get3A = arith.constant 0 : index
    %get3A_0 = arith.constant 0 : index
    %get3A_1 = arith.constant 0 : index
    %get3A_2 = vector.load %arg1[%get3A, %get3A_0, %get3A_1] : memref<2x2000x16xf32, #tpu.memory_space<vmem>>, vector<1x2000x16xf32>
    %get3A_3 = vector.shape_cast %get3A_2 : vector<1x2000x16xf32> to vector<2000x16xf32>
    %get3A_4 = arith.constant 1 : index
    %get3A_5 = arith.constant 0 : index
    %get3A_6 = arith.constant 0 : index
    %get3A_7 = vector.load %arg1[%get3A_4, %get3A_5, %get3A_6] : memref<2x2000x16xf32, #tpu.memory_space<vmem>>, vector<1x2000x16xf32>
    %get3A_8 = vector.shape_cast %get3A_7 : vector<1x2000x16xf32> to vector<2000x16xf32>
    %add3A = arith.addf %get3A_3, %get3A_8 : vector<2000x16xf32>
    %add3A_9 = arith.constant 1.000000e+00 : f32
    %add3A_10 = vector.broadcast %add3A_9 : f32 to vector<2000x16xf32>
    %add3A_11 = arith.addf %add3A, %add3A_10 : vector<2000x16xf32>
    %rsqrt3A = math.rsqrt %add3A_11 : vector<2000x16xf32>
    %slice3A = vector.extract_strided_slice %rsqrt3A {offsets = [0, 0], sizes = [2000, 1], strides = [1, 1]} : vector<2000x16xf32> to vector<2000x1xf32>
    %broadcast_in_dim3A = vector.shape_cast %slice3A : vector<2000x1xf32> to vector<2000x1xf32>
    %broadcast_in_dim3A_12 = vector.broadcast %broadcast_in_dim3A : vector<2000x1xf32> to vector<2000x128xf32>
    %get3A_13 = arith.constant 0 : index
    %get3A_14 = arith.constant 0 : index
    %get3A_15 = vector.load %arg2[%get3A_13, %get3A_14] : memref<2000x128xf32, #tpu.memory_space<vmem>>, vector<2000x128xf32>
    %get3A_16 = arith.constant 0 : index
    %get3A_17 = arith.constant 0 : index
    %get3A_18 = vector.load %arg3[%get3A_16, %get3A_17] : memref<128x128xf32, #tpu.memory_space<vmem>>, vector<128x128xf32>
    %dot_general3A = arith.constant dense<0.000000e+00> : vector<2000x128xf32>
    %dot_general3A_19 = tpu.matmul %get3A_15, %get3A_18, %dot_general3A {dimension_numbers = #tpu.dot_dimension_numbers<[1], [0], [0], [1], [0, 0, 1, 1], [], []>, transpose_lhs_hint = false} : vector<2000x128xf32>, vector<128x128xf32>, vector<2000x128xf32> -> vector<2000x128xf32>
    %mul3A = arith.mulf %dot_general3A_19, %broadcast_in_dim3A_12 : vector<2000x128xf32>
    %swap3A = arith.constant 0 : index
    %swap3A_20 = arith.constant 0 : index
    %swap3A_21 = vector.load %arg4[%swap3A, %swap3A_20] : memref<2000x128xf32, #tpu.memory_space<vmem>>, vector<2000x128xf32>
    tpu.vector_store %arg4[%swap3A, %swap3A_20], %mul3A {strides = array<i32>} : memref<2000x128xf32, #tpu.memory_space<vmem>>, vector<2000x128xf32>,
    %swap3A_22 = arith.constant 0 : index
    %swap3A_23 = arith.constant 0 : index
    %swap3A_24 = vector.load %arg5[%swap3A_22, %swap3A_23] : memref<2000x128xf32, #tpu.memory_space<vmem>>, vector<2000x128xf32>
    tpu.vector_store %arg5[%swap3A_22, %swap3A_23], %broadcast_in_dim3A_12 {strides = array<i32>} : memref<2000x128xf32, #tpu.memory_space<vmem>>, vector<2000x128xf32>,
    return
  }
  func.func @transform_0(%arg0: i32) -> (i32, i32, i32) {
    %c0_i32 = arith.constant 0 : i32
    %c0_i32_0 = arith.constant 0 : i32
    %c0_i32_1 = arith.constant 0 : i32
    return %c0_i32, %arg0, %c0_i32_0 : i32, i32, i32
  }
  func.func @transform_1(%arg0: i32) -> (i32, i32) {
    %c0_i32 = arith.constant 0 : i32
    %c0_i32_0 = arith.constant 0 : i32
    return %arg0, %c0_i32 : i32, i32
  }
  func.func @transform_2(%arg0: i32) -> (i32, i32) {
    %c0_i32 = arith.constant 0 : i32
    %c0_i32_0 = arith.constant 0 : i32
    %c0_i32_1 = arith.constant 0 : i32
    return %c0_i32, %c0_i32_0 : i32, i32
  }
  func.func @transform_3(%arg0: i32) -> (i32, i32) {
    %c0_i32 = arith.constant 0 : i32
    %c0_i32_0 = arith.constant 0 : i32
    return %arg0, %c0_i32 : i32, i32
  }
  func.func @transform_4(%arg0: i32) -> (i32, i32) {
    %c0_i32 = arith.constant 0 : i32
    %c0_i32_0 = arith.constant 0 : i32
    return %arg0, %c0_i32 : i32, i32
  }
}

module attributes {stable_mosaic.version = 14 : i64} {
  func.func @_t_mid_body(%arg0: i32, %arg1: memref<2x2000x128xf32, #tpu.memory_space<vmem>>, %arg2: memref<2000x128xf32, #tpu.memory_space<vmem>>, %arg3: memref<2000x128xf32, #tpu.memory_space<vmem>>, %arg4: memref<1x128xf32, #tpu.memory_space<vmem>>, %arg5: memref<1x128xf32, #tpu.memory_space<vmem>>, %arg6: memref<1x128xf32, #tpu.memory_space<vmem>>, %arg7: memref<128x128xf32, #tpu.memory_space<vmem>>, %arg8: memref<2000x128xf32, #tpu.memory_space<vmem>>) attributes {dimension_semantics = [#tpu.dimension_semantics<arbitrary>], iteration_bounds = array<i64: 5>, scalar_prefetch = 0 : i64, scratch_operands = 0 : i64, tpu.core_type = #tpu.core_type<tc>, window_params = [{transform_indices = @transform_0, window_bounds = array<i64: 2, 2000, 128>}, {transform_indices = @transform_1, window_bounds = array<i64: 2000, 128>}, {transform_indices = @transform_2, window_bounds = array<i64: 2000, 128>}, {pipeline_mode = #tpu.pipeline_mode<synchronous>, transform_indices = @transform_3, window_bounds = array<i64: 1, 128>}, {pipeline_mode = #tpu.pipeline_mode<synchronous>, transform_indices = @transform_4, window_bounds = array<i64: 1, 128>}, {pipeline_mode = #tpu.pipeline_mode<synchronous>, transform_indices = @transform_5, window_bounds = array<i64: 1, 128>}, {pipeline_mode = #tpu.pipeline_mode<synchronous>, transform_indices = @transform_6, window_bounds = array<i64: 128, 128>}, {transform_indices = @transform_7, window_bounds = array<i64: 2000, 128>}]} {
    %get3A = arith.constant 0 : index
    %get3A_0 = arith.constant 0 : index
    %get3A_1 = arith.constant 0 : index
    %get3A_2 = vector.load %arg1[%get3A, %get3A_0, %get3A_1] : memref<2x2000x128xf32, #tpu.memory_space<vmem>>, vector<1x2000x128xf32>
    %get3A_3 = vector.shape_cast %get3A_2 : vector<1x2000x128xf32> to vector<2000x128xf32>
    %get3A_4 = arith.constant 1 : index
    %get3A_5 = arith.constant 0 : index
    %get3A_6 = arith.constant 0 : index
    %get3A_7 = vector.load %arg1[%get3A_4, %get3A_5, %get3A_6] : memref<2x2000x128xf32, #tpu.memory_space<vmem>>, vector<1x2000x128xf32>
    %get3A_8 = vector.shape_cast %get3A_7 : vector<1x2000x128xf32> to vector<2000x128xf32>
    %add3A = arith.addf %get3A_3, %get3A_8 : vector<2000x128xf32>
    %get3A_9 = arith.constant 0 : index
    %get3A_10 = arith.constant 0 : index
    %get3A_11 = vector.load %arg2[%get3A_9, %get3A_10] : memref<2000x128xf32, #tpu.memory_space<vmem>>, vector<2000x128xf32>
    %sub3A = arith.subf %add3A, %get3A_11 : vector<2000x128xf32>
    %get3A_12 = arith.constant 0 : index
    %get3A_13 = arith.constant 0 : index
    %get3A_14 = vector.load %arg3[%get3A_12, %get3A_13] : memref<2000x128xf32, #tpu.memory_space<vmem>>, vector<2000x128xf32>
    %mul3A = arith.mulf %sub3A, %get3A_14 : vector<2000x128xf32>
    %get3A_15 = arith.constant 0 : index
    %get3A_16 = arith.constant 0 : index
    %get3A_17 = vector.load %arg4[%get3A_15, %get3A_16] : memref<1x128xf32, #tpu.memory_space<vmem>>, vector<1x128xf32>
    %add3A_18 = vector.broadcast %get3A_17 : vector<1x128xf32> to vector<2000x128xf32>
    %add3A_19 = arith.addf %mul3A, %add3A_18 : vector<2000x128xf32>
    %reduce_sum3A = arith.constant dense<0.000000e+00> : vector<2000xf32>
    %reduce_sum3A_20 = vector.multi_reduction <add>, %add3A_19, %reduce_sum3A [1] : vector<2000x128xf32> to vector<2000xf32>
    %broadcast_in_dim3A = vector.shape_cast %reduce_sum3A_20 : vector<2000xf32> to vector<2000x1xf32>
    %div3A = arith.constant 1.280000e+02 : f32
    %div3A_21 = vector.broadcast %div3A : f32 to vector<2000x1xf32>
    %div3A_22 = arith.divf %broadcast_in_dim3A, %div3A_21 : vector<2000x1xf32>
    %sub3A_23 = vector.broadcast %div3A_22 : vector<2000x1xf32> to vector<2000x128xf32>
    %sub3A_24 = arith.subf %add3A_19, %sub3A_23 : vector<2000x128xf32>
    %mul3A_25 = arith.mulf %sub3A_24, %sub3A_24 : vector<2000x128xf32>
    %reduce_sum3A_26 = arith.constant dense<0.000000e+00> : vector<2000xf32>
    %reduce_sum3A_27 = vector.multi_reduction <add>, %mul3A_25, %reduce_sum3A_26 [1] : vector<2000x128xf32> to vector<2000xf32>
    %broadcast_in_dim3A_28 = vector.shape_cast %reduce_sum3A_27 : vector<2000xf32> to vector<2000x1xf32>
    %div3A_29 = arith.constant 1.280000e+02 : f32
    %div3A_30 = vector.broadcast %div3A_29 : f32 to vector<2000x1xf32>
    %div3A_31 = arith.divf %broadcast_in_dim3A_28, %div3A_30 : vector<2000x1xf32>
    %add3A_32 = arith.constant 9.99999974E-6 : f32
    %add3A_33 = vector.broadcast %add3A_32 : f32 to vector<2000x1xf32>
    %add3A_34 = arith.addf %div3A_31, %add3A_33 : vector<2000x1xf32>
    %rsqrt3A = math.rsqrt %add3A_34 : vector<2000x1xf32>
    %mul3A_35 = vector.broadcast %rsqrt3A : vector<2000x1xf32> to vector<2000x128xf32>
    %mul3A_36 = arith.mulf %sub3A_24, %mul3A_35 : vector<2000x128xf32>
    %get3A_37 = arith.constant 0 : index
    %get3A_38 = arith.constant 0 : index
    %get3A_39 = vector.load %arg5[%get3A_37, %get3A_38] : memref<1x128xf32, #tpu.memory_space<vmem>>, vector<1x128xf32>
    %mul3A_40 = vector.broadcast %get3A_39 : vector<1x128xf32> to vector<2000x128xf32>
    %mul3A_41 = arith.mulf %mul3A_36, %mul3A_40 : vector<2000x128xf32>
    %get3A_42 = arith.constant 0 : index
    %get3A_43 = arith.constant 0 : index
    %get3A_44 = vector.load %arg6[%get3A_42, %get3A_43] : memref<1x128xf32, #tpu.memory_space<vmem>>, vector<1x128xf32>
    %add3A_45 = vector.broadcast %get3A_44 : vector<1x128xf32> to vector<2000x128xf32>
    %add3A_46 = arith.addf %mul3A_41, %add3A_45 : vector<2000x128xf32>
    %max3A = arith.constant 0.000000e+00 : f32
    %max3A_47 = vector.broadcast %max3A : f32 to vector<2000x128xf32>
    %max3A_48 = arith.maximumf %add3A_46, %max3A_47 : vector<2000x128xf32>
    %get3A_49 = arith.constant 0 : index
    %get3A_50 = arith.constant 0 : index
    %get3A_51 = vector.load %arg7[%get3A_49, %get3A_50] : memref<128x128xf32, #tpu.memory_space<vmem>>, vector<128x128xf32>
    %dot_general3A = arith.constant dense<0.000000e+00> : vector<2000x128xf32>
    %dot_general3A_52 = tpu.matmul %max3A_48, %get3A_51, %dot_general3A {dimension_numbers = #tpu.dot_dimension_numbers<[1], [0], [0], [1], [0, 0, 1, 1], [], []>, transpose_lhs_hint = false} : vector<2000x128xf32>, vector<128x128xf32>, vector<2000x128xf32> -> vector<2000x128xf32>
    %get3A_53 = arith.constant 0 : index
    %get3A_54 = arith.constant 0 : index
    %get3A_55 = vector.load %arg3[%get3A_53, %get3A_54] : memref<2000x128xf32, #tpu.memory_space<vmem>>, vector<2000x1xf32>
    %mul3A_56 = vector.broadcast %get3A_55 : vector<2000x1xf32> to vector<2000x128xf32>
    %mul3A_57 = arith.mulf %dot_general3A_52, %mul3A_56 : vector<2000x128xf32>
    %swap3A = arith.constant 0 : index
    %swap3A_58 = arith.constant 0 : index
    %swap3A_59 = vector.load %arg8[%swap3A, %swap3A_58] : memref<2000x128xf32, #tpu.memory_space<vmem>>, vector<2000x128xf32>
    tpu.vector_store %arg8[%swap3A, %swap3A_58], %mul3A_57 {strides = array<i32>} : memref<2000x128xf32, #tpu.memory_space<vmem>>, vector<2000x128xf32>,
    return
  }
  func.func @transform_0(%arg0: i32) -> (i32, i32, i32) {
    %c0_i32 = arith.constant 0 : i32
    %c0_i32_0 = arith.constant 0 : i32
    %c0_i32_1 = arith.constant 0 : i32
    return %c0_i32, %arg0, %c0_i32_0 : i32, i32, i32
  }
  func.func @transform_1(%arg0: i32) -> (i32, i32) {
    %c0_i32 = arith.constant 0 : i32
    %c0_i32_0 = arith.constant 0 : i32
    return %arg0, %c0_i32 : i32, i32
  }
  func.func @transform_2(%arg0: i32) -> (i32, i32) {
    %c0_i32 = arith.constant 0 : i32
    %c0_i32_0 = arith.constant 0 : i32
    return %arg0, %c0_i32 : i32, i32
  }
  func.func @transform_3(%arg0: i32) -> (i32, i32) {
    %c0_i32 = arith.constant 0 : i32
    %c0_i32_0 = arith.constant 0 : i32
    %c0_i32_1 = arith.constant 0 : i32
    return %c0_i32, %c0_i32_0 : i32, i32
  }
  func.func @transform_4(%arg0: i32) -> (i32, i32) {
    %c0_i32 = arith.constant 0 : i32
    %c0_i32_0 = arith.constant 0 : i32
    %c0_i32_1 = arith.constant 0 : i32
    return %c0_i32, %c0_i32_0 : i32, i32
  }
  func.func @transform_5(%arg0: i32) -> (i32, i32) {
    %c0_i32 = arith.constant 0 : i32
    %c0_i32_0 = arith.constant 0 : i32
    %c0_i32_1 = arith.constant 0 : i32
    return %c0_i32, %c0_i32_0 : i32, i32
  }
  func.func @transform_6(%arg0: i32) -> (i32, i32) {
    %c0_i32 = arith.constant 0 : i32
    %c0_i32_0 = arith.constant 0 : i32
    %c0_i32_1 = arith.constant 0 : i32
    return %c0_i32, %c0_i32_0 : i32, i32
  }
  func.func @transform_7(%arg0: i32) -> (i32, i32) {
    %c0_i32 = arith.constant 0 : i32
    %c0_i32_0 = arith.constant 0 : i32
    return %arg0, %c0_i32 : i32, i32
  }
}

module attributes {stable_mosaic.version = 14 : i64} {
  func.func @_t_mid_body(%arg0: i32, %arg1: memref<2x2000x128xf32, #tpu.memory_space<vmem>>, %arg2: memref<2000x128xf32, #tpu.memory_space<vmem>>, %arg3: memref<2000x128xf32, #tpu.memory_space<vmem>>, %arg4: memref<1x128xf32, #tpu.memory_space<vmem>>, %arg5: memref<1x128xf32, #tpu.memory_space<vmem>>, %arg6: memref<1x128xf32, #tpu.memory_space<vmem>>, %arg7: memref<128x64xf32, #tpu.memory_space<vmem>>, %arg8: memref<2000x64xf32, #tpu.memory_space<vmem>>) attributes {dimension_semantics = [#tpu.dimension_semantics<arbitrary>], iteration_bounds = array<i64: 5>, scalar_prefetch = 0 : i64, scratch_operands = 0 : i64, tpu.core_type = #tpu.core_type<tc>, window_params = [{transform_indices = @transform_0, window_bounds = array<i64: 2, 2000, 128>}, {transform_indices = @transform_1, window_bounds = array<i64: 2000, 128>}, {transform_indices = @transform_2, window_bounds = array<i64: 2000, 128>}, {pipeline_mode = #tpu.pipeline_mode<synchronous>, transform_indices = @transform_3, window_bounds = array<i64: 1, 128>}, {pipeline_mode = #tpu.pipeline_mode<synchronous>, transform_indices = @transform_4, window_bounds = array<i64: 1, 128>}, {pipeline_mode = #tpu.pipeline_mode<synchronous>, transform_indices = @transform_5, window_bounds = array<i64: 1, 128>}, {pipeline_mode = #tpu.pipeline_mode<synchronous>, transform_indices = @transform_6, window_bounds = array<i64: 128, 64>}, {transform_indices = @transform_7, window_bounds = array<i64: 2000, 64>}]} {
    %get3A = arith.constant 0 : index
    %get3A_0 = arith.constant 0 : index
    %get3A_1 = arith.constant 0 : index
    %get3A_2 = vector.load %arg1[%get3A, %get3A_0, %get3A_1] : memref<2x2000x128xf32, #tpu.memory_space<vmem>>, vector<1x2000x128xf32>
    %get3A_3 = vector.shape_cast %get3A_2 : vector<1x2000x128xf32> to vector<2000x128xf32>
    %get3A_4 = arith.constant 1 : index
    %get3A_5 = arith.constant 0 : index
    %get3A_6 = arith.constant 0 : index
    %get3A_7 = vector.load %arg1[%get3A_4, %get3A_5, %get3A_6] : memref<2x2000x128xf32, #tpu.memory_space<vmem>>, vector<1x2000x128xf32>
    %get3A_8 = vector.shape_cast %get3A_7 : vector<1x2000x128xf32> to vector<2000x128xf32>
    %add3A = arith.addf %get3A_3, %get3A_8 : vector<2000x128xf32>
    %get3A_9 = arith.constant 0 : index
    %get3A_10 = arith.constant 0 : index
    %get3A_11 = vector.load %arg2[%get3A_9, %get3A_10] : memref<2000x128xf32, #tpu.memory_space<vmem>>, vector<2000x128xf32>
    %sub3A = arith.subf %add3A, %get3A_11 : vector<2000x128xf32>
    %get3A_12 = arith.constant 0 : index
    %get3A_13 = arith.constant 0 : index
    %get3A_14 = vector.load %arg3[%get3A_12, %get3A_13] : memref<2000x128xf32, #tpu.memory_space<vmem>>, vector<2000x128xf32>
    %mul3A = arith.mulf %sub3A, %get3A_14 : vector<2000x128xf32>
    %get3A_15 = arith.constant 0 : index
    %get3A_16 = arith.constant 0 : index
    %get3A_17 = vector.load %arg4[%get3A_15, %get3A_16] : memref<1x128xf32, #tpu.memory_space<vmem>>, vector<1x128xf32>
    %add3A_18 = vector.broadcast %get3A_17 : vector<1x128xf32> to vector<2000x128xf32>
    %add3A_19 = arith.addf %mul3A, %add3A_18 : vector<2000x128xf32>
    %reduce_sum3A = arith.constant dense<0.000000e+00> : vector<2000xf32>
    %reduce_sum3A_20 = vector.multi_reduction <add>, %add3A_19, %reduce_sum3A [1] : vector<2000x128xf32> to vector<2000xf32>
    %broadcast_in_dim3A = vector.shape_cast %reduce_sum3A_20 : vector<2000xf32> to vector<2000x1xf32>
    %div3A = arith.constant 1.280000e+02 : f32
    %div3A_21 = vector.broadcast %div3A : f32 to vector<2000x1xf32>
    %div3A_22 = arith.divf %broadcast_in_dim3A, %div3A_21 : vector<2000x1xf32>
    %sub3A_23 = vector.broadcast %div3A_22 : vector<2000x1xf32> to vector<2000x128xf32>
    %sub3A_24 = arith.subf %add3A_19, %sub3A_23 : vector<2000x128xf32>
    %mul3A_25 = arith.mulf %sub3A_24, %sub3A_24 : vector<2000x128xf32>
    %reduce_sum3A_26 = arith.constant dense<0.000000e+00> : vector<2000xf32>
    %reduce_sum3A_27 = vector.multi_reduction <add>, %mul3A_25, %reduce_sum3A_26 [1] : vector<2000x128xf32> to vector<2000xf32>
    %broadcast_in_dim3A_28 = vector.shape_cast %reduce_sum3A_27 : vector<2000xf32> to vector<2000x1xf32>
    %div3A_29 = arith.constant 1.280000e+02 : f32
    %div3A_30 = vector.broadcast %div3A_29 : f32 to vector<2000x1xf32>
    %div3A_31 = arith.divf %broadcast_in_dim3A_28, %div3A_30 : vector<2000x1xf32>
    %add3A_32 = arith.constant 9.99999974E-6 : f32
    %add3A_33 = vector.broadcast %add3A_32 : f32 to vector<2000x1xf32>
    %add3A_34 = arith.addf %div3A_31, %add3A_33 : vector<2000x1xf32>
    %rsqrt3A = math.rsqrt %add3A_34 : vector<2000x1xf32>
    %mul3A_35 = vector.broadcast %rsqrt3A : vector<2000x1xf32> to vector<2000x128xf32>
    %mul3A_36 = arith.mulf %sub3A_24, %mul3A_35 : vector<2000x128xf32>
    %get3A_37 = arith.constant 0 : index
    %get3A_38 = arith.constant 0 : index
    %get3A_39 = vector.load %arg5[%get3A_37, %get3A_38] : memref<1x128xf32, #tpu.memory_space<vmem>>, vector<1x128xf32>
    %mul3A_40 = vector.broadcast %get3A_39 : vector<1x128xf32> to vector<2000x128xf32>
    %mul3A_41 = arith.mulf %mul3A_36, %mul3A_40 : vector<2000x128xf32>
    %get3A_42 = arith.constant 0 : index
    %get3A_43 = arith.constant 0 : index
    %get3A_44 = vector.load %arg6[%get3A_42, %get3A_43] : memref<1x128xf32, #tpu.memory_space<vmem>>, vector<1x128xf32>
    %add3A_45 = vector.broadcast %get3A_44 : vector<1x128xf32> to vector<2000x128xf32>
    %add3A_46 = arith.addf %mul3A_41, %add3A_45 : vector<2000x128xf32>
    %max3A = arith.constant 0.000000e+00 : f32
    %max3A_47 = vector.broadcast %max3A : f32 to vector<2000x128xf32>
    %max3A_48 = arith.maximumf %add3A_46, %max3A_47 : vector<2000x128xf32>
    %get3A_49 = arith.constant 0 : index
    %get3A_50 = arith.constant 0 : index
    %get3A_51 = vector.load %arg7[%get3A_49, %get3A_50] : memref<128x64xf32, #tpu.memory_space<vmem>>, vector<128x64xf32>
    %dot_general3A = arith.constant dense<0.000000e+00> : vector<2000x64xf32>
    %dot_general3A_52 = tpu.matmul %max3A_48, %get3A_51, %dot_general3A {dimension_numbers = #tpu.dot_dimension_numbers<[1], [0], [0], [1], [0, 0, 1, 1], [], []>, transpose_lhs_hint = false} : vector<2000x128xf32>, vector<128x64xf32>, vector<2000x64xf32> -> vector<2000x64xf32>
    %get3A_53 = arith.constant 0 : index
    %get3A_54 = arith.constant 0 : index
    %get3A_55 = vector.load %arg3[%get3A_53, %get3A_54] : memref<2000x128xf32, #tpu.memory_space<vmem>>, vector<2000x1xf32>
    %mul3A_56 = vector.broadcast %get3A_55 : vector<2000x1xf32> to vector<2000x64xf32>
    %mul3A_57 = arith.mulf %dot_general3A_52, %mul3A_56 : vector<2000x64xf32>
    %swap3A = arith.constant 0 : index
    %swap3A_58 = arith.constant 0 : index
    %swap3A_59 = vector.load %arg8[%swap3A, %swap3A_58] : memref<2000x64xf32, #tpu.memory_space<vmem>>, vector<2000x64xf32>
    tpu.vector_store %arg8[%swap3A, %swap3A_58], %mul3A_57 {strides = array<i32>} : memref<2000x64xf32, #tpu.memory_space<vmem>>, vector<2000x64xf32>,
    return
  }
  func.func @transform_0(%arg0: i32) -> (i32, i32, i32) {
    %c0_i32 = arith.constant 0 : i32
    %c0_i32_0 = arith.constant 0 : i32
    %c0_i32_1 = arith.constant 0 : i32
    return %c0_i32, %arg0, %c0_i32_0 : i32, i32, i32
  }
  func.func @transform_1(%arg0: i32) -> (i32, i32) {
    %c0_i32 = arith.constant 0 : i32
    %c0_i32_0 = arith.constant 0 : i32
    return %arg0, %c0_i32 : i32, i32
  }
  func.func @transform_2(%arg0: i32) -> (i32, i32) {
    %c0_i32 = arith.constant 0 : i32
    %c0_i32_0 = arith.constant 0 : i32
    return %arg0, %c0_i32 : i32, i32
  }
  func.func @transform_3(%arg0: i32) -> (i32, i32) {
    %c0_i32 = arith.constant 0 : i32
    %c0_i32_0 = arith.constant 0 : i32
    %c0_i32_1 = arith.constant 0 : i32
    return %c0_i32, %c0_i32_0 : i32, i32
  }
  func.func @transform_4(%arg0: i32) -> (i32, i32) {
    %c0_i32 = arith.constant 0 : i32
    %c0_i32_0 = arith.constant 0 : i32
    %c0_i32_1 = arith.constant 0 : i32
    return %c0_i32, %c0_i32_0 : i32, i32
  }
  func.func @transform_5(%arg0: i32) -> (i32, i32) {
    %c0_i32 = arith.constant 0 : i32
    %c0_i32_0 = arith.constant 0 : i32
    %c0_i32_1 = arith.constant 0 : i32
    return %c0_i32, %c0_i32_0 : i32, i32
  }
  func.func @transform_6(%arg0: i32) -> (i32, i32) {
    %c0_i32 = arith.constant 0 : i32
    %c0_i32_0 = arith.constant 0 : i32
    %c0_i32_1 = arith.constant 0 : i32
    return %c0_i32, %c0_i32_0 : i32, i32
  }
  func.func @transform_7(%arg0: i32) -> (i32, i32) {
    %c0_i32 = arith.constant 0 : i32
    %c0_i32_0 = arith.constant 0 : i32
    return %arg0, %c0_i32 : i32, i32
  }
}

module attributes {stable_mosaic.version = 14 : i64} {
  func.func @_t4_body(%arg0: i32, %arg1: memref<2x2000x64xf32, #tpu.memory_space<vmem>>, %arg2: memref<2000x64xf32, #tpu.memory_space<vmem>>, %arg3: memref<2000x128xf32, #tpu.memory_space<vmem>>, %arg4: memref<1x64xf32, #tpu.memory_space<vmem>>, %arg5: memref<2000x64xf32, #tpu.memory_space<vmem>>) attributes {dimension_semantics = [#tpu.dimension_semantics<arbitrary>], iteration_bounds = array<i64: 5>, scalar_prefetch = 0 : i64, scratch_operands = 0 : i64, tpu.core_type = #tpu.core_type<tc>, window_params = [{transform_indices = @transform_0, window_bounds = array<i64: 2, 2000, 64>}, {transform_indices = @transform_1, window_bounds = array<i64: 2000, 64>}, {transform_indices = @transform_2, window_bounds = array<i64: 2000, 128>}, {pipeline_mode = #tpu.pipeline_mode<synchronous>, transform_indices = @transform_3, window_bounds = array<i64: 1, 64>}, {transform_indices = @transform_4, window_bounds = array<i64: 2000, 64>}]} {
    %get3A = arith.constant 0 : index
    %get3A_0 = arith.constant 0 : index
    %get3A_1 = arith.constant 0 : index
    %get3A_2 = vector.load %arg1[%get3A, %get3A_0, %get3A_1] : memref<2x2000x64xf32, #tpu.memory_space<vmem>>, vector<1x2000x64xf32>
    %get3A_3 = vector.shape_cast %get3A_2 : vector<1x2000x64xf32> to vector<2000x64xf32>
    %get3A_4 = arith.constant 1 : index
    %get3A_5 = arith.constant 0 : index
    %get3A_6 = arith.constant 0 : index
    %get3A_7 = vector.load %arg1[%get3A_4, %get3A_5, %get3A_6] : memref<2x2000x64xf32, #tpu.memory_space<vmem>>, vector<1x2000x64xf32>
    %get3A_8 = vector.shape_cast %get3A_7 : vector<1x2000x64xf32> to vector<2000x64xf32>
    %add3A = arith.addf %get3A_3, %get3A_8 : vector<2000x64xf32>
    %get3A_9 = arith.constant 0 : index
    %get3A_10 = arith.constant 0 : index
    %get3A_11 = vector.load %arg2[%get3A_9, %get3A_10] : memref<2000x64xf32, #tpu.memory_space<vmem>>, vector<2000x64xf32>
    %sub3A = arith.subf %add3A, %get3A_11 : vector<2000x64xf32>
    %get3A_12 = arith.constant 0 : index
    %get3A_13 = arith.constant 0 : index
    %get3A_14 = vector.load %arg3[%get3A_12, %get3A_13] : memref<2000x128xf32, #tpu.memory_space<vmem>>, vector<2000x1xf32>
    %mul3A = vector.broadcast %get3A_14 : vector<2000x1xf32> to vector<2000x64xf32>
    %mul3A_15 = arith.mulf %sub3A, %mul3A : vector<2000x64xf32>
    %get3A_16 = arith.constant 0 : index
    %get3A_17 = arith.constant 0 : index
    %get3A_18 = vector.load %arg4[%get3A_16, %get3A_17] : memref<1x64xf32, #tpu.memory_space<vmem>>, vector<1x64xf32>
    %add3A_19 = vector.broadcast %get3A_18 : vector<1x64xf32> to vector<2000x64xf32>
    %add3A_20 = arith.addf %mul3A_15, %add3A_19 : vector<2000x64xf32>
    %swap3A = arith.constant 0 : index
    %swap3A_21 = arith.constant 0 : index
    %swap3A_22 = vector.load %arg5[%swap3A, %swap3A_21] : memref<2000x64xf32, #tpu.memory_space<vmem>>, vector<2000x64xf32>
    tpu.vector_store %arg5[%swap3A, %swap3A_21], %add3A_20 {strides = array<i32>} : memref<2000x64xf32, #tpu.memory_space<vmem>>, vector<2000x64xf32>,
    return
  }
  func.func @transform_0(%arg0: i32) -> (i32, i32, i32) {
    %c0_i32 = arith.constant 0 : i32
    %c0_i32_0 = arith.constant 0 : i32
    %c0_i32_1 = arith.constant 0 : i32
    return %c0_i32, %arg0, %c0_i32_0 : i32, i32, i32
  }
  func.func @transform_1(%arg0: i32) -> (i32, i32) {
    %c0_i32 = arith.constant 0 : i32
    %c0_i32_0 = arith.constant 0 : i32
    return %arg0, %c0_i32 : i32, i32
  }
  func.func @transform_2(%arg0: i32) -> (i32, i32) {
    %c0_i32 = arith.constant 0 : i32
    %c0_i32_0 = arith.constant 0 : i32
    return %arg0, %c0_i32 : i32, i32
  }
  func.func @transform_3(%arg0: i32) -> (i32, i32) {
    %c0_i32 = arith.constant 0 : i32
    %c0_i32_0 = arith.constant 0 : i32
    %c0_i32_1 = arith.constant 0 : i32
    return %c0_i32, %c0_i32_0 : i32, i32
  }
  func.func @transform_4(%arg0: i32) -> (i32, i32) {
    %c0_i32 = arith.constant 0 : i32
    %c0_i32_0 = arith.constant 0 : i32
    return %arg0, %c0_i32 : i32, i32
  }
}

</mosaic_0001>

<sc_bundles>
// kernel: kernel.10.cloned.1.call-start
scs
__scs_entry_jumppad:
0x0: {  	(pc) =	sbr.rel $0x88, $3  }
0x1: {  	(tag) =	ssettag $0x0;
	lr =	simm.s32 $0x1  }
0x2: {  	[smem:$0x3F97] =	sst lr;
	_ =	strace $0xD0000000  }
0x3: {  	_ = 	snop  }
0x4: {  	_ = 	snop  }
0x5: {  	_ = 	snop  }
0x6: {  	_ = 	snop  }
0x7: {  	_ = 	snop  }
__scs_overlays_trampoline_lowered:
0x8: {  	[smem:$0x3FA6] =	sst s0  }
0x9: {  	[smem:$0x3FA7] =	sst s1  }
0xa: {  	[smem:$0x3FA8] =	sst s2  }
0xb: {  	[smem:$0x3FA9] =	sst s3  }
0xc: {  	[smem:$0x3FAA] =	sst s4  }
0xd: {  	[smem:$0x3FAB] =	sst s5  }
0xe: {  	[smem:$0x3FAC] =	sst s6  }
0xf: {  	[smem:$0x3FAD] =	sst s7  }
0x10: {  	[smem:$0x3FAE] =	sst s8  }
0x11: {  	[smem:$0x3FAF] =	sst s9;
	s0 =	simm.s32 @!p0 $0x0  }
0x12: {  	s1 =	sld [smem:$0x3F95];
	s0 =	simm.s32 @p0 $0x1  }
0x13: {  	[smem:$0x3FB0] =	sst s0;
	s0 =	simm.s32 @!p1 $0x0  }
0x14: {  	s2 =	sld [smem:$0x3F94];
	s0 =	simm.s32 @p1 $0x1  }
0x15: {  	[smem:$0x3FB1] =	sst s0;
	s0 =	simm.s32 @!p2 $0x0  }
0x16: {  	s3 =	sld [smem:$0x3FDB];
	s0 =	simm.s32 @p2 $0x1  }
0x17: {  	s4 =	simm.s32 $0x1BF5;
	[smem:$0x3FB3] =	sst s0  }
0x18: {  	s0 =	sld [smem:$0x3F96];
	_ =	swait.ge [sflag:s4], $0x0  }
0x19: {  	s7 =	sld [smem:$0x3F97]  }
0x1a: {  	s8 =	sadd.s32 $0xFFFFE003, lr  }
0x1b: {  	s9 =	sadd.s32 $0xFFFFFEF7, lr;
	s5 =	simm.s32 $0xFFFFFFFF;
	p2 =	slt.u32 s8, $0xFFFFF086  }
0x1c: {  	p1 =	slt.u32 s9, $0xF7A;
	s5 =	simm.s32 @!p2 $0x0  }
0x1d: {  	s5 =	simm.s32 @p1 $0x1;
	p0 =	seq.s32 s7, s2  }
0x1e: {  	s7 =	smul.u32 @!p0 $0xF7A, s2;
	p2 =	seq.s32 @!p0 s5, $0x0  }
0x1f: {  	s9 =	smul.u32 $0xF7A, s1;
	s8 =	simm.s32 @!p0 $0x1BF5;
	p2 =	por !p2, p0  }
0x20: {  	[sflag:s8] =	ssyncset.s32 @!p0 $0xFFFFF086;
	s6 =	sadd.s32 @!p0 s3, s7;
	s7 =	simm.s32 @!p0 $0x108  }
0x21: {  	s3 =	sadd.s32 s3, s9;
	s6 =	sadd.s32 @!p0 $0x88, s6;
	s7 =	simm.s32 @p2 $0x1082  }
0x22: {  	[simem:s7], [sflag:s8] =	dma.local @!p0 [hbm:s6], $0xF7A  }
0x23: {  	s9 =	sor.u32 $0xD0000000, s2;
	s6 =	simm.s32 $0x108;
	_ =	swait.ge @!p0 [sflag:s8], $0x0  }
0x24: {  	s3 =	sadd.s32 $0x88, s3;
	s6 =	simm.s32 @!p1 $0x1082;
	[sflag:s4] =	ssyncset.s32 $0xFFFFF086  }
0x25: {  	[simem:s6], [sflag:s4] =	dma.local [hbm:s3], $0xF7A  }
0x26: {  	[smem:$0x3F97] =	sst s1;
	(tag) =	ssettag s2;
	_ =	strace s9  }
0x27: {  	s1 =	sld [smem:$0x3FA7]  }
0x28: {  	s2 =	sld [smem:$0x3FA8]  }
0x29: {  	s4 =	sld [smem:$0x3FAA]  }
0x2a: {  	p0 =	seq.s32 s5, $0x0;
	s5 =	sld [smem:$0x3FAB]  }
0x2b: {  	s6 =	sld [smem:$0x3FAC]  }
0x2c: {  	s7 =	sld [smem:$0x3FAD]  }
0x2d: {  	s3 =	simm.s32 $0x108;
	s8 =	sld [smem:$0x3FAE]  }
0x2e: {  	s3 =	simm.s32 @!p0 $0x1082;
	s9 =	sld [smem:$0x3FAF]  }
0x2f: {  	lr =	sadd.s32 s0, s3;
	s0 =	sld [smem:$0x3FA6]  }
0x30: {  	s3 =	sld [smem:$0x3FA9]  }
0x31: {  	[smem:$0x3FB2] =	sst s10  }
0x32: {  	s10 =	sld [smem:$0x3FB0];
	_ =	sdelay $0x3  }
0x33: {  	p0 =	seq.s32 s10, $0x1;
	s10 =	sld [smem:$0x3FB2];
	_ =	sdelay $0x3  }
0x34: {  	[smem:$0x3FB2] =	sst s10  }
0x35: {  	s10 =	sld [smem:$0x3FB1];
	_ =	sdelay $0x3  }
0x36: {  	p1 =	seq.s32 s10, $0x1;
	s10 =	sld [smem:$0x3FB2];
	_ =	sdelay $0x3  }
0x37: {  	[smem:$0x3FB2] =	sst s10  }
0x38: {  	s10 =	sld [smem:$0x3FB3]  }
0x39: {  	_ = 	snop;
	(pc) =	sbr.ind lr, $3  }
0x3a: {  	_ = 	snop  }
0x3b: {  	_ = 	snop  }
0x3c: {  	p2 =	seq.s32 s10, $0x1;
	s10 =	sld [smem:$0x3FB2]  }
0x3d: {  	_ =	shalt  }
0x3e: {  	_ =	shalt  }
0x3f: {  	_ =	shalt  }
0x40: {  	_ =	shalt  }
0x41: {  	_ =	shalt  }
0x42: {  	_ =	shalt  }
0x43: {  	_ =	shalt  }
0x44: {  	_ =	shalt  }
0x45: {  	_ =	shalt  }
0x46: {  	_ =	shalt  }
0x47: {  	_ =	shalt  }
0x48: {  	_ =	shalt  }
0x49: {  	_ =	shalt  }
0x4a: {  	_ =	shalt  }
0x4b: {  	_ =	shalt  }
0x4c: {  	_ =	shalt  }
0x4d: {  	_ =	shalt  }
0x4e: {  	_ =	shalt  }
0x4f: {  	_ =	shalt  }
0x50: {  	_ =	shalt  }
0x51: {  	_ =	shalt  }
0x52: {  	_ =	shalt  }
0x53: {  	_ =	shalt  }
0x54: {  	_ =	shalt  }
0x55: {  	_ =	shalt  }
0x56: {  	_ =	shalt  }
0x57: {  	_ =	shalt  }
0x58: {  	_ =	shalt  }
0x59: {  	_ =	shalt  }
0x5a: {  	_ =	shalt  }
0x5b: {  	_ =	shalt  }
0x5c: {  	_ =	shalt  }
0x5d: {  	_ =	shalt  }
0x5e: {  	_ =	shalt  }
0x5f: {  	_ =	shalt  }
0x60: {  	_ =	shalt  }
0x61: {  	_ =	shalt  }
0x62: {  	_ =	shalt  }
0x63: {  	_ =	shalt  }
0x64: {  	_ =	shalt  }
0x65: {  	_ =	shalt  }
0x66: {  	_ =	shalt  }
0x67: {  	_ =	shalt  }
0x68: {  	_ =	shalt  }
0x69: {  	_ =	shalt  }
0x6a: {  	_ =	shalt  }
0x6b: {  	_ =	shalt  }
0x6c: {  	_ =	shalt  }
0x6d: {  	_ =	shalt  }
0x6e: {  	_ =	shalt  }
0x6f: {  	_ =	shalt  }
0x70: {  	_ =	shalt  }
0x71: {  	_ =	shalt  }
0x72: {  	_ =	shalt  }
0x73: {  	_ =	shalt  }
0x74: {  	_ =	shalt  }
0x75: {  	_ =	shalt  }
0x76: {  	_ =	shalt  }
0x77: {  	_ =	shalt  }
0x78: {  	_ =	shalt  }
0x79: {  	_ =	shalt  }
0x7a: {  	_ =	shalt  }
0x7b: {  	_ =	shalt  }
0x7c: {  	_ =	shalt  }
0x7d: {  	_ =	shalt  }
0x7e: {  	_ =	shalt  }
0x7f: {  	_ =	shalt  }
0x80: {  	_ =	shalt  }
0x81: {  	_ =	shalt  }
0x82: {  	_ =	shalt  }
0x83: {  	_ =	shalt  }
0x84: {  	_ =	shalt  }
0x85: {  	_ =	shalt  }
0x86: {  	_ =	shalt  }
0x87: {  	_ =	shalt  }
.Lfunc_end0:
.L_simem_size_0:
called_computation_lowered:
.L_overlay_start_0:
0x88: {  	s2 =	sld [smem:$0x3FD9]  }
0x89: {  	s3 =	sld [smem:$0x3FFE];
	_ =	sdelay $0x1  }
0x8a: {  	s1 =	srdreg.scid  }
0x8b: {  	s0 =	sand.u32 $0x1, s1  }
0x8c: {  	s17 =	sshll.u32 s0, $0xA;
	s2 =	sadd.s32 s3, s2  }
0x8d: {  	s2 =	sadd.s32 s2, s17  }
0x8e: {  	[smem:$0x3FBE] =	sst s2  }
0x8f: {  	_ = 	snop  }
0x90: {  	s2 =	sld [smem:$0x3FD0];
	(tm) =	ssettm $0x1  }
0x91: {  	s18 =	sld [smem:$0x3FFB];
	_ =	sdelay $0x3  }
0x92: {  	_ =	strace s18  }
0x93: {  	s3 =	sld [smem:$0x3FFC];
	_ =	sdelay $0x3  }
0x94: {  	_ =	strace s3  }
0x95: {  	s3 =	sld [smem:$0x3FFD];
	_ =	sdelay $0x3  }
0x96: {  	_ =	strace s3  }
0x97: {  	_ =	strace $0x8FFFFFFF  }
0x98: {  	s19 =	sld [smem:$0x3FDB];
	_ =	sdelay $0x1  }
0x99: {  	s4 =	simm.s32 $_scs_section_size  }
0x9a: {  	s5 =	simm.s32 $_size__tile_overlayer_lowered;
	s6 =	simm.s32 $_tile_overlayer_lowered  }
0x9b: {  	s22 =	simm.s32 $0x1BFF;
	s21 =	sshll.u32 s6, $0x1;
	s3 =	sadd.s32 s4, s19  }
0x9c: {  	s7 =	simm.s32 $0x0;
	s20 =	sshll.u32 s5, $0x1;
	s5 =	sadd.s32 s21, s3  }
0x9d: {  	[timem:s7], [sflag:s22] =	dma.local [hbm:s5], s20  }
0x9e: {  	_ =	swait.ge [sflag:s22], s20  }
0x9f: {  	s4 =	ssub.s32 $0x0, s20;
	[sflag:s22] =	ssyncset.done $0x0  }
0xa0: {  	[sflag:s22] =	ssyncadd.s32 s4;
	_ =	sdelay $0x1  }
0xa1: {  	s23 =	simm.s32 $0x1B8B  }
0xa2: {  	_ =	swait.ge [sflag:s23], $0x1  }
0xa3: {  	[sflag:s23] =	ssyncset.done $0x0  }
0xa4: {  	s25 =	simm.s32 $0x1B8E;
	s24 =	sld [smem:$0x3FFE];
	[sflag:s23] =	ssyncadd.s32 $0xFFFFFFFF  }
0xa5: {  	s26 =	simm.s32 $execute0_lowered;
	[smem:$0x3FD2] =	sst s25  }
0xa6: {  	s5 =	sshll.u32 s26, $0x1;
	_ =	strace $0x80000046;
	[dreg:$0x1] =	wrdreg $0xFFFFFFFF  }
0xa7: {  	s28 =	simm.s32 $_size_execute0_lowered;
	s3 =	sadd.s32 s3, s5;
	[dreg:$0x0] =	wrdreg $0x0  }
0xa8: {  	s5 =	sshll.u32 s28, $0x1;
	[dreg:$0x2] =	wrdreg s3  }
0xa9: {  	[dreg:$0x3] =	wrdreg s5  }
0xaa: {  	[dreg:$0x4] =	wrdreg $0xC0  }
0xab: {  	_ =	task [dreg:s7], $0x5FFFF  }
0xac: {  	[dreg:$0x1] =	wrdreg $0xFFFFFFFF  }
0xad: {  	[dreg:$0x0] =	wrdreg $0x60  }
0xae: {  	[dreg:$0x2] =	wrdreg s24  }
0xaf: {  	[dreg:$0x3] =	wrdreg s2  }
0xb0: {  	[dreg:$0x4] =	wrdreg $0x30000  }
0xb1: {  	[dreg:$0x5] =	wrdreg $0x9  }
0xb2: {  	_ =	task.clear_ibuf [dreg:s7], $0x6FFFF;
	_ =	strace $0x90000046  }
0xb3: {  	s29 =	simm.s32 $0x9;
	_ =	strace $0x80000048  }
0xb4: {  	_ =	swait.ge [sflag:s29], $0x1  }
0xb5: {  	[sflag:s29] =	ssyncadd.s32 $0xFFFFFFFF  }
0xb6: {  	_ =	strace $0x90000048  }
0xb7: {  	_ =	sfence  }
0xb8: {  	s30 =	sld [smem:$0x0];
	_ =	sdelay $0x2  }
0xb9: {  	s31 =	sshll.u32 s1, $0xD;
	s1 =	sshrl.u32 s1, $0x2  }
0xba: {  	s3 =	sand.u32 $0x4000, s31;
	s1 =	sadd.s32 s1, s30  }
0xbb: {  	s0 =	sor.u32 s3, s0;
	s1 =	sshll.u32 s1, $0x11  }
0xbc: {  	s0 =	sor.u32 s1, s0  }
0xbd: {  	s0 =	sadd.s32 $0x8F2B, s0  }
0xbe: {  	[sflag:s0] =	ssyncadd.remote.s32 $0x1  }
0xbf: {  	_ =	sfence.sel $0xFFFF  }
0xc0: {  	[dreg:$0x0] =	wrdreg $0xFFFFFFFF;
	(pc) =	sbr.abs _section_cstart, $3  }
0xc1: {  	[dreg:$0x1] =	wrdreg $0xFFFFFFFF  }
0xc2: {  	_ =	task.clear_ibuf [dreg:s7], $0x2FFFF;
	_ =	strace $0x9FFFFFFF  }
0xc3: {  	(tm) =	ssettm $0x7FFFFFFF  }
tec
execute0_lowered:
.L_overlay_start_1:
0x0: {  	(tag) =	ssettag $0x1  }
0x1: {  	s7 =	rddreg [dreg:$0x0]  }
0x2: {  	s8 =	rddreg [dreg:$0x1]  }
0x3: {  	s1 =	rddreg [dreg:$0x2]  }
0x4: {  	s0 =	rddreg [dreg:$0x3];
	s2 =	simm.s32 $0x0  }
0x5: {  	s3 =	srdreg.scid;
	s10 =	stileid.u32;
	s16 =	simm.s32 $0x0  }
0x6: {  	[smem:$0x7FF] =	sst s2;
	s5 =	sand.u32 $0x1, s3;
	s3 =	sadd.s32 $0x18000, s7  }
0x7: {  	s9 =	smul.u32 $0x2710, s10;
	s31 =	sshll.u32 s10, $0x6;
	p0 =	sne.s32 s10, $0x0  }
0x8: {  	_ =	strace $0x80000047;
	s4 =	sshll.u32 s5, $0x4;
	s11 =	ssub.s32 $0x2, s5  }
0x9: {  	s14 =	smul.u32 $0x27100, s5;
	s6 =	sor.u32 s10, s4;
	s4 =	sadd.s32 $0x18200, s7  }
0xa: {  	s12 =	sshrl.u32 s11, $0x1;
	s13 =	sshrl.u32 s9, $0x3;
	s30 =	sadd.s32 s9, s1  }
0xb: {  	s6 =	smul.u32 $0x2800, s6;
	s11 =	ssub.s32 s11, s12;
	s5 =	sadd.s32 s4, s13  }
0xc: {  	s9 =	sadd.s32 s9, s14;
	s13 =	sadd.s32 $0x27100, s1;
	s10 =	sshrl.u32 s30, $0x3  }
0xd: {  	s14 =	simm.s32 $0x80;
	s9 =	sshrl.u32 s9, $0x3;
	s12 =	sshrl.u32 @!p0 s13, $0x3  }
0xe: {  	s13 =	simm.s32 $0x2800;
	s15 =	sshrl.u32 s6, $0x3;
	s6 =	sor.u32 $0x1C02, s31  }
0xf: {  	s8 =	sadd.s32 s8, s9;
	s9 =	smax.u32 s11, $0x1;
	s7 =	sadd.s32 s7, s15  }
0x10: {  	s11 =	simm.s32 $0x2;
	s15 =	simm.s32 $0x1;
	s7 =	sadd.s32 $0xE000, s7  }
.LBB2_1:
0x11: {  	[spmem:s10], [sflag:s6] =	dma.local [hbm:s5], $0x4E2  }
0x12: {  	_ =	swait.ge [sflag:s11], $0x4E2  }
0x13: {  	[sflag:s11] =	ssyncset.done $0x0  }
0x14: {  	s17 =	simm.s32 @!p0 $0x2;
	[sflag:s11] =	ssyncadd.s32 $0xFFFFFB1E  }
0x15: {  	[spmem:s12], [sflag:s6] =	dma.local @!p0 [hbm:s4], $0x1E0  }
0x16: {  	_ =	swait.ge @!p0 [sflag:s17], $0x1E0  }
0x17: {  	[sflag:s17] =	ssyncset.done @!p0 $0x0  }
0x18: {  	[sflag:s17] =	ssyncadd.s32 @!p0 $0xFFFFFE20  }
0x19: {  	[tilespmem:s13], [sflag:$0x2] =	stream.linear.gather [hbm4b:s3+s2], $0x800, $0x38;
	[tilespmem:$0x5800] =	vst v63  }
0x1a: {  	_ =	swait.ge [sflag:s11], $0x800  }
0x1b: {  	[sflag:s11] =	ssyncset.done $0x0  }
0x1c: {  	[sflag:s11] =	ssyncadd.s32 $0xFFFFF800  }
0x1d: {  	[tilespmem:s2], [sflag:$0x2] =	stream.linear.gather [hbm4b:s7+s2], $0x2800, $0x38;
	[tilespmem:$0x5800] =	vst v63  }
0x1e: {  	_ =	swait.ge [sflag:s11], $0x2800  }
0x1f: {  	[sflag:s11] =	ssyncset.done $0x0  }
0x20: {  	[sflag:s11] =	ssyncadd.s32 $0xFFFFD800  }
0x21: {  	s29 =	simm.s32 $0x0;
	[bflag:$0x0] =	sbarrier.arrive $0xFFFF  }
0x22: {  	[spmem:s1] =	stream.indirect.scatter.add.f32 [tilespmem:s13], [sflag:$0x1], $0x10, s29, s14, $0xb8;
	[tilespmem:$0x5800] =	vst v63  }
0x23: {  	s30 =	simm.s32 $0x80  }
0x24: {  	[spmem:s1] =	stream.indirect.scatter.add.f32 [tilespmem:s13], [sflag:$0x1], $0x10, s30, s14, $0xb8;
	[tilespmem:$0x5800] =	vst v63  }
0x25: {  	s31 =	simm.s32 $0x100  }
0x26: {  	[spmem:s1] =	stream.indirect.scatter.add.f32 [tilespmem:s13], [sflag:$0x1], $0x10, s31, s14, $0xb8;
	[tilespmem:$0x5800] =	vst v63  }
0x27: {  	s18 =	simm.s32 $0x180  }
0x28: {  	[spmem:s1] =	stream.indirect.scatter.add.f32 [tilespmem:s13], [sflag:$0x1], $0x10, s18, s14, $0xb8;
	[tilespmem:$0x5800] =	vst v63  }
0x29: {  	s19 =	simm.s32 $0x200  }
0x2a: {  	[spmem:s1] =	stream.indirect.scatter.add.f32 [tilespmem:s13], [sflag:$0x1], $0x10, s19, s14, $0xb8;
	[tilespmem:$0x5800] =	vst v63  }
0x2b: {  	s20 =	simm.s32 $0x280  }
0x2c: {  	[spmem:s1] =	stream.indirect.scatter.add.f32 [tilespmem:s13], [sflag:$0x1], $0x10, s20, s14, $0xb8;
	[tilespmem:$0x5800] =	vst v63  }
0x2d: {  	s21 =	simm.s32 $0x300  }
0x2e: {  	[spmem:s1] =	stream.indirect.scatter.add.f32 [tilespmem:s13], [sflag:$0x1], $0x10, s21, s14, $0xb8;
	[tilespmem:$0x5800] =	vst v63  }
0x2f: {  	s22 =	simm.s32 $0x380  }
0x30: {  	[spmem:s1] =	stream.indirect.scatter.add.f32 [tilespmem:s13], [sflag:$0x1], $0x10, s22, s14, $0xb8;
	[tilespmem:$0x5800] =	vst v63  }
0x31: {  	s23 =	simm.s32 $0x400  }
0x32: {  	[spmem:s1] =	stream.indirect.scatter.add.f32 [tilespmem:s13], [sflag:$0x1], $0x10, s23, s14, $0xb8;
	[tilespmem:$0x5800] =	vst v63  }
0x33: {  	s24 =	simm.s32 $0x480  }
0x34: {  	[spmem:s1] =	stream.indirect.scatter.add.f32 [tilespmem:s13], [sflag:$0x1], $0x10, s24, s14, $0xb8;
	[tilespmem:$0x5800] =	vst v63  }
0x35: {  	s25 =	simm.s32 $0x500  }
0x36: {  	[spmem:s1] =	stream.indirect.scatter.add.f32 [tilespmem:s13], [sflag:$0x1], $0x10, s25, s14, $0xb8;
	[tilespmem:$0x5800] =	vst v63  }
0x37: {  	s26 =	simm.s32 $0x580  }
0x38: {  	[spmem:s1] =	stream.indirect.scatter.add.f32 [tilespmem:s13], [sflag:$0x1], $0x10, s26, s14, $0xb8;
	[tilespmem:$0x5800] =	vst v63  }
0x39: {  	s28 =	simm.s32 $0x600  }
0x3a: {  	[spmem:s1] =	stream.indirect.scatter.add.f32 [tilespmem:s13], [sflag:$0x1], $0x10, s28, s14, $0xb8;
	[tilespmem:$0x5800] =	vst v63  }
0x3b: {  	s29 =	simm.s32 $0x680  }
0x3c: {  	[spmem:s1] =	stream.indirect.scatter.add.f32 [tilespmem:s13], [sflag:$0x1], $0x10, s29, s14, $0xb8;
	[tilespmem:$0x5800] =	vst v63  }
0x3d: {  	s30 =	simm.s32 $0x700  }
0x3e: {  	[spmem:s1] =	stream.indirect.scatter.add.f32 [tilespmem:s13], [sflag:$0x1], $0x10, s30, s14, $0xb8;
	[tilespmem:$0x5800] =	vst v63  }
0x3f: {  	s31 =	simm.s32 $0x780  }
0x40: {  	[spmem:s1] =	stream.indirect.scatter.add.f32 [tilespmem:s13], [sflag:$0x1], $0x10, s31, s14, $0xb8;
	[tilespmem:$0x5800] =	vst v63  }
0x41: {  	_ =	swait.ge [sflag:s15], $0x800  }
0x42: {  	[sflag:s15] =	ssyncset.done $0x0  }
0x43: {  	[sflag:s15] =	ssyncadd.s32 $0xFFFFF800  }
0x44: {  	_ =	swait.ge [sflag:s15], $0x800  }
0x45: {  	[sflag:s15] =	ssyncset.done $0x0  }
0x46: {  	[sflag:s15] =	ssyncadd.s32 $0xFFFFF800  }
0x47: {  	_ =	swait.ge [sflag:s15], $0x800  }
0x48: {  	[sflag:s15] =	ssyncset.done $0x0  }
0x49: {  	[sflag:s15] =	ssyncadd.s32 $0xFFFFF800  }
0x4a: {  	_ =	swait.ge [sflag:s15], $0x800  }
0x4b: {  	[sflag:s15] =	ssyncset.done $0x0  }
0x4c: {  	[sflag:s15] =	ssyncadd.s32 $0xFFFFF800  }
0x4d: {  	_ =	swait.ge [sflag:s15], $0x800  }
0x4e: {  	[sflag:s15] =	ssyncset.done $0x0  }
0x4f: {  	[sflag:s15] =	ssyncadd.s32 $0xFFFFF800  }
0x50: {  	_ =	swait.ge [sflag:s15], $0x800  }
0x51: {  	[sflag:s15] =	ssyncset.done $0x0  }
0x52: {  	[sflag:s15] =	ssyncadd.s32 $0xFFFFF800  }
0x53: {  	_ =	swait.ge [sflag:s15], $0x800  }
0x54: {  	[sflag:s15] =	ssyncset.done $0x0  }
0x55: {  	[sflag:s15] =	ssyncadd.s32 $0xFFFFF800  }
0x56: {  	_ =	swait.ge [sflag:s15], $0x800  }
0x57: {  	[sflag:s15] =	ssyncset.done $0x0  }
0x58: {  	[sflag:s15] =	ssyncadd.s32 $0xFFFFF800  }
0x59: {  	_ =	swait.ge [sflag:s15], $0x800  }
0x5a: {  	[sflag:s15] =	ssyncset.done $0x0  }
0x5b: {  	[sflag:s15] =	ssyncadd.s32 $0xFFFFF800  }
0x5c: {  	_ =	swait.ge [sflag:s15], $0x800  }
0x5d: {  	[sflag:s15] =	ssyncset.done $0x0  }
0x5e: {  	[sflag:s15] =	ssyncadd.s32 $0xFFFFF800  }
0x5f: {  	_ =	swait.ge [sflag:s15], $0x800  }
0x60: {  	[sflag:s15] =	ssyncset.done $0x0  }
0x61: {  	[sflag:s15] =	ssyncadd.s32 $0xFFFFF800  }
0x62: {  	_ =	swait.ge [sflag:s15], $0x800  }
0x63: {  	[sflag:s15] =	ssyncset.done $0x0  }
0x64: {  	[sflag:s15] =	ssyncadd.s32 $0xFFFFF800  }
0x65: {  	_ =	swait.ge [sflag:s15], $0x800  }
0x66: {  	[sflag:s15] =	ssyncset.done $0x0  }
0x67: {  	[sflag:s15] =	ssyncadd.s32 $0xFFFFF800  }
0x68: {  	_ =	swait.ge [sflag:s15], $0x800  }
0x69: {  	[sflag:s15] =	ssyncset.done $0x0  }
0x6a: {  	[sflag:s15] =	ssyncadd.s32 $0xFFFFF800  }
0x6b: {  	_ =	swait.ge [sflag:s15], $0x800  }
0x6c: {  	[sflag:s15] =	ssyncset.done $0x0  }
0x6d: {  	[sflag:s15] =	ssyncadd.s32 $0xFFFFF800  }
0x6e: {  	_ =	swait.ge [sflag:s15], $0x800  }
0x6f: {  	s17 =	simm.s32 $0x2000;
	s20 =	simm.s32 $0x4000;
	[sflag:s15] =	ssyncset.done $0x0  }
.LBB2_2:
0x70: {  	s19 =	sshra.s32 s17, $0x2  }
0x71: {  	[sflag:s15] =	ssyncadd.s32 $0xFFFFF800;
	s17 =	smov.u32 s20;
	s18 =	sadd.s32 $0x2000, s20  }
0x72: {  	[spmem:s1] =	stream.indirect.scatter.add.f32 [tilespmem:s13], [sflag:$0x1], $0x10, s19, s14, $0xb8;
	[tilespmem:$0x5800] =	vst v63  }
0x73: {  	p1 =	sne.s32 s20, $0x8000;
	s20 =	sadd.s32 $0x80, s19  }
0x74: {  	[spmem:s1] =	stream.indirect.scatter.add.f32 [tilespmem:s13], [sflag:$0x1], $0x10, s20, s14, $0xb8;
	[tilespmem:$0x5800] =	vst v63  }
0x75: {  	s20 =	sadd.s32 $0x100, s19  }
0x76: {  	[spmem:s1] =	stream.indirect.scatter.add.f32 [tilespmem:s13], [sflag:$0x1], $0x10, s20, s14, $0xb8;
	[tilespmem:$0x5800] =	vst v63  }
0x77: {  	s20 =	sadd.s32 $0x180, s19  }
0x78: {  	[spmem:s1] =	stream.indirect.scatter.add.f32 [tilespmem:s13], [sflag:$0x1], $0x10, s20, s14, $0xb8;
	[tilespmem:$0x5800] =	vst v63  }
0x79: {  	s20 =	sadd.s32 $0x200, s19  }
0x7a: {  	[spmem:s1] =	stream.indirect.scatter.add.f32 [tilespmem:s13], [sflag:$0x1], $0x10, s20, s14, $0xb8;
	[tilespmem:$0x5800] =	vst v63  }
0x7b: {  	s20 =	sadd.s32 $0x280, s19  }
0x7c: {  	[spmem:s1] =	stream.indirect.scatter.add.f32 [tilespmem:s13], [sflag:$0x1], $0x10, s20, s14, $0xb8;
	[tilespmem:$0x5800] =	vst v63  }
0x7d: {  	s20 =	sadd.s32 $0x300, s19  }
0x7e: {  	[spmem:s1] =	stream.indirect.scatter.add.f32 [tilespmem:s13], [sflag:$0x1], $0x10, s20, s14, $0xb8;
	[tilespmem:$0x5800] =	vst v63  }
0x7f: {  	s20 =	sadd.s32 $0x380, s19  }
0x80: {  	[spmem:s1] =	stream.indirect.scatter.add.f32 [tilespmem:s13], [sflag:$0x1], $0x10, s20, s14, $0xb8;
	[tilespmem:$0x5800] =	vst v63  }
0x81: {  	s20 =	sadd.s32 $0x400, s19  }
0x82: {  	[spmem:s1] =	stream.indirect.scatter.add.f32 [tilespmem:s13], [sflag:$0x1], $0x10, s20, s14, $0xb8;
	[tilespmem:$0x5800] =	vst v63  }
0x83: {  	s20 =	sadd.s32 $0x480, s19  }
0x84: {  	[spmem:s1] =	stream.indirect.scatter.add.f32 [tilespmem:s13], [sflag:$0x1], $0x10, s20, s14, $0xb8;
	[tilespmem:$0x5800] =	vst v63  }
0x85: {  	s20 =	sadd.s32 $0x500, s19  }
0x86: {  	[spmem:s1] =	stream.indirect.scatter.add.f32 [tilespmem:s13], [sflag:$0x1], $0x10, s20, s14, $0xb8;
	[tilespmem:$0x5800] =	vst v63  }
0x87: {  	s20 =	sadd.s32 $0x580, s19  }
0x88: {  	[spmem:s1] =	stream.indirect.scatter.add.f32 [tilespmem:s13], [sflag:$0x1], $0x10, s20, s14, $0xb8;
	[tilespmem:$0x5800] =	vst v63  }
0x89: {  	s20 =	sadd.s32 $0x600, s19  }
0x8a: {  	[spmem:s1] =	stream.indirect.scatter.add.f32 [tilespmem:s13], [sflag:$0x1], $0x10, s20, s14, $0xb8;
	[tilespmem:$0x5800] =	vst v63  }
0x8b: {  	s20 =	sadd.s32 $0x680, s19  }
0x8c: {  	[spmem:s1] =	stream.indirect.scatter.add.f32 [tilespmem:s13], [sflag:$0x1], $0x10, s20, s14, $0xb8;
	[tilespmem:$0x5800] =	vst v63  }
0x8d: {  	s20 =	sadd.s32 $0x700, s19  }
0x8e: {  	[spmem:s1] =	stream.indirect.scatter.add.f32 [tilespmem:s13], [sflag:$0x1], $0x10, s20, s14, $0xb8;
	[tilespmem:$0x5800] =	vst v63  }
0x8f: {  	s19 =	sadd.s32 $0x780, s19  }
0x90: {  	[spmem:s1] =	stream.indirect.scatter.add.f32 [tilespmem:s13], [sflag:$0x1], $0x10, s19, s14, $0xb8;
	[tilespmem:$0x5800] =	vst v63  }
0x91: {  	_ =	swait.ge [sflag:s15], $0x800  }
0x92: {  	[sflag:s15] =	ssyncset.done $0x0  }
0x93: {  	[sflag:s15] =	ssyncadd.s32 $0xFFFFF800  }
0x94: {  	_ =	swait.ge [sflag:s15], $0x800  }
0x95: {  	[sflag:s15] =	ssyncset.done $0x0  }
0x96: {  	[sflag:s15] =	ssyncadd.s32 $0xFFFFF800  }
0x97: {  	_ =	swait.ge [sflag:s15], $0x800  }
0x98: {  	[sflag:s15] =	ssyncset.done $0x0  }
0x99: {  	[sflag:s15] =	ssyncadd.s32 $0xFFFFF800  }
0x9a: {  	_ =	swait.ge [sflag:s15], $0x800  }
0x9b: {  	[sflag:s15] =	ssyncset.done $0x0  }
0x9c: {  	[sflag:s15] =	ssyncadd.s32 $0xFFFFF800  }
0x9d: {  	_ =	swait.ge [sflag:s15], $0x800  }
0x9e: {  	[sflag:s15] =	ssyncset.done $0x0  }
0x9f: {  	[sflag:s15] =	ssyncadd.s32 $0xFFFFF800  }
0xa0: {  	_ =	swait.ge [sflag:s15], $0x800  }
0xa1: {  	[sflag:s15] =	ssyncset.done $0x0  }
0xa2: {  	[sflag:s15] =	ssyncadd.s32 $0xFFFFF800  }
0xa3: {  	_ =	swait.ge [sflag:s15], $0x800  }
0xa4: {  	[sflag:s15] =	ssyncset.done $0x0  }
0xa5: {  	[sflag:s15] =	ssyncadd.s32 $0xFFFFF800  }
0xa6: {  	_ =	swait.ge [sflag:s15], $0x800  }
0xa7: {  	[sflag:s15] =	ssyncset.done $0x0  }
0xa8: {  	[sflag:s15] =	ssyncadd.s32 $0xFFFFF800  }
0xa9: {  	_ =	swait.ge [sflag:s15], $0x800  }
0xaa: {  	[sflag:s15] =	ssyncset.done $0x0  }
0xab: {  	[sflag:s15] =	ssyncadd.s32 $0xFFFFF800  }
0xac: {  	_ =	swait.ge [sflag:s15], $0x800  }
0xad: {  	[sflag:s15] =	ssyncset.done $0x0  }
0xae: {  	[sflag:s15] =	ssyncadd.s32 $0xFFFFF800  }
0xaf: {  	_ =	swait.ge [sflag:s15], $0x800  }
0xb0: {  	[sflag:s15] =	ssyncset.done $0x0  }
0xb1: {  	[sflag:s15] =	ssyncadd.s32 $0xFFFFF800  }
0xb2: {  	_ =	swait.ge [sflag:s15], $0x800  }
0xb3: {  	[sflag:s15] =	ssyncset.done $0x0  }
0xb4: {  	[sflag:s15] =	ssyncadd.s32 $0xFFFFF800  }
0xb5: {  	_ =	swait.ge [sflag:s15], $0x800  }
0xb6: {  	[sflag:s15] =	ssyncset.done $0x0  }
0xb7: {  	[sflag:s15] =	ssyncadd.s32 $0xFFFFF800  }
0xb8: {  	_ =	swait.ge [sflag:s15], $0x800  }
0xb9: {  	[sflag:s15] =	ssyncset.done $0x0  }
0xba: {  	[sflag:s15] =	ssyncadd.s32 $0xFFFFF800  }
.Ltmp0:
0xbb: {  	_ =	swait.ge [sflag:s15], $0x800;
	(pc) =	sbr.rel @p1 .LBB2_2-.Ltmp0, $4  }
0xbc: {  	[sflag:s15] =	ssyncset.done $0x0  }
0xbd: {  	[sflag:s15] =	ssyncadd.s32 $0xFFFFF800  }
0xbe: {  	_ =	swait.ge [sflag:s15], $0x800  }
0xbf: {  	s20 =	smov.u32 s18;
	[sflag:s15] =	ssyncset.done $0x0  }
0xc0: {  	s17 =	sshra.s32 s17, $0x2;
	[sflag:s15] =	ssyncadd.s32 $0xFFFFF800  }
0xc1: {  	[spmem:s1] =	stream.indirect.scatter.add.f32 [tilespmem:s13], [sflag:$0x1], $0x10, s17, s14, $0xb8;
	[tilespmem:$0x5800] =	vst v63  }
0xc2: {  	s18 =	sadd.s32 $0x80, s17  }
0xc3: {  	[spmem:s1] =	stream.indirect.scatter.add.f32 [tilespmem:s13], [sflag:$0x1], $0x10, s18, s14, $0xb8;
	[tilespmem:$0x5800] =	vst v63  }
0xc4: {  	s31 =	sadd.s32 $0x100, s17  }
0xc5: {  	[spmem:s1] =	stream.indirect.scatter.add.f32 [tilespmem:s13], [sflag:$0x1], $0x10, s31, s14, $0xb8;
	[tilespmem:$0x5800] =	vst v63  }
0xc6: {  	s19 =	sadd.s32 $0x180, s17  }
0xc7: {  	[spmem:s1] =	stream.indirect.scatter.add.f32 [tilespmem:s13], [sflag:$0x1], $0x10, s19, s14, $0xb8;
	[tilespmem:$0x5800] =	vst v63  }
0xc8: {  	s20 =	sadd.s32 $0x200, s17  }
0xc9: {  	[spmem:s1] =	stream.indirect.scatter.add.f32 [tilespmem:s13], [sflag:$0x1], $0x10, s20, s14, $0xb8;
	[tilespmem:$0x5800] =	vst v63  }
0xca: {  	s21 =	sadd.s32 $0x280, s17  }
0xcb: {  	[spmem:s1] =	stream.indirect.scatter.add.f32 [tilespmem:s13], [sflag:$0x1], $0x10, s21, s14, $0xb8;
	[tilespmem:$0x5800] =	vst v63  }
0xcc: {  	s22 =	sadd.s32 $0x300, s17  }
0xcd: {  	[spmem:s1] =	stream.indirect.scatter.add.f32 [tilespmem:s13], [sflag:$0x1], $0x10, s22, s14, $0xb8;
	[tilespmem:$0x5800] =	vst v63  }
0xce: {  	s23 =	sadd.s32 $0x380, s17  }
0xcf: {  	[spmem:s1] =	stream.indirect.scatter.add.f32 [tilespmem:s13], [sflag:$0x1], $0x10, s23, s14, $0xb8;
	[tilespmem:$0x5800] =	vst v63  }
0xd0: {  	s24 =	sadd.s32 $0x400, s17  }
0xd1: {  	[spmem:s1] =	stream.indirect.scatter.add.f32 [tilespmem:s13], [sflag:$0x1], $0x10, s24, s14, $0xb8;
	[tilespmem:$0x5800] =	vst v63  }
0xd2: {  	s25 =	sadd.s32 $0x480, s17  }
0xd3: {  	[spmem:s1] =	stream.indirect.scatter.add.f32 [tilespmem:s13], [sflag:$0x1], $0x10, s25, s14, $0xb8;
	[tilespmem:$0x5800] =	vst v63  }
0xd4: {  	s26 =	sadd.s32 $0x500, s17  }
0xd5: {  	[spmem:s1] =	stream.indirect.scatter.add.f32 [tilespmem:s13], [sflag:$0x1], $0x10, s26, s14, $0xb8;
	[tilespmem:$0x5800] =	vst v63  }
0xd6: {  	s28 =	sadd.s32 $0x580, s17  }
0xd7: {  	[spmem:s1] =	stream.indirect.scatter.add.f32 [tilespmem:s13], [sflag:$0x1], $0x10, s28, s14, $0xb8;
	[tilespmem:$0x5800] =	vst v63  }
0xd8: {  	s29 =	sadd.s32 $0x600, s17  }
0xd9: {  	[spmem:s1] =	stream.indirect.scatter.add.f32 [tilespmem:s13], [sflag:$0x1], $0x10, s29, s14, $0xb8;
	[tilespmem:$0x5800] =	vst v63  }
0xda: {  	s30 =	sadd.s32 $0x680, s17  }
0xdb: {  	[spmem:s1] =	stream.indirect.scatter.add.f32 [tilespmem:s13], [sflag:$0x1], $0x10, s30, s14, $0xb8;
	[tilespmem:$0x5800] =	vst v63  }
0xdc: {  	s31 =	sadd.s32 $0x700, s17  }
0xdd: {  	[spmem:s1] =	stream.indirect.scatter.add.f32 [tilespmem:s13], [sflag:$0x1], $0x10, s31, s14, $0xb8;
	[tilespmem:$0x5800] =	vst v63  }
0xde: {  	s17 =	sadd.s32 $0x780, s17  }
0xdf: {  	[spmem:s1] =	stream.indirect.scatter.add.f32 [tilespmem:s13], [sflag:$0x1], $0x10, s17, s14, $0xb8;
	[tilespmem:$0x5800] =	vst v63  }
0xe0: {  	_ =	swait.ge [sflag:s15], $0x800  }
0xe1: {  	[sflag:s15] =	ssyncset.done $0x0  }
0xe2: {  	[sflag:s15] =	ssyncadd.s32 $0xFFFFF800  }
0xe3: {  	_ =	swait.ge [sflag:s15], $0x800  }
0xe4: {  	[sflag:s15] =	ssyncset.done $0x0  }
0xe5: {  	[sflag:s15] =	ssyncadd.s32 $0xFFFFF800  }
0xe6: {  	_ =	swait.ge [sflag:s15], $0x800  }
0xe7: {  	[sflag:s15] =	ssyncset.done $0x0  }
0xe8: {  	[sflag:s15] =	ssyncadd.s32 $0xFFFFF800  }
0xe9: {  	_ =	swait.ge [sflag:s15], $0x800  }
0xea: {  	[sflag:s15] =	ssyncset.done $0x0  }
0xeb: {  	[sflag:s15] =	ssyncadd.s32 $0xFFFFF800  }
0xec: {  	_ =	swait.ge [sflag:s15], $0x800  }
0xed: {  	[sflag:s15] =	ssyncset.done $0x0  }
0xee: {  	[sflag:s15] =	ssyncadd.s32 $0xFFFFF800  }
0xef: {  	_ =	swait.ge [sflag:s15], $0x800  }
0xf0: {  	[sflag:s15] =	ssyncset.done $0x0  }
0xf1: {  	[sflag:s15] =	ssyncadd.s32 $0xFFFFF800  }
0xf2: {  	_ =	swait.ge [sflag:s15], $0x800  }
0xf3: {  	[sflag:s15] =	ssyncset.done $0x0  }
0xf4: {  	[sflag:s15] =	ssyncadd.s32 $0xFFFFF800  }
0xf5: {  	_ =	swait.ge [sflag:s15], $0x800  }
0xf6: {  	[sflag:s15] =	ssyncset.done $0x0  }
0xf7: {  	[sflag:s15] =	ssyncadd.s32 $0xFFFFF800  }
0xf8: {  	_ =	swait.ge [sflag:s15], $0x800  }
0xf9: {  	[sflag:s15] =	ssyncset.done $0x0  }
0xfa: {  	[sflag:s15] =	ssyncadd.s32 $0xFFFFF800  }
0xfb: {  	_ =	swait.ge [sflag:s15], $0x800  }
0xfc: {  	[sflag:s15] =	ssyncset.done $0x0  }
0xfd: {  	[sflag:s15] =	ssyncadd.s32 $0xFFFFF800  }
0xfe: {  	_ =	swait.ge [sflag:s15], $0x800  }
0xff: {  	[sflag:s15] =	ssyncset.done $0x0  }
0x100: {  	[sflag:s15] =	ssyncadd.s32 $0xFFFFF800  }
0x101: {  	_ =	swait.ge [sflag:s15], $0x800  }
0x102: {  	[sflag:s15] =	ssyncset.done $0x0  }
0x103: {  	[sflag:s15] =	ssyncadd.s32 $0xFFFFF800  }
0x104: {  	_ =	swait.ge [sflag:s15], $0x800  }
0x105: {  	[sflag:s15] =	ssyncset.done $0x0  }
0x106: {  	[sflag:s15] =	ssyncadd.s32 $0xFFFFF800  }
0x107: {  	_ =	swait.ge [sflag:s15], $0x800  }
0x108: {  	[sflag:s15] =	ssyncset.done $0x0  }
0x109: {  	[sflag:s15] =	ssyncadd.s32 $0xFFFFF800  }
0x10a: {  	_ =	swait.ge [sflag:s15], $0x800  }
0x10b: {  	[sflag:s15] =	ssyncset.done $0x0  }
0x10c: {  	[sflag:s15] =	ssyncadd.s32 $0xFFFFF800  }
0x10d: {  	_ =	swait.ge [sflag:s15], $0x800  }
0x10e: {  	s16 =	sadd.s32 $0x1, s16;
	[sflag:s15] =	ssyncset.done $0x0  }
0x10f: {  	p1 =	sne.s32 s16, s9;
	[sflag:s15] =	ssyncadd.s32 $0xFFFFF800  }
.Ltmp1:
0x110: {  	[bflag:$0x0] =	sbarrier.arrive $0xFFFF;
	(pc) =	sbr.rel @p1 .LBB2_1-.Ltmp1, $4  }
0x111: {  	[hbm:s8], [sflag:s6] =	dma.local [spmem:s10], $0x4E2  }
0x112: {  	_ =	swait.ge [sflag:s11], $0x4E2  }
0x113: {  	[sflag:s11] =	ssyncset.done $0x0  }
0x114: {  	[sflag:s11] =	ssyncadd.s32 $0xFFFFFB1E  }
0x115: {  	_ =	sfence.sel $0x180000  }
0x116: {  	[bflag:$0x0] =	sbarrier.arrive $0xFFFF  }
0x117: {  	_ =	strace $0x90000047  }
0x118: {  	s0 =	sadd.s32 @!p0 $0x100000, s0;
	[bflag:$0x2] =	sbarrier.arrive $0xFFFF  }
0x119: {  	[sflag:s0] =	ssyncadd.tile.s32 @!p0 $0x1;
	_ =	shalt  }
.Lfunc_end2:
_tile_overlayer_lowered:
.L_overlay_start_2:
0x11a: {  	(tag) =	ssettag $0x2  }
0x11b: {  	s0 =	rddreg [dreg:$0x0];
	s2 =	stileid.u32  }
0x11c: {  	s1 =	rddreg [dreg:$0x1];
	p0 =	sne.s32 s2, $0x0  }
0x11d: {  	s3 =	rddreg [dreg:$0x2];
	[bflag:$0x3] =	sbarrier.arrive $0xFFFF;
	s2 =	simm.s32 @!p0 $0x1C02  }
0x11e: {  	[timem:s3], [sflag:s2] =	dma.local @!p0 [hbm:s0], s1  }
0x11f: {  	s0 =	simm.s32 @!p0 $0x2  }
0x120: {  	_ =	swait.ge @!p0 [sflag:s0], s1  }
0x121: {  	s1 =	ssub.s32 @!p0 $0x0, s1;
	[sflag:s0] =	ssyncset.done @!p0 $0x0  }
0x122: {  	[sflag:s0] =	ssyncadd.s32 @!p0 s1  }
0x123: {  	[bflag:$0x3] =	sbarrier.arrive $0xFFFF  }
0x124: {  	_ =	shalt  }

// kernel: kernel.13.cloned.1.call-start
scs
__scs_entry_jumppad:
0x0: {  	(pc) =	sbr.rel $0x88, $3  }
0x1: {  	(tag) =	ssettag $0x0;
	lr =	simm.s32 $0x1  }
0x2: {  	[smem:$0x3F97] =	sst lr;
	_ =	strace $0xD0000000  }
0x3: {  	_ = 	snop  }
0x4: {  	_ = 	snop  }
0x5: {  	_ = 	snop  }
0x6: {  	_ = 	snop  }
0x7: {  	_ = 	snop  }
__scs_overlays_trampoline_lowered:
0x8: {  	[smem:$0x3FA6] =	sst s0  }
0x9: {  	[smem:$0x3FA7] =	sst s1  }
0xa: {  	[smem:$0x3FA8] =	sst s2  }
0xb: {  	[smem:$0x3FA9] =	sst s3  }
0xc: {  	[smem:$0x3FAA] =	sst s4  }
0xd: {  	[smem:$0x3FAB] =	sst s5  }
0xe: {  	[smem:$0x3FAC] =	sst s6  }
0xf: {  	[smem:$0x3FAD] =	sst s7  }
0x10: {  	[smem:$0x3FAE] =	sst s8  }
0x11: {  	[smem:$0x3FAF] =	sst s9;
	s0 =	simm.s32 @!p0 $0x0  }
0x12: {  	s1 =	sld [smem:$0x3F95];
	s0 =	simm.s32 @p0 $0x1  }
0x13: {  	[smem:$0x3FB0] =	sst s0;
	s0 =	simm.s32 @!p1 $0x0  }
0x14: {  	s2 =	sld [smem:$0x3F94];
	s0 =	simm.s32 @p1 $0x1  }
0x15: {  	[smem:$0x3FB1] =	sst s0;
	s0 =	simm.s32 @!p2 $0x0  }
0x16: {  	s3 =	sld [smem:$0x3FDB];
	s0 =	simm.s32 @p2 $0x1  }
0x17: {  	s4 =	simm.s32 $0x1BF5;
	[smem:$0x3FB3] =	sst s0  }
0x18: {  	s0 =	sld [smem:$0x3F96];
	_ =	swait.ge [sflag:s4], $0x0  }
0x19: {  	s7 =	sld [smem:$0x3F97]  }
0x1a: {  	s8 =	sadd.s32 $0xFFFFE003, lr  }
0x1b: {  	s9 =	sadd.s32 $0xFFFFFEF7, lr;
	s5 =	simm.s32 $0xFFFFFFFF;
	p2 =	slt.u32 s8, $0xFFFFF086  }
0x1c: {  	p1 =	slt.u32 s9, $0xF7A;
	s5 =	simm.s32 @!p2 $0x0  }
0x1d: {  	s5 =	simm.s32 @p1 $0x1;
	p0 =	seq.s32 s7, s2  }
0x1e: {  	s7 =	smul.u32 @!p0 $0xF7A, s2;
	p2 =	seq.s32 @!p0 s5, $0x0  }
0x1f: {  	s9 =	smul.u32 $0xF7A, s1;
	s8 =	simm.s32 @!p0 $0x1BF5;
	p2 =	por !p2, p0  }
0x20: {  	[sflag:s8] =	ssyncset.s32 @!p0 $0xFFFFF086;
	s6 =	sadd.s32 @!p0 s3, s7;
	s7 =	simm.s32 @!p0 $0x108  }
0x21: {  	s3 =	sadd.s32 s3, s9;
	s6 =	sadd.s32 @!p0 $0x88, s6;
	s7 =	simm.s32 @p2 $0x1082  }
0x22: {  	[simem:s7], [sflag:s8] =	dma.local @!p0 [hbm:s6], $0xF7A  }
0x23: {  	s9 =	sor.u32 $0xD0000000, s2;
	s6 =	simm.s32 $0x108;
	_ =	swait.ge @!p0 [sflag:s8], $0x0  }
0x24: {  	s3 =	sadd.s32 $0x88, s3;
	s6 =	simm.s32 @!p1 $0x1082;
	[sflag:s4] =	ssyncset.s32 $0xFFFFF086  }
0x25: {  	[simem:s6], [sflag:s4] =	dma.local [hbm:s3], $0xF7A  }
0x26: {  	[smem:$0x3F97] =	sst s1;
	(tag) =	ssettag s2;
	_ =	strace s9  }
0x27: {  	s1 =	sld [smem:$0x3FA7]  }
0x28: {  	s2 =	sld [smem:$0x3FA8]  }
0x29: {  	s4 =	sld [smem:$0x3FAA]  }
0x2a: {  	p0 =	seq.s32 s5, $0x0;
	s5 =	sld [smem:$0x3FAB]  }
0x2b: {  	s6 =	sld [smem:$0x3FAC]  }
0x2c: {  	s7 =	sld [smem:$0x3FAD]  }
0x2d: {  	s3 =	simm.s32 $0x108;
	s8 =	sld [smem:$0x3FAE]  }
0x2e: {  	s3 =	simm.s32 @!p0 $0x1082;
	s9 =	sld [smem:$0x3FAF]  }
0x2f: {  	lr =	sadd.s32 s0, s3;
	s0 =	sld [smem:$0x3FA6]  }
0x30: {  	s3 =	sld [smem:$0x3FA9]  }
0x31: {  	[smem:$0x3FB2] =	sst s10  }
0x32: {  	s10 =	sld [smem:$0x3FB0];
	_ =	sdelay $0x3  }
0x33: {  	p0 =	seq.s32 s10, $0x1;
	s10 =	sld [smem:$0x3FB2];
	_ =	sdelay $0x3  }
0x34: {  	[smem:$0x3FB2] =	sst s10  }
0x35: {  	s10 =	sld [smem:$0x3FB1];
	_ =	sdelay $0x3  }
0x36: {  	p1 =	seq.s32 s10, $0x1;
	s10 =	sld [smem:$0x3FB2];
	_ =	sdelay $0x3  }
0x37: {  	[smem:$0x3FB2] =	sst s10  }
0x38: {  	s10 =	sld [smem:$0x3FB3]  }
0x39: {  	_ = 	snop;
	(pc) =	sbr.ind lr, $3  }
0x3a: {  	_ = 	snop  }
0x3b: {  	_ = 	snop  }
0x3c: {  	p2 =	seq.s32 s10, $0x1;
	s10 =	sld [smem:$0x3FB2]  }
0x3d: {  	_ =	shalt  }
0x3e: {  	_ =	shalt  }
0x3f: {  	_ =	shalt  }
0x40: {  	_ =	shalt  }
0x41: {  	_ =	shalt  }
0x42: {  	_ =	shalt  }
0x43: {  	_ =	shalt  }
0x44: {  	_ =	shalt  }
0x45: {  	_ =	shalt  }
0x46: {  	_ =	shalt  }
0x47: {  	_ =	shalt  }
0x48: {  	_ =	shalt  }
0x49: {  	_ =	shalt  }
0x4a: {  	_ =	shalt  }
0x4b: {  	_ =	shalt  }
0x4c: {  	_ =	shalt  }
0x4d: {  	_ =	shalt  }
0x4e: {  	_ =	shalt  }
0x4f: {  	_ =	shalt  }
0x50: {  	_ =	shalt  }
0x51: {  	_ =	shalt  }
0x52: {  	_ =	shalt  }
0x53: {  	_ =	shalt  }
0x54: {  	_ =	shalt  }
0x55: {  	_ =	shalt  }
0x56: {  	_ =	shalt  }
0x57: {  	_ =	shalt  }
0x58: {  	_ =	shalt  }
0x59: {  	_ =	shalt  }
0x5a: {  	_ =	shalt  }
0x5b: {  	_ =	shalt  }
0x5c: {  	_ =	shalt  }
0x5d: {  	_ =	shalt  }
0x5e: {  	_ =	shalt  }
0x5f: {  	_ =	shalt  }
0x60: {  	_ =	shalt  }
0x61: {  	_ =	shalt  }
0x62: {  	_ =	shalt  }
0x63: {  	_ =	shalt  }
0x64: {  	_ =	shalt  }
0x65: {  	_ =	shalt  }
0x66: {  	_ =	shalt  }
0x67: {  	_ =	shalt  }
0x68: {  	_ =	shalt  }
0x69: {  	_ =	shalt  }
0x6a: {  	_ =	shalt  }
0x6b: {  	_ =	shalt  }
0x6c: {  	_ =	shalt  }
0x6d: {  	_ =	shalt  }
0x6e: {  	_ =	shalt  }
0x6f: {  	_ =	shalt  }
0x70: {  	_ =	shalt  }
0x71: {  	_ =	shalt  }
0x72: {  	_ =	shalt  }
0x73: {  	_ =	shalt  }
0x74: {  	_ =	shalt  }
0x75: {  	_ =	shalt  }
0x76: {  	_ =	shalt  }
0x77: {  	_ =	shalt  }
0x78: {  	_ =	shalt  }
0x79: {  	_ =	shalt  }
0x7a: {  	_ =	shalt  }
0x7b: {  	_ =	shalt  }
0x7c: {  	_ =	shalt  }
0x7d: {  	_ =	shalt  }
0x7e: {  	_ =	shalt  }
0x7f: {  	_ =	shalt  }
0x80: {  	_ =	shalt  }
0x81: {  	_ =	shalt  }
0x82: {  	_ =	shalt  }
0x83: {  	_ =	shalt  }
0x84: {  	_ =	shalt  }
0x85: {  	_ =	shalt  }
0x86: {  	_ =	shalt  }
0x87: {  	_ =	shalt  }
.Lfunc_end0:
.L_simem_size_0:
called_computation.1_lowered:
.L_overlay_start_0:
0x88: {  	s2 =	sld [smem:$0x3FD9]  }
0x89: {  	s3 =	sld [smem:$0x3FFE];
	_ =	sdelay $0x1  }
0x8a: {  	s1 =	srdreg.scid  }
0x8b: {  	s0 =	sand.u32 $0x1, s1  }
0x8c: {  	s16 =	sshll.u32 s0, $0xA;
	s2 =	sadd.s32 s3, s2  }
0x8d: {  	s2 =	sadd.s32 s2, s16  }
0x8e: {  	[smem:$0x3FBE] =	sst s2  }
0x8f: {  	_ = 	snop  }
0x90: {  	(tm) =	ssettm $0x1  }
0x91: {  	s17 =	sld [smem:$0x3FFB];
	_ =	sdelay $0x3  }
0x92: {  	_ =	strace s17  }
0x93: {  	s2 =	sld [smem:$0x3FFC];
	_ =	sdelay $0x3  }
0x94: {  	_ =	strace s2  }
0x95: {  	s2 =	sld [smem:$0x3FFD];
	_ =	sdelay $0x3  }
0x96: {  	_ =	strace s2  }
0x97: {  	_ =	strace $0x8FFFFFFF  }
0x98: {  	s18 =	sld [smem:$0x3FDB];
	_ =	sdelay $0x1  }
0x99: {  	s19 =	simm.s32 $_scs_section_size  }
0x9a: {  	s4 =	simm.s32 $_size__tile_overlayer_lowered;
	s5 =	simm.s32 $_tile_overlayer_lowered  }
0x9b: {  	s22 =	simm.s32 $0x1BFF;
	s21 =	sshll.u32 s5, $0x1;
	s2 =	sadd.s32 s19, s18  }
0x9c: {  	s6 =	simm.s32 $0x0;
	s20 =	sshll.u32 s4, $0x1;
	s4 =	sadd.s32 s21, s2  }
0x9d: {  	[timem:s6], [sflag:s22] =	dma.local [hbm:s4], s20  }
0x9e: {  	_ =	swait.ge [sflag:s22], s20  }
0x9f: {  	s3 =	ssub.s32 $0x0, s20;
	[sflag:s22] =	ssyncset.done $0x0  }
0xa0: {  	[sflag:s22] =	ssyncadd.s32 s3;
	_ =	sdelay $0x1  }
0xa1: {  	s23 =	simm.s32 $0x1B8B  }
0xa2: {  	_ =	swait.ge [sflag:s23], $0x1  }
0xa3: {  	[sflag:s23] =	ssyncset.done $0x0  }
0xa4: {  	s25 =	simm.s32 $0x1B8E;
	s24 =	sld [smem:$0x3FFE];
	[sflag:s23] =	ssyncadd.s32 $0xFFFFFFFF  }
0xa5: {  	s26 =	simm.s32 $execute0_lowered;
	[smem:$0x3FD2] =	sst s25  }
0xa6: {  	s4 =	sshll.u32 s26, $0x1;
	_ =	strace $0x80000049;
	[dreg:$0x1] =	wrdreg $0xFFFFFFFF  }
0xa7: {  	s28 =	simm.s32 $_size_execute0_lowered;
	s2 =	sadd.s32 s2, s4;
	[dreg:$0x0] =	wrdreg $0x0  }
0xa8: {  	s4 =	sshll.u32 s28, $0x1;
	[dreg:$0x2] =	wrdreg s2  }
0xa9: {  	[dreg:$0x3] =	wrdreg s4  }
0xaa: {  	[dreg:$0x4] =	wrdreg $0xC0  }
0xab: {  	_ =	task [dreg:s6], $0x5FFFF  }
0xac: {  	[dreg:$0x1] =	wrdreg $0xFFFFFFFF  }
0xad: {  	[dreg:$0x0] =	wrdreg $0x60  }
0xae: {  	[dreg:$0x2] =	wrdreg s24  }
0xaf: {  	[dreg:$0x3] =	wrdreg $0x83000  }
0xb0: {  	[dreg:$0x4] =	wrdreg $0x9  }
0xb1: {  	_ =	task.clear_ibuf [dreg:s6], $0x5FFFF;
	_ =	strace $0x90000049  }
0xb2: {  	s29 =	simm.s32 $0x9;
	_ =	strace $0x8000004B  }
0xb3: {  	_ =	swait.ge [sflag:s29], $0x1  }
0xb4: {  	[sflag:s29] =	ssyncadd.s32 $0xFFFFFFFF  }
0xb5: {  	_ =	strace $0x9000004B  }
0xb6: {  	_ =	sfence  }
0xb7: {  	s30 =	sld [smem:$0x0];
	_ =	sdelay $0x2  }
0xb8: {  	s31 =	sshll.u32 s1, $0xD;
	s1 =	sshrl.u32 s1, $0x2  }
0xb9: {  	s3 =	sand.u32 $0x4000, s31;
	s1 =	sadd.s32 s1, s30  }
0xba: {  	s0 =	sor.u32 s3, s0;
	s1 =	sshll.u32 s1, $0x11  }
0xbb: {  	s0 =	sor.u32 s1, s0  }
0xbc: {  	s0 =	sadd.s32 $0x8F2B, s0  }
0xbd: {  	[sflag:s0] =	ssyncadd.remote.s32 $0x1  }
0xbe: {  	_ =	sfence.sel $0xFFFF  }
0xbf: {  	[dreg:$0x0] =	wrdreg $0xFFFFFFFF;
	(pc) =	sbr.abs _section_cstart, $3  }
0xc0: {  	[dreg:$0x1] =	wrdreg $0xFFFFFFFF  }
0xc1: {  	_ =	task.clear_ibuf [dreg:s6], $0x2FFFF;
	_ =	strace $0x9FFFFFFF  }
0xc2: {  	(tm) =	ssettm $0x7FFFFFFF  }
0xc3: {  	_ =	shalt  }
tec
execute0_lowered:
.L_overlay_start_1:
0x0: {  	(tag) =	ssettag $0x1  }
0x1: {  	s5 =	rddreg [dreg:$0x0]  }
0x2: {  	s2 =	rddreg [dreg:$0x1]  }
0x3: {  	s0 =	rddreg [dreg:$0x2];
	s4 =	srdreg.scid  }
0x4: {  	s1 =	stileid.u32;
	s3 =	simm.s32 $0x0;
	s18 =	simm.s32 $0x200  }
0x5: {  	s19 =	simm.s32 $0x1;
	s20 =	simm.s32 $0x2;
	s6 =	smul.u32 $0x13880, s1  }
0x6: {  	s21 =	simm.s32 $0x280;
	s10 =	sand.u32 $0x1, s4;
	s17 =	smul.u32 $0x2800, s1  }
0x7: {  	[smem:$0x7FF] =	sst s3;
	s4 =	sadd.s32 $0x18000, s5;
	s28 =	smul.u32 $0x500, s1  }
0x8: {  	s11 =	sadd.s32 $0x4000, s5;
	s24 =	sshll.u32 s1, $0x6;
	s7 =	smul.u32 $0x138800, s10  }
0x9: {  	_ =	strace $0x8000004A;
	s8 =	ssub.s32 $0x2, s10;
	s16 =	smul.u32 $0x28000, s10  }
0xa: {  	s9 =	sshll.u32 s10, $0x4;
	s10 =	smul.u32 $0x5000, s10;
	s12 =	sshrl.u32 s8, $0x1  }
0xb: {  	s9 =	sor.u32 s1, s9;
	s14 =	sadd.s32 s6, s2;
	s23 =	sshrl.u32 s6, $0x3  }
0xc: {  	s7 =	sadd.s32 s6, s7;
	s12 =	ssub.s32 s8, s12;
	s22 =	smul.u32 $0x500, s9  }
0xd: {  	s15 =	smul.u32 $0x2800, s9;
	s6 =	sor.u32 $0x1C03, s24;
	s26 =	sadd.s32 s17, s16  }
0xe: {  	s29 =	sadd.s32 s10, s11;
	s16 =	simm.s32 $0x300;
	s17 =	simm.s32 $0x4300  }
0xf: {  	s7 =	sshrl.u32 s7, $0x3;
	s9 =	smax.u32 s12, $0x1;
	s31 =	sadd.s32 s28, s29  }
0x10: {  	s13 =	sadd.s32 s7, s5;
	s5 =	sadd.s32 s4, s23;
	s7 =	sadd.s32 s11, s22  }
0x11: {  	s25 =	sshrl.u32 s15, $0x3;
	s15 =	simm.s32 $0x80;
	s22 =	simm.s32 $0x0  }
0x12: {  	s8 =	sadd.s32 $0x3F200, s13;
	s12 =	sadd.s32 s11, s25;
	s13 =	sadd.s32 $0x50000, s26  }
0x13: {  	s10 =	sadd.s32 $0xA4E0, s12;
	s30 =	sshrl.u32 s13, $0x3;
	s12 =	sadd.s32 $0x20, s31  }
0x14: {  	s13 =	sshrl.u32 s14, $0x3;
	s14 =	simm.s32 $0x3;
	s11 =	sadd.s32 s30, s11  }
.LBB2_1:
0x15: {  	[spmem:s13], [sflag:s6] =	dma.local [hbm:s5], $0x2710  }
0x16: {  	_ =	swait.ge [sflag:s14], $0x2710  }
0x17: {  	[sflag:s14] =	ssyncset.done $0x0  }
0x18: {  	[sflag:s14] =	ssyncadd.s32 $0xFFFFD8F0  }
0x19: {  	[tilespmem:s3], [sflag:$0x3] =	stream.linear.gather [hbm4b:s7+s3], $0x100, $0x38;
	[tilespmem:$0x1C300] =	vst v63  }
0x1a: {  	_ =	swait.ge [sflag:s14], $0x100  }
0x1b: {  	[sflag:s14] =	ssyncset.done $0x0  }
0x1c: {  	[sflag:s14] =	ssyncadd.s32 $0xFFFFFF00  }
0x1d: {  	s23 =	sxor.u32 $0xFFFFFFFF, s3;
	[bflag:$0x0] =	sbarrier.arrive $0xFFFF  }
0x1e: {  	[tilespmem:s16], [sflag:$0x1] =	stream.indirect.gather [hbm4b:s4+s15], $0x80, s3, s15, $0xb8;
	[tilespmem:$0x1C300] =	vst v63  }
0x1f: {  	s23 =	sand.u32 $0x400, s23  }
0x20: {  	[tilespmem:s17], [sflag:$0x2] =	stream.indirect.gather [hbm4b:s4+s15], $0x80, s15, s15, $0xb8;
	[tilespmem:$0x1C300] =	vst v63  }
0x21: {  	s26 =	sshrl.u32 s23, $0x2  }
0x22: {  	[tilespmem:s26], [sflag:$0x3] =	stream.linear.gather [hbm4b:s12+s3], $0x100, $0x38;
	[tilespmem:$0x1C300] =	vst v63  }
0x23: {  	_ =	swait.ge [sflag:s14], $0x100  }
0x24: {  	[sflag:s14] =	ssyncset.done $0x0  }
0x25: {  	[sflag:s14] =	ssyncadd.s32 $0xFFFFFF00  }
0x26: {  	[tilespmem:s18], [sflag:$0x3] =	stream.linear.gather [hbm4b:s11+s3], $0x100, $0x38;
	[tilespmem:$0x1C300] =	vst v63  }
0x27: {  	_ =	swait.ge [sflag:s14], $0x100  }
0x28: {  	[sflag:s14] =	ssyncset.done $0x0  }
0x29: {  	[sflag:s14] =	ssyncadd.s32 $0xFFFFFF00  }
0x2a: {  	_ =	swait.ge [sflag:s19], $0x4000  }
0x2b: {  	[sflag:s19] =	ssyncset.done $0x0  }
0x2c: {  	[sflag:s19] =	ssyncadd.s32 $0xFFFFC000  }
0x2d: {  	[spmem:s2] =	stream.indirect.scatter.add.f32 [tilespmem:s16], [sflag:$0x3], $0x80, s18, s15, $0xb8;
	[tilespmem:$0x1C300] =	vst v63  }
0x2e: {  	_ =	swait.ge [sflag:s14], $0x4000  }
0x2f: {  	[sflag:s14] =	ssyncset.done $0x0  }
0x30: {  	[sflag:s14] =	ssyncadd.s32 $0xFFFFC000  }
0x31: {  	[tilespmem:s16], [sflag:$0x1] =	stream.indirect.gather [hbm4b:s4+s15], $0x80, s26, s15, $0xb8;
	[tilespmem:$0x1C300] =	vst v63  }
0x32: {  	_ =	swait.ge [sflag:s20], $0x4000  }
0x33: {  	[sflag:s20] =	ssyncset.done $0x0  }
0x34: {  	s28 =	simm.s32 $0x400;
	s25 =	simm.s32 $0x800;
	[sflag:s20] =	ssyncadd.s32 $0xFFFFC000  }
0x35: {  	[spmem:s2] =	stream.indirect.scatter.add.f32 [tilespmem:s17], [sflag:$0x3], $0x80, s21, s15, $0xb8;
	[tilespmem:$0x1C300] =	vst v63  }
0x36: {  	s24 =	sadd.s32 $0x20, s12;
	s28 =	sxor.u32 $0xFFFFFFFF, s28;
	_ =	swait.ge [sflag:s14], $0x4000  }
0x37: {  	s23 =	sadd.s32 $0x20, s11;
	s26 =	sor.u32 $0x80, s26;
	[sflag:s14] =	ssyncset.done $0x0  }
.LBB2_2:
0x38: {  	s28 =	sand.u32 $0x400, s28  }
0x39: {  	[sflag:s14] =	ssyncadd.s32 $0xFFFFC000;
	s29 =	smov.u32 s25;
	s30 =	sadd.s32 $0x400, s25  }
0x3a: {  	[tilespmem:s17], [sflag:$0x2] =	stream.indirect.gather [hbm4b:s4+s15], $0x80, s26, s15, $0xb8;
	[tilespmem:$0x1C300] =	vst v63  }
0x3b: {  	p0 =	sne.s32 s25, $0x9800;
	s25 =	sshrl.u32 s28, $0x2  }
0x3c: {  	[tilespmem:s25], [sflag:$0x3] =	stream.linear.gather [hbm4b:s24+s3], $0x100, $0x38;
	[tilespmem:$0x1C300] =	vst v63  }
0x3d: {  	_ =	swait.ge [sflag:s14], $0x100  }
0x3e: {  	[sflag:s14] =	ssyncset.done $0x0  }
0x3f: {  	[sflag:s14] =	ssyncadd.s32 $0xFFFFFF00  }
0x40: {  	[tilespmem:s18], [sflag:$0x3] =	stream.linear.gather [hbm4b:s23+s3], $0x100, $0x38;
	[tilespmem:$0x1C300] =	vst v63  }
0x41: {  	_ =	swait.ge [sflag:s14], $0x100  }
0x42: {  	[sflag:s14] =	ssyncset.done $0x0  }
0x43: {  	[sflag:s14] =	ssyncadd.s32 $0xFFFFFF00  }
0x44: {  	_ =	swait.ge [sflag:s19], $0x4000  }
0x45: {  	[sflag:s19] =	ssyncset.done $0x0  }
0x46: {  	[sflag:s19] =	ssyncadd.s32 $0xFFFFC000  }
0x47: {  	[spmem:s2] =	stream.indirect.scatter.add.f32 [tilespmem:s16], [sflag:$0x3], $0x80, s18, s15, $0xb8;
	[tilespmem:$0x1C300] =	vst v63  }
0x48: {  	_ =	swait.ge [sflag:s14], $0x4000  }
0x49: {  	[sflag:s14] =	ssyncset.done $0x0  }
0x4a: {  	[sflag:s14] =	ssyncadd.s32 $0xFFFFC000  }
0x4b: {  	[tilespmem:s16], [sflag:$0x1] =	stream.indirect.gather [hbm4b:s4+s15], $0x80, s25, s15, $0xb8;
	[tilespmem:$0x1C300] =	vst v63  }
0x4c: {  	_ =	swait.ge [sflag:s20], $0x4000  }
.Ltmp0:
0x4d: {  	[sflag:s20] =	ssyncset.done $0x0;
	(pc) =	sbr.rel @p0 .LBB2_2-.Ltmp0, $4  }
0x4e: {  	s28 =	sxor.u32 $0xFFFFFFFF, s29;
	[sflag:s20] =	ssyncadd.s32 $0xFFFFC000  }
0x4f: {  	[spmem:s2] =	stream.indirect.scatter.add.f32 [tilespmem:s17], [sflag:$0x3], $0x80, s21, s15, $0xb8;
	[tilespmem:$0x1C300] =	vst v63  }
0x50: {  	s24 =	sadd.s32 $0x20, s24;
	s23 =	sadd.s32 $0x20, s23;
	_ =	swait.ge [sflag:s14], $0x4000  }
0x51: {  	s26 =	sor.u32 $0x80, s25;
	s25 =	smov.u32 s30;
	[sflag:s14] =	ssyncset.done $0x0  }
0x52: {  	s25 =	sand.u32 $0x400, s28;
	[sflag:s14] =	ssyncadd.s32 $0xFFFFC000  }
0x53: {  	[tilespmem:s17], [sflag:$0x2] =	stream.indirect.gather [hbm4b:s4+s15], $0x80, s26, s15, $0xb8;
	[tilespmem:$0x1C300] =	vst v63  }
0x54: {  	s25 =	sshrl.u32 s25, $0x2  }
0x55: {  	[tilespmem:s25], [sflag:$0x3] =	stream.linear.gather [hbm4b:s24+s3], $0x100, $0x38;
	[tilespmem:$0x1C300] =	vst v63  }
0x56: {  	_ =	swait.ge [sflag:s14], $0x100  }
0x57: {  	[sflag:s14] =	ssyncset.done $0x0  }
0x58: {  	[sflag:s14] =	ssyncadd.s32 $0xFFFFFF00  }
0x59: {  	[tilespmem:s18], [sflag:$0x3] =	stream.linear.gather [hbm4b:s23+s3], $0x100, $0x38;
	[tilespmem:$0x1C300] =	vst v63  }
0x5a: {  	_ =	swait.ge [sflag:s14], $0x100  }
0x5b: {  	[sflag:s14] =	ssyncset.done $0x0  }
0x5c: {  	[sflag:s14] =	ssyncadd.s32 $0xFFFFFF00  }
0x5d: {  	_ =	swait.ge [sflag:s19], $0x4000  }
0x5e: {  	[sflag:s19] =	ssyncset.done $0x0  }
0x5f: {  	[sflag:s19] =	ssyncadd.s32 $0xFFFFC000  }
0x60: {  	[spmem:s2] =	stream.indirect.scatter.add.f32 [tilespmem:s16], [sflag:$0x3], $0x80, s18, s15, $0xb8;
	[tilespmem:$0x1C300] =	vst v63  }
0x61: {  	_ =	swait.ge [sflag:s14], $0x4000  }
0x62: {  	[sflag:s14] =	ssyncset.done $0x0  }
0x63: {  	[sflag:s14] =	ssyncadd.s32 $0xFFFFC000  }
0x64: {  	[tilespmem:s16], [sflag:$0x1] =	stream.indirect.gather [hbm4b:s4+s15], $0x80, s25, s15, $0xb8;
	[tilespmem:$0x1C300] =	vst v63  }
0x65: {  	_ =	swait.ge [sflag:s20], $0x4000  }
0x66: {  	[sflag:s20] =	ssyncset.done $0x0  }
0x67: {  	[sflag:s20] =	ssyncadd.s32 $0xFFFFC000  }
0x68: {  	[spmem:s2] =	stream.indirect.scatter.add.f32 [tilespmem:s17], [sflag:$0x3], $0x80, s21, s15, $0xb8;
	[tilespmem:$0x1C300] =	vst v63  }
0x69: {  	_ =	swait.ge [sflag:s14], $0x4000  }
0x6a: {  	[sflag:s14] =	ssyncset.done $0x0  }
0x6b: {  	s31 =	sor.u32 $0x80, s25;
	[sflag:s14] =	ssyncadd.s32 $0xFFFFC000  }
0x6c: {  	[tilespmem:s17], [sflag:$0x2] =	stream.indirect.gather [hbm4b:s4+s15], $0x80, s31, s15, $0xb8;
	[tilespmem:$0x1C300] =	vst v63  }
0x6d: {  	_ = 	snop  }
0x6e: {  	[tilespmem:s18], [sflag:$0x3] =	stream.linear.gather [hbm4b:s10+s3], $0x100, $0x38;
	[tilespmem:$0x1C300] =	vst v63  }
0x6f: {  	_ =	swait.ge [sflag:s14], $0x100  }
0x70: {  	[sflag:s14] =	ssyncset.done $0x0  }
0x71: {  	[sflag:s14] =	ssyncadd.s32 $0xFFFFFF00  }
0x72: {  	_ =	swait.ge [sflag:s19], $0x4000  }
0x73: {  	[sflag:s19] =	ssyncset.done $0x0  }
0x74: {  	[sflag:s19] =	ssyncadd.s32 $0xFFFFC000  }
0x75: {  	[spmem:s2] =	stream.indirect.scatter.add.f32 [tilespmem:s16], [sflag:$0x3], $0x80, s18, s15, $0xb8;
	[tilespmem:$0x1C300] =	vst v63  }
0x76: {  	_ =	swait.ge [sflag:s14], $0x4000  }
0x77: {  	[sflag:s14] =	ssyncset.done $0x0  }
0x78: {  	[sflag:s14] =	ssyncadd.s32 $0xFFFFC000  }
0x79: {  	_ =	swait.ge [sflag:s20], $0x4000  }
0x7a: {  	[sflag:s20] =	ssyncset.done $0x0  }
0x7b: {  	[sflag:s20] =	ssyncadd.s32 $0xFFFFC000  }
0x7c: {  	[spmem:s2] =	stream.indirect.scatter.add.f32 [tilespmem:s17], [sflag:$0x3], $0x80, s21, s15, $0xb8;
	[tilespmem:$0x1C300] =	vst v63  }
0x7d: {  	_ =	swait.ge [sflag:s14], $0x4000  }
0x7e: {  	s22 =	sadd.s32 $0x1, s22;
	[sflag:s14] =	ssyncset.done $0x0  }
0x7f: {  	p0 =	sne.s32 s22, s9;
	[sflag:s14] =	ssyncadd.s32 $0xFFFFC000  }
.Ltmp1:
0x80: {  	[bflag:$0x0] =	sbarrier.arrive $0xFFFF;
	(pc) =	sbr.rel @p0 .LBB2_1-.Ltmp1, $4  }
0x81: {  	[hbm:s8], [sflag:s6] =	dma.local [spmem:s13], $0x2710  }
0x82: {  	_ =	swait.ge [sflag:s14], $0x2710  }
0x83: {  	[sflag:s14] =	ssyncset.done $0x0  }
0x84: {  	[sflag:s14] =	ssyncadd.s32 $0xFFFFD8F0  }
0x85: {  	_ =	sfence.sel $0x180000  }
0x86: {  	[bflag:$0x0] =	sbarrier.arrive $0xFFFF  }
0x87: {  	p0 =	sne.s32 s1, $0x0;
	_ =	strace $0x9000004A  }
0x88: {  	s0 =	sadd.s32 @!p0 $0x100000, s0;
	[bflag:$0x2] =	sbarrier.arrive $0xFFFF  }
0x89: {  	[sflag:s0] =	ssyncadd.tile.s32 @!p0 $0x1;
	_ =	shalt  }
.Lfunc_end2:
_tile_overlayer_lowered:
.L_overlay_start_2:
0x8a: {  	(tag) =	ssettag $0x2  }
0x8b: {  	s0 =	rddreg [dreg:$0x0];
	s2 =	stileid.u32  }
0x8c: {  	s1 =	rddreg [dreg:$0x1];
	p0 =	sne.s32 s2, $0x0  }
0x8d: {  	s3 =	rddreg [dreg:$0x2];
	[bflag:$0x3] =	sbarrier.arrive $0xFFFF;
	s2 =	simm.s32 @!p0 $0x1C03  }
0x8e: {  	[timem:s3], [sflag:s2] =	dma.local @!p0 [hbm:s0], s1  }
0x8f: {  	s0 =	simm.s32 @!p0 $0x3  }
0x90: {  	_ =	swait.ge @!p0 [sflag:s0], s1  }
0x91: {  	s1 =	ssub.s32 @!p0 $0x0, s1;
	[sflag:s0] =	ssyncset.done @!p0 $0x0  }
0x92: {  	[sflag:s0] =	ssyncadd.s32 @!p0 s1  }
0x93: {  	[bflag:$0x3] =	sbarrier.arrive $0xFFFF  }
0x94: {  	_ =	shalt  }

// kernel: kernel.16.cloned.1.call-start
scs
__scs_entry_jumppad:
0x0: {  	(pc) =	sbr.rel $0x88, $3  }
0x1: {  	(tag) =	ssettag $0x0;
	lr =	simm.s32 $0x1  }
0x2: {  	[smem:$0x3F97] =	sst lr;
	_ =	strace $0xD0000000  }
0x3: {  	_ = 	snop  }
0x4: {  	_ = 	snop  }
0x5: {  	_ = 	snop  }
0x6: {  	_ = 	snop  }
0x7: {  	_ = 	snop  }
__scs_overlays_trampoline_lowered:
0x8: {  	[smem:$0x3FA6] =	sst s0  }
0x9: {  	[smem:$0x3FA7] =	sst s1  }
0xa: {  	[smem:$0x3FA8] =	sst s2  }
0xb: {  	[smem:$0x3FA9] =	sst s3  }
0xc: {  	[smem:$0x3FAA] =	sst s4  }
0xd: {  	[smem:$0x3FAB] =	sst s5  }
0xe: {  	[smem:$0x3FAC] =	sst s6  }
0xf: {  	[smem:$0x3FAD] =	sst s7  }
0x10: {  	[smem:$0x3FAE] =	sst s8  }
0x11: {  	[smem:$0x3FAF] =	sst s9;
	s0 =	simm.s32 @!p0 $0x0  }
0x12: {  	s1 =	sld [smem:$0x3F95];
	s0 =	simm.s32 @p0 $0x1  }
0x13: {  	[smem:$0x3FB0] =	sst s0;
	s0 =	simm.s32 @!p1 $0x0  }
0x14: {  	s2 =	sld [smem:$0x3F94];
	s0 =	simm.s32 @p1 $0x1  }
0x15: {  	[smem:$0x3FB1] =	sst s0;
	s0 =	simm.s32 @!p2 $0x0  }
0x16: {  	s3 =	sld [smem:$0x3FDB];
	s0 =	simm.s32 @p2 $0x1  }
0x17: {  	s4 =	simm.s32 $0x1BF5;
	[smem:$0x3FB3] =	sst s0  }
0x18: {  	s0 =	sld [smem:$0x3F96];
	_ =	swait.ge [sflag:s4], $0x0  }
0x19: {  	s7 =	sld [smem:$0x3F97]  }
0x1a: {  	s8 =	sadd.s32 $0xFFFFE003, lr  }
0x1b: {  	s9 =	sadd.s32 $0xFFFFFEF7, lr;
	s5 =	simm.s32 $0xFFFFFFFF;
	p2 =	slt.u32 s8, $0xFFFFF086  }
0x1c: {  	p1 =	slt.u32 s9, $0xF7A;
	s5 =	simm.s32 @!p2 $0x0  }
0x1d: {  	s5 =	simm.s32 @p1 $0x1;
	p0 =	seq.s32 s7, s2  }
0x1e: {  	s7 =	smul.u32 @!p0 $0xF7A, s2;
	p2 =	seq.s32 @!p0 s5, $0x0  }
0x1f: {  	s9 =	smul.u32 $0xF7A, s1;
	s8 =	simm.s32 @!p0 $0x1BF5;
	p2 =	por !p2, p0  }
0x20: {  	[sflag:s8] =	ssyncset.s32 @!p0 $0xFFFFF086;
	s6 =	sadd.s32 @!p0 s3, s7;
	s7 =	simm.s32 @!p0 $0x108  }
0x21: {  	s3 =	sadd.s32 s3, s9;
	s6 =	sadd.s32 @!p0 $0x88, s6;
	s7 =	simm.s32 @p2 $0x1082  }
0x22: {  	[simem:s7], [sflag:s8] =	dma.local @!p0 [hbm:s6], $0xF7A  }
0x23: {  	s9 =	sor.u32 $0xD0000000, s2;
	s6 =	simm.s32 $0x108;
	_ =	swait.ge @!p0 [sflag:s8], $0x0  }
0x24: {  	s3 =	sadd.s32 $0x88, s3;
	s6 =	simm.s32 @!p1 $0x1082;
	[sflag:s4] =	ssyncset.s32 $0xFFFFF086  }
0x25: {  	[simem:s6], [sflag:s4] =	dma.local [hbm:s3], $0xF7A  }
0x26: {  	[smem:$0x3F97] =	sst s1;
	(tag) =	ssettag s2;
	_ =	strace s9  }
0x27: {  	s1 =	sld [smem:$0x3FA7]  }
0x28: {  	s2 =	sld [smem:$0x3FA8]  }
0x29: {  	s4 =	sld [smem:$0x3FAA]  }
0x2a: {  	p0 =	seq.s32 s5, $0x0;
	s5 =	sld [smem:$0x3FAB]  }
0x2b: {  	s6 =	sld [smem:$0x3FAC]  }
0x2c: {  	s7 =	sld [smem:$0x3FAD]  }
0x2d: {  	s3 =	simm.s32 $0x108;
	s8 =	sld [smem:$0x3FAE]  }
0x2e: {  	s3 =	simm.s32 @!p0 $0x1082;
	s9 =	sld [smem:$0x3FAF]  }
0x2f: {  	lr =	sadd.s32 s0, s3;
	s0 =	sld [smem:$0x3FA6]  }
0x30: {  	s3 =	sld [smem:$0x3FA9]  }
0x31: {  	[smem:$0x3FB2] =	sst s10  }
0x32: {  	s10 =	sld [smem:$0x3FB0];
	_ =	sdelay $0x3  }
0x33: {  	p0 =	seq.s32 s10, $0x1;
	s10 =	sld [smem:$0x3FB2];
	_ =	sdelay $0x3  }
0x34: {  	[smem:$0x3FB2] =	sst s10  }
0x35: {  	s10 =	sld [smem:$0x3FB1];
	_ =	sdelay $0x3  }
0x36: {  	p1 =	seq.s32 s10, $0x1;
	s10 =	sld [smem:$0x3FB2];
	_ =	sdelay $0x3  }
0x37: {  	[smem:$0x3FB2] =	sst s10  }
0x38: {  	s10 =	sld [smem:$0x3FB3]  }
0x39: {  	_ = 	snop;
	(pc) =	sbr.ind lr, $3  }
0x3a: {  	_ = 	snop  }
0x3b: {  	_ = 	snop  }
0x3c: {  	p2 =	seq.s32 s10, $0x1;
	s10 =	sld [smem:$0x3FB2]  }
0x3d: {  	_ =	shalt  }
0x3e: {  	_ =	shalt  }
0x3f: {  	_ =	shalt  }
0x40: {  	_ =	shalt  }
0x41: {  	_ =	shalt  }
0x42: {  	_ =	shalt  }
0x43: {  	_ =	shalt  }
0x44: {  	_ =	shalt  }
0x45: {  	_ =	shalt  }
0x46: {  	_ =	shalt  }
0x47: {  	_ =	shalt  }
0x48: {  	_ =	shalt  }
0x49: {  	_ =	shalt  }
0x4a: {  	_ =	shalt  }
0x4b: {  	_ =	shalt  }
0x4c: {  	_ =	shalt  }
0x4d: {  	_ =	shalt  }
0x4e: {  	_ =	shalt  }
0x4f: {  	_ =	shalt  }
0x50: {  	_ =	shalt  }
0x51: {  	_ =	shalt  }
0x52: {  	_ =	shalt  }
0x53: {  	_ =	shalt  }
0x54: {  	_ =	shalt  }
0x55: {  	_ =	shalt  }
0x56: {  	_ =	shalt  }
0x57: {  	_ =	shalt  }
0x58: {  	_ =	shalt  }
0x59: {  	_ =	shalt  }
0x5a: {  	_ =	shalt  }
0x5b: {  	_ =	shalt  }
0x5c: {  	_ =	shalt  }
0x5d: {  	_ =	shalt  }
0x5e: {  	_ =	shalt  }
0x5f: {  	_ =	shalt  }
0x60: {  	_ =	shalt  }
0x61: {  	_ =	shalt  }
0x62: {  	_ =	shalt  }
0x63: {  	_ =	shalt  }
0x64: {  	_ =	shalt  }
0x65: {  	_ =	shalt  }
0x66: {  	_ =	shalt  }
0x67: {  	_ =	shalt  }
0x68: {  	_ =	shalt  }
0x69: {  	_ =	shalt  }
0x6a: {  	_ =	shalt  }
0x6b: {  	_ =	shalt  }
0x6c: {  	_ =	shalt  }
0x6d: {  	_ =	shalt  }
0x6e: {  	_ =	shalt  }
0x6f: {  	_ =	shalt  }
0x70: {  	_ =	shalt  }
0x71: {  	_ =	shalt  }
0x72: {  	_ =	shalt  }
0x73: {  	_ =	shalt  }
0x74: {  	_ =	shalt  }
0x75: {  	_ =	shalt  }
0x76: {  	_ =	shalt  }
0x77: {  	_ =	shalt  }
0x78: {  	_ =	shalt  }
0x79: {  	_ =	shalt  }
0x7a: {  	_ =	shalt  }
0x7b: {  	_ =	shalt  }
0x7c: {  	_ =	shalt  }
0x7d: {  	_ =	shalt  }
0x7e: {  	_ =	shalt  }
0x7f: {  	_ =	shalt  }
0x80: {  	_ =	shalt  }
0x81: {  	_ =	shalt  }
0x82: {  	_ =	shalt  }
0x83: {  	_ =	shalt  }
0x84: {  	_ =	shalt  }
0x85: {  	_ =	shalt  }
0x86: {  	_ =	shalt  }
0x87: {  	_ =	shalt  }
.Lfunc_end0:
.L_simem_size_0:
called_computation.2_lowered:
.L_overlay_start_0:
0x88: {  	s2 =	sld [smem:$0x3FD9]  }
0x89: {  	s3 =	sld [smem:$0x3FFE];
	_ =	sdelay $0x1  }
0x8a: {  	s1 =	srdreg.scid  }
0x8b: {  	s0 =	sand.u32 $0x1, s1  }
0x8c: {  	s16 =	sshll.u32 s0, $0xA;
	s2 =	sadd.s32 s3, s2  }
0x8d: {  	s2 =	sadd.s32 s2, s16  }
0x8e: {  	[smem:$0x3FBE] =	sst s2  }
0x8f: {  	_ = 	snop  }
0x90: {  	(tm) =	ssettm $0x1  }
0x91: {  	s17 =	sld [smem:$0x3FFB];
	_ =	sdelay $0x3  }
0x92: {  	_ =	strace s17  }
0x93: {  	s2 =	sld [smem:$0x3FFC];
	_ =	sdelay $0x3  }
0x94: {  	_ =	strace s2  }
0x95: {  	s2 =	sld [smem:$0x3FFD];
	_ =	sdelay $0x3  }
0x96: {  	_ =	strace s2  }
0x97: {  	_ =	strace $0x8FFFFFFF  }
0x98: {  	s18 =	sld [smem:$0x3FDB];
	_ =	sdelay $0x1  }
0x99: {  	s19 =	simm.s32 $_scs_section_size  }
0x9a: {  	s4 =	simm.s32 $_size__tile_overlayer_lowered;
	s5 =	simm.s32 $_tile_overlayer_lowered  }
0x9b: {  	s22 =	simm.s32 $0x1BFF;
	s21 =	sshll.u32 s5, $0x1;
	s2 =	sadd.s32 s19, s18  }
0x9c: {  	s6 =	simm.s32 $0x0;
	s20 =	sshll.u32 s4, $0x1;
	s4 =	sadd.s32 s21, s2  }
0x9d: {  	[timem:s6], [sflag:s22] =	dma.local [hbm:s4], s20  }
0x9e: {  	_ =	swait.ge [sflag:s22], s20  }
0x9f: {  	s3 =	ssub.s32 $0x0, s20;
	[sflag:s22] =	ssyncset.done $0x0  }
0xa0: {  	[sflag:s22] =	ssyncadd.s32 s3;
	_ =	sdelay $0x1  }
0xa1: {  	s23 =	simm.s32 $0x1B8B  }
0xa2: {  	_ =	swait.ge [sflag:s23], $0x1  }
0xa3: {  	[sflag:s23] =	ssyncset.done $0x0  }
0xa4: {  	s25 =	simm.s32 $0x1B8E;
	s24 =	sld [smem:$0x3FFE];
	[sflag:s23] =	ssyncadd.s32 $0xFFFFFFFF  }
0xa5: {  	s26 =	simm.s32 $execute0_lowered;
	[smem:$0x3FD2] =	sst s25  }
0xa6: {  	s4 =	sshll.u32 s26, $0x1;
	_ =	strace $0x8000004C;
	[dreg:$0x1] =	wrdreg $0xFFFFFFFF  }
0xa7: {  	s28 =	simm.s32 $_size_execute0_lowered;
	s2 =	sadd.s32 s2, s4;
	[dreg:$0x0] =	wrdreg $0x0  }
0xa8: {  	s4 =	sshll.u32 s28, $0x1;
	[dreg:$0x2] =	wrdreg s2  }
0xa9: {  	[dreg:$0x3] =	wrdreg s4  }
0xaa: {  	[dreg:$0x4] =	wrdreg $0xC0  }
0xab: {  	_ =	task [dreg:s6], $0x5FFFF  }
0xac: {  	[dreg:$0x1] =	wrdreg $0xFFFFFFFF  }
0xad: {  	[dreg:$0x0] =	wrdreg $0x60  }
0xae: {  	[dreg:$0x2] =	wrdreg s24  }
0xaf: {  	[dreg:$0x3] =	wrdreg $0x83000  }
0xb0: {  	[dreg:$0x4] =	wrdreg $0x9  }
0xb1: {  	_ =	task.clear_ibuf [dreg:s6], $0x5FFFF;
	_ =	strace $0x9000004C  }
0xb2: {  	s29 =	simm.s32 $0x9;
	_ =	strace $0x8000004E  }
0xb3: {  	_ =	swait.ge [sflag:s29], $0x1  }
0xb4: {  	[sflag:s29] =	ssyncadd.s32 $0xFFFFFFFF  }
0xb5: {  	_ =	strace $0x9000004E  }
0xb6: {  	_ =	sfence  }
0xb7: {  	s30 =	sld [smem:$0x0];
	_ =	sdelay $0x2  }
0xb8: {  	s31 =	sshll.u32 s1, $0xD;
	s1 =	sshrl.u32 s1, $0x2  }
0xb9: {  	s3 =	sand.u32 $0x4000, s31;
	s1 =	sadd.s32 s1, s30  }
0xba: {  	s0 =	sor.u32 s3, s0;
	s1 =	sshll.u32 s1, $0x11  }
0xbb: {  	s0 =	sor.u32 s1, s0  }
0xbc: {  	s0 =	sadd.s32 $0x8F2B, s0  }
0xbd: {  	[sflag:s0] =	ssyncadd.remote.s32 $0x1  }
0xbe: {  	_ =	sfence.sel $0xFFFF  }
0xbf: {  	[dreg:$0x0] =	wrdreg $0xFFFFFFFF;
	(pc) =	sbr.abs _section_cstart, $3  }
0xc0: {  	[dreg:$0x1] =	wrdreg $0xFFFFFFFF  }
0xc1: {  	_ =	task.clear_ibuf [dreg:s6], $0x2FFFF;
	_ =	strace $0x9FFFFFFF  }
0xc2: {  	(tm) =	ssettm $0x7FFFFFFF  }
0xc3: {  	_ =	shalt  }
tec
execute0_lowered:
.L_overlay_start_1:
0x0: {  	(tag) =	ssettag $0x1  }
0x1: {  	s5 =	rddreg [dreg:$0x0]  }
0x2: {  	s2 =	rddreg [dreg:$0x1]  }
0x3: {  	s0 =	rddreg [dreg:$0x2];
	s4 =	srdreg.scid  }
0x4: {  	s1 =	stileid.u32;
	s3 =	simm.s32 $0x0;
	s18 =	simm.s32 $0x200  }
0x5: {  	s19 =	simm.s32 $0x1;
	s20 =	simm.s32 $0x2;
	s6 =	smul.u32 $0x13880, s1  }
0x6: {  	s21 =	simm.s32 $0x280;
	s10 =	sand.u32 $0x1, s4;
	s17 =	smul.u32 $0x2800, s1  }
0x7: {  	[smem:$0x7FF] =	sst s3;
	s4 =	sadd.s32 $0x18000, s5;
	s28 =	smul.u32 $0x500, s1  }
0x8: {  	s11 =	sadd.s32 $0x4000, s5;
	s24 =	sshll.u32 s1, $0x6;
	s7 =	smul.u32 $0x138800, s10  }
0x9: {  	_ =	strace $0x8000004D;
	s8 =	ssub.s32 $0x2, s10;
	s16 =	smul.u32 $0x28000, s10  }
0xa: {  	s9 =	sshll.u32 s10, $0x4;
	s10 =	smul.u32 $0x5000, s10;
	s12 =	sshrl.u32 s8, $0x1  }
0xb: {  	s9 =	sor.u32 s1, s9;
	s14 =	sadd.s32 s6, s2;
	s23 =	sshrl.u32 s6, $0x3  }
0xc: {  	s7 =	sadd.s32 s6, s7;
	s12 =	ssub.s32 s8, s12;
	s22 =	smul.u32 $0x500, s9  }
0xd: {  	s15 =	smul.u32 $0x2800, s9;
	s6 =	sor.u32 $0x1C03, s24;
	s26 =	sadd.s32 s17, s16  }
0xe: {  	s29 =	sadd.s32 s10, s11;
	s16 =	simm.s32 $0x300;
	s17 =	simm.s32 $0x4300  }
0xf: {  	s7 =	sshrl.u32 s7, $0x3;
	s9 =	smax.u32 s12, $0x1;
	s31 =	sadd.s32 s28, s29  }
0x10: {  	s13 =	sadd.s32 s7, s5;
	s5 =	sadd.s32 s4, s23;
	s7 =	sadd.s32 s11, s22  }
0x11: {  	s25 =	sshrl.u32 s15, $0x3;
	s15 =	simm.s32 $0x80;
	s22 =	simm.s32 $0x0  }
0x12: {  	s8 =	sadd.s32 $0x3F200, s13;
	s12 =	sadd.s32 s11, s25;
	s13 =	sadd.s32 $0x50000, s26  }
0x13: {  	s10 =	sadd.s32 $0xA4E0, s12;
	s30 =	sshrl.u32 s13, $0x3;
	s12 =	sadd.s32 $0x20, s31  }
0x14: {  	s13 =	sshrl.u32 s14, $0x3;
	s14 =	simm.s32 $0x3;
	s11 =	sadd.s32 s30, s11  }
.LBB2_1:
0x15: {  	[spmem:s13], [sflag:s6] =	dma.local [hbm:s5], $0x2710  }
0x16: {  	_ =	swait.ge [sflag:s14], $0x2710  }
0x17: {  	[sflag:s14] =	ssyncset.done $0x0  }
0x18: {  	[sflag:s14] =	ssyncadd.s32 $0xFFFFD8F0  }
0x19: {  	[tilespmem:s3], [sflag:$0x3] =	stream.linear.gather [hbm4b:s7+s3], $0x100, $0x38;
	[tilespmem:$0x1C300] =	vst v63  }
0x1a: {  	_ =	swait.ge [sflag:s14], $0x100  }
0x1b: {  	[sflag:s14] =	ssyncset.done $0x0  }
0x1c: {  	[sflag:s14] =	ssyncadd.s32 $0xFFFFFF00  }
0x1d: {  	s23 =	sxor.u32 $0xFFFFFFFF, s3;
	[bflag:$0x0] =	sbarrier.arrive $0xFFFF  }
0x1e: {  	[tilespmem:s16], [sflag:$0x1] =	stream.indirect.gather [hbm4b:s4+s15], $0x80, s3, s15, $0xb8;
	[tilespmem:$0x1C300] =	vst v63  }
0x1f: {  	s23 =	sand.u32 $0x400, s23  }
0x20: {  	[tilespmem:s17], [sflag:$0x2] =	stream.indirect.gather [hbm4b:s4+s15], $0x80, s15, s15, $0xb8;
	[tilespmem:$0x1C300] =	vst v63  }
0x21: {  	s26 =	sshrl.u32 s23, $0x2  }
0x22: {  	[tilespmem:s26], [sflag:$0x3] =	stream.linear.gather [hbm4b:s12+s3], $0x100, $0x38;
	[tilespmem:$0x1C300] =	vst v63  }
0x23: {  	_ =	swait.ge [sflag:s14], $0x100  }
0x24: {  	[sflag:s14] =	ssyncset.done $0x0  }
0x25: {  	[sflag:s14] =	ssyncadd.s32 $0xFFFFFF00  }
0x26: {  	[tilespmem:s18], [sflag:$0x3] =	stream.linear.gather [hbm4b:s11+s3], $0x100, $0x38;
	[tilespmem:$0x1C300] =	vst v63  }
0x27: {  	_ =	swait.ge [sflag:s14], $0x100  }
0x28: {  	[sflag:s14] =	ssyncset.done $0x0  }
0x29: {  	[sflag:s14] =	ssyncadd.s32 $0xFFFFFF00  }
0x2a: {  	_ =	swait.ge [sflag:s19], $0x4000  }
0x2b: {  	[sflag:s19] =	ssyncset.done $0x0  }
0x2c: {  	[sflag:s19] =	ssyncadd.s32 $0xFFFFC000  }
0x2d: {  	[spmem:s2] =	stream.indirect.scatter.add.f32 [tilespmem:s16], [sflag:$0x3], $0x80, s18, s15, $0xb8;
	[tilespmem:$0x1C300] =	vst v63  }
0x2e: {  	_ =	swait.ge [sflag:s14], $0x4000  }
0x2f: {  	[sflag:s14] =	ssyncset.done $0x0  }
0x30: {  	[sflag:s14] =	ssyncadd.s32 $0xFFFFC000  }
0x31: {  	[tilespmem:s16], [sflag:$0x1] =	stream.indirect.gather [hbm4b:s4+s15], $0x80, s26, s15, $0xb8;
	[tilespmem:$0x1C300] =	vst v63  }
0x32: {  	_ =	swait.ge [sflag:s20], $0x4000  }
0x33: {  	[sflag:s20] =	ssyncset.done $0x0  }
0x34: {  	s28 =	simm.s32 $0x400;
	s25 =	simm.s32 $0x800;
	[sflag:s20] =	ssyncadd.s32 $0xFFFFC000  }
0x35: {  	[spmem:s2] =	stream.indirect.scatter.add.f32 [tilespmem:s17], [sflag:$0x3], $0x80, s21, s15, $0xb8;
	[tilespmem:$0x1C300] =	vst v63  }
0x36: {  	s24 =	sadd.s32 $0x20, s12;
	s28 =	sxor.u32 $0xFFFFFFFF, s28;
	_ =	swait.ge [sflag:s14], $0x4000  }
0x37: {  	s23 =	sadd.s32 $0x20, s11;
	s26 =	sor.u32 $0x80, s26;
	[sflag:s14] =	ssyncset.done $0x0  }
.LBB2_2:
0x38: {  	s28 =	sand.u32 $0x400, s28  }
0x39: {  	[sflag:s14] =	ssyncadd.s32 $0xFFFFC000;
	s29 =	smov.u32 s25;
	s30 =	sadd.s32 $0x400, s25  }
0x3a: {  	[tilespmem:s17], [sflag:$0x2] =	stream.indirect.gather [hbm4b:s4+s15], $0x80, s26, s15, $0xb8;
	[tilespmem:$0x1C300] =	vst v63  }
0x3b: {  	p0 =	sne.s32 s25, $0x9800;
	s25 =	sshrl.u32 s28, $0x2  }
0x3c: {  	[tilespmem:s25], [sflag:$0x3] =	stream.linear.gather [hbm4b:s24+s3], $0x100, $0x38;
	[tilespmem:$0x1C300] =	vst v63  }
0x3d: {  	_ =	swait.ge [sflag:s14], $0x100  }
0x3e: {  	[sflag:s14] =	ssyncset.done $0x0  }
0x3f: {  	[sflag:s14] =	ssyncadd.s32 $0xFFFFFF00  }
0x40: {  	[tilespmem:s18], [sflag:$0x3] =	stream.linear.gather [hbm4b:s23+s3], $0x100, $0x38;
	[tilespmem:$0x1C300] =	vst v63  }
0x41: {  	_ =	swait.ge [sflag:s14], $0x100  }
0x42: {  	[sflag:s14] =	ssyncset.done $0x0  }
0x43: {  	[sflag:s14] =	ssyncadd.s32 $0xFFFFFF00  }
0x44: {  	_ =	swait.ge [sflag:s19], $0x4000  }
0x45: {  	[sflag:s19] =	ssyncset.done $0x0  }
0x46: {  	[sflag:s19] =	ssyncadd.s32 $0xFFFFC000  }
0x47: {  	[spmem:s2] =	stream.indirect.scatter.add.f32 [tilespmem:s16], [sflag:$0x3], $0x80, s18, s15, $0xb8;
	[tilespmem:$0x1C300] =	vst v63  }
0x48: {  	_ =	swait.ge [sflag:s14], $0x4000  }
0x49: {  	[sflag:s14] =	ssyncset.done $0x0  }
0x4a: {  	[sflag:s14] =	ssyncadd.s32 $0xFFFFC000  }
0x4b: {  	[tilespmem:s16], [sflag:$0x1] =	stream.indirect.gather [hbm4b:s4+s15], $0x80, s25, s15, $0xb8;
	[tilespmem:$0x1C300] =	vst v63  }
0x4c: {  	_ =	swait.ge [sflag:s20], $0x4000  }
.Ltmp0:
0x4d: {  	[sflag:s20] =	ssyncset.done $0x0;
	(pc) =	sbr.rel @p0 .LBB2_2-.Ltmp0, $4  }
0x4e: {  	s28 =	sxor.u32 $0xFFFFFFFF, s29;
	[sflag:s20] =	ssyncadd.s32 $0xFFFFC000  }
0x4f: {  	[spmem:s2] =	stream.indirect.scatter.add.f32 [tilespmem:s17], [sflag:$0x3], $0x80, s21, s15, $0xb8;
	[tilespmem:$0x1C300] =	vst v63  }
0x50: {  	s24 =	sadd.s32 $0x20, s24;
	s23 =	sadd.s32 $0x20, s23;
	_ =	swait.ge [sflag:s14], $0x4000  }
0x51: {  	s26 =	sor.u32 $0x80, s25;
	s25 =	smov.u32 s30;
	[sflag:s14] =	ssyncset.done $0x0  }
0x52: {  	s25 =	sand.u32 $0x400, s28;
	[sflag:s14] =	ssyncadd.s32 $0xFFFFC000  }
0x53: {  	[tilespmem:s17], [sflag:$0x2] =	stream.indirect.gather [hbm4b:s4+s15], $0x80, s26, s15, $0xb8;
	[tilespmem:$0x1C300] =	vst v63  }
0x54: {  	s25 =	sshrl.u32 s25, $0x2  }
0x55: {  	[tilespmem:s25], [sflag:$0x3] =	stream.linear.gather [hbm4b:s24+s3], $0x100, $0x38;
	[tilespmem:$0x1C300] =	vst v63  }
0x56: {  	_ =	swait.ge [sflag:s14], $0x100  }
0x57: {  	[sflag:s14] =	ssyncset.done $0x0  }
0x58: {  	[sflag:s14] =	ssyncadd.s32 $0xFFFFFF00  }
0x59: {  	[tilespmem:s18], [sflag:$0x3] =	stream.linear.gather [hbm4b:s23+s3], $0x100, $0x38;
	[tilespmem:$0x1C300] =	vst v63  }
0x5a: {  	_ =	swait.ge [sflag:s14], $0x100  }
0x5b: {  	[sflag:s14] =	ssyncset.done $0x0  }
0x5c: {  	[sflag:s14] =	ssyncadd.s32 $0xFFFFFF00  }
0x5d: {  	_ =	swait.ge [sflag:s19], $0x4000  }
0x5e: {  	[sflag:s19] =	ssyncset.done $0x0  }
0x5f: {  	[sflag:s19] =	ssyncadd.s32 $0xFFFFC000  }
0x60: {  	[spmem:s2] =	stream.indirect.scatter.add.f32 [tilespmem:s16], [sflag:$0x3], $0x80, s18, s15, $0xb8;
	[tilespmem:$0x1C300] =	vst v63  }
0x61: {  	_ =	swait.ge [sflag:s14], $0x4000  }
0x62: {  	[sflag:s14] =	ssyncset.done $0x0  }
0x63: {  	[sflag:s14] =	ssyncadd.s32 $0xFFFFC000  }
0x64: {  	[tilespmem:s16], [sflag:$0x1] =	stream.indirect.gather [hbm4b:s4+s15], $0x80, s25, s15, $0xb8;
	[tilespmem:$0x1C300] =	vst v63  }
0x65: {  	_ =	swait.ge [sflag:s20], $0x4000  }
0x66: {  	[sflag:s20] =	ssyncset.done $0x0  }
0x67: {  	[sflag:s20] =	ssyncadd.s32 $0xFFFFC000  }
0x68: {  	[spmem:s2] =	stream.indirect.scatter.add.f32 [tilespmem:s17], [sflag:$0x3], $0x80, s21, s15, $0xb8;
	[tilespmem:$0x1C300] =	vst v63  }
0x69: {  	_ =	swait.ge [sflag:s14], $0x4000  }
0x6a: {  	[sflag:s14] =	ssyncset.done $0x0  }
0x6b: {  	s31 =	sor.u32 $0x80, s25;
	[sflag:s14] =	ssyncadd.s32 $0xFFFFC000  }
0x6c: {  	[tilespmem:s17], [sflag:$0x2] =	stream.indirect.gather [hbm4b:s4+s15], $0x80, s31, s15, $0xb8;
	[tilespmem:$0x1C300] =	vst v63  }
0x6d: {  	_ = 	snop  }
0x6e: {  	[tilespmem:s18], [sflag:$0x3] =	stream.linear.gather [hbm4b:s10+s3], $0x100, $0x38;
	[tilespmem:$0x1C300] =	vst v63  }
0x6f: {  	_ =	swait.ge [sflag:s14], $0x100  }
0x70: {  	[sflag:s14] =	ssyncset.done $0x0  }
0x71: {  	[sflag:s14] =	ssyncadd.s32 $0xFFFFFF00  }
0x72: {  	_ =	swait.ge [sflag:s19], $0x4000  }
0x73: {  	[sflag:s19] =	ssyncset.done $0x0  }
0x74: {  	[sflag:s19] =	ssyncadd.s32 $0xFFFFC000  }
0x75: {  	[spmem:s2] =	stream.indirect.scatter.add.f32 [tilespmem:s16], [sflag:$0x3], $0x80, s18, s15, $0xb8;
	[tilespmem:$0x1C300] =	vst v63  }
0x76: {  	_ =	swait.ge [sflag:s14], $0x4000  }
0x77: {  	[sflag:s14] =	ssyncset.done $0x0  }
0x78: {  	[sflag:s14] =	ssyncadd.s32 $0xFFFFC000  }
0x79: {  	_ =	swait.ge [sflag:s20], $0x4000  }
0x7a: {  	[sflag:s20] =	ssyncset.done $0x0  }
0x7b: {  	[sflag:s20] =	ssyncadd.s32 $0xFFFFC000  }
0x7c: {  	[spmem:s2] =	stream.indirect.scatter.add.f32 [tilespmem:s17], [sflag:$0x3], $0x80, s21, s15, $0xb8;
	[tilespmem:$0x1C300] =	vst v63  }
0x7d: {  	_ =	swait.ge [sflag:s14], $0x4000  }
0x7e: {  	s22 =	sadd.s32 $0x1, s22;
	[sflag:s14] =	ssyncset.done $0x0  }
0x7f: {  	p0 =	sne.s32 s22, s9;
	[sflag:s14] =	ssyncadd.s32 $0xFFFFC000  }
.Ltmp1:
0x80: {  	[bflag:$0x0] =	sbarrier.arrive $0xFFFF;
	(pc) =	sbr.rel @p0 .LBB2_1-.Ltmp1, $4  }
0x81: {  	[hbm:s8], [sflag:s6] =	dma.local [spmem:s13], $0x2710  }
0x82: {  	_ =	swait.ge [sflag:s14], $0x2710  }
0x83: {  	[sflag:s14] =	ssyncset.done $0x0  }
0x84: {  	[sflag:s14] =	ssyncadd.s32 $0xFFFFD8F0  }
0x85: {  	_ =	sfence.sel $0x180000  }
0x86: {  	[bflag:$0x0] =	sbarrier.arrive $0xFFFF  }
0x87: {  	p0 =	sne.s32 s1, $0x0;
	_ =	strace $0x9000004D  }
0x88: {  	s0 =	sadd.s32 @!p0 $0x100000, s0;
	[bflag:$0x2] =	sbarrier.arrive $0xFFFF  }
0x89: {  	[sflag:s0] =	ssyncadd.tile.s32 @!p0 $0x1;
	_ =	shalt  }
.Lfunc_end2:
_tile_overlayer_lowered:
.L_overlay_start_2:
0x8a: {  	(tag) =	ssettag $0x2  }
0x8b: {  	s0 =	rddreg [dreg:$0x0];
	s2 =	stileid.u32  }
0x8c: {  	s1 =	rddreg [dreg:$0x1];
	p0 =	sne.s32 s2, $0x0  }
0x8d: {  	s3 =	rddreg [dreg:$0x2];
	[bflag:$0x3] =	sbarrier.arrive $0xFFFF;
	s2 =	simm.s32 @!p0 $0x1C03  }
0x8e: {  	[timem:s3], [sflag:s2] =	dma.local @!p0 [hbm:s0], s1  }
0x8f: {  	s0 =	simm.s32 @!p0 $0x3  }
0x90: {  	_ =	swait.ge @!p0 [sflag:s0], s1  }
0x91: {  	s1 =	ssub.s32 @!p0 $0x0, s1;
	[sflag:s0] =	ssyncset.done @!p0 $0x0  }
0x92: {  	[sflag:s0] =	ssyncadd.s32 @!p0 s1  }
0x93: {  	[bflag:$0x3] =	sbarrier.arrive $0xFFFF  }
0x94: {  	_ =	shalt  }

// kernel: kernel.19.cloned.1.call-start
scs
__scs_entry_jumppad:
0x0: {  	(pc) =	sbr.rel $0x88, $3  }
0x1: {  	(tag) =	ssettag $0x0;
	lr =	simm.s32 $0x1  }
0x2: {  	[smem:$0x3F97] =	sst lr;
	_ =	strace $0xD0000000  }
0x3: {  	_ = 	snop  }
0x4: {  	_ = 	snop  }
0x5: {  	_ = 	snop  }
0x6: {  	_ = 	snop  }
0x7: {  	_ = 	snop  }
__scs_overlays_trampoline_lowered:
0x8: {  	[smem:$0x3FA6] =	sst s0  }
0x9: {  	[smem:$0x3FA7] =	sst s1  }
0xa: {  	[smem:$0x3FA8] =	sst s2  }
0xb: {  	[smem:$0x3FA9] =	sst s3  }
0xc: {  	[smem:$0x3FAA] =	sst s4  }
0xd: {  	[smem:$0x3FAB] =	sst s5  }
0xe: {  	[smem:$0x3FAC] =	sst s6  }
0xf: {  	[smem:$0x3FAD] =	sst s7  }
0x10: {  	[smem:$0x3FAE] =	sst s8  }
0x11: {  	[smem:$0x3FAF] =	sst s9;
	s0 =	simm.s32 @!p0 $0x0  }
0x12: {  	s1 =	sld [smem:$0x3F95];
	s0 =	simm.s32 @p0 $0x1  }
0x13: {  	[smem:$0x3FB0] =	sst s0;
	s0 =	simm.s32 @!p1 $0x0  }
0x14: {  	s2 =	sld [smem:$0x3F94];
	s0 =	simm.s32 @p1 $0x1  }
0x15: {  	[smem:$0x3FB1] =	sst s0;
	s0 =	simm.s32 @!p2 $0x0  }
0x16: {  	s3 =	sld [smem:$0x3FDB];
	s0 =	simm.s32 @p2 $0x1  }
0x17: {  	s4 =	simm.s32 $0x1BF5;
	[smem:$0x3FB3] =	sst s0  }
0x18: {  	s0 =	sld [smem:$0x3F96];
	_ =	swait.ge [sflag:s4], $0x0  }
0x19: {  	s7 =	sld [smem:$0x3F97]  }
0x1a: {  	s8 =	sadd.s32 $0xFFFFE003, lr  }
0x1b: {  	s9 =	sadd.s32 $0xFFFFFEF7, lr;
	s5 =	simm.s32 $0xFFFFFFFF;
	p2 =	slt.u32 s8, $0xFFFFF086  }
0x1c: {  	p1 =	slt.u32 s9, $0xF7A;
	s5 =	simm.s32 @!p2 $0x0  }
0x1d: {  	s5 =	simm.s32 @p1 $0x1;
	p0 =	seq.s32 s7, s2  }
0x1e: {  	s7 =	smul.u32 @!p0 $0xF7A, s2;
	p2 =	seq.s32 @!p0 s5, $0x0  }
0x1f: {  	s9 =	smul.u32 $0xF7A, s1;
	s8 =	simm.s32 @!p0 $0x1BF5;
	p2 =	por !p2, p0  }
0x20: {  	[sflag:s8] =	ssyncset.s32 @!p0 $0xFFFFF086;
	s6 =	sadd.s32 @!p0 s3, s7;
	s7 =	simm.s32 @!p0 $0x108  }
0x21: {  	s3 =	sadd.s32 s3, s9;
	s6 =	sadd.s32 @!p0 $0x88, s6;
	s7 =	simm.s32 @p2 $0x1082  }
0x22: {  	[simem:s7], [sflag:s8] =	dma.local @!p0 [hbm:s6], $0xF7A  }
0x23: {  	s9 =	sor.u32 $0xD0000000, s2;
	s6 =	simm.s32 $0x108;
	_ =	swait.ge @!p0 [sflag:s8], $0x0  }
0x24: {  	s3 =	sadd.s32 $0x88, s3;
	s6 =	simm.s32 @!p1 $0x1082;
	[sflag:s4] =	ssyncset.s32 $0xFFFFF086  }
0x25: {  	[simem:s6], [sflag:s4] =	dma.local [hbm:s3], $0xF7A  }
0x26: {  	[smem:$0x3F97] =	sst s1;
	(tag) =	ssettag s2;
	_ =	strace s9  }
0x27: {  	s1 =	sld [smem:$0x3FA7]  }
0x28: {  	s2 =	sld [smem:$0x3FA8]  }
0x29: {  	s4 =	sld [smem:$0x3FAA]  }
0x2a: {  	p0 =	seq.s32 s5, $0x0;
	s5 =	sld [smem:$0x3FAB]  }
0x2b: {  	s6 =	sld [smem:$0x3FAC]  }
0x2c: {  	s7 =	sld [smem:$0x3FAD]  }
0x2d: {  	s3 =	simm.s32 $0x108;
	s8 =	sld [smem:$0x3FAE]  }
0x2e: {  	s3 =	simm.s32 @!p0 $0x1082;
	s9 =	sld [smem:$0x3FAF]  }
0x2f: {  	lr =	sadd.s32 s0, s3;
	s0 =	sld [smem:$0x3FA6]  }
0x30: {  	s3 =	sld [smem:$0x3FA9]  }
0x31: {  	[smem:$0x3FB2] =	sst s10  }
0x32: {  	s10 =	sld [smem:$0x3FB0];
	_ =	sdelay $0x3  }
0x33: {  	p0 =	seq.s32 s10, $0x1;
	s10 =	sld [smem:$0x3FB2];
	_ =	sdelay $0x3  }
0x34: {  	[smem:$0x3FB2] =	sst s10  }
0x35: {  	s10 =	sld [smem:$0x3FB1];
	_ =	sdelay $0x3  }
0x36: {  	p1 =	seq.s32 s10, $0x1;
	s10 =	sld [smem:$0x3FB2];
	_ =	sdelay $0x3  }
0x37: {  	[smem:$0x3FB2] =	sst s10  }
0x38: {  	s10 =	sld [smem:$0x3FB3]  }
0x39: {  	_ = 	snop;
	(pc) =	sbr.ind lr, $3  }
0x3a: {  	_ = 	snop  }
0x3b: {  	_ = 	snop  }
0x3c: {  	p2 =	seq.s32 s10, $0x1;
	s10 =	sld [smem:$0x3FB2]  }
0x3d: {  	_ =	shalt  }
0x3e: {  	_ =	shalt  }
0x3f: {  	_ =	shalt  }
0x40: {  	_ =	shalt  }
0x41: {  	_ =	shalt  }
0x42: {  	_ =	shalt  }
0x43: {  	_ =	shalt  }
0x44: {  	_ =	shalt  }
0x45: {  	_ =	shalt  }
0x46: {  	_ =	shalt  }
0x47: {  	_ =	shalt  }
0x48: {  	_ =	shalt  }
0x49: {  	_ =	shalt  }
0x4a: {  	_ =	shalt  }
0x4b: {  	_ =	shalt  }
0x4c: {  	_ =	shalt  }
0x4d: {  	_ =	shalt  }
0x4e: {  	_ =	shalt  }
0x4f: {  	_ =	shalt  }
0x50: {  	_ =	shalt  }
0x51: {  	_ =	shalt  }
0x52: {  	_ =	shalt  }
0x53: {  	_ =	shalt  }
0x54: {  	_ =	shalt  }
0x55: {  	_ =	shalt  }
0x56: {  	_ =	shalt  }
0x57: {  	_ =	shalt  }
0x58: {  	_ =	shalt  }
0x59: {  	_ =	shalt  }
0x5a: {  	_ =	shalt  }
0x5b: {  	_ =	shalt  }
0x5c: {  	_ =	shalt  }
0x5d: {  	_ =	shalt  }
0x5e: {  	_ =	shalt  }
0x5f: {  	_ =	shalt  }
0x60: {  	_ =	shalt  }
0x61: {  	_ =	shalt  }
0x62: {  	_ =	shalt  }
0x63: {  	_ =	shalt  }
0x64: {  	_ =	shalt  }
0x65: {  	_ =	shalt  }
0x66: {  	_ =	shalt  }
0x67: {  	_ =	shalt  }
0x68: {  	_ =	shalt  }
0x69: {  	_ =	shalt  }
0x6a: {  	_ =	shalt  }
0x6b: {  	_ =	shalt  }
0x6c: {  	_ =	shalt  }
0x6d: {  	_ =	shalt  }
0x6e: {  	_ =	shalt  }
0x6f: {  	_ =	shalt  }
0x70: {  	_ =	shalt  }
0x71: {  	_ =	shalt  }
0x72: {  	_ =	shalt  }
0x73: {  	_ =	shalt  }
0x74: {  	_ =	shalt  }
0x75: {  	_ =	shalt  }
0x76: {  	_ =	shalt  }
0x77: {  	_ =	shalt  }
0x78: {  	_ =	shalt  }
0x79: {  	_ =	shalt  }
0x7a: {  	_ =	shalt  }
0x7b: {  	_ =	shalt  }
0x7c: {  	_ =	shalt  }
0x7d: {  	_ =	shalt  }
0x7e: {  	_ =	shalt  }
0x7f: {  	_ =	shalt  }
0x80: {  	_ =	shalt  }
0x81: {  	_ =	shalt  }
0x82: {  	_ =	shalt  }
0x83: {  	_ =	shalt  }
0x84: {  	_ =	shalt  }
0x85: {  	_ =	shalt  }
0x86: {  	_ =	shalt  }
0x87: {  	_ =	shalt  }
.Lfunc_end0:
.L_simem_size_0:
called_computation.3_lowered:
.L_overlay_start_0:
0x88: {  	s2 =	sld [smem:$0x3FD9]  }
0x89: {  	s3 =	sld [smem:$0x3FFE];
	_ =	sdelay $0x1  }
0x8a: {  	s1 =	srdreg.scid  }
0x8b: {  	s0 =	sand.u32 $0x1, s1  }
0x8c: {  	s17 =	sshll.u32 s0, $0xA;
	s2 =	sadd.s32 s3, s2  }
0x8d: {  	s2 =	sadd.s32 s2, s17  }
0x8e: {  	[smem:$0x3FBE] =	sst s2  }
0x8f: {  	_ = 	snop  }
0x90: {  	s2 =	sld [smem:$0x3FD0];
	(tm) =	ssettm $0x1  }
0x91: {  	s18 =	sld [smem:$0x3FFB];
	_ =	sdelay $0x3  }
0x92: {  	_ =	strace s18  }
0x93: {  	s3 =	sld [smem:$0x3FFC];
	_ =	sdelay $0x3  }
0x94: {  	_ =	strace s3  }
0x95: {  	s3 =	sld [smem:$0x3FFD];
	_ =	sdelay $0x3  }
0x96: {  	_ =	strace s3  }
0x97: {  	_ =	strace $0x8FFFFFFF  }
0x98: {  	s19 =	sld [smem:$0x3FDB];
	_ =	sdelay $0x1  }
0x99: {  	s4 =	simm.s32 $_scs_section_size  }
0x9a: {  	s5 =	simm.s32 $_size__tile_overlayer_lowered;
	s6 =	simm.s32 $_tile_overlayer_lowered  }
0x9b: {  	s22 =	simm.s32 $0x1BFF;
	s21 =	sshll.u32 s6, $0x1;
	s3 =	sadd.s32 s4, s19  }
0x9c: {  	s7 =	simm.s32 $0x0;
	s20 =	sshll.u32 s5, $0x1;
	s5 =	sadd.s32 s21, s3  }
0x9d: {  	[timem:s7], [sflag:s22] =	dma.local [hbm:s5], s20  }
0x9e: {  	_ =	swait.ge [sflag:s22], s20  }
0x9f: {  	s4 =	ssub.s32 $0x0, s20;
	[sflag:s22] =	ssyncset.done $0x0  }
0xa0: {  	[sflag:s22] =	ssyncadd.s32 s4;
	_ =	sdelay $0x1  }
0xa1: {  	s23 =	simm.s32 $0x1B8B  }
0xa2: {  	_ =	swait.ge [sflag:s23], $0x1  }
0xa3: {  	[sflag:s23] =	ssyncset.done $0x0  }
0xa4: {  	s25 =	simm.s32 $0x1B8E;
	s24 =	sld [smem:$0x3FFE];
	[sflag:s23] =	ssyncadd.s32 $0xFFFFFFFF  }
0xa5: {  	s26 =	simm.s32 $execute0_lowered;
	[smem:$0x3FD2] =	sst s25  }
0xa6: {  	s5 =	sshll.u32 s26, $0x1;
	_ =	strace $0x8000004F;
	[dreg:$0x1] =	wrdreg $0xFFFFFFFF  }
0xa7: {  	s28 =	simm.s32 $_size_execute0_lowered;
	s3 =	sadd.s32 s3, s5;
	[dreg:$0x0] =	wrdreg $0x0  }
0xa8: {  	s5 =	sshll.u32 s28, $0x1;
	[dreg:$0x2] =	wrdreg s3  }
0xa9: {  	[dreg:$0x3] =	wrdreg s5  }
0xaa: {  	[dreg:$0x4] =	wrdreg $0xC0  }
0xab: {  	_ =	task [dreg:s7], $0x5FFFF  }
0xac: {  	[dreg:$0x1] =	wrdreg $0xFFFFFFFF  }
0xad: {  	[dreg:$0x0] =	wrdreg $0x60  }
0xae: {  	[dreg:$0x2] =	wrdreg s2  }
0xaf: {  	[dreg:$0x3] =	wrdreg s24  }
0xb0: {  	[dreg:$0x4] =	wrdreg $0x10C000  }
0xb1: {  	[dreg:$0x5] =	wrdreg $0x9  }
0xb2: {  	_ =	task.clear_ibuf [dreg:s7], $0x6FFFF;
	_ =	strace $0x9000004F  }
0xb3: {  	s29 =	simm.s32 $0x9;
	_ =	strace $0x80000051  }
0xb4: {  	_ =	swait.ge [sflag:s29], $0x1  }
0xb5: {  	[sflag:s29] =	ssyncadd.s32 $0xFFFFFFFF  }
0xb6: {  	_ =	strace $0x90000051  }
0xb7: {  	_ =	sfence  }
0xb8: {  	s30 =	sld [smem:$0x0];
	_ =	sdelay $0x2  }
0xb9: {  	s31 =	sshll.u32 s1, $0xD;
	s1 =	sshrl.u32 s1, $0x2  }
0xba: {  	s3 =	sand.u32 $0x4000, s31;
	s1 =	sadd.s32 s1, s30  }
0xbb: {  	s0 =	sor.u32 s3, s0;
	s1 =	sshll.u32 s1, $0x11  }
0xbc: {  	s0 =	sor.u32 s1, s0  }
0xbd: {  	s0 =	sadd.s32 $0x8F2B, s0  }
0xbe: {  	[sflag:s0] =	ssyncadd.remote.s32 $0x1  }
0xbf: {  	_ =	sfence.sel $0xFFFF  }
0xc0: {  	[dreg:$0x0] =	wrdreg $0xFFFFFFFF;
	(pc) =	sbr.abs _section_cstart, $3  }
0xc1: {  	[dreg:$0x1] =	wrdreg $0xFFFFFFFF  }
0xc2: {  	_ =	task.clear_ibuf [dreg:s7], $0x2FFFF;
	_ =	strace $0x9FFFFFFF  }
0xc3: {  	(tm) =	ssettm $0x7FFFFFFF  }
tec
execute0_lowered:
.L_overlay_start_1:
0x0: {  	(tag) =	ssettag $0x1  }
0x1: {  	s1 =	rddreg [dreg:$0x0]  }
0x2: {  	s0 =	rddreg [dreg:$0x1]  }
0x3: {  	s3 =	rddreg [dreg:$0x2]  }
0x4: {  	s2 =	srdreg.scid;
	s13 =	stileid.u32  }
0x5: {  	s4 =	simm.s32 $0x0;
	s14 =	simm.s32 $0x80;
	s15 =	simm.s32 $0xC00  }
0x6: {  	s18 =	simm.s32 $0x4C00;
	s29 =	simm.s32 $0xEC00;
	s30 =	simm.s32 $0x800  }
0x7: {  	s31 =	simm.s32 $0x1;
	s16 =	simm.s32 $0x5;
	s5 =	smul.u32 $0x9C40, s13  }
0x8: {  	s17 =	simm.s32 $0xA00;
	s19 =	simm.s32 $0x7;
	s12 =	smul.u32 $0x2800, s13  }
0x9: {  	s2 =	sand.u32 $0x1, s2;
	[smem:$0x7FF] =	sst s4;
	s23 =	smul.u32 $0x500, s13  }
0xa: {  	s7 =	sadd.s32 $0x4000, s0;
	s11 =	sshll.u32 s13, $0x6;
	s6 =	smul.u32 $0x9C400, s2  }
0xb: {  	_ =	strace $0x80000050;
	s8 =	sshll.u32 s2, $0x4;
	s10 =	smul.u32 $0x28000, s2  }
0xc: {  	s9 =	ssub.s32 $0x2, s2;
	s11 =	sor.u32 $0x1C09, s11;
	s2 =	smul.u32 $0x5000, s2  }
0xd: {  	s8 =	sor.u32 s13, s8;
	s20 =	sshrl.u32 s9, $0x1;
	s21 =	sadd.s32 s5, s3  }
0xe: {  	s13 =	simm.s32 $0x9;
	[dreg:$0x5] =	wrdreg s11;
	s6 =	sadd.s32 s5, s6  }
0xf: {  	s8 =	smul.u32 $0x500, s8;
	s5 =	sshrl.u32 s5, $0x3;
	s24 =	sadd.s32 s12, s10  }
0x10: {  	s25 =	sadd.s32 s2, s7;
	s6 =	sshrl.u32 s6, $0x3;
	s5 =	sadd.s32 s1, s5  }
0x11: {  	s26 =	sadd.s32 $0x50000, s24;
	s0 =	sadd.s32 s6, s0;
	s6 =	ssub.s32 s9, s20  }
0x12: {  	[dreg:$0x4] =	wrdreg s5;
	s22 =	sadd.s32 s7, s8;
	s2 =	sshrl.u32 s26, $0x3  }
0x13: {  	s26 =	simm.s32 $0xCC00;
	s20 =	simm.s32 $0xB00;
	[dreg:$0x6] =	wrdreg s22  }
0x14: {  	s0 =	sadd.s32 $0x18000, s0;
	s6 =	smax.u32 s6, $0x1;
	s28 =	sadd.s32 s2, s7  }
.Ltmp0:
0x15: {  	s22 =	simm.s32 $0x8C00;
	[dreg:$0x7] =	wrdreg s0;
	(pc) =	sbr.rel .LBB2_1-.Ltmp0, $4  }
0x16: {  	s2 =	simm.s32 $0x900;
	s7 =	simm.s32 $0x0;
	[dreg:$0x8] =	wrdreg s6  }
0x17: {  	s0 =	sadd.s32 s23, s25;
	[dreg:$0xa] =	wrdreg s28;
	s6 =	sshrl.u32 s21, $0x3  }
0x18: {  	s21 =	simm.s32 $0x8;
	s0 =	sadd.s32 $0x80, s0;
	[dreg:$0xb] =	wrdreg s6  }
0x19: {  	s23 =	simm.s32 $0xB80;
	[dreg:$0x9] =	wrdreg s0;
	s0 =	simm.s32 $0x3  }
.LBB2_4:
0x1a: {  	_ =	swait.ge [sflag:s21], $0x2000  }
0x1b: {  	[sflag:s21] =	ssyncset.done $0x0  }
0x1c: {  	[sflag:s21] =	ssyncadd.s32 $0xFFFFE000  }
0x1d: {  	[spmem:s3] =	stream.indirect.scatter.add.f32 [tilespmem:s29], [sflag:$0x9], $0x40, s23, s14, $0xb8;
	[tilespmem:$0x1AC00] =	vst v63  }
0x1e: {  	_ =	swait.ge [sflag:s13], $0x2000  }
0x1f: {  	[sflag:s13] =	ssyncset.done $0x0  }
0x20: {  	[sflag:s13] =	ssyncadd.s32 $0xFFFFE000  }
0x21: {  	[bflag:$0x0] =	sbarrier.arrive $0xFFFF  }
0x22: {  	s11 =	rddreg [dreg:$0x5]  }
0x23: {  	s5 =	rddreg [dreg:$0x7]  }
0x24: {  	s6 =	rddreg [dreg:$0xb]  }
0x25: {  	[hbm:s5], [sflag:s11] =	dma.local [spmem:s6], $0x1388  }
0x26: {  	_ =	swait.ge [sflag:s13], $0x1388  }
0x27: {  	s7 =	rddreg [dreg:$0xc]  }
0x28: {  	s28 =	rddreg [dreg:$0x8];
	s7 =	sadd.s32 $0x1, s7  }
0x29: {  	p0 =	sne.s32 s7, s28  }
.Ltmp1:
0x2a: {  	_ = 	snop;
	(pc) =	sbr.rel @!p0 .LBB2_5-.Ltmp1, $3  }
0x2b: {  	_ =	sdelay $0x1  }
0x2c: {  	[sflag:s13] =	ssyncset.done $0x0  }
0x2d: {  	[sflag:s13] =	ssyncadd.s32 $0xFFFFEC78  }
.LBB2_1:
0x2e: {  	[dreg:$0xc] =	wrdreg s7  }
0x2f: {  	s5 =	rddreg [dreg:$0x4]  }
0x30: {  	[spmem:s6], [sflag:s11] =	dma.local [hbm:s5], $0x1388  }
0x31: {  	_ =	swait.ge [sflag:s13], $0x1388  }
0x32: {  	[sflag:s13] =	ssyncset.done $0x0  }
0x33: {  	s6 =	rddreg [dreg:$0x6];
	[sflag:s13] =	ssyncadd.s32 $0xFFFFEC78  }
0x34: {  	[tilespmem:s4], [sflag:$0x9] =	stream.linear.gather [hbm4b:s6+s4], $0x400, $0x38;
	[tilespmem:$0x1AC00] =	vst v63  }
0x35: {  	_ =	swait.ge [sflag:s13], $0x400  }
0x36: {  	[sflag:s13] =	ssyncset.done $0x0  }
0x37: {  	[sflag:s13] =	ssyncadd.s32 $0xFFFFFC00  }
0x38: {  	[bflag:$0x0] =	sbarrier.arrive $0xFFFF  }
0x39: {  	[tilespmem:s15], [sflag:$0x1] =	stream.indirect.gather [hbm4b:s1+s14], $0x40, s4, s14, $0xb8;
	[tilespmem:$0x1AC00] =	vst v63  }
0x3a: {  	s7 =	simm.s32 $0x2C00  }
0x3b: {  	[tilespmem:s7], [sflag:$0x2] =	stream.indirect.gather [hbm4b:s1+s14], $0x40, s14, s14, $0xb8;
	[tilespmem:$0x1AC00] =	vst v63  }
0x3c: {  	s8 =	simm.s32 $0x100  }
0x3d: {  	[tilespmem:s18], [sflag:$0x3] =	stream.indirect.gather [hbm4b:s1+s14], $0x40, s8, s14, $0xb8;
	[tilespmem:$0x1AC00] =	vst v63  }
0x3e: {  	s9 =	simm.s32 $0x180;
	s10 =	simm.s32 $0x6C00  }
0x3f: {  	[tilespmem:s10], [sflag:$0x4] =	stream.indirect.gather [hbm4b:s1+s14], $0x40, s9, s14, $0xb8;
	[tilespmem:$0x1AC00] =	vst v63  }
0x40: {  	s11 =	simm.s32 $0x200  }
0x41: {  	[tilespmem:s22], [sflag:$0x5] =	stream.indirect.gather [hbm4b:s1+s14], $0x40, s11, s14, $0xb8;
	[tilespmem:$0x1AC00] =	vst v63  }
0x42: {  	s12 =	simm.s32 $0x280;
	s24 =	simm.s32 $0xAC00  }
0x43: {  	[tilespmem:s24], [sflag:$0x6] =	stream.indirect.gather [hbm4b:s1+s14], $0x40, s12, s14, $0xb8;
	[tilespmem:$0x1AC00] =	vst v63  }
0x44: {  	s25 =	simm.s32 $0x300;
	s10 =	rddreg [dreg:$0x9]  }
0x45: {  	[tilespmem:s26], [sflag:$0x7] =	stream.indirect.gather [hbm4b:s1+s14], $0x40, s25, s14, $0xb8;
	[tilespmem:$0x1AC00] =	vst v63  }
0x46: {  	s28 =	simm.s32 $0x380;
	s5 =	simm.s32 $0x0;
	s11 =	rddreg [dreg:$0xa]  }
0x47: {  	[tilespmem:s29], [sflag:$0x8] =	stream.indirect.gather [hbm4b:s1+s14], $0x40, s28, s14, $0xb8;
	[tilespmem:$0x1AC00] =	vst v63  }
.LBB2_2:
0x48: {  	s6 =	sxor.u32 $0xFFFFFFFF, s5  }
0x49: {  	p0 =	seq.s32 s5, $0x9;
	s7 =	sand.u32 $0x1, s6  }
0x4a: {  	s6 =	simm.s32 @!p0 $0x0;
	s9 =	simm.s32 @!p0 $0x9;
	s8 =	sshll.u32 @!p0 s7, $0xA  }
0x4b: {  	[tilespmem:s8], [sflag:$0x9] =	stream.linear.gather @!p0 [hbm4b:s10+s6], $0x400, $0x38;
	[tilespmem:$0x1AC00] =	vst v63  }
0x4c: {  	_ =	swait.ge @!p0 [sflag:s9], $0x400  }
0x4d: {  	[sflag:s9] =	ssyncset.done @!p0 $0x0  }
0x4e: {  	[sflag:s9] =	ssyncadd.s32 @!p0 $0xFFFFFC00  }
0x4f: {  	[tilespmem:s30], [sflag:$0x9] =	stream.linear.gather [hbm4b:s11+s4], $0x400, $0x38;
	[tilespmem:$0x1AC00] =	vst v63  }
0x50: {  	_ =	swait.ge [sflag:s13], $0x400  }
0x51: {  	[sflag:s13] =	ssyncset.done $0x0  }
0x52: {  	[sflag:s13] =	ssyncadd.s32 $0xFFFFFC00  }
0x53: {  	_ =	swait.ge [sflag:s31], $0x2000  }
0x54: {  	[sflag:s31] =	ssyncset.done $0x0  }
0x55: {  	[sflag:s31] =	ssyncadd.s32 $0xFFFFE000  }
0x56: {  	[spmem:s3] =	stream.indirect.scatter.add.f32 [tilespmem:s15], [sflag:$0x9], $0x40, s30, s14, $0xb8;
	[tilespmem:$0x1AC00] =	vst v63  }
0x57: {  	_ =	swait.ge [sflag:s13], $0x2000  }
0x58: {  	[sflag:s13] =	ssyncset.done $0x0  }
0x59: {  	s6 =	simm.s32 @p0 $0x2;
	[sflag:s13] =	ssyncadd.s32 $0xFFFFE000  }
0x5a: {  	_ =	swait.ge @p0 [sflag:s6], $0x2000  }
0x5b: {  	s25 =	simm.s32 @p0 $0x80;
	[sflag:s6] =	ssyncset.done @p0 $0x0  }
0x5c: {  	s28 =	simm.s32 @p0 $0x2C00;
	[sflag:s6] =	ssyncadd.s32 @p0 $0xFFFFE000;
	s6 =	simm.s32 @p0 $0x880  }
0x5d: {  	[spmem:s3] =	stream.indirect.scatter.add.f32 @p0 [tilespmem:s28], [sflag:$0x9], $0x40, s6, s25, $0xb8;
	[tilespmem:$0x1AC00] =	vst v63  }
0x5e: {  	s6 =	simm.s32 @p0 $0x9  }
0x5f: {  	_ =	swait.ge @p0 [sflag:s6], $0x2000  }
0x60: {  	[sflag:s6] =	ssyncset.done @p0 $0x0  }
0x61: {  	s12 =	simm.s32 @!p0 $0xC00;
	s28 =	simm.s32 @!p0 $0x80;
	[sflag:s6] =	ssyncadd.s32 @p0 $0xFFFFE000  }
0x62: {  	[tilespmem:s12], [sflag:$0x1] =	stream.indirect.gather @!p0 [hbm4b:s1+s28], $0x40, s8, s28, $0xb8;
	[tilespmem:$0x1AC00] =	vst v63  }
0x63: {  	s12 =	simm.s32 @!p0 $0x2  }
0x64: {  	_ =	swait.ge @!p0 [sflag:s12], $0x2000  }
0x65: {  	[sflag:s12] =	ssyncset.done @!p0 $0x0  }
0x66: {  	s24 =	simm.s32 @!p0 $0x2C00;
	[sflag:s12] =	ssyncadd.s32 @!p0 $0xFFFFE000;
	s12 =	simm.s32 @!p0 $0x880  }
0x67: {  	[spmem:s3] =	stream.indirect.scatter.add.f32 @!p0 [tilespmem:s24], [sflag:$0x9], $0x40, s12, s28, $0xb8;
	[tilespmem:$0x1AC00] =	vst v63  }
0x68: {  	_ =	swait.ge @!p0 [sflag:s9], $0x2000  }
0x69: {  	[sflag:s9] =	ssyncset.done @!p0 $0x0  }
0x6a: {  	s12 =	sor.u32 @!p0 $0x80, s8;
	[sflag:s9] =	ssyncadd.s32 @!p0 $0xFFFFE000  }
0x6b: {  	[tilespmem:s24], [sflag:$0x2] =	stream.indirect.gather @!p0 [hbm4b:s1+s28], $0x40, s12, s28, $0xb8;
	[tilespmem:$0x1AC00] =	vst v63  }
0x6c: {  	_ =	swait.ge [sflag:s0], $0x2000  }
0x6d: {  	[sflag:s0] =	ssyncset.done $0x0  }
0x6e: {  	[sflag:s0] =	ssyncadd.s32 $0xFFFFE000  }
0x6f: {  	[spmem:s3] =	stream.indirect.scatter.add.f32 [tilespmem:s18], [sflag:$0x9], $0x40, s2, s14, $0xb8;
	[tilespmem:$0x1AC00] =	vst v63  }
0x70: {  	_ =	swait.ge [sflag:s13], $0x2000  }
0x71: {  	[sflag:s13] =	ssyncset.done $0x0  }
0x72: {  	s12 =	simm.s32 @p0 $0x4;
	[sflag:s13] =	ssyncadd.s32 $0xFFFFE000  }
0x73: {  	_ =	swait.ge @p0 [sflag:s12], $0x2000  }
0x74: {  	[sflag:s12] =	ssyncset.done @p0 $0x0  }
0x75: {  	s24 =	simm.s32 @p0 $0x6C00;
	[sflag:s12] =	ssyncadd.s32 @p0 $0xFFFFE000;
	s12 =	simm.s32 @p0 $0x980  }
0x76: {  	[spmem:s3] =	stream.indirect.scatter.add.f32 @p0 [tilespmem:s24], [sflag:$0x9], $0x40, s12, s25, $0xb8;
	[tilespmem:$0x1AC00] =	vst v63  }
0x77: {  	_ =	swait.ge @p0 [sflag:s6], $0x2000  }
0x78: {  	[sflag:s6] =	ssyncset.done @p0 $0x0  }
0x79: {  	s12 =	sor.u32 @!p0 $0x100, s8;
	s24 =	simm.s32 @!p0 $0x4C00;
	[sflag:s6] =	ssyncadd.s32 @p0 $0xFFFFE000  }
0x7a: {  	[tilespmem:s24], [sflag:$0x3] =	stream.indirect.gather @!p0 [hbm4b:s1+s28], $0x40, s12, s28, $0xb8;
	[tilespmem:$0x1AC00] =	vst v63  }
0x7b: {  	s12 =	simm.s32 @!p0 $0x4  }
0x7c: {  	_ =	swait.ge @!p0 [sflag:s12], $0x2000  }
0x7d: {  	[sflag:s12] =	ssyncset.done @!p0 $0x0  }
0x7e: {  	s24 =	simm.s32 @!p0 $0x6C00;
	[sflag:s12] =	ssyncadd.s32 @!p0 $0xFFFFE000;
	s12 =	simm.s32 @!p0 $0x980  }
0x7f: {  	[spmem:s3] =	stream.indirect.scatter.add.f32 @!p0 [tilespmem:s24], [sflag:$0x9], $0x40, s12, s28, $0xb8;
	[tilespmem:$0x1AC00] =	vst v63  }
0x80: {  	_ =	swait.ge @!p0 [sflag:s9], $0x2000  }
0x81: {  	[sflag:s9] =	ssyncset.done @!p0 $0x0  }
0x82: {  	s12 =	sor.u32 @!p0 $0x180, s8;
	[sflag:s9] =	ssyncadd.s32 @!p0 $0xFFFFE000  }
0x83: {  	[tilespmem:s24], [sflag:$0x4] =	stream.indirect.gather @!p0 [hbm4b:s1+s28], $0x40, s12, s28, $0xb8;
	[tilespmem:$0x1AC00] =	vst v63  }
0x84: {  	_ =	swait.ge [sflag:s16], $0x2000  }
0x85: {  	[sflag:s16] =	ssyncset.done $0x0  }
0x86: {  	[sflag:s16] =	ssyncadd.s32 $0xFFFFE000  }
0x87: {  	[spmem:s3] =	stream.indirect.scatter.add.f32 [tilespmem:s22], [sflag:$0x9], $0x40, s17, s14, $0xb8;
	[tilespmem:$0x1AC00] =	vst v63  }
0x88: {  	_ =	swait.ge [sflag:s13], $0x2000  }
0x89: {  	[sflag:s13] =	ssyncset.done $0x0  }
0x8a: {  	s12 =	simm.s32 @p0 $0x6;
	[sflag:s13] =	ssyncadd.s32 $0xFFFFE000  }
0x8b: {  	_ =	swait.ge @p0 [sflag:s12], $0x2000  }
0x8c: {  	[sflag:s12] =	ssyncset.done @p0 $0x0  }
0x8d: {  	s24 =	simm.s32 @p0 $0xAC00;
	[sflag:s12] =	ssyncadd.s32 @p0 $0xFFFFE000;
	s12 =	simm.s32 @p0 $0xA80  }
0x8e: {  	[spmem:s3] =	stream.indirect.scatter.add.f32 @p0 [tilespmem:s24], [sflag:$0x9], $0x40, s12, s25, $0xb8;
	[tilespmem:$0x1AC00] =	vst v63  }
0x8f: {  	_ =	swait.ge @p0 [sflag:s6], $0x2000  }
0x90: {  	[sflag:s6] =	ssyncset.done @p0 $0x0  }
0x91: {  	s12 =	simm.s32 @!p0 $0x8C00;
	[sflag:s6] =	ssyncadd.s32 @p0 $0xFFFFE000;
	s6 =	sor.u32 @!p0 $0x200, s8  }
0x92: {  	[tilespmem:s12], [sflag:$0x5] =	stream.indirect.gather @!p0 [hbm4b:s1+s28], $0x40, s6, s28, $0xb8;
	[tilespmem:$0x1AC00] =	vst v63  }
0x93: {  	s6 =	simm.s32 @!p0 $0x6  }
0x94: {  	_ =	swait.ge @!p0 [sflag:s6], $0x2000  }
0x95: {  	[sflag:s6] =	ssyncset.done @!p0 $0x0  }
0x96: {  	s12 =	simm.s32 @!p0 $0xAC00;
	[sflag:s6] =	ssyncadd.s32 @!p0 $0xFFFFE000;
	s6 =	simm.s32 @!p0 $0xA80  }
0x97: {  	[spmem:s3] =	stream.indirect.scatter.add.f32 @!p0 [tilespmem:s12], [sflag:$0x9], $0x40, s6, s28, $0xb8;
	[tilespmem:$0x1AC00] =	vst v63  }
0x98: {  	_ =	swait.ge @!p0 [sflag:s9], $0x2000  }
0x99: {  	[sflag:s9] =	ssyncset.done @!p0 $0x0  }
0x9a: {  	s6 =	sor.u32 @!p0 $0x280, s8;
	[sflag:s9] =	ssyncadd.s32 @!p0 $0xFFFFE000  }
0x9b: {  	[tilespmem:s12], [sflag:$0x6] =	stream.indirect.gather @!p0 [hbm4b:s1+s28], $0x40, s6, s28, $0xb8;
	[tilespmem:$0x1AC00] =	vst v63  }
0x9c: {  	_ =	swait.ge [sflag:s19], $0x2000  }
0x9d: {  	[sflag:s19] =	ssyncset.done $0x0  }
.Ltmp2:
0x9e: {  	[sflag:s19] =	ssyncadd.s32 $0xFFFFE000;
	(pc) =	sbr.rel @p0 .LBB2_4-.Ltmp2, $4  }
0x9f: {  	[spmem:s3] =	stream.indirect.scatter.add.f32 [tilespmem:s26], [sflag:$0x9], $0x40, s20, s14, $0xb8;
	[tilespmem:$0x1AC00] =	vst v63  }
0xa0: {  	_ =	swait.ge [sflag:s13], $0x2000  }
0xa1: {  	[sflag:s13] =	ssyncset.done $0x0  }
0xa2: {  	[sflag:s13] =	ssyncadd.s32 $0xFFFFE000  }
0xa3: {  	s6 =	sshll.u32 s7, $0xA  }
0xa4: {  	s7 =	sor.u32 $0x300, s6  }
0xa5: {  	[tilespmem:s26], [sflag:$0x7] =	stream.indirect.gather [hbm4b:s1+s14], $0x40, s7, s14, $0xb8;
	[tilespmem:$0x1AC00] =	vst v63  }
0xa6: {  	_ =	swait.ge [sflag:s21], $0x2000  }
0xa7: {  	[sflag:s21] =	ssyncset.done $0x0  }
0xa8: {  	[sflag:s21] =	ssyncadd.s32 $0xFFFFE000  }
0xa9: {  	[spmem:s3] =	stream.indirect.scatter.add.f32 [tilespmem:s29], [sflag:$0x9], $0x40, s23, s14, $0xb8;
	[tilespmem:$0x1AC00] =	vst v63  }
.Ltmp3:
0xaa: {  	_ = 	snop;
	(pc) =	sbr.rel .LBB2_2-.Ltmp3, $4  }
0xab: {  	_ =	swait.ge [sflag:s13], $0x2000  }
0xac: {  	s5 =	sadd.s32 $0x1, s5;
	s10 =	sadd.s32 $0x80, s10;
	[sflag:s13] =	ssyncset.done $0x0  }
0xad: {  	s11 =	sadd.s32 $0x80, s11;
	s6 =	sor.u32 $0x380, s6;
	[sflag:s13] =	ssyncadd.s32 $0xFFFFE000  }
0xae: {  	[tilespmem:s29], [sflag:$0x8] =	stream.indirect.gather [hbm4b:s1+s14], $0x40, s6, s14, $0xb8;
	[tilespmem:$0x1AC00] =	vst v63  }
.LBB2_5:
0xaf: {  	_ =	sfence.sel $0x180000  }
0xb0: {  	[bflag:$0x0] =	sbarrier.arrive $0xFFFF  }
0xb1: {  	_ =	strace $0x90000050  }
0xb2: {  	s0 =	stileid.u32;
	[bflag:$0x2] =	sbarrier.arrive $0xFFFF  }
0xb3: {  	p0 =	sne.s32 s0, $0x0;
	s0 =	rddreg [dreg:$0x3]  }
0xb4: {  	s0 =	sadd.s32 @!p0 $0x100000, s0  }
0xb5: {  	[sflag:s0] =	ssyncadd.tile.s32 @!p0 $0x1;
	_ =	shalt  }
.Lfunc_end2:
_tile_overlayer_lowered:
.L_overlay_start_2:
0xb6: {  	(tag) =	ssettag $0x2  }
0xb7: {  	s0 =	rddreg [dreg:$0x0];
	s2 =	stileid.u32  }
0xb8: {  	s1 =	rddreg [dreg:$0x1];
	p0 =	sne.s32 s2, $0x0  }
0xb9: {  	s3 =	rddreg [dreg:$0x2];
	[bflag:$0x3] =	sbarrier.arrive $0xFFFF;
	s2 =	simm.s32 @!p0 $0x1C09  }
0xba: {  	[timem:s3], [sflag:s2] =	dma.local @!p0 [hbm:s0], s1  }
0xbb: {  	s0 =	simm.s32 @!p0 $0x9  }
0xbc: {  	_ =	swait.ge @!p0 [sflag:s0], s1  }
0xbd: {  	s1 =	ssub.s32 @!p0 $0x0, s1;
	[sflag:s0] =	ssyncset.done @!p0 $0x0  }
0xbe: {  	[sflag:s0] =	ssyncadd.s32 @!p0 s1  }
0xbf: {  	[bflag:$0x3] =	sbarrier.arrive $0xFFFF  }
0xc0: {  	_ =	shalt  }

</sc_bundles>
